<compile_context>
chip_gen: v7x
topology: tpu7x:2x2x1
jax: 0.10.2.dev20260603
libtpu: 0.0.44.dev20260713+nightly
codegen_flags: <defaults>
</compile_context>

<pallas_src>
import jax
import jax.numpy as jnp
from jax import lax
from jax.experimental import pallas as pl
from jax.experimental.pallas import tpu as pltpu
from jax.experimental.pallas import tpu_sc as plsc

D = 120
DPAD = 128
C = 11
NC = 2
NS = 16
L = 16
A = 3000
CHUNK = 192
HALF = CHUNK // 2
NBLK = CHUNK // L
LAST0 = A - CHUNK


def _sc_body(coords_hbm, na_hbm, vol_hbm, out_hbm,
             cv, idx_v, gat_v, na_v, sem_in, sem_g, sem_out):
    cid = lax.axis_index("c")
    sid = lax.axis_index("s")
    wid = sid * NC + cid
    b = wid // NS
    sub = wid % NS
    a0 = jnp.where(sub == NS - 1, LAST0, sub * CHUNK)

    cps = [pltpu.async_copy(coords_hbm.at[b, pl.ds(a0 * 3, 3 * CHUNK)], cv, sem_in),
           pltpu.async_copy(na_hbm.at[b], na_v, sem_in)]
    for cp in cps:
        cp.wait()

    base_b = b * (C * D * D)
    for k in range(NBLK):
        a3 = (lax.iota(jnp.int32, L) + k * L) * 3
        xi = jnp.clip(plsc.load_gather(cv, [a3]).astype(jnp.int32), 0, D - 1)
        yi = jnp.clip(plsc.load_gather(cv, [a3 + 1]).astype(jnp.int32), 0, D - 1)
        zi = jnp.clip(plsc.load_gather(cv, [a3 + 2]).astype(jnp.int32), 0, D - 1)
        p0 = (xi * D + yi + base_b) * DPAD + zi
        h, off = (k * L) // HALF, (k * L) % HALF
        for c in range(C):
            idx_v[c, h, pl.ds(off, L)] = p0 + c * (D * D * DPAD)

    gathers = [pltpu.async_copy(vol_hbm.at[idx_v.at[c, h]],
                                gat_v.at[c, pl.ds(h * HALF, HALF)], sem_g)
               for c in range(C) for h in range(2)]
    for cp in gathers:
        cp.wait()

    na = na_v[:]
    outs = []
    for c in range(C):
        for k in range(NBLK):
            sl = pl.ds(k * L, L)
            aid = a0 + k * L + lax.iota(jnp.int32, L)
            gat_v[c, sl] = jnp.where(aid < na, gat_v[c, sl], 0.0)
        outs.append(pltpu.async_copy(gat_v.at[c], out_hbm.at[b, c, pl.ds(a0, CHUNK)],
                                     sem_out))
    for cp in outs:
        cp.wait()


def kernel(volume, coords, num_atoms):
    B = volume.shape[0]
    na16 = jnp.broadcast_to(num_atoms[:, None], (B, L)).astype(jnp.int32)
    volp = jnp.pad(volume.reshape(B * C * D, D, D), ((0, 0), (0, 0), (0, DPAD - D)))
    vol_flat = volp.reshape(-1)

    mesh = plsc.VectorSubcoreMesh(core_axis_name="c", subcore_axis_name="s")
    run = pl.kernel(
        _sc_body,
        out_type=jax.ShapeDtypeStruct((B, C, A), jnp.float32),
        mesh=mesh,
        compiler_params=pltpu.CompilerParams(use_tc_tiling_on_sc=False,
                                             needs_layout_passes=False),
        scratch_types=[
            pltpu.VMEM((3 * CHUNK,), jnp.float32),
            pltpu.VMEM((C, 2, HALF), jnp.int32),
            pltpu.VMEM((C, CHUNK), jnp.float32),
            pltpu.VMEM((L,), jnp.int32),
            pltpu.SemaphoreType.DMA,
            pltpu.SemaphoreType.DMA,
            pltpu.SemaphoreType.DMA,
        ],
    )
    return run(coords, na16, vol_flat)

# --- scband reference (transcript-rebuilt; emitter-appended) ---
"""Pipeline reference for scband-coords-select-79585743995276 (READ-ONLY COPY).

The authoritative reference and input builder live on the scoring server;
editing this copy changes nothing except your own understanding.
"""

import jax, jax.numpy as jnp
import numpy as np

BOX_SIZE_BINS = 120
BOX_SIZE_ANG = 120
RESOLUTION = float(BOX_SIZE_ANG) / float(BOX_SIZE_BINS)


def setup_inputs(seed: int = 0) -> dict:
    key = jax.random.key(seed)
    k1, k2, k3 = jax.random.split(key, 3)
    B, C, D = 2, 11, BOX_SIZE_BINS
    A = 3000
    volume = jax.random.normal(k1, (B, C, D, D, D), dtype=jnp.float32)
    # atomic coordinates in Angstroms, uniform inside the box [0, box_size_ang)
    coords = jax.random.uniform(k2, (B, 3 * A), dtype=jnp.float32,
                                minval=0.0, maxval=float(BOX_SIZE_ANG) - 1e-3)
    num_atoms = jax.random.randint(k3, (B,), 1, A + 1, dtype=jnp.int32)
    return {"volume": volume, "coords": coords, "num_atoms": num_atoms}


def reference(volume, coords, num_atoms):
    # CoordsSelect forward: for each atom a < num_atoms[b], gather the
    # feature vector of the voxel cell containing the atom:
    #   features[b, :, a] = volume[b, :, floor(x/res), floor(y/res), floor(z/res)]
    # atoms with index >= num_atoms[b] produce zeros.
    B = volume.shape[0]
    C = volume.shape[1]
    D = volume.shape[2]
    A = coords.shape[1] // 3
    c = coords.reshape(B, A, 3)
    idx = jnp.floor(c / RESOLUTION).astype(jnp.int32)
    idx = jnp.clip(idx, 0, D - 1)
    lin = (idx[..., 0] * D + idx[..., 1]) * D + idx[..., 2]  # [B, A]
    vol_flat = volume.reshape(B, C, D * D * D)
    features = jnp.take_along_axis(vol_flat, lin[:, None, :], axis=2)  # [B, C, A]
    mask = (jnp.arange(A, dtype=jnp.int32)[None, :] < num_atoms[:, None]).astype(volume.dtype)
    return features * mask[:, None, :]

if __name__ == "__main__":
    import jax
    _d = setup_inputs()
    print(jax.jit(kernel)(*tuple(_d.values())))

</pallas_src>

<mosaic_0001>
#map = affine_map<(d0, d1) -> (0, 0)>
#map1 = affine_map<(d0, d1) -> (0)>
#map2 = affine_map<(d0, d1) -> (0, 0, 0)>
module attributes {stable_mosaic.version = 14 : i64} {
  func.func @_sc_body(%arg0: i32, %arg1: i32, %arg2: memref<2x9000xf32, #tpu.memory_space<hbm>>, %arg3: memref<2x16xi32, #tpu.memory_space<hbm>>, %arg4: memref<40550400xf32, #tpu.memory_space<hbm>>, %arg5: memref<2x11x3000xf32, #tpu.memory_space<hbm>>, %arg6: memref<576xf32, #tpu.memory_space<vmem>>, %arg7: memref<11x2x96xi32, #tpu.memory_space<vmem>>, %arg8: memref<11x192xf32, #tpu.memory_space<vmem>>, %arg9: memref<16xi32, #tpu.memory_space<vmem>>, %arg10: memref<!tpu.dma_semaphore, #tpu.memory_space<semaphore_mem>>, %arg11: memref<!tpu.dma_semaphore, #tpu.memory_space<semaphore_mem>>, %arg12: memref<!tpu.dma_semaphore, #tpu.memory_space<semaphore_mem>>) attributes {dimension_semantics = [#tpu.dimension_semantics<core_parallel>, #tpu.dimension_semantics<subcore_parallel>], iteration_bounds = array<i64: 2, 16>, scalar_prefetch = 0 : i64, scratch_operands = 7 : i64, tpu.core_type = #tpu.core_type<sc_vector_subcore>, window_params = [{transform_indices = #map}, {transform_indices = #map}, {transform_indices = #map1}, {transform_indices = #map2}]} {
    %mul3A = arith.constant 2 : i32
    %mul3A_0 = arith.muli %arg1, %mul3A : i32
    %add3A = arith.addi %mul3A_0, %arg0 : i32
    %jit3A = arith.constant 16 : i32
    %div3A = arith.divsi %add3A, %jit3A : i32
    %sign3A = arith.constant 0 : i32
    %sign3A_1 = arith.cmpi sgt, %add3A, %sign3A : i32
    %sign3A_2 = arith.extui %sign3A_1 : i1 to i32
    %sign3A_3 = arith.constant 0 : i32
    %sign3A_4 = arith.cmpi slt, %add3A, %sign3A_3 : i32
    %sign3A_5 = arith.extui %sign3A_4 : i1 to i32
    %sign3A_6 = arith.subi %sign3A_2, %sign3A_5 : i32
    %sign3A_7 = arith.constant 0 : i32
    %sign3A_8 = arith.cmpi sgt, %jit3A, %sign3A_7 : i32
    %sign3A_9 = arith.extui %sign3A_8 : i1 to i32
    %sign3A_10 = arith.constant 0 : i32
    %sign3A_11 = arith.cmpi slt, %jit3A, %sign3A_10 : i32
    %sign3A_12 = arith.extui %sign3A_11 : i1 to i32
    %sign3A_13 = arith.subi %sign3A_9, %sign3A_12 : i32
    %ne3A = arith.cmpi ne, %sign3A_6, %sign3A_13 : i32
    %rem3A = arith.remsi %add3A, %jit3A : i32
    %ne3A_14 = arith.constant 0 : i32
    %ne3A_15 = arith.cmpi ne, %rem3A, %ne3A_14 : i32
    %and3A = arith.andi %ne3A, %ne3A_15 : i1
    %sub3A = arith.constant 1 : i32
    %sub3A_16 = arith.subi %div3A, %sub3A : i32
    %select_n3A = arith.select %and3A, %sub3A_16, %div3A : i32
    %jit3A_17 = arith.constant 16 : i32
    %eq3A = arith.constant 0 : i32
    %eq3A_18 = arith.cmpi eq, %jit3A_17, %eq3A : i32
    %jit3A_19 = arith.constant 1 : i32
    %select_n3A_20 = arith.select %eq3A_18, %jit3A_19, %jit3A_17 : i32
    %rem3A_21 = arith.remsi %add3A, %select_n3A_20 : i32
    %ne3A_22 = arith.constant 0 : i32
    %ne3A_23 = arith.cmpi ne, %rem3A_21, %ne3A_22 : i32
    %lt3A = arith.constant 0 : i32
    %lt3A_24 = arith.cmpi slt, %rem3A_21, %lt3A : i32
    %lt3A_25 = arith.constant 0 : i32
    %lt3A_26 = arith.cmpi slt, %select_n3A_20, %lt3A_25 : i32
    %ne3A_27 = arith.xori %lt3A_24, %lt3A_26 : i1
    %and3A_28 = arith.andi %ne3A_27, %ne3A_23 : i1
    %add3A_29 = arith.addi %rem3A_21, %select_n3A_20 : i32
    %select_n3A_30 = arith.select %and3A_28, %add3A_29, %rem3A_21 : i32
    %eq3A_31 = arith.constant 15 : i32
    %eq3A_32 = arith.cmpi eq, %select_n3A_30, %eq3A_31 : i32
    %mul3A_33 = arith.constant 192 : i32
    %mul3A_34 = arith.muli %select_n3A_30, %mul3A_33 : i32
    %jit3A_35 = arith.constant 2808 : i32
    %select_n3A_36 = arith.select %eq3A_32, %jit3A_35, %mul3A_34 : i32
    %mul3A_37 = arith.constant 3 : i32
    %mul3A_38 = arith.muli %select_n3A_36, %mul3A_37 : i32
    %dma_start3A = tpu.memref_slice %arg2[%select_n3A, %mul3A_38] : memref<2x9000xf32, #tpu.memory_space<hbm>> -> memref<1x576xf32, #tpu.memory_space<hbm>>
    %dma_start3A_39 = tpu.memref_squeeze %dma_start3A : memref<1x576xf32, #tpu.memory_space<hbm>> -> memref<576xf32, #tpu.memory_space<hbm>>
    %dma_start3A_40 = tpu.memref_slice %arg2[%select_n3A, %mul3A_38] : memref<2x9000xf32, #tpu.memory_space<hbm>> -> memref<1x576xf32, #tpu.memory_space<hbm>>
    %dma_start3A_41 = tpu.memref_squeeze %dma_start3A_40 : memref<1x576xf32, #tpu.memory_space<hbm>> -> memref<576xf32, #tpu.memory_space<hbm>>
    tpu.enqueue_dma source(%dma_start3A_41 : memref<576xf32, #tpu.memory_space<hbm>>) target(%arg6 : memref<576xf32, #tpu.memory_space<vmem>>) target_semaphore(%arg10 : memref<!tpu.dma_semaphore, #tpu.memory_space<semaphore_mem>>)
    %dma_start3A_42 = arith.constant 0 : i32
    %dma_start3A_43 = tpu.memref_slice %arg3[%select_n3A, %dma_start3A_42] : memref<2x16xi32, #tpu.memory_space<hbm>> -> memref<1x16xi32, #tpu.memory_space<hbm>>
    %dma_start3A_44 = tpu.memref_squeeze %dma_start3A_43 : memref<1x16xi32, #tpu.memory_space<hbm>> -> memref<16xi32, #tpu.memory_space<hbm>>
    %dma_start3A_45 = arith.constant 0 : i32
    %dma_start3A_46 = tpu.memref_slice %arg3[%select_n3A, %dma_start3A_45] : memref<2x16xi32, #tpu.memory_space<hbm>> -> memref<1x16xi32, #tpu.memory_space<hbm>>
    %dma_start3A_47 = tpu.memref_squeeze %dma_start3A_46 : memref<1x16xi32, #tpu.memory_space<hbm>> -> memref<16xi32, #tpu.memory_space<hbm>>
    tpu.enqueue_dma source(%dma_start3A_47 : memref<16xi32, #tpu.memory_space<hbm>>) target(%arg9 : memref<16xi32, #tpu.memory_space<vmem>>) target_semaphore(%arg10 : memref<!tpu.dma_semaphore, #tpu.memory_space<semaphore_mem>>)
    %dma_wait3A = tpu.memref_slice %arg2[%select_n3A, %mul3A_38] : memref<2x9000xf32, #tpu.memory_space<hbm>> -> memref<1x576xf32, #tpu.memory_space<hbm>>
    %dma_wait3A_48 = tpu.memref_squeeze %dma_wait3A : memref<1x576xf32, #tpu.memory_space<hbm>> -> memref<576xf32, #tpu.memory_space<hbm>>
    %dma_wait3A_49 = tpu.memref_slice %arg2[%select_n3A, %mul3A_38] : memref<2x9000xf32, #tpu.memory_space<hbm>> -> memref<1x576xf32, #tpu.memory_space<hbm>>
    %dma_wait3A_50 = tpu.memref_squeeze %dma_wait3A_49 : memref<1x576xf32, #tpu.memory_space<hbm>> -> memref<576xf32, #tpu.memory_space<hbm>>
    tpu.wait_dma2 semaphore(%arg10 : memref<!tpu.dma_semaphore, #tpu.memory_space<semaphore_mem>>) src(%dma_wait3A_50 : memref<576xf32, #tpu.memory_space<hbm>>) dst(%arg6 : memref<576xf32, #tpu.memory_space<vmem>>)
    %dma_wait3A_51 = arith.constant 0 : i32
    %dma_wait3A_52 = tpu.memref_slice %arg3[%select_n3A, %dma_wait3A_51] : memref<2x16xi32, #tpu.memory_space<hbm>> -> memref<1x16xi32, #tpu.memory_space<hbm>>
    %dma_wait3A_53 = tpu.memref_squeeze %dma_wait3A_52 : memref<1x16xi32, #tpu.memory_space<hbm>> -> memref<16xi32, #tpu.memory_space<hbm>>
    %dma_wait3A_54 = arith.constant 0 : i32
    %dma_wait3A_55 = tpu.memref_slice %arg3[%select_n3A, %dma_wait3A_54] : memref<2x16xi32, #tpu.memory_space<hbm>> -> memref<1x16xi32, #tpu.memory_space<hbm>>
    %dma_wait3A_56 = tpu.memref_squeeze %dma_wait3A_55 : memref<1x16xi32, #tpu.memory_space<hbm>> -> memref<16xi32, #tpu.memory_space<hbm>>
    tpu.wait_dma2 semaphore(%arg10 : memref<!tpu.dma_semaphore, #tpu.memory_space<semaphore_mem>>) src(%dma_wait3A_56 : memref<16xi32, #tpu.memory_space<hbm>>) dst(%arg9 : memref<16xi32, #tpu.memory_space<vmem>>)
    %mul3A_57 = arith.constant 158400 : i32
    %mul3A_58 = arith.muli %select_n3A, %mul3A_57 : i32
    %iota3A = tpu.iota {dimensions = array<i32: 0>} : vector<16xi32>
    %add3A_59 = arith.constant 0 : i32
    %add3A_60 = vector.broadcast %add3A_59 : i32 to vector<16xi32>
    %add3A_61 = arith.addi %iota3A, %add3A_60 : vector<16xi32>
    %mul3A_62 = arith.constant 3 : i32
    %mul3A_63 = vector.broadcast %mul3A_62 : i32 to vector<16xi32>
    %mul3A_64 = arith.muli %add3A_61, %mul3A_63 : vector<16xi32>
    %gather3A = tpu.vector_load_idx %arg6[%mul3A_64] : memref<576xf32, #tpu.memory_space<vmem>>[vector<16xi32>], vector<16xf32>,
    %convert_element_type3A = arith.fptosi %gather3A : vector<16xf32> to vector<16xi32>
    %jit3A_65 = arith.constant 0 : i32
    %jit3A_66 = arith.constant 119 : i32
    %max3A = vector.broadcast %jit3A_65 : i32 to vector<16xi32>
    %max3A_67 = arith.maxsi %max3A, %convert_element_type3A : vector<16xi32>
    %min3A = vector.broadcast %jit3A_66 : i32 to vector<16xi32>
    %min3A_68 = arith.minsi %min3A, %max3A_67 : vector<16xi32>
    %add3A_69 = arith.constant 1 : i32
    %add3A_70 = vector.broadcast %add3A_69 : i32 to vector<16xi32>
    %add3A_71 = arith.addi %mul3A_64, %add3A_70 : vector<16xi32>
    %gather3A_72 = tpu.vector_load_idx %arg6[%add3A_71] : memref<576xf32, #tpu.memory_space<vmem>>[vector<16xi32>], vector<16xf32>,
    %convert_element_type3A_73 = arith.fptosi %gather3A_72 : vector<16xf32> to vector<16xi32>
    %jit3A_74 = arith.constant 0 : i32
    %jit3A_75 = arith.constant 119 : i32
    %max3A_76 = vector.broadcast %jit3A_74 : i32 to vector<16xi32>
    %max3A_77 = arith.maxsi %max3A_76, %convert_element_type3A_73 : vector<16xi32>
    %min3A_78 = vector.broadcast %jit3A_75 : i32 to vector<16xi32>
    %min3A_79 = arith.minsi %min3A_78, %max3A_77 : vector<16xi32>
    %add3A_80 = arith.constant 2 : i32
    %add3A_81 = vector.broadcast %add3A_80 : i32 to vector<16xi32>
    %add3A_82 = arith.addi %mul3A_64, %add3A_81 : vector<16xi32>
    %gather3A_83 = tpu.vector_load_idx %arg6[%add3A_82] : memref<576xf32, #tpu.memory_space<vmem>>[vector<16xi32>], vector<16xf32>,
    %convert_element_type3A_84 = arith.fptosi %gather3A_83 : vector<16xf32> to vector<16xi32>
    %jit3A_85 = arith.constant 0 : i32
    %jit3A_86 = arith.constant 119 : i32
    %max3A_87 = vector.broadcast %jit3A_85 : i32 to vector<16xi32>
    %max3A_88 = arith.maxsi %max3A_87, %convert_element_type3A_84 : vector<16xi32>
    %min3A_89 = vector.broadcast %jit3A_86 : i32 to vector<16xi32>
    %min3A_90 = arith.minsi %min3A_89, %max3A_88 : vector<16xi32>
    %mul3A_91 = arith.constant 120 : i32
    %mul3A_92 = vector.broadcast %mul3A_91 : i32 to vector<16xi32>
    %mul3A_93 = arith.muli %min3A_68, %mul3A_92 : vector<16xi32>
    %add3A_94 = arith.addi %mul3A_93, %min3A_79 : vector<16xi32>
    %add3A_95 = vector.broadcast %mul3A_58 : i32 to vector<16xi32>
    %add3A_96 = arith.addi %add3A_94, %add3A_95 : vector<16xi32>
    %mul3A_97 = arith.constant 128 : i32
    %mul3A_98 = vector.broadcast %mul3A_97 : i32 to vector<16xi32>
    %mul3A_99 = arith.muli %add3A_96, %mul3A_98 : vector<16xi32>
    %add3A_100 = arith.addi %mul3A_99, %min3A_90 : vector<16xi32>
    %add3A_101 = arith.constant 0 : i32
    %add3A_102 = vector.broadcast %add3A_101 : i32 to vector<16xi32>
    %add3A_103 = arith.addi %add3A_100, %add3A_102 : vector<16xi32>
    %swap3A = arith.constant 0 : i32
    %swap3A_104 = arith.constant 0 : i32
    %swap3A_105 = arith.index_cast %swap3A : i32 to index
    %swap3A_106 = arith.index_cast %swap3A_104 : i32 to index
    %swap3A_107 = arith.constant 0 : index
    %swap3A_108 = tpu.vector_load %arg7[%swap3A_105, %swap3A_106, %swap3A_107] {strides = array<i32>} : memref<11x2x96xi32, #tpu.memory_space<vmem>>, vector<16xi32>,
    tpu.vector_store %arg7[%swap3A_105, %swap3A_106, %swap3A_107], %add3A_103 {strides = array<i32>} : memref<11x2x96xi32, #tpu.memory_space<vmem>>, vector<16xi32>,
    %add3A_109 = arith.constant 1843200 : i32
    %add3A_110 = vector.broadcast %add3A_109 : i32 to vector<16xi32>
    %add3A_111 = arith.addi %add3A_100, %add3A_110 : vector<16xi32>
    %swap3A_112 = arith.constant 1 : i32
    %swap3A_113 = arith.constant 0 : i32
    %swap3A_114 = arith.index_cast %swap3A_112 : i32 to index
    %swap3A_115 = arith.index_cast %swap3A_113 : i32 to index
    %swap3A_116 = arith.constant 0 : index
    %swap3A_117 = tpu.vector_load %arg7[%swap3A_114, %swap3A_115, %swap3A_116] {strides = array<i32>} : memref<11x2x96xi32, #tpu.memory_space<vmem>>, vector<16xi32>,
    tpu.vector_store %arg7[%swap3A_114, %swap3A_115, %swap3A_116], %add3A_111 {strides = array<i32>} : memref<11x2x96xi32, #tpu.memory_space<vmem>>, vector<16xi32>,
    %add3A_118 = arith.constant 3686400 : i32
    %add3A_119 = vector.broadcast %add3A_118 : i32 to vector<16xi32>
    %add3A_120 = arith.addi %add3A_100, %add3A_119 : vector<16xi32>
    %swap3A_121 = arith.constant 2 : i32
    %swap3A_122 = arith.constant 0 : i32
    %swap3A_123 = arith.index_cast %swap3A_121 : i32 to index
    %swap3A_124 = arith.index_cast %swap3A_122 : i32 to index
    %swap3A_125 = arith.constant 0 : index
    %swap3A_126 = tpu.vector_load %arg7[%swap3A_123, %swap3A_124, %swap3A_125] {strides = array<i32>} : memref<11x2x96xi32, #tpu.memory_space<vmem>>, vector<16xi32>,
    tpu.vector_store %arg7[%swap3A_123, %swap3A_124, %swap3A_125], %add3A_120 {strides = array<i32>} : memref<11x2x96xi32, #tpu.memory_space<vmem>>, vector<16xi32>,
    %add3A_127 = arith.constant 5529600 : i32
    %add3A_128 = vector.broadcast %add3A_127 : i32 to vector<16xi32>
    %add3A_129 = arith.addi %add3A_100, %add3A_128 : vector<16xi32>
    %swap3A_130 = arith.constant 3 : i32
    %swap3A_131 = arith.constant 0 : i32
    %swap3A_132 = arith.index_cast %swap3A_130 : i32 to index
    %swap3A_133 = arith.index_cast %swap3A_131 : i32 to index
    %swap3A_134 = arith.constant 0 : index
    %swap3A_135 = tpu.vector_load %arg7[%swap3A_132, %swap3A_133, %swap3A_134] {strides = array<i32>} : memref<11x2x96xi32, #tpu.memory_space<vmem>>, vector<16xi32>,
    tpu.vector_store %arg7[%swap3A_132, %swap3A_133, %swap3A_134], %add3A_129 {strides = array<i32>} : memref<11x2x96xi32, #tpu.memory_space<vmem>>, vector<16xi32>,
    %add3A_136 = arith.constant 7372800 : i32
    %add3A_137 = vector.broadcast %add3A_136 : i32 to vector<16xi32>
    %add3A_138 = arith.addi %add3A_100, %add3A_137 : vector<16xi32>
    %swap3A_139 = arith.constant 4 : i32
    %swap3A_140 = arith.constant 0 : i32
    %swap3A_141 = arith.index_cast %swap3A_139 : i32 to index
    %swap3A_142 = arith.index_cast %swap3A_140 : i32 to index
    %swap3A_143 = arith.constant 0 : index
    %swap3A_144 = tpu.vector_load %arg7[%swap3A_141, %swap3A_142, %swap3A_143] {strides = array<i32>} : memref<11x2x96xi32, #tpu.memory_space<vmem>>, vector<16xi32>,
    tpu.vector_store %arg7[%swap3A_141, %swap3A_142, %swap3A_143], %add3A_138 {strides = array<i32>} : memref<11x2x96xi32, #tpu.memory_space<vmem>>, vector<16xi32>,
    %add3A_145 = arith.constant 9216000 : i32
    %add3A_146 = vector.broadcast %add3A_145 : i32 to vector<16xi32>
    %add3A_147 = arith.addi %add3A_100, %add3A_146 : vector<16xi32>
    %swap3A_148 = arith.constant 5 : i32
    %swap3A_149 = arith.constant 0 : i32
    %swap3A_150 = arith.index_cast %swap3A_148 : i32 to index
    %swap3A_151 = arith.index_cast %swap3A_149 : i32 to index
    %swap3A_152 = arith.constant 0 : index
    %swap3A_153 = tpu.vector_load %arg7[%swap3A_150, %swap3A_151, %swap3A_152] {strides = array<i32>} : memref<11x2x96xi32, #tpu.memory_space<vmem>>, vector<16xi32>,
    tpu.vector_store %arg7[%swap3A_150, %swap3A_151, %swap3A_152], %add3A_147 {strides = array<i32>} : memref<11x2x96xi32, #tpu.memory_space<vmem>>, vector<16xi32>,
    %add3A_154 = arith.constant 11059200 : i32
    %add3A_155 = vector.broadcast %add3A_154 : i32 to vector<16xi32>
    %add3A_156 = arith.addi %add3A_100, %add3A_155 : vector<16xi32>
    %swap3A_157 = arith.constant 6 : i32
    %swap3A_158 = arith.constant 0 : i32
    %swap3A_159 = arith.index_cast %swap3A_157 : i32 to index
    %swap3A_160 = arith.index_cast %swap3A_158 : i32 to index
    %swap3A_161 = arith.constant 0 : index
    %swap3A_162 = tpu.vector_load %arg7[%swap3A_159, %swap3A_160, %swap3A_161] {strides = array<i32>} : memref<11x2x96xi32, #tpu.memory_space<vmem>>, vector<16xi32>,
    tpu.vector_store %arg7[%swap3A_159, %swap3A_160, %swap3A_161], %add3A_156 {strides = array<i32>} : memref<11x2x96xi32, #tpu.memory_space<vmem>>, vector<16xi32>,
    %add3A_163 = arith.constant 12902400 : i32
    %add3A_164 = vector.broadcast %add3A_163 : i32 to vector<16xi32>
    %add3A_165 = arith.addi %add3A_100, %add3A_164 : vector<16xi32>
    %swap3A_166 = arith.constant 7 : i32
    %swap3A_167 = arith.constant 0 : i32
    %swap3A_168 = arith.index_cast %swap3A_166 : i32 to index
    %swap3A_169 = arith.index_cast %swap3A_167 : i32 to index
    %swap3A_170 = arith.constant 0 : index
    %swap3A_171 = tpu.vector_load %arg7[%swap3A_168, %swap3A_169, %swap3A_170] {strides = array<i32>} : memref<11x2x96xi32, #tpu.memory_space<vmem>>, vector<16xi32>,
    tpu.vector_store %arg7[%swap3A_168, %swap3A_169, %swap3A_170], %add3A_165 {strides = array<i32>} : memref<11x2x96xi32, #tpu.memory_space<vmem>>, vector<16xi32>,
    %add3A_172 = arith.constant 14745600 : i32
    %add3A_173 = vector.broadcast %add3A_172 : i32 to vector<16xi32>
    %add3A_174 = arith.addi %add3A_100, %add3A_173 : vector<16xi32>
    %swap3A_175 = arith.constant 8 : i32
    %swap3A_176 = arith.constant 0 : i32
    %swap3A_177 = arith.index_cast %swap3A_175 : i32 to index
    %swap3A_178 = arith.index_cast %swap3A_176 : i32 to index
    %swap3A_179 = arith.constant 0 : index
    %swap3A_180 = tpu.vector_load %arg7[%swap3A_177, %swap3A_178, %swap3A_179] {strides = array<i32>} : memref<11x2x96xi32, #tpu.memory_space<vmem>>, vector<16xi32>,
    tpu.vector_store %arg7[%swap3A_177, %swap3A_178, %swap3A_179], %add3A_174 {strides = array<i32>} : memref<11x2x96xi32, #tpu.memory_space<vmem>>, vector<16xi32>,
    %add3A_181 = arith.constant 16588800 : i32
    %add3A_182 = vector.broadcast %add3A_181 : i32 to vector<16xi32>
    %add3A_183 = arith.addi %add3A_100, %add3A_182 : vector<16xi32>
    %swap3A_184 = arith.constant 9 : i32
    %swap3A_185 = arith.constant 0 : i32
    %swap3A_186 = arith.index_cast %swap3A_184 : i32 to index
    %swap3A_187 = arith.index_cast %swap3A_185 : i32 to index
    %swap3A_188 = arith.constant 0 : index
    %swap3A_189 = tpu.vector_load %arg7[%swap3A_186, %swap3A_187, %swap3A_188] {strides = array<i32>} : memref<11x2x96xi32, #tpu.memory_space<vmem>>, vector<16xi32>,
    tpu.vector_store %arg7[%swap3A_186, %swap3A_187, %swap3A_188], %add3A_183 {strides = array<i32>} : memref<11x2x96xi32, #tpu.memory_space<vmem>>, vector<16xi32>,
    %add3A_190 = arith.constant 18432000 : i32
    %add3A_191 = vector.broadcast %add3A_190 : i32 to vector<16xi32>
    %add3A_192 = arith.addi %add3A_100, %add3A_191 : vector<16xi32>
    %swap3A_193 = arith.constant 10 : i32
    %swap3A_194 = arith.constant 0 : i32
    %swap3A_195 = arith.index_cast %swap3A_193 : i32 to index
    %swap3A_196 = arith.index_cast %swap3A_194 : i32 to index
    %swap3A_197 = arith.constant 0 : index
    %swap3A_198 = tpu.vector_load %arg7[%swap3A_195, %swap3A_196, %swap3A_197] {strides = array<i32>} : memref<11x2x96xi32, #tpu.memory_space<vmem>>, vector<16xi32>,
    tpu.vector_store %arg7[%swap3A_195, %swap3A_196, %swap3A_197], %add3A_192 {strides = array<i32>} : memref<11x2x96xi32, #tpu.memory_space<vmem>>, vector<16xi32>,
    %iota3A_199 = tpu.iota {dimensions = array<i32: 0>} : vector<16xi32>
    %add3A_200 = arith.constant 16 : i32
    %add3A_201 = vector.broadcast %add3A_200 : i32 to vector<16xi32>
    %add3A_202 = arith.addi %iota3A_199, %add3A_201 : vector<16xi32>
    %mul3A_203 = arith.constant 3 : i32
    %mul3A_204 = vector.broadcast %mul3A_203 : i32 to vector<16xi32>
    %mul3A_205 = arith.muli %add3A_202, %mul3A_204 : vector<16xi32>
    %gather3A_206 = tpu.vector_load_idx %arg6[%mul3A_205] : memref<576xf32, #tpu.memory_space<vmem>>[vector<16xi32>], vector<16xf32>,
    %convert_element_type3A_207 = arith.fptosi %gather3A_206 : vector<16xf32> to vector<16xi32>
    %jit3A_208 = arith.constant 0 : i32
    %jit3A_209 = arith.constant 119 : i32
    %max3A_210 = vector.broadcast %jit3A_208 : i32 to vector<16xi32>
    %max3A_211 = arith.maxsi %max3A_210, %convert_element_type3A_207 : vector<16xi32>
    %min3A_212 = vector.broadcast %jit3A_209 : i32 to vector<16xi32>
    %min3A_213 = arith.minsi %min3A_212, %max3A_211 : vector<16xi32>
    %add3A_214 = arith.constant 1 : i32
    %add3A_215 = vector.broadcast %add3A_214 : i32 to vector<16xi32>
    %add3A_216 = arith.addi %mul3A_205, %add3A_215 : vector<16xi32>
    %gather3A_217 = tpu.vector_load_idx %arg6[%add3A_216] : memref<576xf32, #tpu.memory_space<vmem>>[vector<16xi32>], vector<16xf32>,
    %convert_element_type3A_218 = arith.fptosi %gather3A_217 : vector<16xf32> to vector<16xi32>
    %jit3A_219 = arith.constant 0 : i32
    %jit3A_220 = arith.constant 119 : i32
    %max3A_221 = vector.broadcast %jit3A_219 : i32 to vector<16xi32>
    %max3A_222 = arith.maxsi %max3A_221, %convert_element_type3A_218 : vector<16xi32>
    %min3A_223 = vector.broadcast %jit3A_220 : i32 to vector<16xi32>
    %min3A_224 = arith.minsi %min3A_223, %max3A_222 : vector<16xi32>
    %add3A_225 = arith.constant 2 : i32
    %add3A_226 = vector.broadcast %add3A_225 : i32 to vector<16xi32>
    %add3A_227 = arith.addi %mul3A_205, %add3A_226 : vector<16xi32>
    %gather3A_228 = tpu.vector_load_idx %arg6[%add3A_227] : memref<576xf32, #tpu.memory_space<vmem>>[vector<16xi32>], vector<16xf32>,
    %convert_element_type3A_229 = arith.fptosi %gather3A_228 : vector<16xf32> to vector<16xi32>
    %jit3A_230 = arith.constant 0 : i32
    %jit3A_231 = arith.constant 119 : i32
    %max3A_232 = vector.broadcast %jit3A_230 : i32 to vector<16xi32>
    %max3A_233 = arith.maxsi %max3A_232, %convert_element_type3A_229 : vector<16xi32>
    %min3A_234 = vector.broadcast %jit3A_231 : i32 to vector<16xi32>
    %min3A_235 = arith.minsi %min3A_234, %max3A_233 : vector<16xi32>
    %mul3A_236 = arith.constant 120 : i32
    %mul3A_237 = vector.broadcast %mul3A_236 : i32 to vector<16xi32>
    %mul3A_238 = arith.muli %min3A_213, %mul3A_237 : vector<16xi32>
    %add3A_239 = arith.addi %mul3A_238, %min3A_224 : vector<16xi32>
    %add3A_240 = vector.broadcast %mul3A_58 : i32 to vector<16xi32>
    %add3A_241 = arith.addi %add3A_239, %add3A_240 : vector<16xi32>
    %mul3A_242 = arith.constant 128 : i32
    %mul3A_243 = vector.broadcast %mul3A_242 : i32 to vector<16xi32>
    %mul3A_244 = arith.muli %add3A_241, %mul3A_243 : vector<16xi32>
    %add3A_245 = arith.addi %mul3A_244, %min3A_235 : vector<16xi32>
    %add3A_246 = arith.constant 0 : i32
    %add3A_247 = vector.broadcast %add3A_246 : i32 to vector<16xi32>
    %add3A_248 = arith.addi %add3A_245, %add3A_247 : vector<16xi32>
    %swap3A_249 = arith.constant 0 : i32
    %swap3A_250 = arith.constant 0 : i32
    %swap3A_251 = arith.index_cast %swap3A_249 : i32 to index
    %swap3A_252 = arith.index_cast %swap3A_250 : i32 to index
    %swap3A_253 = arith.constant 16 : index
    %swap3A_254 = tpu.vector_load %arg7[%swap3A_251, %swap3A_252, %swap3A_253] {strides = array<i32>} : memref<11x2x96xi32, #tpu.memory_space<vmem>>, vector<16xi32>,
    tpu.vector_store %arg7[%swap3A_251, %swap3A_252, %swap3A_253], %add3A_248 {strides = array<i32>} : memref<11x2x96xi32, #tpu.memory_space<vmem>>, vector<16xi32>,
    %add3A_255 = arith.constant 1843200 : i32
    %add3A_256 = vector.broadcast %add3A_255 : i32 to vector<16xi32>
    %add3A_257 = arith.addi %add3A_245, %add3A_256 : vector<16xi32>
    %swap3A_258 = arith.constant 1 : i32
    %swap3A_259 = arith.constant 0 : i32
    %swap3A_260 = arith.index_cast %swap3A_258 : i32 to index
    %swap3A_261 = arith.index_cast %swap3A_259 : i32 to index
    %swap3A_262 = arith.constant 16 : index
    %swap3A_263 = tpu.vector_load %arg7[%swap3A_260, %swap3A_261, %swap3A_262] {strides = array<i32>} : memref<11x2x96xi32, #tpu.memory_space<vmem>>, vector<16xi32>,
    tpu.vector_store %arg7[%swap3A_260, %swap3A_261, %swap3A_262], %add3A_257 {strides = array<i32>} : memref<11x2x96xi32, #tpu.memory_space<vmem>>, vector<16xi32>,
    %add3A_264 = arith.constant 3686400 : i32
    %add3A_265 = vector.broadcast %add3A_264 : i32 to vector<16xi32>
    %add3A_266 = arith.addi %add3A_245, %add3A_265 : vector<16xi32>
    %swap3A_267 = arith.constant 2 : i32
    %swap3A_268 = arith.constant 0 : i32
    %swap3A_269 = arith.index_cast %swap3A_267 : i32 to index
    %swap3A_270 = arith.index_cast %swap3A_268 : i32 to index
    %swap3A_271 = arith.constant 16 : index
    %swap3A_272 = tpu.vector_load %arg7[%swap3A_269, %swap3A_270, %swap3A_271] {strides = array<i32>} : memref<11x2x96xi32, #tpu.memory_space<vmem>>, vector<16xi32>,
    tpu.vector_store %arg7[%swap3A_269, %swap3A_270, %swap3A_271], %add3A_266 {strides = array<i32>} : memref<11x2x96xi32, #tpu.memory_space<vmem>>, vector<16xi32>,
    %add3A_273 = arith.constant 5529600 : i32
    %add3A_274 = vector.broadcast %add3A_273 : i32 to vector<16xi32>
    %add3A_275 = arith.addi %add3A_245, %add3A_274 : vector<16xi32>
    %swap3A_276 = arith.constant 3 : i32
    %swap3A_277 = arith.constant 0 : i32
    %swap3A_278 = arith.index_cast %swap3A_276 : i32 to index
    %swap3A_279 = arith.index_cast %swap3A_277 : i32 to index
    %swap3A_280 = arith.constant 16 : index
    %swap3A_281 = tpu.vector_load %arg7[%swap3A_278, %swap3A_279, %swap3A_280] {strides = array<i32>} : memref<11x2x96xi32, #tpu.memory_space<vmem>>, vector<16xi32>,
    tpu.vector_store %arg7[%swap3A_278, %swap3A_279, %swap3A_280], %add3A_275 {strides = array<i32>} : memref<11x2x96xi32, #tpu.memory_space<vmem>>, vector<16xi32>,
    %add3A_282 = arith.constant 7372800 : i32
    %add3A_283 = vector.broadcast %add3A_282 : i32 to vector<16xi32>
    %add3A_284 = arith.addi %add3A_245, %add3A_283 : vector<16xi32>
    %swap3A_285 = arith.constant 4 : i32
    %swap3A_286 = arith.constant 0 : i32
    %swap3A_287 = arith.index_cast %swap3A_285 : i32 to index
    %swap3A_288 = arith.index_cast %swap3A_286 : i32 to index
    %swap3A_289 = arith.constant 16 : index
    %swap3A_290 = tpu.vector_load %arg7[%swap3A_287, %swap3A_288, %swap3A_289] {strides = array<i32>} : memref<11x2x96xi32, #tpu.memory_space<vmem>>, vector<16xi32>,
    tpu.vector_store %arg7[%swap3A_287, %swap3A_288, %swap3A_289], %add3A_284 {strides = array<i32>} : memref<11x2x96xi32, #tpu.memory_space<vmem>>, vector<16xi32>,
    %add3A_291 = arith.constant 9216000 : i32
    %add3A_292 = vector.broadcast %add3A_291 : i32 to vector<16xi32>
    %add3A_293 = arith.addi %add3A_245, %add3A_292 : vector<16xi32>
    %swap3A_294 = arith.constant 5 : i32
    %swap3A_295 = arith.constant 0 : i32
    %swap3A_296 = arith.index_cast %swap3A_294 : i32 to index
    %swap3A_297 = arith.index_cast %swap3A_295 : i32 to index
    %swap3A_298 = arith.constant 16 : index
    %swap3A_299 = tpu.vector_load %arg7[%swap3A_296, %swap3A_297, %swap3A_298] {strides = array<i32>} : memref<11x2x96xi32, #tpu.memory_space<vmem>>, vector<16xi32>,
    tpu.vector_store %arg7[%swap3A_296, %swap3A_297, %swap3A_298], %add3A_293 {strides = array<i32>} : memref<11x2x96xi32, #tpu.memory_space<vmem>>, vector<16xi32>,
    %add3A_300 = arith.constant 11059200 : i32
    %add3A_301 = vector.broadcast %add3A_300 : i32 to vector<16xi32>
    %add3A_302 = arith.addi %add3A_245, %add3A_301 : vector<16xi32>
    %swap3A_303 = arith.constant 6 : i32
    %swap3A_304 = arith.constant 0 : i32
    %swap3A_305 = arith.index_cast %swap3A_303 : i32 to index
    %swap3A_306 = arith.index_cast %swap3A_304 : i32 to index
    %swap3A_307 = arith.constant 16 : index
    %swap3A_308 = tpu.vector_load %arg7[%swap3A_305, %swap3A_306, %swap3A_307] {strides = array<i32>} : memref<11x2x96xi32, #tpu.memory_space<vmem>>, vector<16xi32>,
    tpu.vector_store %arg7[%swap3A_305, %swap3A_306, %swap3A_307], %add3A_302 {strides = array<i32>} : memref<11x2x96xi32, #tpu.memory_space<vmem>>, vector<16xi32>,
    %add3A_309 = arith.constant 12902400 : i32
    %add3A_310 = vector.broadcast %add3A_309 : i32 to vector<16xi32>
    %add3A_311 = arith.addi %add3A_245, %add3A_310 : vector<16xi32>
    %swap3A_312 = arith.constant 7 : i32
    %swap3A_313 = arith.constant 0 : i32
    %swap3A_314 = arith.index_cast %swap3A_312 : i32 to index
    %swap3A_315 = arith.index_cast %swap3A_313 : i32 to index
    %swap3A_316 = arith.constant 16 : index
    %swap3A_317 = tpu.vector_load %arg7[%swap3A_314, %swap3A_315, %swap3A_316] {strides = array<i32>} : memref<11x2x96xi32, #tpu.memory_space<vmem>>, vector<16xi32>,
    tpu.vector_store %arg7[%swap3A_314, %swap3A_315, %swap3A_316], %add3A_311 {strides = array<i32>} : memref<11x2x96xi32, #tpu.memory_space<vmem>>, vector<16xi32>,
    %add3A_318 = arith.constant 14745600 : i32
    %add3A_319 = vector.broadcast %add3A_318 : i32 to vector<16xi32>
    %add3A_320 = arith.addi %add3A_245, %add3A_319 : vector<16xi32>
    %swap3A_321 = arith.constant 8 : i32
    %swap3A_322 = arith.constant 0 : i32
    %swap3A_323 = arith.index_cast %swap3A_321 : i32 to index
    %swap3A_324 = arith.index_cast %swap3A_322 : i32 to index
    %swap3A_325 = arith.constant 16 : index
    %swap3A_326 = tpu.vector_load %arg7[%swap3A_323, %swap3A_324, %swap3A_325] {strides = array<i32>} : memref<11x2x96xi32, #tpu.memory_space<vmem>>, vector<16xi32>,
    tpu.vector_store %arg7[%swap3A_323, %swap3A_324, %swap3A_325], %add3A_320 {strides = array<i32>} : memref<11x2x96xi32, #tpu.memory_space<vmem>>, vector<16xi32>,
    %add3A_327 = arith.constant 16588800 : i32
    %add3A_328 = vector.broadcast %add3A_327 : i32 to vector<16xi32>
    %add3A_329 = arith.addi %add3A_245, %add3A_328 : vector<16xi32>
    %swap3A_330 = arith.constant 9 : i32
    %swap3A_331 = arith.constant 0 : i32
    %swap3A_332 = arith.index_cast %swap3A_330 : i32 to index
    %swap3A_333 = arith.index_cast %swap3A_331 : i32 to index
    %swap3A_334 = arith.constant 16 : index
    %swap3A_335 = tpu.vector_load %arg7[%swap3A_332, %swap3A_333, %swap3A_334] {strides = array<i32>} : memref<11x2x96xi32, #tpu.memory_space<vmem>>, vector<16xi32>,
    tpu.vector_store %arg7[%swap3A_332, %swap3A_333, %swap3A_334], %add3A_329 {strides = array<i32>} : memref<11x2x96xi32, #tpu.memory_space<vmem>>, vector<16xi32>,
    %add3A_336 = arith.constant 18432000 : i32
    %add3A_337 = vector.broadcast %add3A_336 : i32 to vector<16xi32>
    %add3A_338 = arith.addi %add3A_245, %add3A_337 : vector<16xi32>
    %swap3A_339 = arith.constant 10 : i32
    %swap3A_340 = arith.constant 0 : i32
    %swap3A_341 = arith.index_cast %swap3A_339 : i32 to index
    %swap3A_342 = arith.index_cast %swap3A_340 : i32 to index
    %swap3A_343 = arith.constant 16 : index
    %swap3A_344 = tpu.vector_load %arg7[%swap3A_341, %swap3A_342, %swap3A_343] {strides = array<i32>} : memref<11x2x96xi32, #tpu.memory_space<vmem>>, vector<16xi32>,
    tpu.vector_store %arg7[%swap3A_341, %swap3A_342, %swap3A_343], %add3A_338 {strides = array<i32>} : memref<11x2x96xi32, #tpu.memory_space<vmem>>, vector<16xi32>,
    %iota3A_345 = tpu.iota {dimensions = array<i32: 0>} : vector<16xi32>
    %add3A_346 = arith.constant 32 : i32
    %add3A_347 = vector.broadcast %add3A_346 : i32 to vector<16xi32>
    %add3A_348 = arith.addi %iota3A_345, %add3A_347 : vector<16xi32>
    %mul3A_349 = arith.constant 3 : i32
    %mul3A_350 = vector.broadcast %mul3A_349 : i32 to vector<16xi32>
    %mul3A_351 = arith.muli %add3A_348, %mul3A_350 : vector<16xi32>
    %gather3A_352 = tpu.vector_load_idx %arg6[%mul3A_351] : memref<576xf32, #tpu.memory_space<vmem>>[vector<16xi32>], vector<16xf32>,
    %convert_element_type3A_353 = arith.fptosi %gather3A_352 : vector<16xf32> to vector<16xi32>
    %jit3A_354 = arith.constant 0 : i32
    %jit3A_355 = arith.constant 119 : i32
    %max3A_356 = vector.broadcast %jit3A_354 : i32 to vector<16xi32>
    %max3A_357 = arith.maxsi %max3A_356, %convert_element_type3A_353 : vector<16xi32>
    %min3A_358 = vector.broadcast %jit3A_355 : i32 to vector<16xi32>
    %min3A_359 = arith.minsi %min3A_358, %max3A_357 : vector<16xi32>
    %add3A_360 = arith.constant 1 : i32
    %add3A_361 = vector.broadcast %add3A_360 : i32 to vector<16xi32>
    %add3A_362 = arith.addi %mul3A_351, %add3A_361 : vector<16xi32>
    %gather3A_363 = tpu.vector_load_idx %arg6[%add3A_362] : memref<576xf32, #tpu.memory_space<vmem>>[vector<16xi32>], vector<16xf32>,
    %convert_element_type3A_364 = arith.fptosi %gather3A_363 : vector<16xf32> to vector<16xi32>
    %jit3A_365 = arith.constant 0 : i32
    %jit3A_366 = arith.constant 119 : i32
    %max3A_367 = vector.broadcast %jit3A_365 : i32 to vector<16xi32>
    %max3A_368 = arith.maxsi %max3A_367, %convert_element_type3A_364 : vector<16xi32>
    %min3A_369 = vector.broadcast %jit3A_366 : i32 to vector<16xi32>
    %min3A_370 = arith.minsi %min3A_369, %max3A_368 : vector<16xi32>
    %add3A_371 = arith.constant 2 : i32
    %add3A_372 = vector.broadcast %add3A_371 : i32 to vector<16xi32>
    %add3A_373 = arith.addi %mul3A_351, %add3A_372 : vector<16xi32>
    %gather3A_374 = tpu.vector_load_idx %arg6[%add3A_373] : memref<576xf32, #tpu.memory_space<vmem>>[vector<16xi32>], vector<16xf32>,
    %convert_element_type3A_375 = arith.fptosi %gather3A_374 : vector<16xf32> to vector<16xi32>
    %jit3A_376 = arith.constant 0 : i32
    %jit3A_377 = arith.constant 119 : i32
    %max3A_378 = vector.broadcast %jit3A_376 : i32 to vector<16xi32>
    %max3A_379 = arith.maxsi %max3A_378, %convert_element_type3A_375 : vector<16xi32>
    %min3A_380 = vector.broadcast %jit3A_377 : i32 to vector<16xi32>
    %min3A_381 = arith.minsi %min3A_380, %max3A_379 : vector<16xi32>
    %mul3A_382 = arith.constant 120 : i32
    %mul3A_383 = vector.broadcast %mul3A_382 : i32 to vector<16xi32>
    %mul3A_384 = arith.muli %min3A_359, %mul3A_383 : vector<16xi32>
    %add3A_385 = arith.addi %mul3A_384, %min3A_370 : vector<16xi32>
    %add3A_386 = vector.broadcast %mul3A_58 : i32 to vector<16xi32>
    %add3A_387 = arith.addi %add3A_385, %add3A_386 : vector<16xi32>
    %mul3A_388 = arith.constant 128 : i32
    %mul3A_389 = vector.broadcast %mul3A_388 : i32 to vector<16xi32>
    %mul3A_390 = arith.muli %add3A_387, %mul3A_389 : vector<16xi32>
    %add3A_391 = arith.addi %mul3A_390, %min3A_381 : vector<16xi32>
    %add3A_392 = arith.constant 0 : i32
    %add3A_393 = vector.broadcast %add3A_392 : i32 to vector<16xi32>
    %add3A_394 = arith.addi %add3A_391, %add3A_393 : vector<16xi32>
    %swap3A_395 = arith.constant 0 : i32
    %swap3A_396 = arith.constant 0 : i32
    %swap3A_397 = arith.index_cast %swap3A_395 : i32 to index
    %swap3A_398 = arith.index_cast %swap3A_396 : i32 to index
    %swap3A_399 = arith.constant 32 : index
    %swap3A_400 = tpu.vector_load %arg7[%swap3A_397, %swap3A_398, %swap3A_399] {strides = array<i32>} : memref<11x2x96xi32, #tpu.memory_space<vmem>>, vector<16xi32>,
    tpu.vector_store %arg7[%swap3A_397, %swap3A_398, %swap3A_399], %add3A_394 {strides = array<i32>} : memref<11x2x96xi32, #tpu.memory_space<vmem>>, vector<16xi32>,
    %add3A_401 = arith.constant 1843200 : i32
    %add3A_402 = vector.broadcast %add3A_401 : i32 to vector<16xi32>
    %add3A_403 = arith.addi %add3A_391, %add3A_402 : vector<16xi32>
    %swap3A_404 = arith.constant 1 : i32
    %swap3A_405 = arith.constant 0 : i32
    %swap3A_406 = arith.index_cast %swap3A_404 : i32 to index
    %swap3A_407 = arith.index_cast %swap3A_405 : i32 to index
    %swap3A_408 = arith.constant 32 : index
    %swap3A_409 = tpu.vector_load %arg7[%swap3A_406, %swap3A_407, %swap3A_408] {strides = array<i32>} : memref<11x2x96xi32, #tpu.memory_space<vmem>>, vector<16xi32>,
    tpu.vector_store %arg7[%swap3A_406, %swap3A_407, %swap3A_408], %add3A_403 {strides = array<i32>} : memref<11x2x96xi32, #tpu.memory_space<vmem>>, vector<16xi32>,
    %add3A_410 = arith.constant 3686400 : i32
    %add3A_411 = vector.broadcast %add3A_410 : i32 to vector<16xi32>
    %add3A_412 = arith.addi %add3A_391, %add3A_411 : vector<16xi32>
    %swap3A_413 = arith.constant 2 : i32
    %swap3A_414 = arith.constant 0 : i32
    %swap3A_415 = arith.index_cast %swap3A_413 : i32 to index
    %swap3A_416 = arith.index_cast %swap3A_414 : i32 to index
    %swap3A_417 = arith.constant 32 : index
    %swap3A_418 = tpu.vector_load %arg7[%swap3A_415, %swap3A_416, %swap3A_417] {strides = array<i32>} : memref<11x2x96xi32, #tpu.memory_space<vmem>>, vector<16xi32>,
    tpu.vector_store %arg7[%swap3A_415, %swap3A_416, %swap3A_417], %add3A_412 {strides = array<i32>} : memref<11x2x96xi32, #tpu.memory_space<vmem>>, vector<16xi32>,
    %add3A_419 = arith.constant 5529600 : i32
    %add3A_420 = vector.broadcast %add3A_419 : i32 to vector<16xi32>
    %add3A_421 = arith.addi %add3A_391, %add3A_420 : vector<16xi32>
    %swap3A_422 = arith.constant 3 : i32
    %swap3A_423 = arith.constant 0 : i32
    %swap3A_424 = arith.index_cast %swap3A_422 : i32 to index
    %swap3A_425 = arith.index_cast %swap3A_423 : i32 to index
    %swap3A_426 = arith.constant 32 : index
    %swap3A_427 = tpu.vector_load %arg7[%swap3A_424, %swap3A_425, %swap3A_426] {strides = array<i32>} : memref<11x2x96xi32, #tpu.memory_space<vmem>>, vector<16xi32>,
    tpu.vector_store %arg7[%swap3A_424, %swap3A_425, %swap3A_426], %add3A_421 {strides = array<i32>} : memref<11x2x96xi32, #tpu.memory_space<vmem>>, vector<16xi32>,
    %add3A_428 = arith.constant 7372800 : i32
    %add3A_429 = vector.broadcast %add3A_428 : i32 to vector<16xi32>
    %add3A_430 = arith.addi %add3A_391, %add3A_429 : vector<16xi32>
    %swap3A_431 = arith.constant 4 : i32
    %swap3A_432 = arith.constant 0 : i32
    %swap3A_433 = arith.index_cast %swap3A_431 : i32 to index
    %swap3A_434 = arith.index_cast %swap3A_432 : i32 to index
    %swap3A_435 = arith.constant 32 : index
    %swap3A_436 = tpu.vector_load %arg7[%swap3A_433, %swap3A_434, %swap3A_435] {strides = array<i32>} : memref<11x2x96xi32, #tpu.memory_space<vmem>>, vector<16xi32>,
    tpu.vector_store %arg7[%swap3A_433, %swap3A_434, %swap3A_435], %add3A_430 {strides = array<i32>} : memref<11x2x96xi32, #tpu.memory_space<vmem>>, vector<16xi32>,
    %add3A_437 = arith.constant 9216000 : i32
    %add3A_438 = vector.broadcast %add3A_437 : i32 to vector<16xi32>
    %add3A_439 = arith.addi %add3A_391, %add3A_438 : vector<16xi32>
    %swap3A_440 = arith.constant 5 : i32
    %swap3A_441 = arith.constant 0 : i32
    %swap3A_442 = arith.index_cast %swap3A_440 : i32 to index
    %swap3A_443 = arith.index_cast %swap3A_441 : i32 to index
    %swap3A_444 = arith.constant 32 : index
    %swap3A_445 = tpu.vector_load %arg7[%swap3A_442, %swap3A_443, %swap3A_444] {strides = array<i32>} : memref<11x2x96xi32, #tpu.memory_space<vmem>>, vector<16xi32>,
    tpu.vector_store %arg7[%swap3A_442, %swap3A_443, %swap3A_444], %add3A_439 {strides = array<i32>} : memref<11x2x96xi32, #tpu.memory_space<vmem>>, vector<16xi32>,
    %add3A_446 = arith.constant 11059200 : i32
    %add3A_447 = vector.broadcast %add3A_446 : i32 to vector<16xi32>
    %add3A_448 = arith.addi %add3A_391, %add3A_447 : vector<16xi32>
    %swap3A_449 = arith.constant 6 : i32
    %swap3A_450 = arith.constant 0 : i32
    %swap3A_451 = arith.index_cast %swap3A_449 : i32 to index
    %swap3A_452 = arith.index_cast %swap3A_450 : i32 to index
    %swap3A_453 = arith.constant 32 : index
    %swap3A_454 = tpu.vector_load %arg7[%swap3A_451, %swap3A_452, %swap3A_453] {strides = array<i32>} : memref<11x2x96xi32, #tpu.memory_space<vmem>>, vector<16xi32>,
    tpu.vector_store %arg7[%swap3A_451, %swap3A_452, %swap3A_453], %add3A_448 {strides = array<i32>} : memref<11x2x96xi32, #tpu.memory_space<vmem>>, vector<16xi32>,
    %add3A_455 = arith.constant 12902400 : i32
    %add3A_456 = vector.broadcast %add3A_455 : i32 to vector<16xi32>
    %add3A_457 = arith.addi %add3A_391, %add3A_456 : vector<16xi32>
    %swap3A_458 = arith.constant 7 : i32
    %swap3A_459 = arith.constant 0 : i32
    %swap3A_460 = arith.index_cast %swap3A_458 : i32 to index
    %swap3A_461 = arith.index_cast %swap3A_459 : i32 to index
    %swap3A_462 = arith.constant 32 : index
    %swap3A_463 = tpu.vector_load %arg7[%swap3A_460, %swap3A_461, %swap3A_462] {strides = array<i32>} : memref<11x2x96xi32, #tpu.memory_space<vmem>>, vector<16xi32>,
    tpu.vector_store %arg7[%swap3A_460, %swap3A_461, %swap3A_462], %add3A_457 {strides = array<i32>} : memref<11x2x96xi32, #tpu.memory_space<vmem>>, vector<16xi32>,
    %add3A_464 = arith.constant 14745600 : i32
    %add3A_465 = vector.broadcast %add3A_464 : i32 to vector<16xi32>
    %add3A_466 = arith.addi %add3A_391, %add3A_465 : vector<16xi32>
    %swap3A_467 = arith.constant 8 : i32
    %swap3A_468 = arith.constant 0 : i32
    %swap3A_469 = arith.index_cast %swap3A_467 : i32 to index
    %swap3A_470 = arith.index_cast %swap3A_468 : i32 to index
    %swap3A_471 = arith.constant 32 : index
    %swap3A_472 = tpu.vector_load %arg7[%swap3A_469, %swap3A_470, %swap3A_471] {strides = array<i32>} : memref<11x2x96xi32, #tpu.memory_space<vmem>>, vector<16xi32>,
    tpu.vector_store %arg7[%swap3A_469, %swap3A_470, %swap3A_471], %add3A_466 {strides = array<i32>} : memref<11x2x96xi32, #tpu.memory_space<vmem>>, vector<16xi32>,
    %add3A_473 = arith.constant 16588800 : i32
    %add3A_474 = vector.broadcast %add3A_473 : i32 to vector<16xi32>
    %add3A_475 = arith.addi %add3A_391, %add3A_474 : vector<16xi32>
    %swap3A_476 = arith.constant 9 : i32
    %swap3A_477 = arith.constant 0 : i32
    %swap3A_478 = arith.index_cast %swap3A_476 : i32 to index
    %swap3A_479 = arith.index_cast %swap3A_477 : i32 to index
    %swap3A_480 = arith.constant 32 : index
    %swap3A_481 = tpu.vector_load %arg7[%swap3A_478, %swap3A_479, %swap3A_480] {strides = array<i32>} : memref<11x2x96xi32, #tpu.memory_space<vmem>>, vector<16xi32>,
    tpu.vector_store %arg7[%swap3A_478, %swap3A_479, %swap3A_480], %add3A_475 {strides = array<i32>} : memref<11x2x96xi32, #tpu.memory_space<vmem>>, vector<16xi32>,
    %add3A_482 = arith.constant 18432000 : i32
    %add3A_483 = vector.broadcast %add3A_482 : i32 to vector<16xi32>
    %add3A_484 = arith.addi %add3A_391, %add3A_483 : vector<16xi32>
    %swap3A_485 = arith.constant 10 : i32
    %swap3A_486 = arith.constant 0 : i32
    %swap3A_487 = arith.index_cast %swap3A_485 : i32 to index
    %swap3A_488 = arith.index_cast %swap3A_486 : i32 to index
    %swap3A_489 = arith.constant 32 : index
    %swap3A_490 = tpu.vector_load %arg7[%swap3A_487, %swap3A_488, %swap3A_489] {strides = array<i32>} : memref<11x2x96xi32, #tpu.memory_space<vmem>>, vector<16xi32>,
    tpu.vector_store %arg7[%swap3A_487, %swap3A_488, %swap3A_489], %add3A_484 {strides = array<i32>} : memref<11x2x96xi32, #tpu.memory_space<vmem>>, vector<16xi32>,
    %iota3A_491 = tpu.iota {dimensions = array<i32: 0>} : vector<16xi32>
    %add3A_492 = arith.constant 48 : i32
    %add3A_493 = vector.broadcast %add3A_492 : i32 to vector<16xi32>
    %add3A_494 = arith.addi %iota3A_491, %add3A_493 : vector<16xi32>
    %mul3A_495 = arith.constant 3 : i32
    %mul3A_496 = vector.broadcast %mul3A_495 : i32 to vector<16xi32>
    %mul3A_497 = arith.muli %add3A_494, %mul3A_496 : vector<16xi32>
    %gather3A_498 = tpu.vector_load_idx %arg6[%mul3A_497] : memref<576xf32, #tpu.memory_space<vmem>>[vector<16xi32>], vector<16xf32>,
    %convert_element_type3A_499 = arith.fptosi %gather3A_498 : vector<16xf32> to vector<16xi32>
    %jit3A_500 = arith.constant 0 : i32
    %jit3A_501 = arith.constant 119 : i32
    %max3A_502 = vector.broadcast %jit3A_500 : i32 to vector<16xi32>
    %max3A_503 = arith.maxsi %max3A_502, %convert_element_type3A_499 : vector<16xi32>
    %min3A_504 = vector.broadcast %jit3A_501 : i32 to vector<16xi32>
    %min3A_505 = arith.minsi %min3A_504, %max3A_503 : vector<16xi32>
    %add3A_506 = arith.constant 1 : i32
    %add3A_507 = vector.broadcast %add3A_506 : i32 to vector<16xi32>
    %add3A_508 = arith.addi %mul3A_497, %add3A_507 : vector<16xi32>
    %gather3A_509 = tpu.vector_load_idx %arg6[%add3A_508] : memref<576xf32, #tpu.memory_space<vmem>>[vector<16xi32>], vector<16xf32>,
    %convert_element_type3A_510 = arith.fptosi %gather3A_509 : vector<16xf32> to vector<16xi32>
    %jit3A_511 = arith.constant 0 : i32
    %jit3A_512 = arith.constant 119 : i32
    %max3A_513 = vector.broadcast %jit3A_511 : i32 to vector<16xi32>
    %max3A_514 = arith.maxsi %max3A_513, %convert_element_type3A_510 : vector<16xi32>
    %min3A_515 = vector.broadcast %jit3A_512 : i32 to vector<16xi32>
    %min3A_516 = arith.minsi %min3A_515, %max3A_514 : vector<16xi32>
    %add3A_517 = arith.constant 2 : i32
    %add3A_518 = vector.broadcast %add3A_517 : i32 to vector<16xi32>
    %add3A_519 = arith.addi %mul3A_497, %add3A_518 : vector<16xi32>
    %gather3A_520 = tpu.vector_load_idx %arg6[%add3A_519] : memref<576xf32, #tpu.memory_space<vmem>>[vector<16xi32>], vector<16xf32>,
    %convert_element_type3A_521 = arith.fptosi %gather3A_520 : vector<16xf32> to vector<16xi32>
    %jit3A_522 = arith.constant 0 : i32
    %jit3A_523 = arith.constant 119 : i32
    %max3A_524 = vector.broadcast %jit3A_522 : i32 to vector<16xi32>
    %max3A_525 = arith.maxsi %max3A_524, %convert_element_type3A_521 : vector<16xi32>
    %min3A_526 = vector.broadcast %jit3A_523 : i32 to vector<16xi32>
    %min3A_527 = arith.minsi %min3A_526, %max3A_525 : vector<16xi32>
    %mul3A_528 = arith.constant 120 : i32
    %mul3A_529 = vector.broadcast %mul3A_528 : i32 to vector<16xi32>
    %mul3A_530 = arith.muli %min3A_505, %mul3A_529 : vector<16xi32>
    %add3A_531 = arith.addi %mul3A_530, %min3A_516 : vector<16xi32>
    %add3A_532 = vector.broadcast %mul3A_58 : i32 to vector<16xi32>
    %add3A_533 = arith.addi %add3A_531, %add3A_532 : vector<16xi32>
    %mul3A_534 = arith.constant 128 : i32
    %mul3A_535 = vector.broadcast %mul3A_534 : i32 to vector<16xi32>
    %mul3A_536 = arith.muli %add3A_533, %mul3A_535 : vector<16xi32>
    %add3A_537 = arith.addi %mul3A_536, %min3A_527 : vector<16xi32>
    %add3A_538 = arith.constant 0 : i32
    %add3A_539 = vector.broadcast %add3A_538 : i32 to vector<16xi32>
    %add3A_540 = arith.addi %add3A_537, %add3A_539 : vector<16xi32>
    %swap3A_541 = arith.constant 0 : i32
    %swap3A_542 = arith.constant 0 : i32
    %swap3A_543 = arith.index_cast %swap3A_541 : i32 to index
    %swap3A_544 = arith.index_cast %swap3A_542 : i32 to index
    %swap3A_545 = arith.constant 48 : index
    %swap3A_546 = tpu.vector_load %arg7[%swap3A_543, %swap3A_544, %swap3A_545] {strides = array<i32>} : memref<11x2x96xi32, #tpu.memory_space<vmem>>, vector<16xi32>,
    tpu.vector_store %arg7[%swap3A_543, %swap3A_544, %swap3A_545], %add3A_540 {strides = array<i32>} : memref<11x2x96xi32, #tpu.memory_space<vmem>>, vector<16xi32>,
    %add3A_547 = arith.constant 1843200 : i32
    %add3A_548 = vector.broadcast %add3A_547 : i32 to vector<16xi32>
    %add3A_549 = arith.addi %add3A_537, %add3A_548 : vector<16xi32>
    %swap3A_550 = arith.constant 1 : i32
    %swap3A_551 = arith.constant 0 : i32
    %swap3A_552 = arith.index_cast %swap3A_550 : i32 to index
    %swap3A_553 = arith.index_cast %swap3A_551 : i32 to index
    %swap3A_554 = arith.constant 48 : index
    %swap3A_555 = tpu.vector_load %arg7[%swap3A_552, %swap3A_553, %swap3A_554] {strides = array<i32>} : memref<11x2x96xi32, #tpu.memory_space<vmem>>, vector<16xi32>,
    tpu.vector_store %arg7[%swap3A_552, %swap3A_553, %swap3A_554], %add3A_549 {strides = array<i32>} : memref<11x2x96xi32, #tpu.memory_space<vmem>>, vector<16xi32>,
    %add3A_556 = arith.constant 3686400 : i32
    %add3A_557 = vector.broadcast %add3A_556 : i32 to vector<16xi32>
    %add3A_558 = arith.addi %add3A_537, %add3A_557 : vector<16xi32>
    %swap3A_559 = arith.constant 2 : i32
    %swap3A_560 = arith.constant 0 : i32
    %swap3A_561 = arith.index_cast %swap3A_559 : i32 to index
    %swap3A_562 = arith.index_cast %swap3A_560 : i32 to index
    %swap3A_563 = arith.constant 48 : index
    %swap3A_564 = tpu.vector_load %arg7[%swap3A_561, %swap3A_562, %swap3A_563] {strides = array<i32>} : memref<11x2x96xi32, #tpu.memory_space<vmem>>, vector<16xi32>,
    tpu.vector_store %arg7[%swap3A_561, %swap3A_562, %swap3A_563], %add3A_558 {strides = array<i32>} : memref<11x2x96xi32, #tpu.memory_space<vmem>>, vector<16xi32>,
    %add3A_565 = arith.constant 5529600 : i32
    %add3A_566 = vector.broadcast %add3A_565 : i32 to vector<16xi32>
    %add3A_567 = arith.addi %add3A_537, %add3A_566 : vector<16xi32>
    %swap3A_568 = arith.constant 3 : i32
    %swap3A_569 = arith.constant 0 : i32
    %swap3A_570 = arith.index_cast %swap3A_568 : i32 to index
    %swap3A_571 = arith.index_cast %swap3A_569 : i32 to index
    %swap3A_572 = arith.constant 48 : index
    %swap3A_573 = tpu.vector_load %arg7[%swap3A_570, %swap3A_571, %swap3A_572] {strides = array<i32>} : memref<11x2x96xi32, #tpu.memory_space<vmem>>, vector<16xi32>,
    tpu.vector_store %arg7[%swap3A_570, %swap3A_571, %swap3A_572], %add3A_567 {strides = array<i32>} : memref<11x2x96xi32, #tpu.memory_space<vmem>>, vector<16xi32>,
    %add3A_574 = arith.constant 7372800 : i32
    %add3A_575 = vector.broadcast %add3A_574 : i32 to vector<16xi32>
    %add3A_576 = arith.addi %add3A_537, %add3A_575 : vector<16xi32>
    %swap3A_577 = arith.constant 4 : i32
    %swap3A_578 = arith.constant 0 : i32
    %swap3A_579 = arith.index_cast %swap3A_577 : i32 to index
    %swap3A_580 = arith.index_cast %swap3A_578 : i32 to index
    %swap3A_581 = arith.constant 48 : index
    %swap3A_582 = tpu.vector_load %arg7[%swap3A_579, %swap3A_580, %swap3A_581] {strides = array<i32>} : memref<11x2x96xi32, #tpu.memory_space<vmem>>, vector<16xi32>,
    tpu.vector_store %arg7[%swap3A_579, %swap3A_580, %swap3A_581], %add3A_576 {strides = array<i32>} : memref<11x2x96xi32, #tpu.memory_space<vmem>>, vector<16xi32>,
    %add3A_583 = arith.constant 9216000 : i32
    %add3A_584 = vector.broadcast %add3A_583 : i32 to vector<16xi32>
    %add3A_585 = arith.addi %add3A_537, %add3A_584 : vector<16xi32>
    %swap3A_586 = arith.constant 5 : i32
    %swap3A_587 = arith.constant 0 : i32
    %swap3A_588 = arith.index_cast %swap3A_586 : i32 to index
    %swap3A_589 = arith.index_cast %swap3A_587 : i32 to index
    %swap3A_590 = arith.constant 48 : index
    %swap3A_591 = tpu.vector_load %arg7[%swap3A_588, %swap3A_589, %swap3A_590] {strides = array<i32>} : memref<11x2x96xi32, #tpu.memory_space<vmem>>, vector<16xi32>,
    tpu.vector_store %arg7[%swap3A_588, %swap3A_589, %swap3A_590], %add3A_585 {strides = array<i32>} : memref<11x2x96xi32, #tpu.memory_space<vmem>>, vector<16xi32>,
    %add3A_592 = arith.constant 11059200 : i32
    %add3A_593 = vector.broadcast %add3A_592 : i32 to vector<16xi32>
    %add3A_594 = arith.addi %add3A_537, %add3A_593 : vector<16xi32>
    %swap3A_595 = arith.constant 6 : i32
    %swap3A_596 = arith.constant 0 : i32
    %swap3A_597 = arith.index_cast %swap3A_595 : i32 to index
    %swap3A_598 = arith.index_cast %swap3A_596 : i32 to index
    %swap3A_599 = arith.constant 48 : index
    %swap3A_600 = tpu.vector_load %arg7[%swap3A_597, %swap3A_598, %swap3A_599] {strides = array<i32>} : memref<11x2x96xi32, #tpu.memory_space<vmem>>, vector<16xi32>,
    tpu.vector_store %arg7[%swap3A_597, %swap3A_598, %swap3A_599], %add3A_594 {strides = array<i32>} : memref<11x2x96xi32, #tpu.memory_space<vmem>>, vector<16xi32>,
    %add3A_601 = arith.constant 12902400 : i32
    %add3A_602 = vector.broadcast %add3A_601 : i32 to vector<16xi32>
    %add3A_603 = arith.addi %add3A_537, %add3A_602 : vector<16xi32>
    %swap3A_604 = arith.constant 7 : i32
    %swap3A_605 = arith.constant 0 : i32
    %swap3A_606 = arith.index_cast %swap3A_604 : i32 to index
    %swap3A_607 = arith.index_cast %swap3A_605 : i32 to index
    %swap3A_608 = arith.constant 48 : index
    %swap3A_609 = tpu.vector_load %arg7[%swap3A_606, %swap3A_607, %swap3A_608] {strides = array<i32>} : memref<11x2x96xi32, #tpu.memory_space<vmem>>, vector<16xi32>,
    tpu.vector_store %arg7[%swap3A_606, %swap3A_607, %swap3A_608], %add3A_603 {strides = array<i32>} : memref<11x2x96xi32, #tpu.memory_space<vmem>>, vector<16xi32>,
    %add3A_610 = arith.constant 14745600 : i32
    %add3A_611 = vector.broadcast %add3A_610 : i32 to vector<16xi32>
    %add3A_612 = arith.addi %add3A_537, %add3A_611 : vector<16xi32>
    %swap3A_613 = arith.constant 8 : i32
    %swap3A_614 = arith.constant 0 : i32
    %swap3A_615 = arith.index_cast %swap3A_613 : i32 to index
    %swap3A_616 = arith.index_cast %swap3A_614 : i32 to index
    %swap3A_617 = arith.constant 48 : index
    %swap3A_618 = tpu.vector_load %arg7[%swap3A_615, %swap3A_616, %swap3A_617] {strides = array<i32>} : memref<11x2x96xi32, #tpu.memory_space<vmem>>, vector<16xi32>,
    tpu.vector_store %arg7[%swap3A_615, %swap3A_616, %swap3A_617], %add3A_612 {strides = array<i32>} : memref<11x2x96xi32, #tpu.memory_space<vmem>>, vector<16xi32>,
    %add3A_619 = arith.constant 16588800 : i32
    %add3A_620 = vector.broadcast %add3A_619 : i32 to vector<16xi32>
    %add3A_621 = arith.addi %add3A_537, %add3A_620 : vector<16xi32>
    %swap3A_622 = arith.constant 9 : i32
    %swap3A_623 = arith.constant 0 : i32
    %swap3A_624 = arith.index_cast %swap3A_622 : i32 to index
    %swap3A_625 = arith.index_cast %swap3A_623 : i32 to index
    %swap3A_626 = arith.constant 48 : index
    %swap3A_627 = tpu.vector_load %arg7[%swap3A_624, %swap3A_625, %swap3A_626] {strides = array<i32>} : memref<11x2x96xi32, #tpu.memory_space<vmem>>, vector<16xi32>,
    tpu.vector_store %arg7[%swap3A_624, %swap3A_625, %swap3A_626], %add3A_621 {strides = array<i32>} : memref<11x2x96xi32, #tpu.memory_space<vmem>>, vector<16xi32>,
    %add3A_628 = arith.constant 18432000 : i32
    %add3A_629 = vector.broadcast %add3A_628 : i32 to vector<16xi32>
    %add3A_630 = arith.addi %add3A_537, %add3A_629 : vector<16xi32>
    %swap3A_631 = arith.constant 10 : i32
    %swap3A_632 = arith.constant 0 : i32
    %swap3A_633 = arith.index_cast %swap3A_631 : i32 to index
    %swap3A_634 = arith.index_cast %swap3A_632 : i32 to index
    %swap3A_635 = arith.constant 48 : index
    %swap3A_636 = tpu.vector_load %arg7[%swap3A_633, %swap3A_634, %swap3A_635] {strides = array<i32>} : memref<11x2x96xi32, #tpu.memory_space<vmem>>, vector<16xi32>,
    tpu.vector_store %arg7[%swap3A_633, %swap3A_634, %swap3A_635], %add3A_630 {strides = array<i32>} : memref<11x2x96xi32, #tpu.memory_space<vmem>>, vector<16xi32>,
    %iota3A_637 = tpu.iota {dimensions = array<i32: 0>} : vector<16xi32>
    %add3A_638 = arith.constant 64 : i32
    %add3A_639 = vector.broadcast %add3A_638 : i32 to vector<16xi32>
    %add3A_640 = arith.addi %iota3A_637, %add3A_639 : vector<16xi32>
    %mul3A_641 = arith.constant 3 : i32
    %mul3A_642 = vector.broadcast %mul3A_641 : i32 to vector<16xi32>
    %mul3A_643 = arith.muli %add3A_640, %mul3A_642 : vector<16xi32>
    %gather3A_644 = tpu.vector_load_idx %arg6[%mul3A_643] : memref<576xf32, #tpu.memory_space<vmem>>[vector<16xi32>], vector<16xf32>,
    %convert_element_type3A_645 = arith.fptosi %gather3A_644 : vector<16xf32> to vector<16xi32>
    %jit3A_646 = arith.constant 0 : i32
    %jit3A_647 = arith.constant 119 : i32
    %max3A_648 = vector.broadcast %jit3A_646 : i32 to vector<16xi32>
    %max3A_649 = arith.maxsi %max3A_648, %convert_element_type3A_645 : vector<16xi32>
    %min3A_650 = vector.broadcast %jit3A_647 : i32 to vector<16xi32>
    %min3A_651 = arith.minsi %min3A_650, %max3A_649 : vector<16xi32>
    %add3A_652 = arith.constant 1 : i32
    %add3A_653 = vector.broadcast %add3A_652 : i32 to vector<16xi32>
    %add3A_654 = arith.addi %mul3A_643, %add3A_653 : vector<16xi32>
    %gather3A_655 = tpu.vector_load_idx %arg6[%add3A_654] : memref<576xf32, #tpu.memory_space<vmem>>[vector<16xi32>], vector<16xf32>,
    %convert_element_type3A_656 = arith.fptosi %gather3A_655 : vector<16xf32> to vector<16xi32>
    %jit3A_657 = arith.constant 0 : i32
    %jit3A_658 = arith.constant 119 : i32
    %max3A_659 = vector.broadcast %jit3A_657 : i32 to vector<16xi32>
    %max3A_660 = arith.maxsi %max3A_659, %convert_element_type3A_656 : vector<16xi32>
    %min3A_661 = vector.broadcast %jit3A_658 : i32 to vector<16xi32>
    %min3A_662 = arith.minsi %min3A_661, %max3A_660 : vector<16xi32>
    %add3A_663 = arith.constant 2 : i32
    %add3A_664 = vector.broadcast %add3A_663 : i32 to vector<16xi32>
    %add3A_665 = arith.addi %mul3A_643, %add3A_664 : vector<16xi32>
    %gather3A_666 = tpu.vector_load_idx %arg6[%add3A_665] : memref<576xf32, #tpu.memory_space<vmem>>[vector<16xi32>], vector<16xf32>,
    %convert_element_type3A_667 = arith.fptosi %gather3A_666 : vector<16xf32> to vector<16xi32>
    %jit3A_668 = arith.constant 0 : i32
    %jit3A_669 = arith.constant 119 : i32
    %max3A_670 = vector.broadcast %jit3A_668 : i32 to vector<16xi32>
    %max3A_671 = arith.maxsi %max3A_670, %convert_element_type3A_667 : vector<16xi32>
    %min3A_672 = vector.broadcast %jit3A_669 : i32 to vector<16xi32>
    %min3A_673 = arith.minsi %min3A_672, %max3A_671 : vector<16xi32>
    %mul3A_674 = arith.constant 120 : i32
    %mul3A_675 = vector.broadcast %mul3A_674 : i32 to vector<16xi32>
    %mul3A_676 = arith.muli %min3A_651, %mul3A_675 : vector<16xi32>
    %add3A_677 = arith.addi %mul3A_676, %min3A_662 : vector<16xi32>
    %add3A_678 = vector.broadcast %mul3A_58 : i32 to vector<16xi32>
    %add3A_679 = arith.addi %add3A_677, %add3A_678 : vector<16xi32>
    %mul3A_680 = arith.constant 128 : i32
    %mul3A_681 = vector.broadcast %mul3A_680 : i32 to vector<16xi32>
    %mul3A_682 = arith.muli %add3A_679, %mul3A_681 : vector<16xi32>
    %add3A_683 = arith.addi %mul3A_682, %min3A_673 : vector<16xi32>
    %add3A_684 = arith.constant 0 : i32
    %add3A_685 = vector.broadcast %add3A_684 : i32 to vector<16xi32>
    %add3A_686 = arith.addi %add3A_683, %add3A_685 : vector<16xi32>
    %swap3A_687 = arith.constant 0 : i32
    %swap3A_688 = arith.constant 0 : i32
    %swap3A_689 = arith.index_cast %swap3A_687 : i32 to index
    %swap3A_690 = arith.index_cast %swap3A_688 : i32 to index
    %swap3A_691 = arith.constant 64 : index
    %swap3A_692 = tpu.vector_load %arg7[%swap3A_689, %swap3A_690, %swap3A_691] {strides = array<i32>} : memref<11x2x96xi32, #tpu.memory_space<vmem>>, vector<16xi32>,
    tpu.vector_store %arg7[%swap3A_689, %swap3A_690, %swap3A_691], %add3A_686 {strides = array<i32>} : memref<11x2x96xi32, #tpu.memory_space<vmem>>, vector<16xi32>,
    %add3A_693 = arith.constant 1843200 : i32
    %add3A_694 = vector.broadcast %add3A_693 : i32 to vector<16xi32>
    %add3A_695 = arith.addi %add3A_683, %add3A_694 : vector<16xi32>
    %swap3A_696 = arith.constant 1 : i32
    %swap3A_697 = arith.constant 0 : i32
    %swap3A_698 = arith.index_cast %swap3A_696 : i32 to index
    %swap3A_699 = arith.index_cast %swap3A_697 : i32 to index
    %swap3A_700 = arith.constant 64 : index
    %swap3A_701 = tpu.vector_load %arg7[%swap3A_698, %swap3A_699, %swap3A_700] {strides = array<i32>} : memref<11x2x96xi32, #tpu.memory_space<vmem>>, vector<16xi32>,
    tpu.vector_store %arg7[%swap3A_698, %swap3A_699, %swap3A_700], %add3A_695 {strides = array<i32>} : memref<11x2x96xi32, #tpu.memory_space<vmem>>, vector<16xi32>,
    %add3A_702 = arith.constant 3686400 : i32
    %add3A_703 = vector.broadcast %add3A_702 : i32 to vector<16xi32>
    %add3A_704 = arith.addi %add3A_683, %add3A_703 : vector<16xi32>
    %swap3A_705 = arith.constant 2 : i32
    %swap3A_706 = arith.constant 0 : i32
    %swap3A_707 = arith.index_cast %swap3A_705 : i32 to index
    %swap3A_708 = arith.index_cast %swap3A_706 : i32 to index
    %swap3A_709 = arith.constant 64 : index
    %swap3A_710 = tpu.vector_load %arg7[%swap3A_707, %swap3A_708, %swap3A_709] {strides = array<i32>} : memref<11x2x96xi32, #tpu.memory_space<vmem>>, vector<16xi32>,
    tpu.vector_store %arg7[%swap3A_707, %swap3A_708, %swap3A_709], %add3A_704 {strides = array<i32>} : memref<11x2x96xi32, #tpu.memory_space<vmem>>, vector<16xi32>,
    %add3A_711 = arith.constant 5529600 : i32
    %add3A_712 = vector.broadcast %add3A_711 : i32 to vector<16xi32>
    %add3A_713 = arith.addi %add3A_683, %add3A_712 : vector<16xi32>
    %swap3A_714 = arith.constant 3 : i32
    %swap3A_715 = arith.constant 0 : i32
    %swap3A_716 = arith.index_cast %swap3A_714 : i32 to index
    %swap3A_717 = arith.index_cast %swap3A_715 : i32 to index
    %swap3A_718 = arith.constant 64 : index
    %swap3A_719 = tpu.vector_load %arg7[%swap3A_716, %swap3A_717, %swap3A_718] {strides = array<i32>} : memref<11x2x96xi32, #tpu.memory_space<vmem>>, vector<16xi32>,
    tpu.vector_store %arg7[%swap3A_716, %swap3A_717, %swap3A_718], %add3A_713 {strides = array<i32>} : memref<11x2x96xi32, #tpu.memory_space<vmem>>, vector<16xi32>,
    %add3A_720 = arith.constant 7372800 : i32
    %add3A_721 = vector.broadcast %add3A_720 : i32 to vector<16xi32>
    %add3A_722 = arith.addi %add3A_683, %add3A_721 : vector<16xi32>
    %swap3A_723 = arith.constant 4 : i32
    %swap3A_724 = arith.constant 0 : i32
    %swap3A_725 = arith.index_cast %swap3A_723 : i32 to index
    %swap3A_726 = arith.index_cast %swap3A_724 : i32 to index
    %swap3A_727 = arith.constant 64 : index
    %swap3A_728 = tpu.vector_load %arg7[%swap3A_725, %swap3A_726, %swap3A_727] {strides = array<i32>} : memref<11x2x96xi32, #tpu.memory_space<vmem>>, vector<16xi32>,
    tpu.vector_store %arg7[%swap3A_725, %swap3A_726, %swap3A_727], %add3A_722 {strides = array<i32>} : memref<11x2x96xi32, #tpu.memory_space<vmem>>, vector<16xi32>,
    %add3A_729 = arith.constant 9216000 : i32
    %add3A_730 = vector.broadcast %add3A_729 : i32 to vector<16xi32>
    %add3A_731 = arith.addi %add3A_683, %add3A_730 : vector<16xi32>
    %swap3A_732 = arith.constant 5 : i32
    %swap3A_733 = arith.constant 0 : i32
    %swap3A_734 = arith.index_cast %swap3A_732 : i32 to index
    %swap3A_735 = arith.index_cast %swap3A_733 : i32 to index
    %swap3A_736 = arith.constant 64 : index
    %swap3A_737 = tpu.vector_load %arg7[%swap3A_734, %swap3A_735, %swap3A_736] {strides = array<i32>} : memref<11x2x96xi32, #tpu.memory_space<vmem>>, vector<16xi32>,
    tpu.vector_store %arg7[%swap3A_734, %swap3A_735, %swap3A_736], %add3A_731 {strides = array<i32>} : memref<11x2x96xi32, #tpu.memory_space<vmem>>, vector<16xi32>,
    %add3A_738 = arith.constant 11059200 : i32
    %add3A_739 = vector.broadcast %add3A_738 : i32 to vector<16xi32>
    %add3A_740 = arith.addi %add3A_683, %add3A_739 : vector<16xi32>
    %swap3A_741 = arith.constant 6 : i32
    %swap3A_742 = arith.constant 0 : i32
    %swap3A_743 = arith.index_cast %swap3A_741 : i32 to index
    %swap3A_744 = arith.index_cast %swap3A_742 : i32 to index
    %swap3A_745 = arith.constant 64 : index
    %swap3A_746 = tpu.vector_load %arg7[%swap3A_743, %swap3A_744, %swap3A_745] {strides = array<i32>} : memref<11x2x96xi32, #tpu.memory_space<vmem>>, vector<16xi32>,
    tpu.vector_store %arg7[%swap3A_743, %swap3A_744, %swap3A_745], %add3A_740 {strides = array<i32>} : memref<11x2x96xi32, #tpu.memory_space<vmem>>, vector<16xi32>,
    %add3A_747 = arith.constant 12902400 : i32
    %add3A_748 = vector.broadcast %add3A_747 : i32 to vector<16xi32>
    %add3A_749 = arith.addi %add3A_683, %add3A_748 : vector<16xi32>
    %swap3A_750 = arith.constant 7 : i32
    %swap3A_751 = arith.constant 0 : i32
    %swap3A_752 = arith.index_cast %swap3A_750 : i32 to index
    %swap3A_753 = arith.index_cast %swap3A_751 : i32 to index
    %swap3A_754 = arith.constant 64 : index
    %swap3A_755 = tpu.vector_load %arg7[%swap3A_752, %swap3A_753, %swap3A_754] {strides = array<i32>} : memref<11x2x96xi32, #tpu.memory_space<vmem>>, vector<16xi32>,
    tpu.vector_store %arg7[%swap3A_752, %swap3A_753, %swap3A_754], %add3A_749 {strides = array<i32>} : memref<11x2x96xi32, #tpu.memory_space<vmem>>, vector<16xi32>,
    %add3A_756 = arith.constant 14745600 : i32
    %add3A_757 = vector.broadcast %add3A_756 : i32 to vector<16xi32>
    %add3A_758 = arith.addi %add3A_683, %add3A_757 : vector<16xi32>
    %swap3A_759 = arith.constant 8 : i32
    %swap3A_760 = arith.constant 0 : i32
    %swap3A_761 = arith.index_cast %swap3A_759 : i32 to index
    %swap3A_762 = arith.index_cast %swap3A_760 : i32 to index
    %swap3A_763 = arith.constant 64 : index
    %swap3A_764 = tpu.vector_load %arg7[%swap3A_761, %swap3A_762, %swap3A_763] {strides = array<i32>} : memref<11x2x96xi32, #tpu.memory_space<vmem>>, vector<16xi32>,
    tpu.vector_store %arg7[%swap3A_761, %swap3A_762, %swap3A_763], %add3A_758 {strides = array<i32>} : memref<11x2x96xi32, #tpu.memory_space<vmem>>, vector<16xi32>,
    %add3A_765 = arith.constant 16588800 : i32
    %add3A_766 = vector.broadcast %add3A_765 : i32 to vector<16xi32>
    %add3A_767 = arith.addi %add3A_683, %add3A_766 : vector<16xi32>
    %swap3A_768 = arith.constant 9 : i32
    %swap3A_769 = arith.constant 0 : i32
    %swap3A_770 = arith.index_cast %swap3A_768 : i32 to index
    %swap3A_771 = arith.index_cast %swap3A_769 : i32 to index
    %swap3A_772 = arith.constant 64 : index
    %swap3A_773 = tpu.vector_load %arg7[%swap3A_770, %swap3A_771, %swap3A_772] {strides = array<i32>} : memref<11x2x96xi32, #tpu.memory_space<vmem>>, vector<16xi32>,
    tpu.vector_store %arg7[%swap3A_770, %swap3A_771, %swap3A_772], %add3A_767 {strides = array<i32>} : memref<11x2x96xi32, #tpu.memory_space<vmem>>, vector<16xi32>,
    %add3A_774 = arith.constant 18432000 : i32
    %add3A_775 = vector.broadcast %add3A_774 : i32 to vector<16xi32>
    %add3A_776 = arith.addi %add3A_683, %add3A_775 : vector<16xi32>
    %swap3A_777 = arith.constant 10 : i32
    %swap3A_778 = arith.constant 0 : i32
    %swap3A_779 = arith.index_cast %swap3A_777 : i32 to index
    %swap3A_780 = arith.index_cast %swap3A_778 : i32 to index
    %swap3A_781 = arith.constant 64 : index
    %swap3A_782 = tpu.vector_load %arg7[%swap3A_779, %swap3A_780, %swap3A_781] {strides = array<i32>} : memref<11x2x96xi32, #tpu.memory_space<vmem>>, vector<16xi32>,
    tpu.vector_store %arg7[%swap3A_779, %swap3A_780, %swap3A_781], %add3A_776 {strides = array<i32>} : memref<11x2x96xi32, #tpu.memory_space<vmem>>, vector<16xi32>,
    %iota3A_783 = tpu.iota {dimensions = array<i32: 0>} : vector<16xi32>
    %add3A_784 = arith.constant 80 : i32
    %add3A_785 = vector.broadcast %add3A_784 : i32 to vector<16xi32>
    %add3A_786 = arith.addi %iota3A_783, %add3A_785 : vector<16xi32>
    %mul3A_787 = arith.constant 3 : i32
    %mul3A_788 = vector.broadcast %mul3A_787 : i32 to vector<16xi32>
    %mul3A_789 = arith.muli %add3A_786, %mul3A_788 : vector<16xi32>
    %gather3A_790 = tpu.vector_load_idx %arg6[%mul3A_789] : memref<576xf32, #tpu.memory_space<vmem>>[vector<16xi32>], vector<16xf32>,
    %convert_element_type3A_791 = arith.fptosi %gather3A_790 : vector<16xf32> to vector<16xi32>
    %jit3A_792 = arith.constant 0 : i32
    %jit3A_793 = arith.constant 119 : i32
    %max3A_794 = vector.broadcast %jit3A_792 : i32 to vector<16xi32>
    %max3A_795 = arith.maxsi %max3A_794, %convert_element_type3A_791 : vector<16xi32>
    %min3A_796 = vector.broadcast %jit3A_793 : i32 to vector<16xi32>
    %min3A_797 = arith.minsi %min3A_796, %max3A_795 : vector<16xi32>
    %add3A_798 = arith.constant 1 : i32
    %add3A_799 = vector.broadcast %add3A_798 : i32 to vector<16xi32>
    %add3A_800 = arith.addi %mul3A_789, %add3A_799 : vector<16xi32>
    %gather3A_801 = tpu.vector_load_idx %arg6[%add3A_800] : memref<576xf32, #tpu.memory_space<vmem>>[vector<16xi32>], vector<16xf32>,
    %convert_element_type3A_802 = arith.fptosi %gather3A_801 : vector<16xf32> to vector<16xi32>
    %jit3A_803 = arith.constant 0 : i32
    %jit3A_804 = arith.constant 119 : i32
    %max3A_805 = vector.broadcast %jit3A_803 : i32 to vector<16xi32>
    %max3A_806 = arith.maxsi %max3A_805, %convert_element_type3A_802 : vector<16xi32>
    %min3A_807 = vector.broadcast %jit3A_804 : i32 to vector<16xi32>
    %min3A_808 = arith.minsi %min3A_807, %max3A_806 : vector<16xi32>
    %add3A_809 = arith.constant 2 : i32
    %add3A_810 = vector.broadcast %add3A_809 : i32 to vector<16xi32>
    %add3A_811 = arith.addi %mul3A_789, %add3A_810 : vector<16xi32>
    %gather3A_812 = tpu.vector_load_idx %arg6[%add3A_811] : memref<576xf32, #tpu.memory_space<vmem>>[vector<16xi32>], vector<16xf32>,
    %convert_element_type3A_813 = arith.fptosi %gather3A_812 : vector<16xf32> to vector<16xi32>
    %jit3A_814 = arith.constant 0 : i32
    %jit3A_815 = arith.constant 119 : i32
    %max3A_816 = vector.broadcast %jit3A_814 : i32 to vector<16xi32>
    %max3A_817 = arith.maxsi %max3A_816, %convert_element_type3A_813 : vector<16xi32>
    %min3A_818 = vector.broadcast %jit3A_815 : i32 to vector<16xi32>
    %min3A_819 = arith.minsi %min3A_818, %max3A_817 : vector<16xi32>
    %mul3A_820 = arith.constant 120 : i32
    %mul3A_821 = vector.broadcast %mul3A_820 : i32 to vector<16xi32>
    %mul3A_822 = arith.muli %min3A_797, %mul3A_821 : vector<16xi32>
    %add3A_823 = arith.addi %mul3A_822, %min3A_808 : vector<16xi32>
    %add3A_824 = vector.broadcast %mul3A_58 : i32 to vector<16xi32>
    %add3A_825 = arith.addi %add3A_823, %add3A_824 : vector<16xi32>
    %mul3A_826 = arith.constant 128 : i32
    %mul3A_827 = vector.broadcast %mul3A_826 : i32 to vector<16xi32>
    %mul3A_828 = arith.muli %add3A_825, %mul3A_827 : vector<16xi32>
    %add3A_829 = arith.addi %mul3A_828, %min3A_819 : vector<16xi32>
    %add3A_830 = arith.constant 0 : i32
    %add3A_831 = vector.broadcast %add3A_830 : i32 to vector<16xi32>
    %add3A_832 = arith.addi %add3A_829, %add3A_831 : vector<16xi32>
    %swap3A_833 = arith.constant 0 : i32
    %swap3A_834 = arith.constant 0 : i32
    %swap3A_835 = arith.index_cast %swap3A_833 : i32 to index
    %swap3A_836 = arith.index_cast %swap3A_834 : i32 to index
    %swap3A_837 = arith.constant 80 : index
    %swap3A_838 = tpu.vector_load %arg7[%swap3A_835, %swap3A_836, %swap3A_837] {strides = array<i32>} : memref<11x2x96xi32, #tpu.memory_space<vmem>>, vector<16xi32>,
    tpu.vector_store %arg7[%swap3A_835, %swap3A_836, %swap3A_837], %add3A_832 {strides = array<i32>} : memref<11x2x96xi32, #tpu.memory_space<vmem>>, vector<16xi32>,
    %add3A_839 = arith.constant 1843200 : i32
    %add3A_840 = vector.broadcast %add3A_839 : i32 to vector<16xi32>
    %add3A_841 = arith.addi %add3A_829, %add3A_840 : vector<16xi32>
    %swap3A_842 = arith.constant 1 : i32
    %swap3A_843 = arith.constant 0 : i32
    %swap3A_844 = arith.index_cast %swap3A_842 : i32 to index
    %swap3A_845 = arith.index_cast %swap3A_843 : i32 to index
    %swap3A_846 = arith.constant 80 : index
    %swap3A_847 = tpu.vector_load %arg7[%swap3A_844, %swap3A_845, %swap3A_846] {strides = array<i32>} : memref<11x2x96xi32, #tpu.memory_space<vmem>>, vector<16xi32>,
    tpu.vector_store %arg7[%swap3A_844, %swap3A_845, %swap3A_846], %add3A_841 {strides = array<i32>} : memref<11x2x96xi32, #tpu.memory_space<vmem>>, vector<16xi32>,
    %add3A_848 = arith.constant 3686400 : i32
    %add3A_849 = vector.broadcast %add3A_848 : i32 to vector<16xi32>
    %add3A_850 = arith.addi %add3A_829, %add3A_849 : vector<16xi32>
    %swap3A_851 = arith.constant 2 : i32
    %swap3A_852 = arith.constant 0 : i32
    %swap3A_853 = arith.index_cast %swap3A_851 : i32 to index
    %swap3A_854 = arith.index_cast %swap3A_852 : i32 to index
    %swap3A_855 = arith.constant 80 : index
    %swap3A_856 = tpu.vector_load %arg7[%swap3A_853, %swap3A_854, %swap3A_855] {strides = array<i32>} : memref<11x2x96xi32, #tpu.memory_space<vmem>>, vector<16xi32>,
    tpu.vector_store %arg7[%swap3A_853, %swap3A_854, %swap3A_855], %add3A_850 {strides = array<i32>} : memref<11x2x96xi32, #tpu.memory_space<vmem>>, vector<16xi32>,
    %add3A_857 = arith.constant 5529600 : i32
    %add3A_858 = vector.broadcast %add3A_857 : i32 to vector<16xi32>
    %add3A_859 = arith.addi %add3A_829, %add3A_858 : vector<16xi32>
    %swap3A_860 = arith.constant 3 : i32
    %swap3A_861 = arith.constant 0 : i32
    %swap3A_862 = arith.index_cast %swap3A_860 : i32 to index
    %swap3A_863 = arith.index_cast %swap3A_861 : i32 to index
    %swap3A_864 = arith.constant 80 : index
    %swap3A_865 = tpu.vector_load %arg7[%swap3A_862, %swap3A_863, %swap3A_864] {strides = array<i32>} : memref<11x2x96xi32, #tpu.memory_space<vmem>>, vector<16xi32>,
    tpu.vector_store %arg7[%swap3A_862, %swap3A_863, %swap3A_864], %add3A_859 {strides = array<i32>} : memref<11x2x96xi32, #tpu.memory_space<vmem>>, vector<16xi32>,
    %add3A_866 = arith.constant 7372800 : i32
    %add3A_867 = vector.broadcast %add3A_866 : i32 to vector<16xi32>
    %add3A_868 = arith.addi %add3A_829, %add3A_867 : vector<16xi32>
    %swap3A_869 = arith.constant 4 : i32
    %swap3A_870 = arith.constant 0 : i32
    %swap3A_871 = arith.index_cast %swap3A_869 : i32 to index
    %swap3A_872 = arith.index_cast %swap3A_870 : i32 to index
    %swap3A_873 = arith.constant 80 : index
    %swap3A_874 = tpu.vector_load %arg7[%swap3A_871, %swap3A_872, %swap3A_873] {strides = array<i32>} : memref<11x2x96xi32, #tpu.memory_space<vmem>>, vector<16xi32>,
    tpu.vector_store %arg7[%swap3A_871, %swap3A_872, %swap3A_873], %add3A_868 {strides = array<i32>} : memref<11x2x96xi32, #tpu.memory_space<vmem>>, vector<16xi32>,
    %add3A_875 = arith.constant 9216000 : i32
    %add3A_876 = vector.broadcast %add3A_875 : i32 to vector<16xi32>
    %add3A_877 = arith.addi %add3A_829, %add3A_876 : vector<16xi32>
    %swap3A_878 = arith.constant 5 : i32
    %swap3A_879 = arith.constant 0 : i32
    %swap3A_880 = arith.index_cast %swap3A_878 : i32 to index
    %swap3A_881 = arith.index_cast %swap3A_879 : i32 to index
    %swap3A_882 = arith.constant 80 : index
    %swap3A_883 = tpu.vector_load %arg7[%swap3A_880, %swap3A_881, %swap3A_882] {strides = array<i32>} : memref<11x2x96xi32, #tpu.memory_space<vmem>>, vector<16xi32>,
    tpu.vector_store %arg7[%swap3A_880, %swap3A_881, %swap3A_882], %add3A_877 {strides = array<i32>} : memref<11x2x96xi32, #tpu.memory_space<vmem>>, vector<16xi32>,
    %add3A_884 = arith.constant 11059200 : i32
    %add3A_885 = vector.broadcast %add3A_884 : i32 to vector<16xi32>
    %add3A_886 = arith.addi %add3A_829, %add3A_885 : vector<16xi32>
    %swap3A_887 = arith.constant 6 : i32
    %swap3A_888 = arith.constant 0 : i32
    %swap3A_889 = arith.index_cast %swap3A_887 : i32 to index
    %swap3A_890 = arith.index_cast %swap3A_888 : i32 to index
    %swap3A_891 = arith.constant 80 : index
    %swap3A_892 = tpu.vector_load %arg7[%swap3A_889, %swap3A_890, %swap3A_891] {strides = array<i32>} : memref<11x2x96xi32, #tpu.memory_space<vmem>>, vector<16xi32>,
    tpu.vector_store %arg7[%swap3A_889, %swap3A_890, %swap3A_891], %add3A_886 {strides = array<i32>} : memref<11x2x96xi32, #tpu.memory_space<vmem>>, vector<16xi32>,
    %add3A_893 = arith.constant 12902400 : i32
    %add3A_894 = vector.broadcast %add3A_893 : i32 to vector<16xi32>
    %add3A_895 = arith.addi %add3A_829, %add3A_894 : vector<16xi32>
    %swap3A_896 = arith.constant 7 : i32
    %swap3A_897 = arith.constant 0 : i32
    %swap3A_898 = arith.index_cast %swap3A_896 : i32 to index
    %swap3A_899 = arith.index_cast %swap3A_897 : i32 to index
    %swap3A_900 = arith.constant 80 : index
    %swap3A_901 = tpu.vector_load %arg7[%swap3A_898, %swap3A_899, %swap3A_900] {strides = array<i32>} : memref<11x2x96xi32, #tpu.memory_space<vmem>>, vector<16xi32>,
    tpu.vector_store %arg7[%swap3A_898, %swap3A_899, %swap3A_900], %add3A_895 {strides = array<i32>} : memref<11x2x96xi32, #tpu.memory_space<vmem>>, vector<16xi32>,
    %add3A_902 = arith.constant 14745600 : i32
    %add3A_903 = vector.broadcast %add3A_902 : i32 to vector<16xi32>
    %add3A_904 = arith.addi %add3A_829, %add3A_903 : vector<16xi32>
    %swap3A_905 = arith.constant 8 : i32
    %swap3A_906 = arith.constant 0 : i32
    %swap3A_907 = arith.index_cast %swap3A_905 : i32 to index
    %swap3A_908 = arith.index_cast %swap3A_906 : i32 to index
    %swap3A_909 = arith.constant 80 : index
    %swap3A_910 = tpu.vector_load %arg7[%swap3A_907, %swap3A_908, %swap3A_909] {strides = array<i32>} : memref<11x2x96xi32, #tpu.memory_space<vmem>>, vector<16xi32>,
    tpu.vector_store %arg7[%swap3A_907, %swap3A_908, %swap3A_909], %add3A_904 {strides = array<i32>} : memref<11x2x96xi32, #tpu.memory_space<vmem>>, vector<16xi32>,
    %add3A_911 = arith.constant 16588800 : i32
    %add3A_912 = vector.broadcast %add3A_911 : i32 to vector<16xi32>
    %add3A_913 = arith.addi %add3A_829, %add3A_912 : vector<16xi32>
    %swap3A_914 = arith.constant 9 : i32
    %swap3A_915 = arith.constant 0 : i32
    %swap3A_916 = arith.index_cast %swap3A_914 : i32 to index
    %swap3A_917 = arith.index_cast %swap3A_915 : i32 to index
    %swap3A_918 = arith.constant 80 : index
    %swap3A_919 = tpu.vector_load %arg7[%swap3A_916, %swap3A_917, %swap3A_918] {strides = array<i32>} : memref<11x2x96xi32, #tpu.memory_space<vmem>>, vector<16xi32>,
    tpu.vector_store %arg7[%swap3A_916, %swap3A_917, %swap3A_918], %add3A_913 {strides = array<i32>} : memref<11x2x96xi32, #tpu.memory_space<vmem>>, vector<16xi32>,
    %add3A_920 = arith.constant 18432000 : i32
    %add3A_921 = vector.broadcast %add3A_920 : i32 to vector<16xi32>
    %add3A_922 = arith.addi %add3A_829, %add3A_921 : vector<16xi32>
    %swap3A_923 = arith.constant 10 : i32
    %swap3A_924 = arith.constant 0 : i32
    %swap3A_925 = arith.index_cast %swap3A_923 : i32 to index
    %swap3A_926 = arith.index_cast %swap3A_924 : i32 to index
    %swap3A_927 = arith.constant 80 : index
    %swap3A_928 = tpu.vector_load %arg7[%swap3A_925, %swap3A_926, %swap3A_927] {strides = array<i32>} : memref<11x2x96xi32, #tpu.memory_space<vmem>>, vector<16xi32>,
    tpu.vector_store %arg7[%swap3A_925, %swap3A_926, %swap3A_927], %add3A_922 {strides = array<i32>} : memref<11x2x96xi32, #tpu.memory_space<vmem>>, vector<16xi32>,
    %iota3A_929 = tpu.iota {dimensions = array<i32: 0>} : vector<16xi32>
    %add3A_930 = arith.constant 96 : i32
    %add3A_931 = vector.broadcast %add3A_930 : i32 to vector<16xi32>
    %add3A_932 = arith.addi %iota3A_929, %add3A_931 : vector<16xi32>
    %mul3A_933 = arith.constant 3 : i32
    %mul3A_934 = vector.broadcast %mul3A_933 : i32 to vector<16xi32>
    %mul3A_935 = arith.muli %add3A_932, %mul3A_934 : vector<16xi32>
    %gather3A_936 = tpu.vector_load_idx %arg6[%mul3A_935] : memref<576xf32, #tpu.memory_space<vmem>>[vector<16xi32>], vector<16xf32>,
    %convert_element_type3A_937 = arith.fptosi %gather3A_936 : vector<16xf32> to vector<16xi32>
    %jit3A_938 = arith.constant 0 : i32
    %jit3A_939 = arith.constant 119 : i32
    %max3A_940 = vector.broadcast %jit3A_938 : i32 to vector<16xi32>
    %max3A_941 = arith.maxsi %max3A_940, %convert_element_type3A_937 : vector<16xi32>
    %min3A_942 = vector.broadcast %jit3A_939 : i32 to vector<16xi32>
    %min3A_943 = arith.minsi %min3A_942, %max3A_941 : vector<16xi32>
    %add3A_944 = arith.constant 1 : i32
    %add3A_945 = vector.broadcast %add3A_944 : i32 to vector<16xi32>
    %add3A_946 = arith.addi %mul3A_935, %add3A_945 : vector<16xi32>
    %gather3A_947 = tpu.vector_load_idx %arg6[%add3A_946] : memref<576xf32, #tpu.memory_space<vmem>>[vector<16xi32>], vector<16xf32>,
    %convert_element_type3A_948 = arith.fptosi %gather3A_947 : vector<16xf32> to vector<16xi32>
    %jit3A_949 = arith.constant 0 : i32
    %jit3A_950 = arith.constant 119 : i32
    %max3A_951 = vector.broadcast %jit3A_949 : i32 to vector<16xi32>
    %max3A_952 = arith.maxsi %max3A_951, %convert_element_type3A_948 : vector<16xi32>
    %min3A_953 = vector.broadcast %jit3A_950 : i32 to vector<16xi32>
    %min3A_954 = arith.minsi %min3A_953, %max3A_952 : vector<16xi32>
    %add3A_955 = arith.constant 2 : i32
    %add3A_956 = vector.broadcast %add3A_955 : i32 to vector<16xi32>
    %add3A_957 = arith.addi %mul3A_935, %add3A_956 : vector<16xi32>
    %gather3A_958 = tpu.vector_load_idx %arg6[%add3A_957] : memref<576xf32, #tpu.memory_space<vmem>>[vector<16xi32>], vector<16xf32>,
    %convert_element_type3A_959 = arith.fptosi %gather3A_958 : vector<16xf32> to vector<16xi32>
    %jit3A_960 = arith.constant 0 : i32
    %jit3A_961 = arith.constant 119 : i32
    %max3A_962 = vector.broadcast %jit3A_960 : i32 to vector<16xi32>
    %max3A_963 = arith.maxsi %max3A_962, %convert_element_type3A_959 : vector<16xi32>
    %min3A_964 = vector.broadcast %jit3A_961 : i32 to vector<16xi32>
    %min3A_965 = arith.minsi %min3A_964, %max3A_963 : vector<16xi32>
    %mul3A_966 = arith.constant 120 : i32
    %mul3A_967 = vector.broadcast %mul3A_966 : i32 to vector<16xi32>
    %mul3A_968 = arith.muli %min3A_943, %mul3A_967 : vector<16xi32>
    %add3A_969 = arith.addi %mul3A_968, %min3A_954 : vector<16xi32>
    %add3A_970 = vector.broadcast %mul3A_58 : i32 to vector<16xi32>
    %add3A_971 = arith.addi %add3A_969, %add3A_970 : vector<16xi32>
    %mul3A_972 = arith.constant 128 : i32
    %mul3A_973 = vector.broadcast %mul3A_972 : i32 to vector<16xi32>
    %mul3A_974 = arith.muli %add3A_971, %mul3A_973 : vector<16xi32>
    %add3A_975 = arith.addi %mul3A_974, %min3A_965 : vector<16xi32>
    %add3A_976 = arith.constant 0 : i32
    %add3A_977 = vector.broadcast %add3A_976 : i32 to vector<16xi32>
    %add3A_978 = arith.addi %add3A_975, %add3A_977 : vector<16xi32>
    %swap3A_979 = arith.constant 0 : i32
    %swap3A_980 = arith.constant 1 : i32
    %swap3A_981 = arith.index_cast %swap3A_979 : i32 to index
    %swap3A_982 = arith.index_cast %swap3A_980 : i32 to index
    %swap3A_983 = arith.constant 0 : index
    %swap3A_984 = tpu.vector_load %arg7[%swap3A_981, %swap3A_982, %swap3A_983] {strides = array<i32>} : memref<11x2x96xi32, #tpu.memory_space<vmem>>, vector<16xi32>,
    tpu.vector_store %arg7[%swap3A_981, %swap3A_982, %swap3A_983], %add3A_978 {strides = array<i32>} : memref<11x2x96xi32, #tpu.memory_space<vmem>>, vector<16xi32>,
    %add3A_985 = arith.constant 1843200 : i32
    %add3A_986 = vector.broadcast %add3A_985 : i32 to vector<16xi32>
    %add3A_987 = arith.addi %add3A_975, %add3A_986 : vector<16xi32>
    %swap3A_988 = arith.constant 1 : i32
    %swap3A_989 = arith.constant 1 : i32
    %swap3A_990 = arith.index_cast %swap3A_988 : i32 to index
    %swap3A_991 = arith.index_cast %swap3A_989 : i32 to index
    %swap3A_992 = arith.constant 0 : index
    %swap3A_993 = tpu.vector_load %arg7[%swap3A_990, %swap3A_991, %swap3A_992] {strides = array<i32>} : memref<11x2x96xi32, #tpu.memory_space<vmem>>, vector<16xi32>,
    tpu.vector_store %arg7[%swap3A_990, %swap3A_991, %swap3A_992], %add3A_987 {strides = array<i32>} : memref<11x2x96xi32, #tpu.memory_space<vmem>>, vector<16xi32>,
    %add3A_994 = arith.constant 3686400 : i32
    %add3A_995 = vector.broadcast %add3A_994 : i32 to vector<16xi32>
    %add3A_996 = arith.addi %add3A_975, %add3A_995 : vector<16xi32>
    %swap3A_997 = arith.constant 2 : i32
    %swap3A_998 = arith.constant 1 : i32
    %swap3A_999 = arith.index_cast %swap3A_997 : i32 to index
    %swap3A_1000 = arith.index_cast %swap3A_998 : i32 to index
    %swap3A_1001 = arith.constant 0 : index
    %swap3A_1002 = tpu.vector_load %arg7[%swap3A_999, %swap3A_1000, %swap3A_1001] {strides = array<i32>} : memref<11x2x96xi32, #tpu.memory_space<vmem>>, vector<16xi32>,
    tpu.vector_store %arg7[%swap3A_999, %swap3A_1000, %swap3A_1001], %add3A_996 {strides = array<i32>} : memref<11x2x96xi32, #tpu.memory_space<vmem>>, vector<16xi32>,
    %add3A_1003 = arith.constant 5529600 : i32
    %add3A_1004 = vector.broadcast %add3A_1003 : i32 to vector<16xi32>
    %add3A_1005 = arith.addi %add3A_975, %add3A_1004 : vector<16xi32>
    %swap3A_1006 = arith.constant 3 : i32
    %swap3A_1007 = arith.constant 1 : i32
    %swap3A_1008 = arith.index_cast %swap3A_1006 : i32 to index
    %swap3A_1009 = arith.index_cast %swap3A_1007 : i32 to index
    %swap3A_1010 = arith.constant 0 : index
    %swap3A_1011 = tpu.vector_load %arg7[%swap3A_1008, %swap3A_1009, %swap3A_1010] {strides = array<i32>} : memref<11x2x96xi32, #tpu.memory_space<vmem>>, vector<16xi32>,
    tpu.vector_store %arg7[%swap3A_1008, %swap3A_1009, %swap3A_1010], %add3A_1005 {strides = array<i32>} : memref<11x2x96xi32, #tpu.memory_space<vmem>>, vector<16xi32>,
    %add3A_1012 = arith.constant 7372800 : i32
    %add3A_1013 = vector.broadcast %add3A_1012 : i32 to vector<16xi32>
    %add3A_1014 = arith.addi %add3A_975, %add3A_1013 : vector<16xi32>
    %swap3A_1015 = arith.constant 4 : i32
    %swap3A_1016 = arith.constant 1 : i32
    %swap3A_1017 = arith.index_cast %swap3A_1015 : i32 to index
    %swap3A_1018 = arith.index_cast %swap3A_1016 : i32 to index
    %swap3A_1019 = arith.constant 0 : index
    %swap3A_1020 = tpu.vector_load %arg7[%swap3A_1017, %swap3A_1018, %swap3A_1019] {strides = array<i32>} : memref<11x2x96xi32, #tpu.memory_space<vmem>>, vector<16xi32>,
    tpu.vector_store %arg7[%swap3A_1017, %swap3A_1018, %swap3A_1019], %add3A_1014 {strides = array<i32>} : memref<11x2x96xi32, #tpu.memory_space<vmem>>, vector<16xi32>,
    %add3A_1021 = arith.constant 9216000 : i32
    %add3A_1022 = vector.broadcast %add3A_1021 : i32 to vector<16xi32>
    %add3A_1023 = arith.addi %add3A_975, %add3A_1022 : vector<16xi32>
    %swap3A_1024 = arith.constant 5 : i32
    %swap3A_1025 = arith.constant 1 : i32
    %swap3A_1026 = arith.index_cast %swap3A_1024 : i32 to index
    %swap3A_1027 = arith.index_cast %swap3A_1025 : i32 to index
    %swap3A_1028 = arith.constant 0 : index
    %swap3A_1029 = tpu.vector_load %arg7[%swap3A_1026, %swap3A_1027, %swap3A_1028] {strides = array<i32>} : memref<11x2x96xi32, #tpu.memory_space<vmem>>, vector<16xi32>,
    tpu.vector_store %arg7[%swap3A_1026, %swap3A_1027, %swap3A_1028], %add3A_1023 {strides = array<i32>} : memref<11x2x96xi32, #tpu.memory_space<vmem>>, vector<16xi32>,
    %add3A_1030 = arith.constant 11059200 : i32
    %add3A_1031 = vector.broadcast %add3A_1030 : i32 to vector<16xi32>
    %add3A_1032 = arith.addi %add3A_975, %add3A_1031 : vector<16xi32>
    %swap3A_1033 = arith.constant 6 : i32
    %swap3A_1034 = arith.constant 1 : i32
    %swap3A_1035 = arith.index_cast %swap3A_1033 : i32 to index
    %swap3A_1036 = arith.index_cast %swap3A_1034 : i32 to index
    %swap3A_1037 = arith.constant 0 : index
    %swap3A_1038 = tpu.vector_load %arg7[%swap3A_1035, %swap3A_1036, %swap3A_1037] {strides = array<i32>} : memref<11x2x96xi32, #tpu.memory_space<vmem>>, vector<16xi32>,
    tpu.vector_store %arg7[%swap3A_1035, %swap3A_1036, %swap3A_1037], %add3A_1032 {strides = array<i32>} : memref<11x2x96xi32, #tpu.memory_space<vmem>>, vector<16xi32>,
    %add3A_1039 = arith.constant 12902400 : i32
    %add3A_1040 = vector.broadcast %add3A_1039 : i32 to vector<16xi32>
    %add3A_1041 = arith.addi %add3A_975, %add3A_1040 : vector<16xi32>
    %swap3A_1042 = arith.constant 7 : i32
    %swap3A_1043 = arith.constant 1 : i32
    %swap3A_1044 = arith.index_cast %swap3A_1042 : i32 to index
    %swap3A_1045 = arith.index_cast %swap3A_1043 : i32 to index
    %swap3A_1046 = arith.constant 0 : index
    %swap3A_1047 = tpu.vector_load %arg7[%swap3A_1044, %swap3A_1045, %swap3A_1046] {strides = array<i32>} : memref<11x2x96xi32, #tpu.memory_space<vmem>>, vector<16xi32>,
    tpu.vector_store %arg7[%swap3A_1044, %swap3A_1045, %swap3A_1046], %add3A_1041 {strides = array<i32>} : memref<11x2x96xi32, #tpu.memory_space<vmem>>, vector<16xi32>,
    %add3A_1048 = arith.constant 14745600 : i32
    %add3A_1049 = vector.broadcast %add3A_1048 : i32 to vector<16xi32>
    %add3A_1050 = arith.addi %add3A_975, %add3A_1049 : vector<16xi32>
    %swap3A_1051 = arith.constant 8 : i32
    %swap3A_1052 = arith.constant 1 : i32
    %swap3A_1053 = arith.index_cast %swap3A_1051 : i32 to index
    %swap3A_1054 = arith.index_cast %swap3A_1052 : i32 to index
    %swap3A_1055 = arith.constant 0 : index
    %swap3A_1056 = tpu.vector_load %arg7[%swap3A_1053, %swap3A_1054, %swap3A_1055] {strides = array<i32>} : memref<11x2x96xi32, #tpu.memory_space<vmem>>, vector<16xi32>,
    tpu.vector_store %arg7[%swap3A_1053, %swap3A_1054, %swap3A_1055], %add3A_1050 {strides = array<i32>} : memref<11x2x96xi32, #tpu.memory_space<vmem>>, vector<16xi32>,
    %add3A_1057 = arith.constant 16588800 : i32
    %add3A_1058 = vector.broadcast %add3A_1057 : i32 to vector<16xi32>
    %add3A_1059 = arith.addi %add3A_975, %add3A_1058 : vector<16xi32>
    %swap3A_1060 = arith.constant 9 : i32
    %swap3A_1061 = arith.constant 1 : i32
    %swap3A_1062 = arith.index_cast %swap3A_1060 : i32 to index
    %swap3A_1063 = arith.index_cast %swap3A_1061 : i32 to index
    %swap3A_1064 = arith.constant 0 : index
    %swap3A_1065 = tpu.vector_load %arg7[%swap3A_1062, %swap3A_1063, %swap3A_1064] {strides = array<i32>} : memref<11x2x96xi32, #tpu.memory_space<vmem>>, vector<16xi32>,
    tpu.vector_store %arg7[%swap3A_1062, %swap3A_1063, %swap3A_1064], %add3A_1059 {strides = array<i32>} : memref<11x2x96xi32, #tpu.memory_space<vmem>>, vector<16xi32>,
    %add3A_1066 = arith.constant 18432000 : i32
    %add3A_1067 = vector.broadcast %add3A_1066 : i32 to vector<16xi32>
    %add3A_1068 = arith.addi %add3A_975, %add3A_1067 : vector<16xi32>
    %swap3A_1069 = arith.constant 10 : i32
    %swap3A_1070 = arith.constant 1 : i32
    %swap3A_1071 = arith.index_cast %swap3A_1069 : i32 to index
    %swap3A_1072 = arith.index_cast %swap3A_1070 : i32 to index
    %swap3A_1073 = arith.constant 0 : index
    %swap3A_1074 = tpu.vector_load %arg7[%swap3A_1071, %swap3A_1072, %swap3A_1073] {strides = array<i32>} : memref<11x2x96xi32, #tpu.memory_space<vmem>>, vector<16xi32>,
    tpu.vector_store %arg7[%swap3A_1071, %swap3A_1072, %swap3A_1073], %add3A_1068 {strides = array<i32>} : memref<11x2x96xi32, #tpu.memory_space<vmem>>, vector<16xi32>,
    %iota3A_1075 = tpu.iota {dimensions = array<i32: 0>} : vector<16xi32>
    %add3A_1076 = arith.constant 112 : i32
    %add3A_1077 = vector.broadcast %add3A_1076 : i32 to vector<16xi32>
    %add3A_1078 = arith.addi %iota3A_1075, %add3A_1077 : vector<16xi32>
    %mul3A_1079 = arith.constant 3 : i32
    %mul3A_1080 = vector.broadcast %mul3A_1079 : i32 to vector<16xi32>
    %mul3A_1081 = arith.muli %add3A_1078, %mul3A_1080 : vector<16xi32>
    %gather3A_1082 = tpu.vector_load_idx %arg6[%mul3A_1081] : memref<576xf32, #tpu.memory_space<vmem>>[vector<16xi32>], vector<16xf32>,
    %convert_element_type3A_1083 = arith.fptosi %gather3A_1082 : vector<16xf32> to vector<16xi32>
    %jit3A_1084 = arith.constant 0 : i32
    %jit3A_1085 = arith.constant 119 : i32
    %max3A_1086 = vector.broadcast %jit3A_1084 : i32 to vector<16xi32>
    %max3A_1087 = arith.maxsi %max3A_1086, %convert_element_type3A_1083 : vector<16xi32>
    %min3A_1088 = vector.broadcast %jit3A_1085 : i32 to vector<16xi32>
    %min3A_1089 = arith.minsi %min3A_1088, %max3A_1087 : vector<16xi32>
    %add3A_1090 = arith.constant 1 : i32
    %add3A_1091 = vector.broadcast %add3A_1090 : i32 to vector<16xi32>
    %add3A_1092 = arith.addi %mul3A_1081, %add3A_1091 : vector<16xi32>
    %gather3A_1093 = tpu.vector_load_idx %arg6[%add3A_1092] : memref<576xf32, #tpu.memory_space<vmem>>[vector<16xi32>], vector<16xf32>,
    %convert_element_type3A_1094 = arith.fptosi %gather3A_1093 : vector<16xf32> to vector<16xi32>
    %jit3A_1095 = arith.constant 0 : i32
    %jit3A_1096 = arith.constant 119 : i32
    %max3A_1097 = vector.broadcast %jit3A_1095 : i32 to vector<16xi32>
    %max3A_1098 = arith.maxsi %max3A_1097, %convert_element_type3A_1094 : vector<16xi32>
    %min3A_1099 = vector.broadcast %jit3A_1096 : i32 to vector<16xi32>
    %min3A_1100 = arith.minsi %min3A_1099, %max3A_1098 : vector<16xi32>
    %add3A_1101 = arith.constant 2 : i32
    %add3A_1102 = vector.broadcast %add3A_1101 : i32 to vector<16xi32>
    %add3A_1103 = arith.addi %mul3A_1081, %add3A_1102 : vector<16xi32>
    %gather3A_1104 = tpu.vector_load_idx %arg6[%add3A_1103] : memref<576xf32, #tpu.memory_space<vmem>>[vector<16xi32>], vector<16xf32>,
    %convert_element_type3A_1105 = arith.fptosi %gather3A_1104 : vector<16xf32> to vector<16xi32>
    %jit3A_1106 = arith.constant 0 : i32
    %jit3A_1107 = arith.constant 119 : i32
    %max3A_1108 = vector.broadcast %jit3A_1106 : i32 to vector<16xi32>
    %max3A_1109 = arith.maxsi %max3A_1108, %convert_element_type3A_1105 : vector<16xi32>
    %min3A_1110 = vector.broadcast %jit3A_1107 : i32 to vector<16xi32>
    %min3A_1111 = arith.minsi %min3A_1110, %max3A_1109 : vector<16xi32>
    %mul3A_1112 = arith.constant 120 : i32
    %mul3A_1113 = vector.broadcast %mul3A_1112 : i32 to vector<16xi32>
    %mul3A_1114 = arith.muli %min3A_1089, %mul3A_1113 : vector<16xi32>
    %add3A_1115 = arith.addi %mul3A_1114, %min3A_1100 : vector<16xi32>
    %add3A_1116 = vector.broadcast %mul3A_58 : i32 to vector<16xi32>
    %add3A_1117 = arith.addi %add3A_1115, %add3A_1116 : vector<16xi32>
    %mul3A_1118 = arith.constant 128 : i32
    %mul3A_1119 = vector.broadcast %mul3A_1118 : i32 to vector<16xi32>
    %mul3A_1120 = arith.muli %add3A_1117, %mul3A_1119 : vector<16xi32>
    %add3A_1121 = arith.addi %mul3A_1120, %min3A_1111 : vector<16xi32>
    %add3A_1122 = arith.constant 0 : i32
    %add3A_1123 = vector.broadcast %add3A_1122 : i32 to vector<16xi32>
    %add3A_1124 = arith.addi %add3A_1121, %add3A_1123 : vector<16xi32>
    %swap3A_1125 = arith.constant 0 : i32
    %swap3A_1126 = arith.constant 1 : i32
    %swap3A_1127 = arith.index_cast %swap3A_1125 : i32 to index
    %swap3A_1128 = arith.index_cast %swap3A_1126 : i32 to index
    %swap3A_1129 = arith.constant 16 : index
    %swap3A_1130 = tpu.vector_load %arg7[%swap3A_1127, %swap3A_1128, %swap3A_1129] {strides = array<i32>} : memref<11x2x96xi32, #tpu.memory_space<vmem>>, vector<16xi32>,
    tpu.vector_store %arg7[%swap3A_1127, %swap3A_1128, %swap3A_1129], %add3A_1124 {strides = array<i32>} : memref<11x2x96xi32, #tpu.memory_space<vmem>>, vector<16xi32>,
    %add3A_1131 = arith.constant 1843200 : i32
    %add3A_1132 = vector.broadcast %add3A_1131 : i32 to vector<16xi32>
    %add3A_1133 = arith.addi %add3A_1121, %add3A_1132 : vector<16xi32>
    %swap3A_1134 = arith.constant 1 : i32
    %swap3A_1135 = arith.constant 1 : i32
    %swap3A_1136 = arith.index_cast %swap3A_1134 : i32 to index
    %swap3A_1137 = arith.index_cast %swap3A_1135 : i32 to index
    %swap3A_1138 = arith.constant 16 : index
    %swap3A_1139 = tpu.vector_load %arg7[%swap3A_1136, %swap3A_1137, %swap3A_1138] {strides = array<i32>} : memref<11x2x96xi32, #tpu.memory_space<vmem>>, vector<16xi32>,
    tpu.vector_store %arg7[%swap3A_1136, %swap3A_1137, %swap3A_1138], %add3A_1133 {strides = array<i32>} : memref<11x2x96xi32, #tpu.memory_space<vmem>>, vector<16xi32>,
    %add3A_1140 = arith.constant 3686400 : i32
    %add3A_1141 = vector.broadcast %add3A_1140 : i32 to vector<16xi32>
    %add3A_1142 = arith.addi %add3A_1121, %add3A_1141 : vector<16xi32>
    %swap3A_1143 = arith.constant 2 : i32
    %swap3A_1144 = arith.constant 1 : i32
    %swap3A_1145 = arith.index_cast %swap3A_1143 : i32 to index
    %swap3A_1146 = arith.index_cast %swap3A_1144 : i32 to index
    %swap3A_1147 = arith.constant 16 : index
    %swap3A_1148 = tpu.vector_load %arg7[%swap3A_1145, %swap3A_1146, %swap3A_1147] {strides = array<i32>} : memref<11x2x96xi32, #tpu.memory_space<vmem>>, vector<16xi32>,
    tpu.vector_store %arg7[%swap3A_1145, %swap3A_1146, %swap3A_1147], %add3A_1142 {strides = array<i32>} : memref<11x2x96xi32, #tpu.memory_space<vmem>>, vector<16xi32>,
    %add3A_1149 = arith.constant 5529600 : i32
    %add3A_1150 = vector.broadcast %add3A_1149 : i32 to vector<16xi32>
    %add3A_1151 = arith.addi %add3A_1121, %add3A_1150 : vector<16xi32>
    %swap3A_1152 = arith.constant 3 : i32
    %swap3A_1153 = arith.constant 1 : i32
    %swap3A_1154 = arith.index_cast %swap3A_1152 : i32 to index
    %swap3A_1155 = arith.index_cast %swap3A_1153 : i32 to index
    %swap3A_1156 = arith.constant 16 : index
    %swap3A_1157 = tpu.vector_load %arg7[%swap3A_1154, %swap3A_1155, %swap3A_1156] {strides = array<i32>} : memref<11x2x96xi32, #tpu.memory_space<vmem>>, vector<16xi32>,
    tpu.vector_store %arg7[%swap3A_1154, %swap3A_1155, %swap3A_1156], %add3A_1151 {strides = array<i32>} : memref<11x2x96xi32, #tpu.memory_space<vmem>>, vector<16xi32>,
    %add3A_1158 = arith.constant 7372800 : i32
    %add3A_1159 = vector.broadcast %add3A_1158 : i32 to vector<16xi32>
    %add3A_1160 = arith.addi %add3A_1121, %add3A_1159 : vector<16xi32>
    %swap3A_1161 = arith.constant 4 : i32
    %swap3A_1162 = arith.constant 1 : i32
    %swap3A_1163 = arith.index_cast %swap3A_1161 : i32 to index
    %swap3A_1164 = arith.index_cast %swap3A_1162 : i32 to index
    %swap3A_1165 = arith.constant 16 : index
    %swap3A_1166 = tpu.vector_load %arg7[%swap3A_1163, %swap3A_1164, %swap3A_1165] {strides = array<i32>} : memref<11x2x96xi32, #tpu.memory_space<vmem>>, vector<16xi32>,
    tpu.vector_store %arg7[%swap3A_1163, %swap3A_1164, %swap3A_1165], %add3A_1160 {strides = array<i32>} : memref<11x2x96xi32, #tpu.memory_space<vmem>>, vector<16xi32>,
    %add3A_1167 = arith.constant 9216000 : i32
    %add3A_1168 = vector.broadcast %add3A_1167 : i32 to vector<16xi32>
    %add3A_1169 = arith.addi %add3A_1121, %add3A_1168 : vector<16xi32>
    %swap3A_1170 = arith.constant 5 : i32
    %swap3A_1171 = arith.constant 1 : i32
    %swap3A_1172 = arith.index_cast %swap3A_1170 : i32 to index
    %swap3A_1173 = arith.index_cast %swap3A_1171 : i32 to index
    %swap3A_1174 = arith.constant 16 : index
    %swap3A_1175 = tpu.vector_load %arg7[%swap3A_1172, %swap3A_1173, %swap3A_1174] {strides = array<i32>} : memref<11x2x96xi32, #tpu.memory_space<vmem>>, vector<16xi32>,
    tpu.vector_store %arg7[%swap3A_1172, %swap3A_1173, %swap3A_1174], %add3A_1169 {strides = array<i32>} : memref<11x2x96xi32, #tpu.memory_space<vmem>>, vector<16xi32>,
    %add3A_1176 = arith.constant 11059200 : i32
    %add3A_1177 = vector.broadcast %add3A_1176 : i32 to vector<16xi32>
    %add3A_1178 = arith.addi %add3A_1121, %add3A_1177 : vector<16xi32>
    %swap3A_1179 = arith.constant 6 : i32
    %swap3A_1180 = arith.constant 1 : i32
    %swap3A_1181 = arith.index_cast %swap3A_1179 : i32 to index
    %swap3A_1182 = arith.index_cast %swap3A_1180 : i32 to index
    %swap3A_1183 = arith.constant 16 : index
    %swap3A_1184 = tpu.vector_load %arg7[%swap3A_1181, %swap3A_1182, %swap3A_1183] {strides = array<i32>} : memref<11x2x96xi32, #tpu.memory_space<vmem>>, vector<16xi32>,
    tpu.vector_store %arg7[%swap3A_1181, %swap3A_1182, %swap3A_1183], %add3A_1178 {strides = array<i32>} : memref<11x2x96xi32, #tpu.memory_space<vmem>>, vector<16xi32>,
    %add3A_1185 = arith.constant 12902400 : i32
    %add3A_1186 = vector.broadcast %add3A_1185 : i32 to vector<16xi32>
    %add3A_1187 = arith.addi %add3A_1121, %add3A_1186 : vector<16xi32>
    %swap3A_1188 = arith.constant 7 : i32
    %swap3A_1189 = arith.constant 1 : i32
    %swap3A_1190 = arith.index_cast %swap3A_1188 : i32 to index
    %swap3A_1191 = arith.index_cast %swap3A_1189 : i32 to index
    %swap3A_1192 = arith.constant 16 : index
    %swap3A_1193 = tpu.vector_load %arg7[%swap3A_1190, %swap3A_1191, %swap3A_1192] {strides = array<i32>} : memref<11x2x96xi32, #tpu.memory_space<vmem>>, vector<16xi32>,
    tpu.vector_store %arg7[%swap3A_1190, %swap3A_1191, %swap3A_1192], %add3A_1187 {strides = array<i32>} : memref<11x2x96xi32, #tpu.memory_space<vmem>>, vector<16xi32>,
    %add3A_1194 = arith.constant 14745600 : i32
    %add3A_1195 = vector.broadcast %add3A_1194 : i32 to vector<16xi32>
    %add3A_1196 = arith.addi %add3A_1121, %add3A_1195 : vector<16xi32>
    %swap3A_1197 = arith.constant 8 : i32
    %swap3A_1198 = arith.constant 1 : i32
    %swap3A_1199 = arith.index_cast %swap3A_1197 : i32 to index
    %swap3A_1200 = arith.index_cast %swap3A_1198 : i32 to index
    %swap3A_1201 = arith.constant 16 : index
    %swap3A_1202 = tpu.vector_load %arg7[%swap3A_1199, %swap3A_1200, %swap3A_1201] {strides = array<i32>} : memref<11x2x96xi32, #tpu.memory_space<vmem>>, vector<16xi32>,
    tpu.vector_store %arg7[%swap3A_1199, %swap3A_1200, %swap3A_1201], %add3A_1196 {strides = array<i32>} : memref<11x2x96xi32, #tpu.memory_space<vmem>>, vector<16xi32>,
    %add3A_1203 = arith.constant 16588800 : i32
    %add3A_1204 = vector.broadcast %add3A_1203 : i32 to vector<16xi32>
    %add3A_1205 = arith.addi %add3A_1121, %add3A_1204 : vector<16xi32>
    %swap3A_1206 = arith.constant 9 : i32
    %swap3A_1207 = arith.constant 1 : i32
    %swap3A_1208 = arith.index_cast %swap3A_1206 : i32 to index
    %swap3A_1209 = arith.index_cast %swap3A_1207 : i32 to index
    %swap3A_1210 = arith.constant 16 : index
    %swap3A_1211 = tpu.vector_load %arg7[%swap3A_1208, %swap3A_1209, %swap3A_1210] {strides = array<i32>} : memref<11x2x96xi32, #tpu.memory_space<vmem>>, vector<16xi32>,
    tpu.vector_store %arg7[%swap3A_1208, %swap3A_1209, %swap3A_1210], %add3A_1205 {strides = array<i32>} : memref<11x2x96xi32, #tpu.memory_space<vmem>>, vector<16xi32>,
    %add3A_1212 = arith.constant 18432000 : i32
    %add3A_1213 = vector.broadcast %add3A_1212 : i32 to vector<16xi32>
    %add3A_1214 = arith.addi %add3A_1121, %add3A_1213 : vector<16xi32>
    %swap3A_1215 = arith.constant 10 : i32
    %swap3A_1216 = arith.constant 1 : i32
    %swap3A_1217 = arith.index_cast %swap3A_1215 : i32 to index
    %swap3A_1218 = arith.index_cast %swap3A_1216 : i32 to index
    %swap3A_1219 = arith.constant 16 : index
    %swap3A_1220 = tpu.vector_load %arg7[%swap3A_1217, %swap3A_1218, %swap3A_1219] {strides = array<i32>} : memref<11x2x96xi32, #tpu.memory_space<vmem>>, vector<16xi32>,
    tpu.vector_store %arg7[%swap3A_1217, %swap3A_1218, %swap3A_1219], %add3A_1214 {strides = array<i32>} : memref<11x2x96xi32, #tpu.memory_space<vmem>>, vector<16xi32>,
    %iota3A_1221 = tpu.iota {dimensions = array<i32: 0>} : vector<16xi32>
    %add3A_1222 = arith.constant 128 : i32
    %add3A_1223 = vector.broadcast %add3A_1222 : i32 to vector<16xi32>
    %add3A_1224 = arith.addi %iota3A_1221, %add3A_1223 : vector<16xi32>
    %mul3A_1225 = arith.constant 3 : i32
    %mul3A_1226 = vector.broadcast %mul3A_1225 : i32 to vector<16xi32>
    %mul3A_1227 = arith.muli %add3A_1224, %mul3A_1226 : vector<16xi32>
    %gather3A_1228 = tpu.vector_load_idx %arg6[%mul3A_1227] : memref<576xf32, #tpu.memory_space<vmem>>[vector<16xi32>], vector<16xf32>,
    %convert_element_type3A_1229 = arith.fptosi %gather3A_1228 : vector<16xf32> to vector<16xi32>
    %jit3A_1230 = arith.constant 0 : i32
    %jit3A_1231 = arith.constant 119 : i32
    %max3A_1232 = vector.broadcast %jit3A_1230 : i32 to vector<16xi32>
    %max3A_1233 = arith.maxsi %max3A_1232, %convert_element_type3A_1229 : vector<16xi32>
    %min3A_1234 = vector.broadcast %jit3A_1231 : i32 to vector<16xi32>
    %min3A_1235 = arith.minsi %min3A_1234, %max3A_1233 : vector<16xi32>
    %add3A_1236 = arith.constant 1 : i32
    %add3A_1237 = vector.broadcast %add3A_1236 : i32 to vector<16xi32>
    %add3A_1238 = arith.addi %mul3A_1227, %add3A_1237 : vector<16xi32>
    %gather3A_1239 = tpu.vector_load_idx %arg6[%add3A_1238] : memref<576xf32, #tpu.memory_space<vmem>>[vector<16xi32>], vector<16xf32>,
    %convert_element_type3A_1240 = arith.fptosi %gather3A_1239 : vector<16xf32> to vector<16xi32>
    %jit3A_1241 = arith.constant 0 : i32
    %jit3A_1242 = arith.constant 119 : i32
    %max3A_1243 = vector.broadcast %jit3A_1241 : i32 to vector<16xi32>
    %max3A_1244 = arith.maxsi %max3A_1243, %convert_element_type3A_1240 : vector<16xi32>
    %min3A_1245 = vector.broadcast %jit3A_1242 : i32 to vector<16xi32>
    %min3A_1246 = arith.minsi %min3A_1245, %max3A_1244 : vector<16xi32>
    %add3A_1247 = arith.constant 2 : i32
    %add3A_1248 = vector.broadcast %add3A_1247 : i32 to vector<16xi32>
    %add3A_1249 = arith.addi %mul3A_1227, %add3A_1248 : vector<16xi32>
    %gather3A_1250 = tpu.vector_load_idx %arg6[%add3A_1249] : memref<576xf32, #tpu.memory_space<vmem>>[vector<16xi32>], vector<16xf32>,
    %convert_element_type3A_1251 = arith.fptosi %gather3A_1250 : vector<16xf32> to vector<16xi32>
    %jit3A_1252 = arith.constant 0 : i32
    %jit3A_1253 = arith.constant 119 : i32
    %max3A_1254 = vector.broadcast %jit3A_1252 : i32 to vector<16xi32>
    %max3A_1255 = arith.maxsi %max3A_1254, %convert_element_type3A_1251 : vector<16xi32>
    %min3A_1256 = vector.broadcast %jit3A_1253 : i32 to vector<16xi32>
    %min3A_1257 = arith.minsi %min3A_1256, %max3A_1255 : vector<16xi32>
    %mul3A_1258 = arith.constant 120 : i32
    %mul3A_1259 = vector.broadcast %mul3A_1258 : i32 to vector<16xi32>
    %mul3A_1260 = arith.muli %min3A_1235, %mul3A_1259 : vector<16xi32>
    %add3A_1261 = arith.addi %mul3A_1260, %min3A_1246 : vector<16xi32>
    %add3A_1262 = vector.broadcast %mul3A_58 : i32 to vector<16xi32>
    %add3A_1263 = arith.addi %add3A_1261, %add3A_1262 : vector<16xi32>
    %mul3A_1264 = arith.constant 128 : i32
    %mul3A_1265 = vector.broadcast %mul3A_1264 : i32 to vector<16xi32>
    %mul3A_1266 = arith.muli %add3A_1263, %mul3A_1265 : vector<16xi32>
    %add3A_1267 = arith.addi %mul3A_1266, %min3A_1257 : vector<16xi32>
    %add3A_1268 = arith.constant 0 : i32
    %add3A_1269 = vector.broadcast %add3A_1268 : i32 to vector<16xi32>
    %add3A_1270 = arith.addi %add3A_1267, %add3A_1269 : vector<16xi32>
    %swap3A_1271 = arith.constant 0 : i32
    %swap3A_1272 = arith.constant 1 : i32
    %swap3A_1273 = arith.index_cast %swap3A_1271 : i32 to index
    %swap3A_1274 = arith.index_cast %swap3A_1272 : i32 to index
    %swap3A_1275 = arith.constant 32 : index
    %swap3A_1276 = tpu.vector_load %arg7[%swap3A_1273, %swap3A_1274, %swap3A_1275] {strides = array<i32>} : memref<11x2x96xi32, #tpu.memory_space<vmem>>, vector<16xi32>,
    tpu.vector_store %arg7[%swap3A_1273, %swap3A_1274, %swap3A_1275], %add3A_1270 {strides = array<i32>} : memref<11x2x96xi32, #tpu.memory_space<vmem>>, vector<16xi32>,
    %add3A_1277 = arith.constant 1843200 : i32
    %add3A_1278 = vector.broadcast %add3A_1277 : i32 to vector<16xi32>
    %add3A_1279 = arith.addi %add3A_1267, %add3A_1278 : vector<16xi32>
    %swap3A_1280 = arith.constant 1 : i32
    %swap3A_1281 = arith.constant 1 : i32
    %swap3A_1282 = arith.index_cast %swap3A_1280 : i32 to index
    %swap3A_1283 = arith.index_cast %swap3A_1281 : i32 to index
    %swap3A_1284 = arith.constant 32 : index
    %swap3A_1285 = tpu.vector_load %arg7[%swap3A_1282, %swap3A_1283, %swap3A_1284] {strides = array<i32>} : memref<11x2x96xi32, #tpu.memory_space<vmem>>, vector<16xi32>,
    tpu.vector_store %arg7[%swap3A_1282, %swap3A_1283, %swap3A_1284], %add3A_1279 {strides = array<i32>} : memref<11x2x96xi32, #tpu.memory_space<vmem>>, vector<16xi32>,
    %add3A_1286 = arith.constant 3686400 : i32
    %add3A_1287 = vector.broadcast %add3A_1286 : i32 to vector<16xi32>
    %add3A_1288 = arith.addi %add3A_1267, %add3A_1287 : vector<16xi32>
    %swap3A_1289 = arith.constant 2 : i32
    %swap3A_1290 = arith.constant 1 : i32
    %swap3A_1291 = arith.index_cast %swap3A_1289 : i32 to index
    %swap3A_1292 = arith.index_cast %swap3A_1290 : i32 to index
    %swap3A_1293 = arith.constant 32 : index
    %swap3A_1294 = tpu.vector_load %arg7[%swap3A_1291, %swap3A_1292, %swap3A_1293] {strides = array<i32>} : memref<11x2x96xi32, #tpu.memory_space<vmem>>, vector<16xi32>,
    tpu.vector_store %arg7[%swap3A_1291, %swap3A_1292, %swap3A_1293], %add3A_1288 {strides = array<i32>} : memref<11x2x96xi32, #tpu.memory_space<vmem>>, vector<16xi32>,
    %add3A_1295 = arith.constant 5529600 : i32
    %add3A_1296 = vector.broadcast %add3A_1295 : i32 to vector<16xi32>
    %add3A_1297 = arith.addi %add3A_1267, %add3A_1296 : vector<16xi32>
    %swap3A_1298 = arith.constant 3 : i32
    %swap3A_1299 = arith.constant 1 : i32
    %swap3A_1300 = arith.index_cast %swap3A_1298 : i32 to index
    %swap3A_1301 = arith.index_cast %swap3A_1299 : i32 to index
    %swap3A_1302 = arith.constant 32 : index
    %swap3A_1303 = tpu.vector_load %arg7[%swap3A_1300, %swap3A_1301, %swap3A_1302] {strides = array<i32>} : memref<11x2x96xi32, #tpu.memory_space<vmem>>, vector<16xi32>,
    tpu.vector_store %arg7[%swap3A_1300, %swap3A_1301, %swap3A_1302], %add3A_1297 {strides = array<i32>} : memref<11x2x96xi32, #tpu.memory_space<vmem>>, vector<16xi32>,
    %add3A_1304 = arith.constant 7372800 : i32
    %add3A_1305 = vector.broadcast %add3A_1304 : i32 to vector<16xi32>
    %add3A_1306 = arith.addi %add3A_1267, %add3A_1305 : vector<16xi32>
    %swap3A_1307 = arith.constant 4 : i32
    %swap3A_1308 = arith.constant 1 : i32
    %swap3A_1309 = arith.index_cast %swap3A_1307 : i32 to index
    %swap3A_1310 = arith.index_cast %swap3A_1308 : i32 to index
    %swap3A_1311 = arith.constant 32 : index
    %swap3A_1312 = tpu.vector_load %arg7[%swap3A_1309, %swap3A_1310, %swap3A_1311] {strides = array<i32>} : memref<11x2x96xi32, #tpu.memory_space<vmem>>, vector<16xi32>,
    tpu.vector_store %arg7[%swap3A_1309, %swap3A_1310, %swap3A_1311], %add3A_1306 {strides = array<i32>} : memref<11x2x96xi32, #tpu.memory_space<vmem>>, vector<16xi32>,
    %add3A_1313 = arith.constant 9216000 : i32
    %add3A_1314 = vector.broadcast %add3A_1313 : i32 to vector<16xi32>
    %add3A_1315 = arith.addi %add3A_1267, %add3A_1314 : vector<16xi32>
    %swap3A_1316 = arith.constant 5 : i32
    %swap3A_1317 = arith.constant 1 : i32
    %swap3A_1318 = arith.index_cast %swap3A_1316 : i32 to index
    %swap3A_1319 = arith.index_cast %swap3A_1317 : i32 to index
    %swap3A_1320 = arith.constant 32 : index
    %swap3A_1321 = tpu.vector_load %arg7[%swap3A_1318, %swap3A_1319, %swap3A_1320] {strides = array<i32>} : memref<11x2x96xi32, #tpu.memory_space<vmem>>, vector<16xi32>,
    tpu.vector_store %arg7[%swap3A_1318, %swap3A_1319, %swap3A_1320], %add3A_1315 {strides = array<i32>} : memref<11x2x96xi32, #tpu.memory_space<vmem>>, vector<16xi32>,
    %add3A_1322 = arith.constant 11059200 : i32
    %add3A_1323 = vector.broadcast %add3A_1322 : i32 to vector<16xi32>
    %add3A_1324 = arith.addi %add3A_1267, %add3A_1323 : vector<16xi32>
    %swap3A_1325 = arith.constant 6 : i32
    %swap3A_1326 = arith.constant 1 : i32
    %swap3A_1327 = arith.index_cast %swap3A_1325 : i32 to index
    %swap3A_1328 = arith.index_cast %swap3A_1326 : i32 to index
    %swap3A_1329 = arith.constant 32 : index
    %swap3A_1330 = tpu.vector_load %arg7[%swap3A_1327, %swap3A_1328, %swap3A_1329] {strides = array<i32>} : memref<11x2x96xi32, #tpu.memory_space<vmem>>, vector<16xi32>,
    tpu.vector_store %arg7[%swap3A_1327, %swap3A_1328, %swap3A_1329], %add3A_1324 {strides = array<i32>} : memref<11x2x96xi32, #tpu.memory_space<vmem>>, vector<16xi32>,
    %add3A_1331 = arith.constant 12902400 : i32
    %add3A_1332 = vector.broadcast %add3A_1331 : i32 to vector<16xi32>
    %add3A_1333 = arith.addi %add3A_1267, %add3A_1332 : vector<16xi32>
    %swap3A_1334 = arith.constant 7 : i32
    %swap3A_1335 = arith.constant 1 : i32
    %swap3A_1336 = arith.index_cast %swap3A_1334 : i32 to index
    %swap3A_1337 = arith.index_cast %swap3A_1335 : i32 to index
    %swap3A_1338 = arith.constant 32 : index
    %swap3A_1339 = tpu.vector_load %arg7[%swap3A_1336, %swap3A_1337, %swap3A_1338] {strides = array<i32>} : memref<11x2x96xi32, #tpu.memory_space<vmem>>, vector<16xi32>,
    tpu.vector_store %arg7[%swap3A_1336, %swap3A_1337, %swap3A_1338], %add3A_1333 {strides = array<i32>} : memref<11x2x96xi32, #tpu.memory_space<vmem>>, vector<16xi32>,
    %add3A_1340 = arith.constant 14745600 : i32
    %add3A_1341 = vector.broadcast %add3A_1340 : i32 to vector<16xi32>
    %add3A_1342 = arith.addi %add3A_1267, %add3A_1341 : vector<16xi32>
    %swap3A_1343 = arith.constant 8 : i32
    %swap3A_1344 = arith.constant 1 : i32
    %swap3A_1345 = arith.index_cast %swap3A_1343 : i32 to index
    %swap3A_1346 = arith.index_cast %swap3A_1344 : i32 to index
    %swap3A_1347 = arith.constant 32 : index
    %swap3A_1348 = tpu.vector_load %arg7[%swap3A_1345, %swap3A_1346, %swap3A_1347] {strides = array<i32>} : memref<11x2x96xi32, #tpu.memory_space<vmem>>, vector<16xi32>,
    tpu.vector_store %arg7[%swap3A_1345, %swap3A_1346, %swap3A_1347], %add3A_1342 {strides = array<i32>} : memref<11x2x96xi32, #tpu.memory_space<vmem>>, vector<16xi32>,
    %add3A_1349 = arith.constant 16588800 : i32
    %add3A_1350 = vector.broadcast %add3A_1349 : i32 to vector<16xi32>
    %add3A_1351 = arith.addi %add3A_1267, %add3A_1350 : vector<16xi32>
    %swap3A_1352 = arith.constant 9 : i32
    %swap3A_1353 = arith.constant 1 : i32
    %swap3A_1354 = arith.index_cast %swap3A_1352 : i32 to index
    %swap3A_1355 = arith.index_cast %swap3A_1353 : i32 to index
    %swap3A_1356 = arith.constant 32 : index
    %swap3A_1357 = tpu.vector_load %arg7[%swap3A_1354, %swap3A_1355, %swap3A_1356] {strides = array<i32>} : memref<11x2x96xi32, #tpu.memory_space<vmem>>, vector<16xi32>,
    tpu.vector_store %arg7[%swap3A_1354, %swap3A_1355, %swap3A_1356], %add3A_1351 {strides = array<i32>} : memref<11x2x96xi32, #tpu.memory_space<vmem>>, vector<16xi32>,
    %add3A_1358 = arith.constant 18432000 : i32
    %add3A_1359 = vector.broadcast %add3A_1358 : i32 to vector<16xi32>
    %add3A_1360 = arith.addi %add3A_1267, %add3A_1359 : vector<16xi32>
    %swap3A_1361 = arith.constant 10 : i32
    %swap3A_1362 = arith.constant 1 : i32
    %swap3A_1363 = arith.index_cast %swap3A_1361 : i32 to index
    %swap3A_1364 = arith.index_cast %swap3A_1362 : i32 to index
    %swap3A_1365 = arith.constant 32 : index
    %swap3A_1366 = tpu.vector_load %arg7[%swap3A_1363, %swap3A_1364, %swap3A_1365] {strides = array<i32>} : memref<11x2x96xi32, #tpu.memory_space<vmem>>, vector<16xi32>,
    tpu.vector_store %arg7[%swap3A_1363, %swap3A_1364, %swap3A_1365], %add3A_1360 {strides = array<i32>} : memref<11x2x96xi32, #tpu.memory_space<vmem>>, vector<16xi32>,
    %iota3A_1367 = tpu.iota {dimensions = array<i32: 0>} : vector<16xi32>
    %add3A_1368 = arith.constant 144 : i32
    %add3A_1369 = vector.broadcast %add3A_1368 : i32 to vector<16xi32>
    %add3A_1370 = arith.addi %iota3A_1367, %add3A_1369 : vector<16xi32>
    %mul3A_1371 = arith.constant 3 : i32
    %mul3A_1372 = vector.broadcast %mul3A_1371 : i32 to vector<16xi32>
    %mul3A_1373 = arith.muli %add3A_1370, %mul3A_1372 : vector<16xi32>
    %gather3A_1374 = tpu.vector_load_idx %arg6[%mul3A_1373] : memref<576xf32, #tpu.memory_space<vmem>>[vector<16xi32>], vector<16xf32>,
    %convert_element_type3A_1375 = arith.fptosi %gather3A_1374 : vector<16xf32> to vector<16xi32>
    %jit3A_1376 = arith.constant 0 : i32
    %jit3A_1377 = arith.constant 119 : i32
    %max3A_1378 = vector.broadcast %jit3A_1376 : i32 to vector<16xi32>
    %max3A_1379 = arith.maxsi %max3A_1378, %convert_element_type3A_1375 : vector<16xi32>
    %min3A_1380 = vector.broadcast %jit3A_1377 : i32 to vector<16xi32>
    %min3A_1381 = arith.minsi %min3A_1380, %max3A_1379 : vector<16xi32>
    %add3A_1382 = arith.constant 1 : i32
    %add3A_1383 = vector.broadcast %add3A_1382 : i32 to vector<16xi32>
    %add3A_1384 = arith.addi %mul3A_1373, %add3A_1383 : vector<16xi32>
    %gather3A_1385 = tpu.vector_load_idx %arg6[%add3A_1384] : memref<576xf32, #tpu.memory_space<vmem>>[vector<16xi32>], vector<16xf32>,
    %convert_element_type3A_1386 = arith.fptosi %gather3A_1385 : vector<16xf32> to vector<16xi32>
    %jit3A_1387 = arith.constant 0 : i32
    %jit3A_1388 = arith.constant 119 : i32
    %max3A_1389 = vector.broadcast %jit3A_1387 : i32 to vector<16xi32>
    %max3A_1390 = arith.maxsi %max3A_1389, %convert_element_type3A_1386 : vector<16xi32>
    %min3A_1391 = vector.broadcast %jit3A_1388 : i32 to vector<16xi32>
    %min3A_1392 = arith.minsi %min3A_1391, %max3A_1390 : vector<16xi32>
    %add3A_1393 = arith.constant 2 : i32
    %add3A_1394 = vector.broadcast %add3A_1393 : i32 to vector<16xi32>
    %add3A_1395 = arith.addi %mul3A_1373, %add3A_1394 : vector<16xi32>
    %gather3A_1396 = tpu.vector_load_idx %arg6[%add3A_1395] : memref<576xf32, #tpu.memory_space<vmem>>[vector<16xi32>], vector<16xf32>,
    %convert_element_type3A_1397 = arith.fptosi %gather3A_1396 : vector<16xf32> to vector<16xi32>
    %jit3A_1398 = arith.constant 0 : i32
    %jit3A_1399 = arith.constant 119 : i32
    %max3A_1400 = vector.broadcast %jit3A_1398 : i32 to vector<16xi32>
    %max3A_1401 = arith.maxsi %max3A_1400, %convert_element_type3A_1397 : vector<16xi32>
    %min3A_1402 = vector.broadcast %jit3A_1399 : i32 to vector<16xi32>
    %min3A_1403 = arith.minsi %min3A_1402, %max3A_1401 : vector<16xi32>
    %mul3A_1404 = arith.constant 120 : i32
    %mul3A_1405 = vector.broadcast %mul3A_1404 : i32 to vector<16xi32>
    %mul3A_1406 = arith.muli %min3A_1381, %mul3A_1405 : vector<16xi32>
    %add3A_1407 = arith.addi %mul3A_1406, %min3A_1392 : vector<16xi32>
    %add3A_1408 = vector.broadcast %mul3A_58 : i32 to vector<16xi32>
    %add3A_1409 = arith.addi %add3A_1407, %add3A_1408 : vector<16xi32>
    %mul3A_1410 = arith.constant 128 : i32
    %mul3A_1411 = vector.broadcast %mul3A_1410 : i32 to vector<16xi32>
    %mul3A_1412 = arith.muli %add3A_1409, %mul3A_1411 : vector<16xi32>
    %add3A_1413 = arith.addi %mul3A_1412, %min3A_1403 : vector<16xi32>
    %add3A_1414 = arith.constant 0 : i32
    %add3A_1415 = vector.broadcast %add3A_1414 : i32 to vector<16xi32>
    %add3A_1416 = arith.addi %add3A_1413, %add3A_1415 : vector<16xi32>
    %swap3A_1417 = arith.constant 0 : i32
    %swap3A_1418 = arith.constant 1 : i32
    %swap3A_1419 = arith.index_cast %swap3A_1417 : i32 to index
    %swap3A_1420 = arith.index_cast %swap3A_1418 : i32 to index
    %swap3A_1421 = arith.constant 48 : index
    %swap3A_1422 = tpu.vector_load %arg7[%swap3A_1419, %swap3A_1420, %swap3A_1421] {strides = array<i32>} : memref<11x2x96xi32, #tpu.memory_space<vmem>>, vector<16xi32>,
    tpu.vector_store %arg7[%swap3A_1419, %swap3A_1420, %swap3A_1421], %add3A_1416 {strides = array<i32>} : memref<11x2x96xi32, #tpu.memory_space<vmem>>, vector<16xi32>,
    %add3A_1423 = arith.constant 1843200 : i32
    %add3A_1424 = vector.broadcast %add3A_1423 : i32 to vector<16xi32>
    %add3A_1425 = arith.addi %add3A_1413, %add3A_1424 : vector<16xi32>
    %swap3A_1426 = arith.constant 1 : i32
    %swap3A_1427 = arith.constant 1 : i32
    %swap3A_1428 = arith.index_cast %swap3A_1426 : i32 to index
    %swap3A_1429 = arith.index_cast %swap3A_1427 : i32 to index
    %swap3A_1430 = arith.constant 48 : index
    %swap3A_1431 = tpu.vector_load %arg7[%swap3A_1428, %swap3A_1429, %swap3A_1430] {strides = array<i32>} : memref<11x2x96xi32, #tpu.memory_space<vmem>>, vector<16xi32>,
    tpu.vector_store %arg7[%swap3A_1428, %swap3A_1429, %swap3A_1430], %add3A_1425 {strides = array<i32>} : memref<11x2x96xi32, #tpu.memory_space<vmem>>, vector<16xi32>,
    %add3A_1432 = arith.constant 3686400 : i32
    %add3A_1433 = vector.broadcast %add3A_1432 : i32 to vector<16xi32>
    %add3A_1434 = arith.addi %add3A_1413, %add3A_1433 : vector<16xi32>
    %swap3A_1435 = arith.constant 2 : i32
    %swap3A_1436 = arith.constant 1 : i32
    %swap3A_1437 = arith.index_cast %swap3A_1435 : i32 to index
    %swap3A_1438 = arith.index_cast %swap3A_1436 : i32 to index
    %swap3A_1439 = arith.constant 48 : index
    %swap3A_1440 = tpu.vector_load %arg7[%swap3A_1437, %swap3A_1438, %swap3A_1439] {strides = array<i32>} : memref<11x2x96xi32, #tpu.memory_space<vmem>>, vector<16xi32>,
    tpu.vector_store %arg7[%swap3A_1437, %swap3A_1438, %swap3A_1439], %add3A_1434 {strides = array<i32>} : memref<11x2x96xi32, #tpu.memory_space<vmem>>, vector<16xi32>,
    %add3A_1441 = arith.constant 5529600 : i32
    %add3A_1442 = vector.broadcast %add3A_1441 : i32 to vector<16xi32>
    %add3A_1443 = arith.addi %add3A_1413, %add3A_1442 : vector<16xi32>
    %swap3A_1444 = arith.constant 3 : i32
    %swap3A_1445 = arith.constant 1 : i32
    %swap3A_1446 = arith.index_cast %swap3A_1444 : i32 to index
    %swap3A_1447 = arith.index_cast %swap3A_1445 : i32 to index
    %swap3A_1448 = arith.constant 48 : index
    %swap3A_1449 = tpu.vector_load %arg7[%swap3A_1446, %swap3A_1447, %swap3A_1448] {strides = array<i32>} : memref<11x2x96xi32, #tpu.memory_space<vmem>>, vector<16xi32>,
    tpu.vector_store %arg7[%swap3A_1446, %swap3A_1447, %swap3A_1448], %add3A_1443 {strides = array<i32>} : memref<11x2x96xi32, #tpu.memory_space<vmem>>, vector<16xi32>,
    %add3A_1450 = arith.constant 7372800 : i32
    %add3A_1451 = vector.broadcast %add3A_1450 : i32 to vector<16xi32>
    %add3A_1452 = arith.addi %add3A_1413, %add3A_1451 : vector<16xi32>
    %swap3A_1453 = arith.constant 4 : i32
    %swap3A_1454 = arith.constant 1 : i32
    %swap3A_1455 = arith.index_cast %swap3A_1453 : i32 to index
    %swap3A_1456 = arith.index_cast %swap3A_1454 : i32 to index
    %swap3A_1457 = arith.constant 48 : index
    %swap3A_1458 = tpu.vector_load %arg7[%swap3A_1455, %swap3A_1456, %swap3A_1457] {strides = array<i32>} : memref<11x2x96xi32, #tpu.memory_space<vmem>>, vector<16xi32>,
    tpu.vector_store %arg7[%swap3A_1455, %swap3A_1456, %swap3A_1457], %add3A_1452 {strides = array<i32>} : memref<11x2x96xi32, #tpu.memory_space<vmem>>, vector<16xi32>,
    %add3A_1459 = arith.constant 9216000 : i32
    %add3A_1460 = vector.broadcast %add3A_1459 : i32 to vector<16xi32>
    %add3A_1461 = arith.addi %add3A_1413, %add3A_1460 : vector<16xi32>
    %swap3A_1462 = arith.constant 5 : i32
    %swap3A_1463 = arith.constant 1 : i32
    %swap3A_1464 = arith.index_cast %swap3A_1462 : i32 to index
    %swap3A_1465 = arith.index_cast %swap3A_1463 : i32 to index
    %swap3A_1466 = arith.constant 48 : index
    %swap3A_1467 = tpu.vector_load %arg7[%swap3A_1464, %swap3A_1465, %swap3A_1466] {strides = array<i32>} : memref<11x2x96xi32, #tpu.memory_space<vmem>>, vector<16xi32>,
    tpu.vector_store %arg7[%swap3A_1464, %swap3A_1465, %swap3A_1466], %add3A_1461 {strides = array<i32>} : memref<11x2x96xi32, #tpu.memory_space<vmem>>, vector<16xi32>,
    %add3A_1468 = arith.constant 11059200 : i32
    %add3A_1469 = vector.broadcast %add3A_1468 : i32 to vector<16xi32>
    %add3A_1470 = arith.addi %add3A_1413, %add3A_1469 : vector<16xi32>
    %swap3A_1471 = arith.constant 6 : i32
    %swap3A_1472 = arith.constant 1 : i32
    %swap3A_1473 = arith.index_cast %swap3A_1471 : i32 to index
    %swap3A_1474 = arith.index_cast %swap3A_1472 : i32 to index
    %swap3A_1475 = arith.constant 48 : index
    %swap3A_1476 = tpu.vector_load %arg7[%swap3A_1473, %swap3A_1474, %swap3A_1475] {strides = array<i32>} : memref<11x2x96xi32, #tpu.memory_space<vmem>>, vector<16xi32>,
    tpu.vector_store %arg7[%swap3A_1473, %swap3A_1474, %swap3A_1475], %add3A_1470 {strides = array<i32>} : memref<11x2x96xi32, #tpu.memory_space<vmem>>, vector<16xi32>,
    %add3A_1477 = arith.constant 12902400 : i32
    %add3A_1478 = vector.broadcast %add3A_1477 : i32 to vector<16xi32>
    %add3A_1479 = arith.addi %add3A_1413, %add3A_1478 : vector<16xi32>
    %swap3A_1480 = arith.constant 7 : i32
    %swap3A_1481 = arith.constant 1 : i32
    %swap3A_1482 = arith.index_cast %swap3A_1480 : i32 to index
    %swap3A_1483 = arith.index_cast %swap3A_1481 : i32 to index
    %swap3A_1484 = arith.constant 48 : index
    %swap3A_1485 = tpu.vector_load %arg7[%swap3A_1482, %swap3A_1483, %swap3A_1484] {strides = array<i32>} : memref<11x2x96xi32, #tpu.memory_space<vmem>>, vector<16xi32>,
    tpu.vector_store %arg7[%swap3A_1482, %swap3A_1483, %swap3A_1484], %add3A_1479 {strides = array<i32>} : memref<11x2x96xi32, #tpu.memory_space<vmem>>, vector<16xi32>,
    %add3A_1486 = arith.constant 14745600 : i32
    %add3A_1487 = vector.broadcast %add3A_1486 : i32 to vector<16xi32>
    %add3A_1488 = arith.addi %add3A_1413, %add3A_1487 : vector<16xi32>
    %swap3A_1489 = arith.constant 8 : i32
    %swap3A_1490 = arith.constant 1 : i32
    %swap3A_1491 = arith.index_cast %swap3A_1489 : i32 to index
    %swap3A_1492 = arith.index_cast %swap3A_1490 : i32 to index
    %swap3A_1493 = arith.constant 48 : index
    %swap3A_1494 = tpu.vector_load %arg7[%swap3A_1491, %swap3A_1492, %swap3A_1493] {strides = array<i32>} : memref<11x2x96xi32, #tpu.memory_space<vmem>>, vector<16xi32>,
    tpu.vector_store %arg7[%swap3A_1491, %swap3A_1492, %swap3A_1493], %add3A_1488 {strides = array<i32>} : memref<11x2x96xi32, #tpu.memory_space<vmem>>, vector<16xi32>,
    %add3A_1495 = arith.constant 16588800 : i32
    %add3A_1496 = vector.broadcast %add3A_1495 : i32 to vector<16xi32>
    %add3A_1497 = arith.addi %add3A_1413, %add3A_1496 : vector<16xi32>
    %swap3A_1498 = arith.constant 9 : i32
    %swap3A_1499 = arith.constant 1 : i32
    %swap3A_1500 = arith.index_cast %swap3A_1498 : i32 to index
    %swap3A_1501 = arith.index_cast %swap3A_1499 : i32 to index
    %swap3A_1502 = arith.constant 48 : index
    %swap3A_1503 = tpu.vector_load %arg7[%swap3A_1500, %swap3A_1501, %swap3A_1502] {strides = array<i32>} : memref<11x2x96xi32, #tpu.memory_space<vmem>>, vector<16xi32>,
    tpu.vector_store %arg7[%swap3A_1500, %swap3A_1501, %swap3A_1502], %add3A_1497 {strides = array<i32>} : memref<11x2x96xi32, #tpu.memory_space<vmem>>, vector<16xi32>,
    %add3A_1504 = arith.constant 18432000 : i32
    %add3A_1505 = vector.broadcast %add3A_1504 : i32 to vector<16xi32>
    %add3A_1506 = arith.addi %add3A_1413, %add3A_1505 : vector<16xi32>
    %swap3A_1507 = arith.constant 10 : i32
    %swap3A_1508 = arith.constant 1 : i32
    %swap3A_1509 = arith.index_cast %swap3A_1507 : i32 to index
    %swap3A_1510 = arith.index_cast %swap3A_1508 : i32 to index
    %swap3A_1511 = arith.constant 48 : index
    %swap3A_1512 = tpu.vector_load %arg7[%swap3A_1509, %swap3A_1510, %swap3A_1511] {strides = array<i32>} : memref<11x2x96xi32, #tpu.memory_space<vmem>>, vector<16xi32>,
    tpu.vector_store %arg7[%swap3A_1509, %swap3A_1510, %swap3A_1511], %add3A_1506 {strides = array<i32>} : memref<11x2x96xi32, #tpu.memory_space<vmem>>, vector<16xi32>,
    %iota3A_1513 = tpu.iota {dimensions = array<i32: 0>} : vector<16xi32>
    %add3A_1514 = arith.constant 160 : i32
    %add3A_1515 = vector.broadcast %add3A_1514 : i32 to vector<16xi32>
    %add3A_1516 = arith.addi %iota3A_1513, %add3A_1515 : vector<16xi32>
    %mul3A_1517 = arith.constant 3 : i32
    %mul3A_1518 = vector.broadcast %mul3A_1517 : i32 to vector<16xi32>
    %mul3A_1519 = arith.muli %add3A_1516, %mul3A_1518 : vector<16xi32>
    %gather3A_1520 = tpu.vector_load_idx %arg6[%mul3A_1519] : memref<576xf32, #tpu.memory_space<vmem>>[vector<16xi32>], vector<16xf32>,
    %convert_element_type3A_1521 = arith.fptosi %gather3A_1520 : vector<16xf32> to vector<16xi32>
    %jit3A_1522 = arith.constant 0 : i32
    %jit3A_1523 = arith.constant 119 : i32
    %max3A_1524 = vector.broadcast %jit3A_1522 : i32 to vector<16xi32>
    %max3A_1525 = arith.maxsi %max3A_1524, %convert_element_type3A_1521 : vector<16xi32>
    %min3A_1526 = vector.broadcast %jit3A_1523 : i32 to vector<16xi32>
    %min3A_1527 = arith.minsi %min3A_1526, %max3A_1525 : vector<16xi32>
    %add3A_1528 = arith.constant 1 : i32
    %add3A_1529 = vector.broadcast %add3A_1528 : i32 to vector<16xi32>
    %add3A_1530 = arith.addi %mul3A_1519, %add3A_1529 : vector<16xi32>
    %gather3A_1531 = tpu.vector_load_idx %arg6[%add3A_1530] : memref<576xf32, #tpu.memory_space<vmem>>[vector<16xi32>], vector<16xf32>,
    %convert_element_type3A_1532 = arith.fptosi %gather3A_1531 : vector<16xf32> to vector<16xi32>
    %jit3A_1533 = arith.constant 0 : i32
    %jit3A_1534 = arith.constant 119 : i32
    %max3A_1535 = vector.broadcast %jit3A_1533 : i32 to vector<16xi32>
    %max3A_1536 = arith.maxsi %max3A_1535, %convert_element_type3A_1532 : vector<16xi32>
    %min3A_1537 = vector.broadcast %jit3A_1534 : i32 to vector<16xi32>
    %min3A_1538 = arith.minsi %min3A_1537, %max3A_1536 : vector<16xi32>
    %add3A_1539 = arith.constant 2 : i32
    %add3A_1540 = vector.broadcast %add3A_1539 : i32 to vector<16xi32>
    %add3A_1541 = arith.addi %mul3A_1519, %add3A_1540 : vector<16xi32>
    %gather3A_1542 = tpu.vector_load_idx %arg6[%add3A_1541] : memref<576xf32, #tpu.memory_space<vmem>>[vector<16xi32>], vector<16xf32>,
    %convert_element_type3A_1543 = arith.fptosi %gather3A_1542 : vector<16xf32> to vector<16xi32>
    %jit3A_1544 = arith.constant 0 : i32
    %jit3A_1545 = arith.constant 119 : i32
    %max3A_1546 = vector.broadcast %jit3A_1544 : i32 to vector<16xi32>
    %max3A_1547 = arith.maxsi %max3A_1546, %convert_element_type3A_1543 : vector<16xi32>
    %min3A_1548 = vector.broadcast %jit3A_1545 : i32 to vector<16xi32>
    %min3A_1549 = arith.minsi %min3A_1548, %max3A_1547 : vector<16xi32>
    %mul3A_1550 = arith.constant 120 : i32
    %mul3A_1551 = vector.broadcast %mul3A_1550 : i32 to vector<16xi32>
    %mul3A_1552 = arith.muli %min3A_1527, %mul3A_1551 : vector<16xi32>
    %add3A_1553 = arith.addi %mul3A_1552, %min3A_1538 : vector<16xi32>
    %add3A_1554 = vector.broadcast %mul3A_58 : i32 to vector<16xi32>
    %add3A_1555 = arith.addi %add3A_1553, %add3A_1554 : vector<16xi32>
    %mul3A_1556 = arith.constant 128 : i32
    %mul3A_1557 = vector.broadcast %mul3A_1556 : i32 to vector<16xi32>
    %mul3A_1558 = arith.muli %add3A_1555, %mul3A_1557 : vector<16xi32>
    %add3A_1559 = arith.addi %mul3A_1558, %min3A_1549 : vector<16xi32>
    %add3A_1560 = arith.constant 0 : i32
    %add3A_1561 = vector.broadcast %add3A_1560 : i32 to vector<16xi32>
    %add3A_1562 = arith.addi %add3A_1559, %add3A_1561 : vector<16xi32>
    %swap3A_1563 = arith.constant 0 : i32
    %swap3A_1564 = arith.constant 1 : i32
    %swap3A_1565 = arith.index_cast %swap3A_1563 : i32 to index
    %swap3A_1566 = arith.index_cast %swap3A_1564 : i32 to index
    %swap3A_1567 = arith.constant 64 : index
    %swap3A_1568 = tpu.vector_load %arg7[%swap3A_1565, %swap3A_1566, %swap3A_1567] {strides = array<i32>} : memref<11x2x96xi32, #tpu.memory_space<vmem>>, vector<16xi32>,
    tpu.vector_store %arg7[%swap3A_1565, %swap3A_1566, %swap3A_1567], %add3A_1562 {strides = array<i32>} : memref<11x2x96xi32, #tpu.memory_space<vmem>>, vector<16xi32>,
    %add3A_1569 = arith.constant 1843200 : i32
    %add3A_1570 = vector.broadcast %add3A_1569 : i32 to vector<16xi32>
    %add3A_1571 = arith.addi %add3A_1559, %add3A_1570 : vector<16xi32>
    %swap3A_1572 = arith.constant 1 : i32
    %swap3A_1573 = arith.constant 1 : i32
    %swap3A_1574 = arith.index_cast %swap3A_1572 : i32 to index
    %swap3A_1575 = arith.index_cast %swap3A_1573 : i32 to index
    %swap3A_1576 = arith.constant 64 : index
    %swap3A_1577 = tpu.vector_load %arg7[%swap3A_1574, %swap3A_1575, %swap3A_1576] {strides = array<i32>} : memref<11x2x96xi32, #tpu.memory_space<vmem>>, vector<16xi32>,
    tpu.vector_store %arg7[%swap3A_1574, %swap3A_1575, %swap3A_1576], %add3A_1571 {strides = array<i32>} : memref<11x2x96xi32, #tpu.memory_space<vmem>>, vector<16xi32>,
    %add3A_1578 = arith.constant 3686400 : i32
    %add3A_1579 = vector.broadcast %add3A_1578 : i32 to vector<16xi32>
    %add3A_1580 = arith.addi %add3A_1559, %add3A_1579 : vector<16xi32>
    %swap3A_1581 = arith.constant 2 : i32
    %swap3A_1582 = arith.constant 1 : i32
    %swap3A_1583 = arith.index_cast %swap3A_1581 : i32 to index
    %swap3A_1584 = arith.index_cast %swap3A_1582 : i32 to index
    %swap3A_1585 = arith.constant 64 : index
    %swap3A_1586 = tpu.vector_load %arg7[%swap3A_1583, %swap3A_1584, %swap3A_1585] {strides = array<i32>} : memref<11x2x96xi32, #tpu.memory_space<vmem>>, vector<16xi32>,
    tpu.vector_store %arg7[%swap3A_1583, %swap3A_1584, %swap3A_1585], %add3A_1580 {strides = array<i32>} : memref<11x2x96xi32, #tpu.memory_space<vmem>>, vector<16xi32>,
    %add3A_1587 = arith.constant 5529600 : i32
    %add3A_1588 = vector.broadcast %add3A_1587 : i32 to vector<16xi32>
    %add3A_1589 = arith.addi %add3A_1559, %add3A_1588 : vector<16xi32>
    %swap3A_1590 = arith.constant 3 : i32
    %swap3A_1591 = arith.constant 1 : i32
    %swap3A_1592 = arith.index_cast %swap3A_1590 : i32 to index
    %swap3A_1593 = arith.index_cast %swap3A_1591 : i32 to index
    %swap3A_1594 = arith.constant 64 : index
    %swap3A_1595 = tpu.vector_load %arg7[%swap3A_1592, %swap3A_1593, %swap3A_1594] {strides = array<i32>} : memref<11x2x96xi32, #tpu.memory_space<vmem>>, vector<16xi32>,
    tpu.vector_store %arg7[%swap3A_1592, %swap3A_1593, %swap3A_1594], %add3A_1589 {strides = array<i32>} : memref<11x2x96xi32, #tpu.memory_space<vmem>>, vector<16xi32>,
    %add3A_1596 = arith.constant 7372800 : i32
    %add3A_1597 = vector.broadcast %add3A_1596 : i32 to vector<16xi32>
    %add3A_1598 = arith.addi %add3A_1559, %add3A_1597 : vector<16xi32>
    %swap3A_1599 = arith.constant 4 : i32
    %swap3A_1600 = arith.constant 1 : i32
    %swap3A_1601 = arith.index_cast %swap3A_1599 : i32 to index
    %swap3A_1602 = arith.index_cast %swap3A_1600 : i32 to index
    %swap3A_1603 = arith.constant 64 : index
    %swap3A_1604 = tpu.vector_load %arg7[%swap3A_1601, %swap3A_1602, %swap3A_1603] {strides = array<i32>} : memref<11x2x96xi32, #tpu.memory_space<vmem>>, vector<16xi32>,
    tpu.vector_store %arg7[%swap3A_1601, %swap3A_1602, %swap3A_1603], %add3A_1598 {strides = array<i32>} : memref<11x2x96xi32, #tpu.memory_space<vmem>>, vector<16xi32>,
    %add3A_1605 = arith.constant 9216000 : i32
    %add3A_1606 = vector.broadcast %add3A_1605 : i32 to vector<16xi32>
    %add3A_1607 = arith.addi %add3A_1559, %add3A_1606 : vector<16xi32>
    %swap3A_1608 = arith.constant 5 : i32
    %swap3A_1609 = arith.constant 1 : i32
    %swap3A_1610 = arith.index_cast %swap3A_1608 : i32 to index
    %swap3A_1611 = arith.index_cast %swap3A_1609 : i32 to index
    %swap3A_1612 = arith.constant 64 : index
    %swap3A_1613 = tpu.vector_load %arg7[%swap3A_1610, %swap3A_1611, %swap3A_1612] {strides = array<i32>} : memref<11x2x96xi32, #tpu.memory_space<vmem>>, vector<16xi32>,
    tpu.vector_store %arg7[%swap3A_1610, %swap3A_1611, %swap3A_1612], %add3A_1607 {strides = array<i32>} : memref<11x2x96xi32, #tpu.memory_space<vmem>>, vector<16xi32>,
    %add3A_1614 = arith.constant 11059200 : i32
    %add3A_1615 = vector.broadcast %add3A_1614 : i32 to vector<16xi32>
    %add3A_1616 = arith.addi %add3A_1559, %add3A_1615 : vector<16xi32>
    %swap3A_1617 = arith.constant 6 : i32
    %swap3A_1618 = arith.constant 1 : i32
    %swap3A_1619 = arith.index_cast %swap3A_1617 : i32 to index
    %swap3A_1620 = arith.index_cast %swap3A_1618 : i32 to index
    %swap3A_1621 = arith.constant 64 : index
    %swap3A_1622 = tpu.vector_load %arg7[%swap3A_1619, %swap3A_1620, %swap3A_1621] {strides = array<i32>} : memref<11x2x96xi32, #tpu.memory_space<vmem>>, vector<16xi32>,
    tpu.vector_store %arg7[%swap3A_1619, %swap3A_1620, %swap3A_1621], %add3A_1616 {strides = array<i32>} : memref<11x2x96xi32, #tpu.memory_space<vmem>>, vector<16xi32>,
    %add3A_1623 = arith.constant 12902400 : i32
    %add3A_1624 = vector.broadcast %add3A_1623 : i32 to vector<16xi32>
    %add3A_1625 = arith.addi %add3A_1559, %add3A_1624 : vector<16xi32>
    %swap3A_1626 = arith.constant 7 : i32
    %swap3A_1627 = arith.constant 1 : i32
    %swap3A_1628 = arith.index_cast %swap3A_1626 : i32 to index
    %swap3A_1629 = arith.index_cast %swap3A_1627 : i32 to index
    %swap3A_1630 = arith.constant 64 : index
    %swap3A_1631 = tpu.vector_load %arg7[%swap3A_1628, %swap3A_1629, %swap3A_1630] {strides = array<i32>} : memref<11x2x96xi32, #tpu.memory_space<vmem>>, vector<16xi32>,
    tpu.vector_store %arg7[%swap3A_1628, %swap3A_1629, %swap3A_1630], %add3A_1625 {strides = array<i32>} : memref<11x2x96xi32, #tpu.memory_space<vmem>>, vector<16xi32>,
    %add3A_1632 = arith.constant 14745600 : i32
    %add3A_1633 = vector.broadcast %add3A_1632 : i32 to vector<16xi32>
    %add3A_1634 = arith.addi %add3A_1559, %add3A_1633 : vector<16xi32>
    %swap3A_1635 = arith.constant 8 : i32
    %swap3A_1636 = arith.constant 1 : i32
    %swap3A_1637 = arith.index_cast %swap3A_1635 : i32 to index
    %swap3A_1638 = arith.index_cast %swap3A_1636 : i32 to index
    %swap3A_1639 = arith.constant 64 : index
    %swap3A_1640 = tpu.vector_load %arg7[%swap3A_1637, %swap3A_1638, %swap3A_1639] {strides = array<i32>} : memref<11x2x96xi32, #tpu.memory_space<vmem>>, vector<16xi32>,
    tpu.vector_store %arg7[%swap3A_1637, %swap3A_1638, %swap3A_1639], %add3A_1634 {strides = array<i32>} : memref<11x2x96xi32, #tpu.memory_space<vmem>>, vector<16xi32>,
    %add3A_1641 = arith.constant 16588800 : i32
    %add3A_1642 = vector.broadcast %add3A_1641 : i32 to vector<16xi32>
    %add3A_1643 = arith.addi %add3A_1559, %add3A_1642 : vector<16xi32>
    %swap3A_1644 = arith.constant 9 : i32
    %swap3A_1645 = arith.constant 1 : i32
    %swap3A_1646 = arith.index_cast %swap3A_1644 : i32 to index
    %swap3A_1647 = arith.index_cast %swap3A_1645 : i32 to index
    %swap3A_1648 = arith.constant 64 : index
    %swap3A_1649 = tpu.vector_load %arg7[%swap3A_1646, %swap3A_1647, %swap3A_1648] {strides = array<i32>} : memref<11x2x96xi32, #tpu.memory_space<vmem>>, vector<16xi32>,
    tpu.vector_store %arg7[%swap3A_1646, %swap3A_1647, %swap3A_1648], %add3A_1643 {strides = array<i32>} : memref<11x2x96xi32, #tpu.memory_space<vmem>>, vector<16xi32>,
    %add3A_1650 = arith.constant 18432000 : i32
    %add3A_1651 = vector.broadcast %add3A_1650 : i32 to vector<16xi32>
    %add3A_1652 = arith.addi %add3A_1559, %add3A_1651 : vector<16xi32>
    %swap3A_1653 = arith.constant 10 : i32
    %swap3A_1654 = arith.constant 1 : i32
    %swap3A_1655 = arith.index_cast %swap3A_1653 : i32 to index
    %swap3A_1656 = arith.index_cast %swap3A_1654 : i32 to index
    %swap3A_1657 = arith.constant 64 : index
    %swap3A_1658 = tpu.vector_load %arg7[%swap3A_1655, %swap3A_1656, %swap3A_1657] {strides = array<i32>} : memref<11x2x96xi32, #tpu.memory_space<vmem>>, vector<16xi32>,
    tpu.vector_store %arg7[%swap3A_1655, %swap3A_1656, %swap3A_1657], %add3A_1652 {strides = array<i32>} : memref<11x2x96xi32, #tpu.memory_space<vmem>>, vector<16xi32>,
    %iota3A_1659 = tpu.iota {dimensions = array<i32: 0>} : vector<16xi32>
    %add3A_1660 = arith.constant 176 : i32
    %add3A_1661 = vector.broadcast %add3A_1660 : i32 to vector<16xi32>
    %add3A_1662 = arith.addi %iota3A_1659, %add3A_1661 : vector<16xi32>
    %mul3A_1663 = arith.constant 3 : i32
    %mul3A_1664 = vector.broadcast %mul3A_1663 : i32 to vector<16xi32>
    %mul3A_1665 = arith.muli %add3A_1662, %mul3A_1664 : vector<16xi32>
    %gather3A_1666 = tpu.vector_load_idx %arg6[%mul3A_1665] : memref<576xf32, #tpu.memory_space<vmem>>[vector<16xi32>], vector<16xf32>,
    %convert_element_type3A_1667 = arith.fptosi %gather3A_1666 : vector<16xf32> to vector<16xi32>
    %jit3A_1668 = arith.constant 0 : i32
    %jit3A_1669 = arith.constant 119 : i32
    %max3A_1670 = vector.broadcast %jit3A_1668 : i32 to vector<16xi32>
    %max3A_1671 = arith.maxsi %max3A_1670, %convert_element_type3A_1667 : vector<16xi32>
    %min3A_1672 = vector.broadcast %jit3A_1669 : i32 to vector<16xi32>
    %min3A_1673 = arith.minsi %min3A_1672, %max3A_1671 : vector<16xi32>
    %add3A_1674 = arith.constant 1 : i32
    %add3A_1675 = vector.broadcast %add3A_1674 : i32 to vector<16xi32>
    %add3A_1676 = arith.addi %mul3A_1665, %add3A_1675 : vector<16xi32>
    %gather3A_1677 = tpu.vector_load_idx %arg6[%add3A_1676] : memref<576xf32, #tpu.memory_space<vmem>>[vector<16xi32>], vector<16xf32>,
    %convert_element_type3A_1678 = arith.fptosi %gather3A_1677 : vector<16xf32> to vector<16xi32>
    %jit3A_1679 = arith.constant 0 : i32
    %jit3A_1680 = arith.constant 119 : i32
    %max3A_1681 = vector.broadcast %jit3A_1679 : i32 to vector<16xi32>
    %max3A_1682 = arith.maxsi %max3A_1681, %convert_element_type3A_1678 : vector<16xi32>
    %min3A_1683 = vector.broadcast %jit3A_1680 : i32 to vector<16xi32>
    %min3A_1684 = arith.minsi %min3A_1683, %max3A_1682 : vector<16xi32>
    %add3A_1685 = arith.constant 2 : i32
    %add3A_1686 = vector.broadcast %add3A_1685 : i32 to vector<16xi32>
    %add3A_1687 = arith.addi %mul3A_1665, %add3A_1686 : vector<16xi32>
    %gather3A_1688 = tpu.vector_load_idx %arg6[%add3A_1687] : memref<576xf32, #tpu.memory_space<vmem>>[vector<16xi32>], vector<16xf32>,
    %convert_element_type3A_1689 = arith.fptosi %gather3A_1688 : vector<16xf32> to vector<16xi32>
    %jit3A_1690 = arith.constant 0 : i32
    %jit3A_1691 = arith.constant 119 : i32
    %max3A_1692 = vector.broadcast %jit3A_1690 : i32 to vector<16xi32>
    %max3A_1693 = arith.maxsi %max3A_1692, %convert_element_type3A_1689 : vector<16xi32>
    %min3A_1694 = vector.broadcast %jit3A_1691 : i32 to vector<16xi32>
    %min3A_1695 = arith.minsi %min3A_1694, %max3A_1693 : vector<16xi32>
    %mul3A_1696 = arith.constant 120 : i32
    %mul3A_1697 = vector.broadcast %mul3A_1696 : i32 to vector<16xi32>
    %mul3A_1698 = arith.muli %min3A_1673, %mul3A_1697 : vector<16xi32>
    %add3A_1699 = arith.addi %mul3A_1698, %min3A_1684 : vector<16xi32>
    %add3A_1700 = vector.broadcast %mul3A_58 : i32 to vector<16xi32>
    %add3A_1701 = arith.addi %add3A_1699, %add3A_1700 : vector<16xi32>
    %mul3A_1702 = arith.constant 128 : i32
    %mul3A_1703 = vector.broadcast %mul3A_1702 : i32 to vector<16xi32>
    %mul3A_1704 = arith.muli %add3A_1701, %mul3A_1703 : vector<16xi32>
    %add3A_1705 = arith.addi %mul3A_1704, %min3A_1695 : vector<16xi32>
    %add3A_1706 = arith.constant 0 : i32
    %add3A_1707 = vector.broadcast %add3A_1706 : i32 to vector<16xi32>
    %add3A_1708 = arith.addi %add3A_1705, %add3A_1707 : vector<16xi32>
    %swap3A_1709 = arith.constant 0 : i32
    %swap3A_1710 = arith.constant 1 : i32
    %swap3A_1711 = arith.index_cast %swap3A_1709 : i32 to index
    %swap3A_1712 = arith.index_cast %swap3A_1710 : i32 to index
    %swap3A_1713 = arith.constant 80 : index
    %swap3A_1714 = tpu.vector_load %arg7[%swap3A_1711, %swap3A_1712, %swap3A_1713] {strides = array<i32>} : memref<11x2x96xi32, #tpu.memory_space<vmem>>, vector<16xi32>,
    tpu.vector_store %arg7[%swap3A_1711, %swap3A_1712, %swap3A_1713], %add3A_1708 {strides = array<i32>} : memref<11x2x96xi32, #tpu.memory_space<vmem>>, vector<16xi32>,
    %add3A_1715 = arith.constant 1843200 : i32
    %add3A_1716 = vector.broadcast %add3A_1715 : i32 to vector<16xi32>
    %add3A_1717 = arith.addi %add3A_1705, %add3A_1716 : vector<16xi32>
    %swap3A_1718 = arith.constant 1 : i32
    %swap3A_1719 = arith.constant 1 : i32
    %swap3A_1720 = arith.index_cast %swap3A_1718 : i32 to index
    %swap3A_1721 = arith.index_cast %swap3A_1719 : i32 to index
    %swap3A_1722 = arith.constant 80 : index
    %swap3A_1723 = tpu.vector_load %arg7[%swap3A_1720, %swap3A_1721, %swap3A_1722] {strides = array<i32>} : memref<11x2x96xi32, #tpu.memory_space<vmem>>, vector<16xi32>,
    tpu.vector_store %arg7[%swap3A_1720, %swap3A_1721, %swap3A_1722], %add3A_1717 {strides = array<i32>} : memref<11x2x96xi32, #tpu.memory_space<vmem>>, vector<16xi32>,
    %add3A_1724 = arith.constant 3686400 : i32
    %add3A_1725 = vector.broadcast %add3A_1724 : i32 to vector<16xi32>
    %add3A_1726 = arith.addi %add3A_1705, %add3A_1725 : vector<16xi32>
    %swap3A_1727 = arith.constant 2 : i32
    %swap3A_1728 = arith.constant 1 : i32
    %swap3A_1729 = arith.index_cast %swap3A_1727 : i32 to index
    %swap3A_1730 = arith.index_cast %swap3A_1728 : i32 to index
    %swap3A_1731 = arith.constant 80 : index
    %swap3A_1732 = tpu.vector_load %arg7[%swap3A_1729, %swap3A_1730, %swap3A_1731] {strides = array<i32>} : memref<11x2x96xi32, #tpu.memory_space<vmem>>, vector<16xi32>,
    tpu.vector_store %arg7[%swap3A_1729, %swap3A_1730, %swap3A_1731], %add3A_1726 {strides = array<i32>} : memref<11x2x96xi32, #tpu.memory_space<vmem>>, vector<16xi32>,
    %add3A_1733 = arith.constant 5529600 : i32
    %add3A_1734 = vector.broadcast %add3A_1733 : i32 to vector<16xi32>
    %add3A_1735 = arith.addi %add3A_1705, %add3A_1734 : vector<16xi32>
    %swap3A_1736 = arith.constant 3 : i32
    %swap3A_1737 = arith.constant 1 : i32
    %swap3A_1738 = arith.index_cast %swap3A_1736 : i32 to index
    %swap3A_1739 = arith.index_cast %swap3A_1737 : i32 to index
    %swap3A_1740 = arith.constant 80 : index
    %swap3A_1741 = tpu.vector_load %arg7[%swap3A_1738, %swap3A_1739, %swap3A_1740] {strides = array<i32>} : memref<11x2x96xi32, #tpu.memory_space<vmem>>, vector<16xi32>,
    tpu.vector_store %arg7[%swap3A_1738, %swap3A_1739, %swap3A_1740], %add3A_1735 {strides = array<i32>} : memref<11x2x96xi32, #tpu.memory_space<vmem>>, vector<16xi32>,
    %add3A_1742 = arith.constant 7372800 : i32
    %add3A_1743 = vector.broadcast %add3A_1742 : i32 to vector<16xi32>
    %add3A_1744 = arith.addi %add3A_1705, %add3A_1743 : vector<16xi32>
    %swap3A_1745 = arith.constant 4 : i32
    %swap3A_1746 = arith.constant 1 : i32
    %swap3A_1747 = arith.index_cast %swap3A_1745 : i32 to index
    %swap3A_1748 = arith.index_cast %swap3A_1746 : i32 to index
    %swap3A_1749 = arith.constant 80 : index
    %swap3A_1750 = tpu.vector_load %arg7[%swap3A_1747, %swap3A_1748, %swap3A_1749] {strides = array<i32>} : memref<11x2x96xi32, #tpu.memory_space<vmem>>, vector<16xi32>,
    tpu.vector_store %arg7[%swap3A_1747, %swap3A_1748, %swap3A_1749], %add3A_1744 {strides = array<i32>} : memref<11x2x96xi32, #tpu.memory_space<vmem>>, vector<16xi32>,
    %add3A_1751 = arith.constant 9216000 : i32
    %add3A_1752 = vector.broadcast %add3A_1751 : i32 to vector<16xi32>
    %add3A_1753 = arith.addi %add3A_1705, %add3A_1752 : vector<16xi32>
    %swap3A_1754 = arith.constant 5 : i32
    %swap3A_1755 = arith.constant 1 : i32
    %swap3A_1756 = arith.index_cast %swap3A_1754 : i32 to index
    %swap3A_1757 = arith.index_cast %swap3A_1755 : i32 to index
    %swap3A_1758 = arith.constant 80 : index
    %swap3A_1759 = tpu.vector_load %arg7[%swap3A_1756, %swap3A_1757, %swap3A_1758] {strides = array<i32>} : memref<11x2x96xi32, #tpu.memory_space<vmem>>, vector<16xi32>,
    tpu.vector_store %arg7[%swap3A_1756, %swap3A_1757, %swap3A_1758], %add3A_1753 {strides = array<i32>} : memref<11x2x96xi32, #tpu.memory_space<vmem>>, vector<16xi32>,
    %add3A_1760 = arith.constant 11059200 : i32
    %add3A_1761 = vector.broadcast %add3A_1760 : i32 to vector<16xi32>
    %add3A_1762 = arith.addi %add3A_1705, %add3A_1761 : vector<16xi32>
    %swap3A_1763 = arith.constant 6 : i32
    %swap3A_1764 = arith.constant 1 : i32
    %swap3A_1765 = arith.index_cast %swap3A_1763 : i32 to index
    %swap3A_1766 = arith.index_cast %swap3A_1764 : i32 to index
    %swap3A_1767 = arith.constant 80 : index
    %swap3A_1768 = tpu.vector_load %arg7[%swap3A_1765, %swap3A_1766, %swap3A_1767] {strides = array<i32>} : memref<11x2x96xi32, #tpu.memory_space<vmem>>, vector<16xi32>,
    tpu.vector_store %arg7[%swap3A_1765, %swap3A_1766, %swap3A_1767], %add3A_1762 {strides = array<i32>} : memref<11x2x96xi32, #tpu.memory_space<vmem>>, vector<16xi32>,
    %add3A_1769 = arith.constant 12902400 : i32
    %add3A_1770 = vector.broadcast %add3A_1769 : i32 to vector<16xi32>
    %add3A_1771 = arith.addi %add3A_1705, %add3A_1770 : vector<16xi32>
    %swap3A_1772 = arith.constant 7 : i32
    %swap3A_1773 = arith.constant 1 : i32
    %swap3A_1774 = arith.index_cast %swap3A_1772 : i32 to index
    %swap3A_1775 = arith.index_cast %swap3A_1773 : i32 to index
    %swap3A_1776 = arith.constant 80 : index
    %swap3A_1777 = tpu.vector_load %arg7[%swap3A_1774, %swap3A_1775, %swap3A_1776] {strides = array<i32>} : memref<11x2x96xi32, #tpu.memory_space<vmem>>, vector<16xi32>,
    tpu.vector_store %arg7[%swap3A_1774, %swap3A_1775, %swap3A_1776], %add3A_1771 {strides = array<i32>} : memref<11x2x96xi32, #tpu.memory_space<vmem>>, vector<16xi32>,
    %add3A_1778 = arith.constant 14745600 : i32
    %add3A_1779 = vector.broadcast %add3A_1778 : i32 to vector<16xi32>
    %add3A_1780 = arith.addi %add3A_1705, %add3A_1779 : vector<16xi32>
    %swap3A_1781 = arith.constant 8 : i32
    %swap3A_1782 = arith.constant 1 : i32
    %swap3A_1783 = arith.index_cast %swap3A_1781 : i32 to index
    %swap3A_1784 = arith.index_cast %swap3A_1782 : i32 to index
    %swap3A_1785 = arith.constant 80 : index
    %swap3A_1786 = tpu.vector_load %arg7[%swap3A_1783, %swap3A_1784, %swap3A_1785] {strides = array<i32>} : memref<11x2x96xi32, #tpu.memory_space<vmem>>, vector<16xi32>,
    tpu.vector_store %arg7[%swap3A_1783, %swap3A_1784, %swap3A_1785], %add3A_1780 {strides = array<i32>} : memref<11x2x96xi32, #tpu.memory_space<vmem>>, vector<16xi32>,
    %add3A_1787 = arith.constant 16588800 : i32
    %add3A_1788 = vector.broadcast %add3A_1787 : i32 to vector<16xi32>
    %add3A_1789 = arith.addi %add3A_1705, %add3A_1788 : vector<16xi32>
    %swap3A_1790 = arith.constant 9 : i32
    %swap3A_1791 = arith.constant 1 : i32
    %swap3A_1792 = arith.index_cast %swap3A_1790 : i32 to index
    %swap3A_1793 = arith.index_cast %swap3A_1791 : i32 to index
    %swap3A_1794 = arith.constant 80 : index
    %swap3A_1795 = tpu.vector_load %arg7[%swap3A_1792, %swap3A_1793, %swap3A_1794] {strides = array<i32>} : memref<11x2x96xi32, #tpu.memory_space<vmem>>, vector<16xi32>,
    tpu.vector_store %arg7[%swap3A_1792, %swap3A_1793, %swap3A_1794], %add3A_1789 {strides = array<i32>} : memref<11x2x96xi32, #tpu.memory_space<vmem>>, vector<16xi32>,
    %add3A_1796 = arith.constant 18432000 : i32
    %add3A_1797 = vector.broadcast %add3A_1796 : i32 to vector<16xi32>
    %add3A_1798 = arith.addi %add3A_1705, %add3A_1797 : vector<16xi32>
    %swap3A_1799 = arith.constant 10 : i32
    %swap3A_1800 = arith.constant 1 : i32
    %swap3A_1801 = arith.index_cast %swap3A_1799 : i32 to index
    %swap3A_1802 = arith.index_cast %swap3A_1800 : i32 to index
    %swap3A_1803 = arith.constant 80 : index
    %swap3A_1804 = tpu.vector_load %arg7[%swap3A_1801, %swap3A_1802, %swap3A_1803] {strides = array<i32>} : memref<11x2x96xi32, #tpu.memory_space<vmem>>, vector<16xi32>,
    tpu.vector_store %arg7[%swap3A_1801, %swap3A_1802, %swap3A_1803], %add3A_1798 {strides = array<i32>} : memref<11x2x96xi32, #tpu.memory_space<vmem>>, vector<16xi32>,
    %dma_start3A_1805 = arith.constant 0 : i32
    %dma_start3A_1806 = arith.constant 0 : i32
    %dma_start3A_1807 = arith.constant 0 : i32
    %dma_start3A_1808 = arith.constant 0 : i32
    %dma_start3A_1809 = tpu.memref_slice %arg8[%dma_start3A_1807, %dma_start3A_1808] : memref<11x192xf32, #tpu.memory_space<vmem>> -> memref<1x96xf32, #tpu.memory_space<vmem>>
    %dma_start3A_1810 = tpu.memref_squeeze %dma_start3A_1809 : memref<1x96xf32, #tpu.memory_space<vmem>> -> memref<96xf32, #tpu.memory_space<vmem>>
    %dma_start3A_1811 = arith.constant 0 : i32
    %dma_start3A_1812 = tpu.memref_slice %arg7[%dma_start3A_1805, %dma_start3A_1806, %dma_start3A_1811] : memref<11x2x96xi32, #tpu.memory_space<vmem>> -> memref<1x1x96xi32, #tpu.memory_space<vmem>>
    %dma_start3A_1813 = tpu.memref_squeeze %dma_start3A_1812 : memref<1x1x96xi32, #tpu.memory_space<vmem>> -> memref<96xi32, #tpu.memory_space<vmem>>
    %dma_start3A_1814 = arith.constant 0 : i32
    %dma_start3A_1815 = tpu.memref_slice %arg4[%dma_start3A_1814] : memref<40550400xf32, #tpu.memory_space<hbm>> -> memref<40550400xf32, #tpu.memory_space<hbm>>
    tpu.enqueue_indirect_dma source(%dma_start3A_1815 : memref<40550400xf32, #tpu.memory_space<hbm>>) target(%dma_start3A_1810 : memref<96xf32, #tpu.memory_space<vmem>>) offsets(%dma_start3A_1813 : memref<96xi32, #tpu.memory_space<vmem>>) semaphore(%arg11 : memref<!tpu.dma_semaphore, #tpu.memory_space<semaphore_mem>>)
    %dma_start3A_1816 = arith.constant 0 : i32
    %dma_start3A_1817 = arith.constant 1 : i32
    %dma_start3A_1818 = arith.constant 0 : i32
    %dma_start3A_1819 = arith.constant 96 : i32
    %dma_start3A_1820 = tpu.memref_slice %arg8[%dma_start3A_1818, %dma_start3A_1819] : memref<11x192xf32, #tpu.memory_space<vmem>> -> memref<1x96xf32, #tpu.memory_space<vmem>>
    %dma_start3A_1821 = tpu.memref_squeeze %dma_start3A_1820 : memref<1x96xf32, #tpu.memory_space<vmem>> -> memref<96xf32, #tpu.memory_space<vmem>>
    %dma_start3A_1822 = arith.constant 0 : i32
    %dma_start3A_1823 = tpu.memref_slice %arg7[%dma_start3A_1816, %dma_start3A_1817, %dma_start3A_1822] : memref<11x2x96xi32, #tpu.memory_space<vmem>> -> memref<1x1x96xi32, #tpu.memory_space<vmem>>
    %dma_start3A_1824 = tpu.memref_squeeze %dma_start3A_1823 : memref<1x1x96xi32, #tpu.memory_space<vmem>> -> memref<96xi32, #tpu.memory_space<vmem>>
    %dma_start3A_1825 = arith.constant 0 : i32
    %dma_start3A_1826 = tpu.memref_slice %arg4[%dma_start3A_1825] : memref<40550400xf32, #tpu.memory_space<hbm>> -> memref<40550400xf32, #tpu.memory_space<hbm>>
    tpu.enqueue_indirect_dma source(%dma_start3A_1826 : memref<40550400xf32, #tpu.memory_space<hbm>>) target(%dma_start3A_1821 : memref<96xf32, #tpu.memory_space<vmem>>) offsets(%dma_start3A_1824 : memref<96xi32, #tpu.memory_space<vmem>>) semaphore(%arg11 : memref<!tpu.dma_semaphore, #tpu.memory_space<semaphore_mem>>)
    %dma_start3A_1827 = arith.constant 1 : i32
    %dma_start3A_1828 = arith.constant 0 : i32
    %dma_start3A_1829 = arith.constant 1 : i32
    %dma_start3A_1830 = arith.constant 0 : i32
    %dma_start3A_1831 = tpu.memref_slice %arg8[%dma_start3A_1829, %dma_start3A_1830] : memref<11x192xf32, #tpu.memory_space<vmem>> -> memref<1x96xf32, #tpu.memory_space<vmem>>
    %dma_start3A_1832 = tpu.memref_squeeze %dma_start3A_1831 : memref<1x96xf32, #tpu.memory_space<vmem>> -> memref<96xf32, #tpu.memory_space<vmem>>
    %dma_start3A_1833 = arith.constant 0 : i32
    %dma_start3A_1834 = tpu.memref_slice %arg7[%dma_start3A_1827, %dma_start3A_1828, %dma_start3A_1833] : memref<11x2x96xi32, #tpu.memory_space<vmem>> -> memref<1x1x96xi32, #tpu.memory_space<vmem>>
    %dma_start3A_1835 = tpu.memref_squeeze %dma_start3A_1834 : memref<1x1x96xi32, #tpu.memory_space<vmem>> -> memref<96xi32, #tpu.memory_space<vmem>>
    %dma_start3A_1836 = arith.constant 0 : i32
    %dma_start3A_1837 = tpu.memref_slice %arg4[%dma_start3A_1836] : memref<40550400xf32, #tpu.memory_space<hbm>> -> memref<40550400xf32, #tpu.memory_space<hbm>>
    tpu.enqueue_indirect_dma source(%dma_start3A_1837 : memref<40550400xf32, #tpu.memory_space<hbm>>) target(%dma_start3A_1832 : memref<96xf32, #tpu.memory_space<vmem>>) offsets(%dma_start3A_1835 : memref<96xi32, #tpu.memory_space<vmem>>) semaphore(%arg11 : memref<!tpu.dma_semaphore, #tpu.memory_space<semaphore_mem>>)
    %dma_start3A_1838 = arith.constant 1 : i32
    %dma_start3A_1839 = arith.constant 1 : i32
    %dma_start3A_1840 = arith.constant 1 : i32
    %dma_start3A_1841 = arith.constant 96 : i32
    %dma_start3A_1842 = tpu.memref_slice %arg8[%dma_start3A_1840, %dma_start3A_1841] : memref<11x192xf32, #tpu.memory_space<vmem>> -> memref<1x96xf32, #tpu.memory_space<vmem>>
    %dma_start3A_1843 = tpu.memref_squeeze %dma_start3A_1842 : memref<1x96xf32, #tpu.memory_space<vmem>> -> memref<96xf32, #tpu.memory_space<vmem>>
    %dma_start3A_1844 = arith.constant 0 : i32
    %dma_start3A_1845 = tpu.memref_slice %arg7[%dma_start3A_1838, %dma_start3A_1839, %dma_start3A_1844] : memref<11x2x96xi32, #tpu.memory_space<vmem>> -> memref<1x1x96xi32, #tpu.memory_space<vmem>>
    %dma_start3A_1846 = tpu.memref_squeeze %dma_start3A_1845 : memref<1x1x96xi32, #tpu.memory_space<vmem>> -> memref<96xi32, #tpu.memory_space<vmem>>
    %dma_start3A_1847 = arith.constant 0 : i32
    %dma_start3A_1848 = tpu.memref_slice %arg4[%dma_start3A_1847] : memref<40550400xf32, #tpu.memory_space<hbm>> -> memref<40550400xf32, #tpu.memory_space<hbm>>
    tpu.enqueue_indirect_dma source(%dma_start3A_1848 : memref<40550400xf32, #tpu.memory_space<hbm>>) target(%dma_start3A_1843 : memref<96xf32, #tpu.memory_space<vmem>>) offsets(%dma_start3A_1846 : memref<96xi32, #tpu.memory_space<vmem>>) semaphore(%arg11 : memref<!tpu.dma_semaphore, #tpu.memory_space<semaphore_mem>>)
    %dma_start3A_1849 = arith.constant 2 : i32
    %dma_start3A_1850 = arith.constant 0 : i32
    %dma_start3A_1851 = arith.constant 2 : i32
    %dma_start3A_1852 = arith.constant 0 : i32
    %dma_start3A_1853 = tpu.memref_slice %arg8[%dma_start3A_1851, %dma_start3A_1852] : memref<11x192xf32, #tpu.memory_space<vmem>> -> memref<1x96xf32, #tpu.memory_space<vmem>>
    %dma_start3A_1854 = tpu.memref_squeeze %dma_start3A_1853 : memref<1x96xf32, #tpu.memory_space<vmem>> -> memref<96xf32, #tpu.memory_space<vmem>>
    %dma_start3A_1855 = arith.constant 0 : i32
    %dma_start3A_1856 = tpu.memref_slice %arg7[%dma_start3A_1849, %dma_start3A_1850, %dma_start3A_1855] : memref<11x2x96xi32, #tpu.memory_space<vmem>> -> memref<1x1x96xi32, #tpu.memory_space<vmem>>
    %dma_start3A_1857 = tpu.memref_squeeze %dma_start3A_1856 : memref<1x1x96xi32, #tpu.memory_space<vmem>> -> memref<96xi32, #tpu.memory_space<vmem>>
    %dma_start3A_1858 = arith.constant 0 : i32
    %dma_start3A_1859 = tpu.memref_slice %arg4[%dma_start3A_1858] : memref<40550400xf32, #tpu.memory_space<hbm>> -> memref<40550400xf32, #tpu.memory_space<hbm>>
    tpu.enqueue_indirect_dma source(%dma_start3A_1859 : memref<40550400xf32, #tpu.memory_space<hbm>>) target(%dma_start3A_1854 : memref<96xf32, #tpu.memory_space<vmem>>) offsets(%dma_start3A_1857 : memref<96xi32, #tpu.memory_space<vmem>>) semaphore(%arg11 : memref<!tpu.dma_semaphore, #tpu.memory_space<semaphore_mem>>)
    %dma_start3A_1860 = arith.constant 2 : i32
    %dma_start3A_1861 = arith.constant 1 : i32
    %dma_start3A_1862 = arith.constant 2 : i32
    %dma_start3A_1863 = arith.constant 96 : i32
    %dma_start3A_1864 = tpu.memref_slice %arg8[%dma_start3A_1862, %dma_start3A_1863] : memref<11x192xf32, #tpu.memory_space<vmem>> -> memref<1x96xf32, #tpu.memory_space<vmem>>
    %dma_start3A_1865 = tpu.memref_squeeze %dma_start3A_1864 : memref<1x96xf32, #tpu.memory_space<vmem>> -> memref<96xf32, #tpu.memory_space<vmem>>
    %dma_start3A_1866 = arith.constant 0 : i32
    %dma_start3A_1867 = tpu.memref_slice %arg7[%dma_start3A_1860, %dma_start3A_1861, %dma_start3A_1866] : memref<11x2x96xi32, #tpu.memory_space<vmem>> -> memref<1x1x96xi32, #tpu.memory_space<vmem>>
    %dma_start3A_1868 = tpu.memref_squeeze %dma_start3A_1867 : memref<1x1x96xi32, #tpu.memory_space<vmem>> -> memref<96xi32, #tpu.memory_space<vmem>>
    %dma_start3A_1869 = arith.constant 0 : i32
    %dma_start3A_1870 = tpu.memref_slice %arg4[%dma_start3A_1869] : memref<40550400xf32, #tpu.memory_space<hbm>> -> memref<40550400xf32, #tpu.memory_space<hbm>>
    tpu.enqueue_indirect_dma source(%dma_start3A_1870 : memref<40550400xf32, #tpu.memory_space<hbm>>) target(%dma_start3A_1865 : memref<96xf32, #tpu.memory_space<vmem>>) offsets(%dma_start3A_1868 : memref<96xi32, #tpu.memory_space<vmem>>) semaphore(%arg11 : memref<!tpu.dma_semaphore, #tpu.memory_space<semaphore_mem>>)
    %dma_start3A_1871 = arith.constant 3 : i32
    %dma_start3A_1872 = arith.constant 0 : i32
    %dma_start3A_1873 = arith.constant 3 : i32
    %dma_start3A_1874 = arith.constant 0 : i32
    %dma_start3A_1875 = tpu.memref_slice %arg8[%dma_start3A_1873, %dma_start3A_1874] : memref<11x192xf32, #tpu.memory_space<vmem>> -> memref<1x96xf32, #tpu.memory_space<vmem>>
    %dma_start3A_1876 = tpu.memref_squeeze %dma_start3A_1875 : memref<1x96xf32, #tpu.memory_space<vmem>> -> memref<96xf32, #tpu.memory_space<vmem>>
    %dma_start3A_1877 = arith.constant 0 : i32
    %dma_start3A_1878 = tpu.memref_slice %arg7[%dma_start3A_1871, %dma_start3A_1872, %dma_start3A_1877] : memref<11x2x96xi32, #tpu.memory_space<vmem>> -> memref<1x1x96xi32, #tpu.memory_space<vmem>>
    %dma_start3A_1879 = tpu.memref_squeeze %dma_start3A_1878 : memref<1x1x96xi32, #tpu.memory_space<vmem>> -> memref<96xi32, #tpu.memory_space<vmem>>
    %dma_start3A_1880 = arith.constant 0 : i32
    %dma_start3A_1881 = tpu.memref_slice %arg4[%dma_start3A_1880] : memref<40550400xf32, #tpu.memory_space<hbm>> -> memref<40550400xf32, #tpu.memory_space<hbm>>
    tpu.enqueue_indirect_dma source(%dma_start3A_1881 : memref<40550400xf32, #tpu.memory_space<hbm>>) target(%dma_start3A_1876 : memref<96xf32, #tpu.memory_space<vmem>>) offsets(%dma_start3A_1879 : memref<96xi32, #tpu.memory_space<vmem>>) semaphore(%arg11 : memref<!tpu.dma_semaphore, #tpu.memory_space<semaphore_mem>>)
    %dma_start3A_1882 = arith.constant 3 : i32
    %dma_start3A_1883 = arith.constant 1 : i32
    %dma_start3A_1884 = arith.constant 3 : i32
    %dma_start3A_1885 = arith.constant 96 : i32
    %dma_start3A_1886 = tpu.memref_slice %arg8[%dma_start3A_1884, %dma_start3A_1885] : memref<11x192xf32, #tpu.memory_space<vmem>> -> memref<1x96xf32, #tpu.memory_space<vmem>>
    %dma_start3A_1887 = tpu.memref_squeeze %dma_start3A_1886 : memref<1x96xf32, #tpu.memory_space<vmem>> -> memref<96xf32, #tpu.memory_space<vmem>>
    %dma_start3A_1888 = arith.constant 0 : i32
    %dma_start3A_1889 = tpu.memref_slice %arg7[%dma_start3A_1882, %dma_start3A_1883, %dma_start3A_1888] : memref<11x2x96xi32, #tpu.memory_space<vmem>> -> memref<1x1x96xi32, #tpu.memory_space<vmem>>
    %dma_start3A_1890 = tpu.memref_squeeze %dma_start3A_1889 : memref<1x1x96xi32, #tpu.memory_space<vmem>> -> memref<96xi32, #tpu.memory_space<vmem>>
    %dma_start3A_1891 = arith.constant 0 : i32
    %dma_start3A_1892 = tpu.memref_slice %arg4[%dma_start3A_1891] : memref<40550400xf32, #tpu.memory_space<hbm>> -> memref<40550400xf32, #tpu.memory_space<hbm>>
    tpu.enqueue_indirect_dma source(%dma_start3A_1892 : memref<40550400xf32, #tpu.memory_space<hbm>>) target(%dma_start3A_1887 : memref<96xf32, #tpu.memory_space<vmem>>) offsets(%dma_start3A_1890 : memref<96xi32, #tpu.memory_space<vmem>>) semaphore(%arg11 : memref<!tpu.dma_semaphore, #tpu.memory_space<semaphore_mem>>)
    %dma_start3A_1893 = arith.constant 4 : i32
    %dma_start3A_1894 = arith.constant 0 : i32
    %dma_start3A_1895 = arith.constant 4 : i32
    %dma_start3A_1896 = arith.constant 0 : i32
    %dma_start3A_1897 = tpu.memref_slice %arg8[%dma_start3A_1895, %dma_start3A_1896] : memref<11x192xf32, #tpu.memory_space<vmem>> -> memref<1x96xf32, #tpu.memory_space<vmem>>
    %dma_start3A_1898 = tpu.memref_squeeze %dma_start3A_1897 : memref<1x96xf32, #tpu.memory_space<vmem>> -> memref<96xf32, #tpu.memory_space<vmem>>
    %dma_start3A_1899 = arith.constant 0 : i32
    %dma_start3A_1900 = tpu.memref_slice %arg7[%dma_start3A_1893, %dma_start3A_1894, %dma_start3A_1899] : memref<11x2x96xi32, #tpu.memory_space<vmem>> -> memref<1x1x96xi32, #tpu.memory_space<vmem>>
    %dma_start3A_1901 = tpu.memref_squeeze %dma_start3A_1900 : memref<1x1x96xi32, #tpu.memory_space<vmem>> -> memref<96xi32, #tpu.memory_space<vmem>>
    %dma_start3A_1902 = arith.constant 0 : i32
    %dma_start3A_1903 = tpu.memref_slice %arg4[%dma_start3A_1902] : memref<40550400xf32, #tpu.memory_space<hbm>> -> memref<40550400xf32, #tpu.memory_space<hbm>>
    tpu.enqueue_indirect_dma source(%dma_start3A_1903 : memref<40550400xf32, #tpu.memory_space<hbm>>) target(%dma_start3A_1898 : memref<96xf32, #tpu.memory_space<vmem>>) offsets(%dma_start3A_1901 : memref<96xi32, #tpu.memory_space<vmem>>) semaphore(%arg11 : memref<!tpu.dma_semaphore, #tpu.memory_space<semaphore_mem>>)
    %dma_start3A_1904 = arith.constant 4 : i32
    %dma_start3A_1905 = arith.constant 1 : i32
    %dma_start3A_1906 = arith.constant 4 : i32
    %dma_start3A_1907 = arith.constant 96 : i32
    %dma_start3A_1908 = tpu.memref_slice %arg8[%dma_start3A_1906, %dma_start3A_1907] : memref<11x192xf32, #tpu.memory_space<vmem>> -> memref<1x96xf32, #tpu.memory_space<vmem>>
    %dma_start3A_1909 = tpu.memref_squeeze %dma_start3A_1908 : memref<1x96xf32, #tpu.memory_space<vmem>> -> memref<96xf32, #tpu.memory_space<vmem>>
    %dma_start3A_1910 = arith.constant 0 : i32
    %dma_start3A_1911 = tpu.memref_slice %arg7[%dma_start3A_1904, %dma_start3A_1905, %dma_start3A_1910] : memref<11x2x96xi32, #tpu.memory_space<vmem>> -> memref<1x1x96xi32, #tpu.memory_space<vmem>>
    %dma_start3A_1912 = tpu.memref_squeeze %dma_start3A_1911 : memref<1x1x96xi32, #tpu.memory_space<vmem>> -> memref<96xi32, #tpu.memory_space<vmem>>
    %dma_start3A_1913 = arith.constant 0 : i32
    %dma_start3A_1914 = tpu.memref_slice %arg4[%dma_start3A_1913] : memref<40550400xf32, #tpu.memory_space<hbm>> -> memref<40550400xf32, #tpu.memory_space<hbm>>
    tpu.enqueue_indirect_dma source(%dma_start3A_1914 : memref<40550400xf32, #tpu.memory_space<hbm>>) target(%dma_start3A_1909 : memref<96xf32, #tpu.memory_space<vmem>>) offsets(%dma_start3A_1912 : memref<96xi32, #tpu.memory_space<vmem>>) semaphore(%arg11 : memref<!tpu.dma_semaphore, #tpu.memory_space<semaphore_mem>>)
    %dma_start3A_1915 = arith.constant 5 : i32
    %dma_start3A_1916 = arith.constant 0 : i32
    %dma_start3A_1917 = arith.constant 5 : i32
    %dma_start3A_1918 = arith.constant 0 : i32
    %dma_start3A_1919 = tpu.memref_slice %arg8[%dma_start3A_1917, %dma_start3A_1918] : memref<11x192xf32, #tpu.memory_space<vmem>> -> memref<1x96xf32, #tpu.memory_space<vmem>>
    %dma_start3A_1920 = tpu.memref_squeeze %dma_start3A_1919 : memref<1x96xf32, #tpu.memory_space<vmem>> -> memref<96xf32, #tpu.memory_space<vmem>>
    %dma_start3A_1921 = arith.constant 0 : i32
    %dma_start3A_1922 = tpu.memref_slice %arg7[%dma_start3A_1915, %dma_start3A_1916, %dma_start3A_1921] : memref<11x2x96xi32, #tpu.memory_space<vmem>> -> memref<1x1x96xi32, #tpu.memory_space<vmem>>
    %dma_start3A_1923 = tpu.memref_squeeze %dma_start3A_1922 : memref<1x1x96xi32, #tpu.memory_space<vmem>> -> memref<96xi32, #tpu.memory_space<vmem>>
    %dma_start3A_1924 = arith.constant 0 : i32
    %dma_start3A_1925 = tpu.memref_slice %arg4[%dma_start3A_1924] : memref<40550400xf32, #tpu.memory_space<hbm>> -> memref<40550400xf32, #tpu.memory_space<hbm>>
    tpu.enqueue_indirect_dma source(%dma_start3A_1925 : memref<40550400xf32, #tpu.memory_space<hbm>>) target(%dma_start3A_1920 : memref<96xf32, #tpu.memory_space<vmem>>) offsets(%dma_start3A_1923 : memref<96xi32, #tpu.memory_space<vmem>>) semaphore(%arg11 : memref<!tpu.dma_semaphore, #tpu.memory_space<semaphore_mem>>)
    %dma_start3A_1926 = arith.constant 5 : i32
    %dma_start3A_1927 = arith.constant 1 : i32
    %dma_start3A_1928 = arith.constant 5 : i32
    %dma_start3A_1929 = arith.constant 96 : i32
    %dma_start3A_1930 = tpu.memref_slice %arg8[%dma_start3A_1928, %dma_start3A_1929] : memref<11x192xf32, #tpu.memory_space<vmem>> -> memref<1x96xf32, #tpu.memory_space<vmem>>
    %dma_start3A_1931 = tpu.memref_squeeze %dma_start3A_1930 : memref<1x96xf32, #tpu.memory_space<vmem>> -> memref<96xf32, #tpu.memory_space<vmem>>
    %dma_start3A_1932 = arith.constant 0 : i32
    %dma_start3A_1933 = tpu.memref_slice %arg7[%dma_start3A_1926, %dma_start3A_1927, %dma_start3A_1932] : memref<11x2x96xi32, #tpu.memory_space<vmem>> -> memref<1x1x96xi32, #tpu.memory_space<vmem>>
    %dma_start3A_1934 = tpu.memref_squeeze %dma_start3A_1933 : memref<1x1x96xi32, #tpu.memory_space<vmem>> -> memref<96xi32, #tpu.memory_space<vmem>>
    %dma_start3A_1935 = arith.constant 0 : i32
    %dma_start3A_1936 = tpu.memref_slice %arg4[%dma_start3A_1935] : memref<40550400xf32, #tpu.memory_space<hbm>> -> memref<40550400xf32, #tpu.memory_space<hbm>>
    tpu.enqueue_indirect_dma source(%dma_start3A_1936 : memref<40550400xf32, #tpu.memory_space<hbm>>) target(%dma_start3A_1931 : memref<96xf32, #tpu.memory_space<vmem>>) offsets(%dma_start3A_1934 : memref<96xi32, #tpu.memory_space<vmem>>) semaphore(%arg11 : memref<!tpu.dma_semaphore, #tpu.memory_space<semaphore_mem>>)
    %dma_start3A_1937 = arith.constant 6 : i32
    %dma_start3A_1938 = arith.constant 0 : i32
    %dma_start3A_1939 = arith.constant 6 : i32
    %dma_start3A_1940 = arith.constant 0 : i32
    %dma_start3A_1941 = tpu.memref_slice %arg8[%dma_start3A_1939, %dma_start3A_1940] : memref<11x192xf32, #tpu.memory_space<vmem>> -> memref<1x96xf32, #tpu.memory_space<vmem>>
    %dma_start3A_1942 = tpu.memref_squeeze %dma_start3A_1941 : memref<1x96xf32, #tpu.memory_space<vmem>> -> memref<96xf32, #tpu.memory_space<vmem>>
    %dma_start3A_1943 = arith.constant 0 : i32
    %dma_start3A_1944 = tpu.memref_slice %arg7[%dma_start3A_1937, %dma_start3A_1938, %dma_start3A_1943] : memref<11x2x96xi32, #tpu.memory_space<vmem>> -> memref<1x1x96xi32, #tpu.memory_space<vmem>>
    %dma_start3A_1945 = tpu.memref_squeeze %dma_start3A_1944 : memref<1x1x96xi32, #tpu.memory_space<vmem>> -> memref<96xi32, #tpu.memory_space<vmem>>
    %dma_start3A_1946 = arith.constant 0 : i32
    %dma_start3A_1947 = tpu.memref_slice %arg4[%dma_start3A_1946] : memref<40550400xf32, #tpu.memory_space<hbm>> -> memref<40550400xf32, #tpu.memory_space<hbm>>
    tpu.enqueue_indirect_dma source(%dma_start3A_1947 : memref<40550400xf32, #tpu.memory_space<hbm>>) target(%dma_start3A_1942 : memref<96xf32, #tpu.memory_space<vmem>>) offsets(%dma_start3A_1945 : memref<96xi32, #tpu.memory_space<vmem>>) semaphore(%arg11 : memref<!tpu.dma_semaphore, #tpu.memory_space<semaphore_mem>>)
    %dma_start3A_1948 = arith.constant 6 : i32
    %dma_start3A_1949 = arith.constant 1 : i32
    %dma_start3A_1950 = arith.constant 6 : i32
    %dma_start3A_1951 = arith.constant 96 : i32
    %dma_start3A_1952 = tpu.memref_slice %arg8[%dma_start3A_1950, %dma_start3A_1951] : memref<11x192xf32, #tpu.memory_space<vmem>> -> memref<1x96xf32, #tpu.memory_space<vmem>>
    %dma_start3A_1953 = tpu.memref_squeeze %dma_start3A_1952 : memref<1x96xf32, #tpu.memory_space<vmem>> -> memref<96xf32, #tpu.memory_space<vmem>>
    %dma_start3A_1954 = arith.constant 0 : i32
    %dma_start3A_1955 = tpu.memref_slice %arg7[%dma_start3A_1948, %dma_start3A_1949, %dma_start3A_1954] : memref<11x2x96xi32, #tpu.memory_space<vmem>> -> memref<1x1x96xi32, #tpu.memory_space<vmem>>
    %dma_start3A_1956 = tpu.memref_squeeze %dma_start3A_1955 : memref<1x1x96xi32, #tpu.memory_space<vmem>> -> memref<96xi32, #tpu.memory_space<vmem>>
    %dma_start3A_1957 = arith.constant 0 : i32
    %dma_start3A_1958 = tpu.memref_slice %arg4[%dma_start3A_1957] : memref<40550400xf32, #tpu.memory_space<hbm>> -> memref<40550400xf32, #tpu.memory_space<hbm>>
    tpu.enqueue_indirect_dma source(%dma_start3A_1958 : memref<40550400xf32, #tpu.memory_space<hbm>>) target(%dma_start3A_1953 : memref<96xf32, #tpu.memory_space<vmem>>) offsets(%dma_start3A_1956 : memref<96xi32, #tpu.memory_space<vmem>>) semaphore(%arg11 : memref<!tpu.dma_semaphore, #tpu.memory_space<semaphore_mem>>)
    %dma_start3A_1959 = arith.constant 7 : i32
    %dma_start3A_1960 = arith.constant 0 : i32
    %dma_start3A_1961 = arith.constant 7 : i32
    %dma_start3A_1962 = arith.constant 0 : i32
    %dma_start3A_1963 = tpu.memref_slice %arg8[%dma_start3A_1961, %dma_start3A_1962] : memref<11x192xf32, #tpu.memory_space<vmem>> -> memref<1x96xf32, #tpu.memory_space<vmem>>
    %dma_start3A_1964 = tpu.memref_squeeze %dma_start3A_1963 : memref<1x96xf32, #tpu.memory_space<vmem>> -> memref<96xf32, #tpu.memory_space<vmem>>
    %dma_start3A_1965 = arith.constant 0 : i32
    %dma_start3A_1966 = tpu.memref_slice %arg7[%dma_start3A_1959, %dma_start3A_1960, %dma_start3A_1965] : memref<11x2x96xi32, #tpu.memory_space<vmem>> -> memref<1x1x96xi32, #tpu.memory_space<vmem>>
    %dma_start3A_1967 = tpu.memref_squeeze %dma_start3A_1966 : memref<1x1x96xi32, #tpu.memory_space<vmem>> -> memref<96xi32, #tpu.memory_space<vmem>>
    %dma_start3A_1968 = arith.constant 0 : i32
    %dma_start3A_1969 = tpu.memref_slice %arg4[%dma_start3A_1968] : memref<40550400xf32, #tpu.memory_space<hbm>> -> memref<40550400xf32, #tpu.memory_space<hbm>>
    tpu.enqueue_indirect_dma source(%dma_start3A_1969 : memref<40550400xf32, #tpu.memory_space<hbm>>) target(%dma_start3A_1964 : memref<96xf32, #tpu.memory_space<vmem>>) offsets(%dma_start3A_1967 : memref<96xi32, #tpu.memory_space<vmem>>) semaphore(%arg11 : memref<!tpu.dma_semaphore, #tpu.memory_space<semaphore_mem>>)
    %dma_start3A_1970 = arith.constant 7 : i32
    %dma_start3A_1971 = arith.constant 1 : i32
    %dma_start3A_1972 = arith.constant 7 : i32
    %dma_start3A_1973 = arith.constant 96 : i32
    %dma_start3A_1974 = tpu.memref_slice %arg8[%dma_start3A_1972, %dma_start3A_1973] : memref<11x192xf32, #tpu.memory_space<vmem>> -> memref<1x96xf32, #tpu.memory_space<vmem>>
    %dma_start3A_1975 = tpu.memref_squeeze %dma_start3A_1974 : memref<1x96xf32, #tpu.memory_space<vmem>> -> memref<96xf32, #tpu.memory_space<vmem>>
    %dma_start3A_1976 = arith.constant 0 : i32
    %dma_start3A_1977 = tpu.memref_slice %arg7[%dma_start3A_1970, %dma_start3A_1971, %dma_start3A_1976] : memref<11x2x96xi32, #tpu.memory_space<vmem>> -> memref<1x1x96xi32, #tpu.memory_space<vmem>>
    %dma_start3A_1978 = tpu.memref_squeeze %dma_start3A_1977 : memref<1x1x96xi32, #tpu.memory_space<vmem>> -> memref<96xi32, #tpu.memory_space<vmem>>
    %dma_start3A_1979 = arith.constant 0 : i32
    %dma_start3A_1980 = tpu.memref_slice %arg4[%dma_start3A_1979] : memref<40550400xf32, #tpu.memory_space<hbm>> -> memref<40550400xf32, #tpu.memory_space<hbm>>
    tpu.enqueue_indirect_dma source(%dma_start3A_1980 : memref<40550400xf32, #tpu.memory_space<hbm>>) target(%dma_start3A_1975 : memref<96xf32, #tpu.memory_space<vmem>>) offsets(%dma_start3A_1978 : memref<96xi32, #tpu.memory_space<vmem>>) semaphore(%arg11 : memref<!tpu.dma_semaphore, #tpu.memory_space<semaphore_mem>>)
    %dma_start3A_1981 = arith.constant 8 : i32
    %dma_start3A_1982 = arith.constant 0 : i32
    %dma_start3A_1983 = arith.constant 8 : i32
    %dma_start3A_1984 = arith.constant 0 : i32
    %dma_start3A_1985 = tpu.memref_slice %arg8[%dma_start3A_1983, %dma_start3A_1984] : memref<11x192xf32, #tpu.memory_space<vmem>> -> memref<1x96xf32, #tpu.memory_space<vmem>>
    %dma_start3A_1986 = tpu.memref_squeeze %dma_start3A_1985 : memref<1x96xf32, #tpu.memory_space<vmem>> -> memref<96xf32, #tpu.memory_space<vmem>>
    %dma_start3A_1987 = arith.constant 0 : i32
    %dma_start3A_1988 = tpu.memref_slice %arg7[%dma_start3A_1981, %dma_start3A_1982, %dma_start3A_1987] : memref<11x2x96xi32, #tpu.memory_space<vmem>> -> memref<1x1x96xi32, #tpu.memory_space<vmem>>
    %dma_start3A_1989 = tpu.memref_squeeze %dma_start3A_1988 : memref<1x1x96xi32, #tpu.memory_space<vmem>> -> memref<96xi32, #tpu.memory_space<vmem>>
    %dma_start3A_1990 = arith.constant 0 : i32
    %dma_start3A_1991 = tpu.memref_slice %arg4[%dma_start3A_1990] : memref<40550400xf32, #tpu.memory_space<hbm>> -> memref<40550400xf32, #tpu.memory_space<hbm>>
    tpu.enqueue_indirect_dma source(%dma_start3A_1991 : memref<40550400xf32, #tpu.memory_space<hbm>>) target(%dma_start3A_1986 : memref<96xf32, #tpu.memory_space<vmem>>) offsets(%dma_start3A_1989 : memref<96xi32, #tpu.memory_space<vmem>>) semaphore(%arg11 : memref<!tpu.dma_semaphore, #tpu.memory_space<semaphore_mem>>)
    %dma_start3A_1992 = arith.constant 8 : i32
    %dma_start3A_1993 = arith.constant 1 : i32
    %dma_start3A_1994 = arith.constant 8 : i32
    %dma_start3A_1995 = arith.constant 96 : i32
    %dma_start3A_1996 = tpu.memref_slice %arg8[%dma_start3A_1994, %dma_start3A_1995] : memref<11x192xf32, #tpu.memory_space<vmem>> -> memref<1x96xf32, #tpu.memory_space<vmem>>
    %dma_start3A_1997 = tpu.memref_squeeze %dma_start3A_1996 : memref<1x96xf32, #tpu.memory_space<vmem>> -> memref<96xf32, #tpu.memory_space<vmem>>
    %dma_start3A_1998 = arith.constant 0 : i32
    %dma_start3A_1999 = tpu.memref_slice %arg7[%dma_start3A_1992, %dma_start3A_1993, %dma_start3A_1998] : memref<11x2x96xi32, #tpu.memory_space<vmem>> -> memref<1x1x96xi32, #tpu.memory_space<vmem>>
    %dma_start3A_2000 = tpu.memref_squeeze %dma_start3A_1999 : memref<1x1x96xi32, #tpu.memory_space<vmem>> -> memref<96xi32, #tpu.memory_space<vmem>>
    %dma_start3A_2001 = arith.constant 0 : i32
    %dma_start3A_2002 = tpu.memref_slice %arg4[%dma_start3A_2001] : memref<40550400xf32, #tpu.memory_space<hbm>> -> memref<40550400xf32, #tpu.memory_space<hbm>>
    tpu.enqueue_indirect_dma source(%dma_start3A_2002 : memref<40550400xf32, #tpu.memory_space<hbm>>) target(%dma_start3A_1997 : memref<96xf32, #tpu.memory_space<vmem>>) offsets(%dma_start3A_2000 : memref<96xi32, #tpu.memory_space<vmem>>) semaphore(%arg11 : memref<!tpu.dma_semaphore, #tpu.memory_space<semaphore_mem>>)
    %dma_start3A_2003 = arith.constant 9 : i32
    %dma_start3A_2004 = arith.constant 0 : i32
    %dma_start3A_2005 = arith.constant 9 : i32
    %dma_start3A_2006 = arith.constant 0 : i32
    %dma_start3A_2007 = tpu.memref_slice %arg8[%dma_start3A_2005, %dma_start3A_2006] : memref<11x192xf32, #tpu.memory_space<vmem>> -> memref<1x96xf32, #tpu.memory_space<vmem>>
    %dma_start3A_2008 = tpu.memref_squeeze %dma_start3A_2007 : memref<1x96xf32, #tpu.memory_space<vmem>> -> memref<96xf32, #tpu.memory_space<vmem>>
    %dma_start3A_2009 = arith.constant 0 : i32
    %dma_start3A_2010 = tpu.memref_slice %arg7[%dma_start3A_2003, %dma_start3A_2004, %dma_start3A_2009] : memref<11x2x96xi32, #tpu.memory_space<vmem>> -> memref<1x1x96xi32, #tpu.memory_space<vmem>>
    %dma_start3A_2011 = tpu.memref_squeeze %dma_start3A_2010 : memref<1x1x96xi32, #tpu.memory_space<vmem>> -> memref<96xi32, #tpu.memory_space<vmem>>
    %dma_start3A_2012 = arith.constant 0 : i32
    %dma_start3A_2013 = tpu.memref_slice %arg4[%dma_start3A_2012] : memref<40550400xf32, #tpu.memory_space<hbm>> -> memref<40550400xf32, #tpu.memory_space<hbm>>
    tpu.enqueue_indirect_dma source(%dma_start3A_2013 : memref<40550400xf32, #tpu.memory_space<hbm>>) target(%dma_start3A_2008 : memref<96xf32, #tpu.memory_space<vmem>>) offsets(%dma_start3A_2011 : memref<96xi32, #tpu.memory_space<vmem>>) semaphore(%arg11 : memref<!tpu.dma_semaphore, #tpu.memory_space<semaphore_mem>>)
    %dma_start3A_2014 = arith.constant 9 : i32
    %dma_start3A_2015 = arith.constant 1 : i32
    %dma_start3A_2016 = arith.constant 9 : i32
    %dma_start3A_2017 = arith.constant 96 : i32
    %dma_start3A_2018 = tpu.memref_slice %arg8[%dma_start3A_2016, %dma_start3A_2017] : memref<11x192xf32, #tpu.memory_space<vmem>> -> memref<1x96xf32, #tpu.memory_space<vmem>>
    %dma_start3A_2019 = tpu.memref_squeeze %dma_start3A_2018 : memref<1x96xf32, #tpu.memory_space<vmem>> -> memref<96xf32, #tpu.memory_space<vmem>>
    %dma_start3A_2020 = arith.constant 0 : i32
    %dma_start3A_2021 = tpu.memref_slice %arg7[%dma_start3A_2014, %dma_start3A_2015, %dma_start3A_2020] : memref<11x2x96xi32, #tpu.memory_space<vmem>> -> memref<1x1x96xi32, #tpu.memory_space<vmem>>
    %dma_start3A_2022 = tpu.memref_squeeze %dma_start3A_2021 : memref<1x1x96xi32, #tpu.memory_space<vmem>> -> memref<96xi32, #tpu.memory_space<vmem>>
    %dma_start3A_2023 = arith.constant 0 : i32
    %dma_start3A_2024 = tpu.memref_slice %arg4[%dma_start3A_2023] : memref<40550400xf32, #tpu.memory_space<hbm>> -> memref<40550400xf32, #tpu.memory_space<hbm>>
    tpu.enqueue_indirect_dma source(%dma_start3A_2024 : memref<40550400xf32, #tpu.memory_space<hbm>>) target(%dma_start3A_2019 : memref<96xf32, #tpu.memory_space<vmem>>) offsets(%dma_start3A_2022 : memref<96xi32, #tpu.memory_space<vmem>>) semaphore(%arg11 : memref<!tpu.dma_semaphore, #tpu.memory_space<semaphore_mem>>)
    %dma_start3A_2025 = arith.constant 10 : i32
    %dma_start3A_2026 = arith.constant 0 : i32
    %dma_start3A_2027 = arith.constant 10 : i32
    %dma_start3A_2028 = arith.constant 0 : i32
    %dma_start3A_2029 = tpu.memref_slice %arg8[%dma_start3A_2027, %dma_start3A_2028] : memref<11x192xf32, #tpu.memory_space<vmem>> -> memref<1x96xf32, #tpu.memory_space<vmem>>
    %dma_start3A_2030 = tpu.memref_squeeze %dma_start3A_2029 : memref<1x96xf32, #tpu.memory_space<vmem>> -> memref<96xf32, #tpu.memory_space<vmem>>
    %dma_start3A_2031 = arith.constant 0 : i32
    %dma_start3A_2032 = tpu.memref_slice %arg7[%dma_start3A_2025, %dma_start3A_2026, %dma_start3A_2031] : memref<11x2x96xi32, #tpu.memory_space<vmem>> -> memref<1x1x96xi32, #tpu.memory_space<vmem>>
    %dma_start3A_2033 = tpu.memref_squeeze %dma_start3A_2032 : memref<1x1x96xi32, #tpu.memory_space<vmem>> -> memref<96xi32, #tpu.memory_space<vmem>>
    %dma_start3A_2034 = arith.constant 0 : i32
    %dma_start3A_2035 = tpu.memref_slice %arg4[%dma_start3A_2034] : memref<40550400xf32, #tpu.memory_space<hbm>> -> memref<40550400xf32, #tpu.memory_space<hbm>>
    tpu.enqueue_indirect_dma source(%dma_start3A_2035 : memref<40550400xf32, #tpu.memory_space<hbm>>) target(%dma_start3A_2030 : memref<96xf32, #tpu.memory_space<vmem>>) offsets(%dma_start3A_2033 : memref<96xi32, #tpu.memory_space<vmem>>) semaphore(%arg11 : memref<!tpu.dma_semaphore, #tpu.memory_space<semaphore_mem>>)
    %dma_start3A_2036 = arith.constant 10 : i32
    %dma_start3A_2037 = arith.constant 1 : i32
    %dma_start3A_2038 = arith.constant 10 : i32
    %dma_start3A_2039 = arith.constant 96 : i32
    %dma_start3A_2040 = tpu.memref_slice %arg8[%dma_start3A_2038, %dma_start3A_2039] : memref<11x192xf32, #tpu.memory_space<vmem>> -> memref<1x96xf32, #tpu.memory_space<vmem>>
    %dma_start3A_2041 = tpu.memref_squeeze %dma_start3A_2040 : memref<1x96xf32, #tpu.memory_space<vmem>> -> memref<96xf32, #tpu.memory_space<vmem>>
    %dma_start3A_2042 = arith.constant 0 : i32
    %dma_start3A_2043 = tpu.memref_slice %arg7[%dma_start3A_2036, %dma_start3A_2037, %dma_start3A_2042] : memref<11x2x96xi32, #tpu.memory_space<vmem>> -> memref<1x1x96xi32, #tpu.memory_space<vmem>>
    %dma_start3A_2044 = tpu.memref_squeeze %dma_start3A_2043 : memref<1x1x96xi32, #tpu.memory_space<vmem>> -> memref<96xi32, #tpu.memory_space<vmem>>
    %dma_start3A_2045 = arith.constant 0 : i32
    %dma_start3A_2046 = tpu.memref_slice %arg4[%dma_start3A_2045] : memref<40550400xf32, #tpu.memory_space<hbm>> -> memref<40550400xf32, #tpu.memory_space<hbm>>
    tpu.enqueue_indirect_dma source(%dma_start3A_2046 : memref<40550400xf32, #tpu.memory_space<hbm>>) target(%dma_start3A_2041 : memref<96xf32, #tpu.memory_space<vmem>>) offsets(%dma_start3A_2044 : memref<96xi32, #tpu.memory_space<vmem>>) semaphore(%arg11 : memref<!tpu.dma_semaphore, #tpu.memory_space<semaphore_mem>>)
    %dma_wait3A_2047 = arith.constant 0 : i32
    %dma_wait3A_2048 = arith.constant 0 : i32
    %dma_wait3A_2049 = arith.constant 0 : i32
    %dma_wait3A_2050 = arith.constant 0 : i32
    %dma_wait3A_2051 = tpu.memref_slice %arg8[%dma_wait3A_2049, %dma_wait3A_2050] : memref<11x192xf32, #tpu.memory_space<vmem>> -> memref<1x96xf32, #tpu.memory_space<vmem>>
    %dma_wait3A_2052 = tpu.memref_squeeze %dma_wait3A_2051 : memref<1x96xf32, #tpu.memory_space<vmem>> -> memref<96xf32, #tpu.memory_space<vmem>>
    %dma_wait3A_2053 = arith.constant 0 : i32
    %dma_wait3A_2054 = tpu.memref_slice %arg7[%dma_wait3A_2047, %dma_wait3A_2048, %dma_wait3A_2053] : memref<11x2x96xi32, #tpu.memory_space<vmem>> -> memref<1x1x96xi32, #tpu.memory_space<vmem>>
    %dma_wait3A_2055 = tpu.memref_squeeze %dma_wait3A_2054 : memref<1x1x96xi32, #tpu.memory_space<vmem>> -> memref<96xi32, #tpu.memory_space<vmem>>
    %dma_wait3A_2056 = arith.constant 0 : i32
    %dma_wait3A_2057 = tpu.memref_slice %arg4[%dma_wait3A_2056] : memref<40550400xf32, #tpu.memory_space<hbm>> -> memref<40550400xf32, #tpu.memory_space<hbm>>
    tpu.wait_indirect_dma semaphore(%arg11 : memref<!tpu.dma_semaphore, #tpu.memory_space<semaphore_mem>>) src(%dma_wait3A_2057 : memref<40550400xf32, #tpu.memory_space<hbm>>) dst(%dma_wait3A_2052 : memref<96xf32, #tpu.memory_space<vmem>>)
    %dma_wait3A_2058 = arith.constant 0 : i32
    %dma_wait3A_2059 = arith.constant 1 : i32
    %dma_wait3A_2060 = arith.constant 0 : i32
    %dma_wait3A_2061 = arith.constant 96 : i32
    %dma_wait3A_2062 = tpu.memref_slice %arg8[%dma_wait3A_2060, %dma_wait3A_2061] : memref<11x192xf32, #tpu.memory_space<vmem>> -> memref<1x96xf32, #tpu.memory_space<vmem>>
    %dma_wait3A_2063 = tpu.memref_squeeze %dma_wait3A_2062 : memref<1x96xf32, #tpu.memory_space<vmem>> -> memref<96xf32, #tpu.memory_space<vmem>>
    %dma_wait3A_2064 = arith.constant 0 : i32
    %dma_wait3A_2065 = tpu.memref_slice %arg7[%dma_wait3A_2058, %dma_wait3A_2059, %dma_wait3A_2064] : memref<11x2x96xi32, #tpu.memory_space<vmem>> -> memref<1x1x96xi32, #tpu.memory_space<vmem>>
    %dma_wait3A_2066 = tpu.memref_squeeze %dma_wait3A_2065 : memref<1x1x96xi32, #tpu.memory_space<vmem>> -> memref<96xi32, #tpu.memory_space<vmem>>
    %dma_wait3A_2067 = arith.constant 0 : i32
    %dma_wait3A_2068 = tpu.memref_slice %arg4[%dma_wait3A_2067] : memref<40550400xf32, #tpu.memory_space<hbm>> -> memref<40550400xf32, #tpu.memory_space<hbm>>
    tpu.wait_indirect_dma semaphore(%arg11 : memref<!tpu.dma_semaphore, #tpu.memory_space<semaphore_mem>>) src(%dma_wait3A_2068 : memref<40550400xf32, #tpu.memory_space<hbm>>) dst(%dma_wait3A_2063 : memref<96xf32, #tpu.memory_space<vmem>>)
    %dma_wait3A_2069 = arith.constant 1 : i32
    %dma_wait3A_2070 = arith.constant 0 : i32
    %dma_wait3A_2071 = arith.constant 1 : i32
    %dma_wait3A_2072 = arith.constant 0 : i32
    %dma_wait3A_2073 = tpu.memref_slice %arg8[%dma_wait3A_2071, %dma_wait3A_2072] : memref<11x192xf32, #tpu.memory_space<vmem>> -> memref<1x96xf32, #tpu.memory_space<vmem>>
    %dma_wait3A_2074 = tpu.memref_squeeze %dma_wait3A_2073 : memref<1x96xf32, #tpu.memory_space<vmem>> -> memref<96xf32, #tpu.memory_space<vmem>>
    %dma_wait3A_2075 = arith.constant 0 : i32
    %dma_wait3A_2076 = tpu.memref_slice %arg7[%dma_wait3A_2069, %dma_wait3A_2070, %dma_wait3A_2075] : memref<11x2x96xi32, #tpu.memory_space<vmem>> -> memref<1x1x96xi32, #tpu.memory_space<vmem>>
    %dma_wait3A_2077 = tpu.memref_squeeze %dma_wait3A_2076 : memref<1x1x96xi32, #tpu.memory_space<vmem>> -> memref<96xi32, #tpu.memory_space<vmem>>
    %dma_wait3A_2078 = arith.constant 0 : i32
    %dma_wait3A_2079 = tpu.memref_slice %arg4[%dma_wait3A_2078] : memref<40550400xf32, #tpu.memory_space<hbm>> -> memref<40550400xf32, #tpu.memory_space<hbm>>
    tpu.wait_indirect_dma semaphore(%arg11 : memref<!tpu.dma_semaphore, #tpu.memory_space<semaphore_mem>>) src(%dma_wait3A_2079 : memref<40550400xf32, #tpu.memory_space<hbm>>) dst(%dma_wait3A_2074 : memref<96xf32, #tpu.memory_space<vmem>>)
    %dma_wait3A_2080 = arith.constant 1 : i32
    %dma_wait3A_2081 = arith.constant 1 : i32
    %dma_wait3A_2082 = arith.constant 1 : i32
    %dma_wait3A_2083 = arith.constant 96 : i32
    %dma_wait3A_2084 = tpu.memref_slice %arg8[%dma_wait3A_2082, %dma_wait3A_2083] : memref<11x192xf32, #tpu.memory_space<vmem>> -> memref<1x96xf32, #tpu.memory_space<vmem>>
    %dma_wait3A_2085 = tpu.memref_squeeze %dma_wait3A_2084 : memref<1x96xf32, #tpu.memory_space<vmem>> -> memref<96xf32, #tpu.memory_space<vmem>>
    %dma_wait3A_2086 = arith.constant 0 : i32
    %dma_wait3A_2087 = tpu.memref_slice %arg7[%dma_wait3A_2080, %dma_wait3A_2081, %dma_wait3A_2086] : memref<11x2x96xi32, #tpu.memory_space<vmem>> -> memref<1x1x96xi32, #tpu.memory_space<vmem>>
    %dma_wait3A_2088 = tpu.memref_squeeze %dma_wait3A_2087 : memref<1x1x96xi32, #tpu.memory_space<vmem>> -> memref<96xi32, #tpu.memory_space<vmem>>
    %dma_wait3A_2089 = arith.constant 0 : i32
    %dma_wait3A_2090 = tpu.memref_slice %arg4[%dma_wait3A_2089] : memref<40550400xf32, #tpu.memory_space<hbm>> -> memref<40550400xf32, #tpu.memory_space<hbm>>
    tpu.wait_indirect_dma semaphore(%arg11 : memref<!tpu.dma_semaphore, #tpu.memory_space<semaphore_mem>>) src(%dma_wait3A_2090 : memref<40550400xf32, #tpu.memory_space<hbm>>) dst(%dma_wait3A_2085 : memref<96xf32, #tpu.memory_space<vmem>>)
    %dma_wait3A_2091 = arith.constant 2 : i32
    %dma_wait3A_2092 = arith.constant 0 : i32
    %dma_wait3A_2093 = arith.constant 2 : i32
    %dma_wait3A_2094 = arith.constant 0 : i32
    %dma_wait3A_2095 = tpu.memref_slice %arg8[%dma_wait3A_2093, %dma_wait3A_2094] : memref<11x192xf32, #tpu.memory_space<vmem>> -> memref<1x96xf32, #tpu.memory_space<vmem>>
    %dma_wait3A_2096 = tpu.memref_squeeze %dma_wait3A_2095 : memref<1x96xf32, #tpu.memory_space<vmem>> -> memref<96xf32, #tpu.memory_space<vmem>>
    %dma_wait3A_2097 = arith.constant 0 : i32
    %dma_wait3A_2098 = tpu.memref_slice %arg7[%dma_wait3A_2091, %dma_wait3A_2092, %dma_wait3A_2097] : memref<11x2x96xi32, #tpu.memory_space<vmem>> -> memref<1x1x96xi32, #tpu.memory_space<vmem>>
    %dma_wait3A_2099 = tpu.memref_squeeze %dma_wait3A_2098 : memref<1x1x96xi32, #tpu.memory_space<vmem>> -> memref<96xi32, #tpu.memory_space<vmem>>
    %dma_wait3A_2100 = arith.constant 0 : i32
    %dma_wait3A_2101 = tpu.memref_slice %arg4[%dma_wait3A_2100] : memref<40550400xf32, #tpu.memory_space<hbm>> -> memref<40550400xf32, #tpu.memory_space<hbm>>
    tpu.wait_indirect_dma semaphore(%arg11 : memref<!tpu.dma_semaphore, #tpu.memory_space<semaphore_mem>>) src(%dma_wait3A_2101 : memref<40550400xf32, #tpu.memory_space<hbm>>) dst(%dma_wait3A_2096 : memref<96xf32, #tpu.memory_space<vmem>>)
    %dma_wait3A_2102 = arith.constant 2 : i32
    %dma_wait3A_2103 = arith.constant 1 : i32
    %dma_wait3A_2104 = arith.constant 2 : i32
    %dma_wait3A_2105 = arith.constant 96 : i32
    %dma_wait3A_2106 = tpu.memref_slice %arg8[%dma_wait3A_2104, %dma_wait3A_2105] : memref<11x192xf32, #tpu.memory_space<vmem>> -> memref<1x96xf32, #tpu.memory_space<vmem>>
    %dma_wait3A_2107 = tpu.memref_squeeze %dma_wait3A_2106 : memref<1x96xf32, #tpu.memory_space<vmem>> -> memref<96xf32, #tpu.memory_space<vmem>>
    %dma_wait3A_2108 = arith.constant 0 : i32
    %dma_wait3A_2109 = tpu.memref_slice %arg7[%dma_wait3A_2102, %dma_wait3A_2103, %dma_wait3A_2108] : memref<11x2x96xi32, #tpu.memory_space<vmem>> -> memref<1x1x96xi32, #tpu.memory_space<vmem>>
    %dma_wait3A_2110 = tpu.memref_squeeze %dma_wait3A_2109 : memref<1x1x96xi32, #tpu.memory_space<vmem>> -> memref<96xi32, #tpu.memory_space<vmem>>
    %dma_wait3A_2111 = arith.constant 0 : i32
    %dma_wait3A_2112 = tpu.memref_slice %arg4[%dma_wait3A_2111] : memref<40550400xf32, #tpu.memory_space<hbm>> -> memref<40550400xf32, #tpu.memory_space<hbm>>
    tpu.wait_indirect_dma semaphore(%arg11 : memref<!tpu.dma_semaphore, #tpu.memory_space<semaphore_mem>>) src(%dma_wait3A_2112 : memref<40550400xf32, #tpu.memory_space<hbm>>) dst(%dma_wait3A_2107 : memref<96xf32, #tpu.memory_space<vmem>>)
    %dma_wait3A_2113 = arith.constant 3 : i32
    %dma_wait3A_2114 = arith.constant 0 : i32
    %dma_wait3A_2115 = arith.constant 3 : i32
    %dma_wait3A_2116 = arith.constant 0 : i32
    %dma_wait3A_2117 = tpu.memref_slice %arg8[%dma_wait3A_2115, %dma_wait3A_2116] : memref<11x192xf32, #tpu.memory_space<vmem>> -> memref<1x96xf32, #tpu.memory_space<vmem>>
    %dma_wait3A_2118 = tpu.memref_squeeze %dma_wait3A_2117 : memref<1x96xf32, #tpu.memory_space<vmem>> -> memref<96xf32, #tpu.memory_space<vmem>>
    %dma_wait3A_2119 = arith.constant 0 : i32
    %dma_wait3A_2120 = tpu.memref_slice %arg7[%dma_wait3A_2113, %dma_wait3A_2114, %dma_wait3A_2119] : memref<11x2x96xi32, #tpu.memory_space<vmem>> -> memref<1x1x96xi32, #tpu.memory_space<vmem>>
    %dma_wait3A_2121 = tpu.memref_squeeze %dma_wait3A_2120 : memref<1x1x96xi32, #tpu.memory_space<vmem>> -> memref<96xi32, #tpu.memory_space<vmem>>
    %dma_wait3A_2122 = arith.constant 0 : i32
    %dma_wait3A_2123 = tpu.memref_slice %arg4[%dma_wait3A_2122] : memref<40550400xf32, #tpu.memory_space<hbm>> -> memref<40550400xf32, #tpu.memory_space<hbm>>
    tpu.wait_indirect_dma semaphore(%arg11 : memref<!tpu.dma_semaphore, #tpu.memory_space<semaphore_mem>>) src(%dma_wait3A_2123 : memref<40550400xf32, #tpu.memory_space<hbm>>) dst(%dma_wait3A_2118 : memref<96xf32, #tpu.memory_space<vmem>>)
    %dma_wait3A_2124 = arith.constant 3 : i32
    %dma_wait3A_2125 = arith.constant 1 : i32
    %dma_wait3A_2126 = arith.constant 3 : i32
    %dma_wait3A_2127 = arith.constant 96 : i32
    %dma_wait3A_2128 = tpu.memref_slice %arg8[%dma_wait3A_2126, %dma_wait3A_2127] : memref<11x192xf32, #tpu.memory_space<vmem>> -> memref<1x96xf32, #tpu.memory_space<vmem>>
    %dma_wait3A_2129 = tpu.memref_squeeze %dma_wait3A_2128 : memref<1x96xf32, #tpu.memory_space<vmem>> -> memref<96xf32, #tpu.memory_space<vmem>>
    %dma_wait3A_2130 = arith.constant 0 : i32
    %dma_wait3A_2131 = tpu.memref_slice %arg7[%dma_wait3A_2124, %dma_wait3A_2125, %dma_wait3A_2130] : memref<11x2x96xi32, #tpu.memory_space<vmem>> -> memref<1x1x96xi32, #tpu.memory_space<vmem>>
    %dma_wait3A_2132 = tpu.memref_squeeze %dma_wait3A_2131 : memref<1x1x96xi32, #tpu.memory_space<vmem>> -> memref<96xi32, #tpu.memory_space<vmem>>
    %dma_wait3A_2133 = arith.constant 0 : i32
    %dma_wait3A_2134 = tpu.memref_slice %arg4[%dma_wait3A_2133] : memref<40550400xf32, #tpu.memory_space<hbm>> -> memref<40550400xf32, #tpu.memory_space<hbm>>
    tpu.wait_indirect_dma semaphore(%arg11 : memref<!tpu.dma_semaphore, #tpu.memory_space<semaphore_mem>>) src(%dma_wait3A_2134 : memref<40550400xf32, #tpu.memory_space<hbm>>) dst(%dma_wait3A_2129 : memref<96xf32, #tpu.memory_space<vmem>>)
    %dma_wait3A_2135 = arith.constant 4 : i32
    %dma_wait3A_2136 = arith.constant 0 : i32
    %dma_wait3A_2137 = arith.constant 4 : i32
    %dma_wait3A_2138 = arith.constant 0 : i32
    %dma_wait3A_2139 = tpu.memref_slice %arg8[%dma_wait3A_2137, %dma_wait3A_2138] : memref<11x192xf32, #tpu.memory_space<vmem>> -> memref<1x96xf32, #tpu.memory_space<vmem>>
    %dma_wait3A_2140 = tpu.memref_squeeze %dma_wait3A_2139 : memref<1x96xf32, #tpu.memory_space<vmem>> -> memref<96xf32, #tpu.memory_space<vmem>>
    %dma_wait3A_2141 = arith.constant 0 : i32
    %dma_wait3A_2142 = tpu.memref_slice %arg7[%dma_wait3A_2135, %dma_wait3A_2136, %dma_wait3A_2141] : memref<11x2x96xi32, #tpu.memory_space<vmem>> -> memref<1x1x96xi32, #tpu.memory_space<vmem>>
    %dma_wait3A_2143 = tpu.memref_squeeze %dma_wait3A_2142 : memref<1x1x96xi32, #tpu.memory_space<vmem>> -> memref<96xi32, #tpu.memory_space<vmem>>
    %dma_wait3A_2144 = arith.constant 0 : i32
    %dma_wait3A_2145 = tpu.memref_slice %arg4[%dma_wait3A_2144] : memref<40550400xf32, #tpu.memory_space<hbm>> -> memref<40550400xf32, #tpu.memory_space<hbm>>
    tpu.wait_indirect_dma semaphore(%arg11 : memref<!tpu.dma_semaphore, #tpu.memory_space<semaphore_mem>>) src(%dma_wait3A_2145 : memref<40550400xf32, #tpu.memory_space<hbm>>) dst(%dma_wait3A_2140 : memref<96xf32, #tpu.memory_space<vmem>>)
    %dma_wait3A_2146 = arith.constant 4 : i32
    %dma_wait3A_2147 = arith.constant 1 : i32
    %dma_wait3A_2148 = arith.constant 4 : i32
    %dma_wait3A_2149 = arith.constant 96 : i32
    %dma_wait3A_2150 = tpu.memref_slice %arg8[%dma_wait3A_2148, %dma_wait3A_2149] : memref<11x192xf32, #tpu.memory_space<vmem>> -> memref<1x96xf32, #tpu.memory_space<vmem>>
    %dma_wait3A_2151 = tpu.memref_squeeze %dma_wait3A_2150 : memref<1x96xf32, #tpu.memory_space<vmem>> -> memref<96xf32, #tpu.memory_space<vmem>>
    %dma_wait3A_2152 = arith.constant 0 : i32
    %dma_wait3A_2153 = tpu.memref_slice %arg7[%dma_wait3A_2146, %dma_wait3A_2147, %dma_wait3A_2152] : memref<11x2x96xi32, #tpu.memory_space<vmem>> -> memref<1x1x96xi32, #tpu.memory_space<vmem>>
    %dma_wait3A_2154 = tpu.memref_squeeze %dma_wait3A_2153 : memref<1x1x96xi32, #tpu.memory_space<vmem>> -> memref<96xi32, #tpu.memory_space<vmem>>
    %dma_wait3A_2155 = arith.constant 0 : i32
    %dma_wait3A_2156 = tpu.memref_slice %arg4[%dma_wait3A_2155] : memref<40550400xf32, #tpu.memory_space<hbm>> -> memref<40550400xf32, #tpu.memory_space<hbm>>
    tpu.wait_indirect_dma semaphore(%arg11 : memref<!tpu.dma_semaphore, #tpu.memory_space<semaphore_mem>>) src(%dma_wait3A_2156 : memref<40550400xf32, #tpu.memory_space<hbm>>) dst(%dma_wait3A_2151 : memref<96xf32, #tpu.memory_space<vmem>>)
    %dma_wait3A_2157 = arith.constant 5 : i32
    %dma_wait3A_2158 = arith.constant 0 : i32
    %dma_wait3A_2159 = arith.constant 5 : i32
    %dma_wait3A_2160 = arith.constant 0 : i32
    %dma_wait3A_2161 = tpu.memref_slice %arg8[%dma_wait3A_2159, %dma_wait3A_2160] : memref<11x192xf32, #tpu.memory_space<vmem>> -> memref<1x96xf32, #tpu.memory_space<vmem>>
    %dma_wait3A_2162 = tpu.memref_squeeze %dma_wait3A_2161 : memref<1x96xf32, #tpu.memory_space<vmem>> -> memref<96xf32, #tpu.memory_space<vmem>>
    %dma_wait3A_2163 = arith.constant 0 : i32
    %dma_wait3A_2164 = tpu.memref_slice %arg7[%dma_wait3A_2157, %dma_wait3A_2158, %dma_wait3A_2163] : memref<11x2x96xi32, #tpu.memory_space<vmem>> -> memref<1x1x96xi32, #tpu.memory_space<vmem>>
    %dma_wait3A_2165 = tpu.memref_squeeze %dma_wait3A_2164 : memref<1x1x96xi32, #tpu.memory_space<vmem>> -> memref<96xi32, #tpu.memory_space<vmem>>
    %dma_wait3A_2166 = arith.constant 0 : i32
    %dma_wait3A_2167 = tpu.memref_slice %arg4[%dma_wait3A_2166] : memref<40550400xf32, #tpu.memory_space<hbm>> -> memref<40550400xf32, #tpu.memory_space<hbm>>
    tpu.wait_indirect_dma semaphore(%arg11 : memref<!tpu.dma_semaphore, #tpu.memory_space<semaphore_mem>>) src(%dma_wait3A_2167 : memref<40550400xf32, #tpu.memory_space<hbm>>) dst(%dma_wait3A_2162 : memref<96xf32, #tpu.memory_space<vmem>>)
    %dma_wait3A_2168 = arith.constant 5 : i32
    %dma_wait3A_2169 = arith.constant 1 : i32
    %dma_wait3A_2170 = arith.constant 5 : i32
    %dma_wait3A_2171 = arith.constant 96 : i32
    %dma_wait3A_2172 = tpu.memref_slice %arg8[%dma_wait3A_2170, %dma_wait3A_2171] : memref<11x192xf32, #tpu.memory_space<vmem>> -> memref<1x96xf32, #tpu.memory_space<vmem>>
    %dma_wait3A_2173 = tpu.memref_squeeze %dma_wait3A_2172 : memref<1x96xf32, #tpu.memory_space<vmem>> -> memref<96xf32, #tpu.memory_space<vmem>>
    %dma_wait3A_2174 = arith.constant 0 : i32
    %dma_wait3A_2175 = tpu.memref_slice %arg7[%dma_wait3A_2168, %dma_wait3A_2169, %dma_wait3A_2174] : memref<11x2x96xi32, #tpu.memory_space<vmem>> -> memref<1x1x96xi32, #tpu.memory_space<vmem>>
    %dma_wait3A_2176 = tpu.memref_squeeze %dma_wait3A_2175 : memref<1x1x96xi32, #tpu.memory_space<vmem>> -> memref<96xi32, #tpu.memory_space<vmem>>
    %dma_wait3A_2177 = arith.constant 0 : i32
    %dma_wait3A_2178 = tpu.memref_slice %arg4[%dma_wait3A_2177] : memref<40550400xf32, #tpu.memory_space<hbm>> -> memref<40550400xf32, #tpu.memory_space<hbm>>
    tpu.wait_indirect_dma semaphore(%arg11 : memref<!tpu.dma_semaphore, #tpu.memory_space<semaphore_mem>>) src(%dma_wait3A_2178 : memref<40550400xf32, #tpu.memory_space<hbm>>) dst(%dma_wait3A_2173 : memref<96xf32, #tpu.memory_space<vmem>>)
    %dma_wait3A_2179 = arith.constant 6 : i32
    %dma_wait3A_2180 = arith.constant 0 : i32
    %dma_wait3A_2181 = arith.constant 6 : i32
    %dma_wait3A_2182 = arith.constant 0 : i32
    %dma_wait3A_2183 = tpu.memref_slice %arg8[%dma_wait3A_2181, %dma_wait3A_2182] : memref<11x192xf32, #tpu.memory_space<vmem>> -> memref<1x96xf32, #tpu.memory_space<vmem>>
    %dma_wait3A_2184 = tpu.memref_squeeze %dma_wait3A_2183 : memref<1x96xf32, #tpu.memory_space<vmem>> -> memref<96xf32, #tpu.memory_space<vmem>>
    %dma_wait3A_2185 = arith.constant 0 : i32
    %dma_wait3A_2186 = tpu.memref_slice %arg7[%dma_wait3A_2179, %dma_wait3A_2180, %dma_wait3A_2185] : memref<11x2x96xi32, #tpu.memory_space<vmem>> -> memref<1x1x96xi32, #tpu.memory_space<vmem>>
    %dma_wait3A_2187 = tpu.memref_squeeze %dma_wait3A_2186 : memref<1x1x96xi32, #tpu.memory_space<vmem>> -> memref<96xi32, #tpu.memory_space<vmem>>
    %dma_wait3A_2188 = arith.constant 0 : i32
    %dma_wait3A_2189 = tpu.memref_slice %arg4[%dma_wait3A_2188] : memref<40550400xf32, #tpu.memory_space<hbm>> -> memref<40550400xf32, #tpu.memory_space<hbm>>
    tpu.wait_indirect_dma semaphore(%arg11 : memref<!tpu.dma_semaphore, #tpu.memory_space<semaphore_mem>>) src(%dma_wait3A_2189 : memref<40550400xf32, #tpu.memory_space<hbm>>) dst(%dma_wait3A_2184 : memref<96xf32, #tpu.memory_space<vmem>>)
    %dma_wait3A_2190 = arith.constant 6 : i32
    %dma_wait3A_2191 = arith.constant 1 : i32
    %dma_wait3A_2192 = arith.constant 6 : i32
    %dma_wait3A_2193 = arith.constant 96 : i32
    %dma_wait3A_2194 = tpu.memref_slice %arg8[%dma_wait3A_2192, %dma_wait3A_2193] : memref<11x192xf32, #tpu.memory_space<vmem>> -> memref<1x96xf32, #tpu.memory_space<vmem>>
    %dma_wait3A_2195 = tpu.memref_squeeze %dma_wait3A_2194 : memref<1x96xf32, #tpu.memory_space<vmem>> -> memref<96xf32, #tpu.memory_space<vmem>>
    %dma_wait3A_2196 = arith.constant 0 : i32
    %dma_wait3A_2197 = tpu.memref_slice %arg7[%dma_wait3A_2190, %dma_wait3A_2191, %dma_wait3A_2196] : memref<11x2x96xi32, #tpu.memory_space<vmem>> -> memref<1x1x96xi32, #tpu.memory_space<vmem>>
    %dma_wait3A_2198 = tpu.memref_squeeze %dma_wait3A_2197 : memref<1x1x96xi32, #tpu.memory_space<vmem>> -> memref<96xi32, #tpu.memory_space<vmem>>
    %dma_wait3A_2199 = arith.constant 0 : i32
    %dma_wait3A_2200 = tpu.memref_slice %arg4[%dma_wait3A_2199] : memref<40550400xf32, #tpu.memory_space<hbm>> -> memref<40550400xf32, #tpu.memory_space<hbm>>
    tpu.wait_indirect_dma semaphore(%arg11 : memref<!tpu.dma_semaphore, #tpu.memory_space<semaphore_mem>>) src(%dma_wait3A_2200 : memref<40550400xf32, #tpu.memory_space<hbm>>) dst(%dma_wait3A_2195 : memref<96xf32, #tpu.memory_space<vmem>>)
    %dma_wait3A_2201 = arith.constant 7 : i32
    %dma_wait3A_2202 = arith.constant 0 : i32
    %dma_wait3A_2203 = arith.constant 7 : i32
    %dma_wait3A_2204 = arith.constant 0 : i32
    %dma_wait3A_2205 = tpu.memref_slice %arg8[%dma_wait3A_2203, %dma_wait3A_2204] : memref<11x192xf32, #tpu.memory_space<vmem>> -> memref<1x96xf32, #tpu.memory_space<vmem>>
    %dma_wait3A_2206 = tpu.memref_squeeze %dma_wait3A_2205 : memref<1x96xf32, #tpu.memory_space<vmem>> -> memref<96xf32, #tpu.memory_space<vmem>>
    %dma_wait3A_2207 = arith.constant 0 : i32
    %dma_wait3A_2208 = tpu.memref_slice %arg7[%dma_wait3A_2201, %dma_wait3A_2202, %dma_wait3A_2207] : memref<11x2x96xi32, #tpu.memory_space<vmem>> -> memref<1x1x96xi32, #tpu.memory_space<vmem>>
    %dma_wait3A_2209 = tpu.memref_squeeze %dma_wait3A_2208 : memref<1x1x96xi32, #tpu.memory_space<vmem>> -> memref<96xi32, #tpu.memory_space<vmem>>
    %dma_wait3A_2210 = arith.constant 0 : i32
    %dma_wait3A_2211 = tpu.memref_slice %arg4[%dma_wait3A_2210] : memref<40550400xf32, #tpu.memory_space<hbm>> -> memref<40550400xf32, #tpu.memory_space<hbm>>
    tpu.wait_indirect_dma semaphore(%arg11 : memref<!tpu.dma_semaphore, #tpu.memory_space<semaphore_mem>>) src(%dma_wait3A_2211 : memref<40550400xf32, #tpu.memory_space<hbm>>) dst(%dma_wait3A_2206 : memref<96xf32, #tpu.memory_space<vmem>>)
    %dma_wait3A_2212 = arith.constant 7 : i32
    %dma_wait3A_2213 = arith.constant 1 : i32
    %dma_wait3A_2214 = arith.constant 7 : i32
    %dma_wait3A_2215 = arith.constant 96 : i32
    %dma_wait3A_2216 = tpu.memref_slice %arg8[%dma_wait3A_2214, %dma_wait3A_2215] : memref<11x192xf32, #tpu.memory_space<vmem>> -> memref<1x96xf32, #tpu.memory_space<vmem>>
    %dma_wait3A_2217 = tpu.memref_squeeze %dma_wait3A_2216 : memref<1x96xf32, #tpu.memory_space<vmem>> -> memref<96xf32, #tpu.memory_space<vmem>>
    %dma_wait3A_2218 = arith.constant 0 : i32
    %dma_wait3A_2219 = tpu.memref_slice %arg7[%dma_wait3A_2212, %dma_wait3A_2213, %dma_wait3A_2218] : memref<11x2x96xi32, #tpu.memory_space<vmem>> -> memref<1x1x96xi32, #tpu.memory_space<vmem>>
    %dma_wait3A_2220 = tpu.memref_squeeze %dma_wait3A_2219 : memref<1x1x96xi32, #tpu.memory_space<vmem>> -> memref<96xi32, #tpu.memory_space<vmem>>
    %dma_wait3A_2221 = arith.constant 0 : i32
    %dma_wait3A_2222 = tpu.memref_slice %arg4[%dma_wait3A_2221] : memref<40550400xf32, #tpu.memory_space<hbm>> -> memref<40550400xf32, #tpu.memory_space<hbm>>
    tpu.wait_indirect_dma semaphore(%arg11 : memref<!tpu.dma_semaphore, #tpu.memory_space<semaphore_mem>>) src(%dma_wait3A_2222 : memref<40550400xf32, #tpu.memory_space<hbm>>) dst(%dma_wait3A_2217 : memref<96xf32, #tpu.memory_space<vmem>>)
    %dma_wait3A_2223 = arith.constant 8 : i32
    %dma_wait3A_2224 = arith.constant 0 : i32
    %dma_wait3A_2225 = arith.constant 8 : i32
    %dma_wait3A_2226 = arith.constant 0 : i32
    %dma_wait3A_2227 = tpu.memref_slice %arg8[%dma_wait3A_2225, %dma_wait3A_2226] : memref<11x192xf32, #tpu.memory_space<vmem>> -> memref<1x96xf32, #tpu.memory_space<vmem>>
    %dma_wait3A_2228 = tpu.memref_squeeze %dma_wait3A_2227 : memref<1x96xf32, #tpu.memory_space<vmem>> -> memref<96xf32, #tpu.memory_space<vmem>>
    %dma_wait3A_2229 = arith.constant 0 : i32
    %dma_wait3A_2230 = tpu.memref_slice %arg7[%dma_wait3A_2223, %dma_wait3A_2224, %dma_wait3A_2229] : memref<11x2x96xi32, #tpu.memory_space<vmem>> -> memref<1x1x96xi32, #tpu.memory_space<vmem>>
    %dma_wait3A_2231 = tpu.memref_squeeze %dma_wait3A_2230 : memref<1x1x96xi32, #tpu.memory_space<vmem>> -> memref<96xi32, #tpu.memory_space<vmem>>
    %dma_wait3A_2232 = arith.constant 0 : i32
    %dma_wait3A_2233 = tpu.memref_slice %arg4[%dma_wait3A_2232] : memref<40550400xf32, #tpu.memory_space<hbm>> -> memref<40550400xf32, #tpu.memory_space<hbm>>
    tpu.wait_indirect_dma semaphore(%arg11 : memref<!tpu.dma_semaphore, #tpu.memory_space<semaphore_mem>>) src(%dma_wait3A_2233 : memref<40550400xf32, #tpu.memory_space<hbm>>) dst(%dma_wait3A_2228 : memref<96xf32, #tpu.memory_space<vmem>>)
    %dma_wait3A_2234 = arith.constant 8 : i32
    %dma_wait3A_2235 = arith.constant 1 : i32
    %dma_wait3A_2236 = arith.constant 8 : i32
    %dma_wait3A_2237 = arith.constant 96 : i32
    %dma_wait3A_2238 = tpu.memref_slice %arg8[%dma_wait3A_2236, %dma_wait3A_2237] : memref<11x192xf32, #tpu.memory_space<vmem>> -> memref<1x96xf32, #tpu.memory_space<vmem>>
    %dma_wait3A_2239 = tpu.memref_squeeze %dma_wait3A_2238 : memref<1x96xf32, #tpu.memory_space<vmem>> -> memref<96xf32, #tpu.memory_space<vmem>>
    %dma_wait3A_2240 = arith.constant 0 : i32
    %dma_wait3A_2241 = tpu.memref_slice %arg7[%dma_wait3A_2234, %dma_wait3A_2235, %dma_wait3A_2240] : memref<11x2x96xi32, #tpu.memory_space<vmem>> -> memref<1x1x96xi32, #tpu.memory_space<vmem>>
    %dma_wait3A_2242 = tpu.memref_squeeze %dma_wait3A_2241 : memref<1x1x96xi32, #tpu.memory_space<vmem>> -> memref<96xi32, #tpu.memory_space<vmem>>
    %dma_wait3A_2243 = arith.constant 0 : i32
    %dma_wait3A_2244 = tpu.memref_slice %arg4[%dma_wait3A_2243] : memref<40550400xf32, #tpu.memory_space<hbm>> -> memref<40550400xf32, #tpu.memory_space<hbm>>
    tpu.wait_indirect_dma semaphore(%arg11 : memref<!tpu.dma_semaphore, #tpu.memory_space<semaphore_mem>>) src(%dma_wait3A_2244 : memref<40550400xf32, #tpu.memory_space<hbm>>) dst(%dma_wait3A_2239 : memref<96xf32, #tpu.memory_space<vmem>>)
    %dma_wait3A_2245 = arith.constant 9 : i32
    %dma_wait3A_2246 = arith.constant 0 : i32
    %dma_wait3A_2247 = arith.constant 9 : i32
    %dma_wait3A_2248 = arith.constant 0 : i32
    %dma_wait3A_2249 = tpu.memref_slice %arg8[%dma_wait3A_2247, %dma_wait3A_2248] : memref<11x192xf32, #tpu.memory_space<vmem>> -> memref<1x96xf32, #tpu.memory_space<vmem>>
    %dma_wait3A_2250 = tpu.memref_squeeze %dma_wait3A_2249 : memref<1x96xf32, #tpu.memory_space<vmem>> -> memref<96xf32, #tpu.memory_space<vmem>>
    %dma_wait3A_2251 = arith.constant 0 : i32
    %dma_wait3A_2252 = tpu.memref_slice %arg7[%dma_wait3A_2245, %dma_wait3A_2246, %dma_wait3A_2251] : memref<11x2x96xi32, #tpu.memory_space<vmem>> -> memref<1x1x96xi32, #tpu.memory_space<vmem>>
    %dma_wait3A_2253 = tpu.memref_squeeze %dma_wait3A_2252 : memref<1x1x96xi32, #tpu.memory_space<vmem>> -> memref<96xi32, #tpu.memory_space<vmem>>
    %dma_wait3A_2254 = arith.constant 0 : i32
    %dma_wait3A_2255 = tpu.memref_slice %arg4[%dma_wait3A_2254] : memref<40550400xf32, #tpu.memory_space<hbm>> -> memref<40550400xf32, #tpu.memory_space<hbm>>
    tpu.wait_indirect_dma semaphore(%arg11 : memref<!tpu.dma_semaphore, #tpu.memory_space<semaphore_mem>>) src(%dma_wait3A_2255 : memref<40550400xf32, #tpu.memory_space<hbm>>) dst(%dma_wait3A_2250 : memref<96xf32, #tpu.memory_space<vmem>>)
    %dma_wait3A_2256 = arith.constant 9 : i32
    %dma_wait3A_2257 = arith.constant 1 : i32
    %dma_wait3A_2258 = arith.constant 9 : i32
    %dma_wait3A_2259 = arith.constant 96 : i32
    %dma_wait3A_2260 = tpu.memref_slice %arg8[%dma_wait3A_2258, %dma_wait3A_2259] : memref<11x192xf32, #tpu.memory_space<vmem>> -> memref<1x96xf32, #tpu.memory_space<vmem>>
    %dma_wait3A_2261 = tpu.memref_squeeze %dma_wait3A_2260 : memref<1x96xf32, #tpu.memory_space<vmem>> -> memref<96xf32, #tpu.memory_space<vmem>>
    %dma_wait3A_2262 = arith.constant 0 : i32
    %dma_wait3A_2263 = tpu.memref_slice %arg7[%dma_wait3A_2256, %dma_wait3A_2257, %dma_wait3A_2262] : memref<11x2x96xi32, #tpu.memory_space<vmem>> -> memref<1x1x96xi32, #tpu.memory_space<vmem>>
    %dma_wait3A_2264 = tpu.memref_squeeze %dma_wait3A_2263 : memref<1x1x96xi32, #tpu.memory_space<vmem>> -> memref<96xi32, #tpu.memory_space<vmem>>
    %dma_wait3A_2265 = arith.constant 0 : i32
    %dma_wait3A_2266 = tpu.memref_slice %arg4[%dma_wait3A_2265] : memref<40550400xf32, #tpu.memory_space<hbm>> -> memref<40550400xf32, #tpu.memory_space<hbm>>
    tpu.wait_indirect_dma semaphore(%arg11 : memref<!tpu.dma_semaphore, #tpu.memory_space<semaphore_mem>>) src(%dma_wait3A_2266 : memref<40550400xf32, #tpu.memory_space<hbm>>) dst(%dma_wait3A_2261 : memref<96xf32, #tpu.memory_space<vmem>>)
    %dma_wait3A_2267 = arith.constant 10 : i32
    %dma_wait3A_2268 = arith.constant 0 : i32
    %dma_wait3A_2269 = arith.constant 10 : i32
    %dma_wait3A_2270 = arith.constant 0 : i32
    %dma_wait3A_2271 = tpu.memref_slice %arg8[%dma_wait3A_2269, %dma_wait3A_2270] : memref<11x192xf32, #tpu.memory_space<vmem>> -> memref<1x96xf32, #tpu.memory_space<vmem>>
    %dma_wait3A_2272 = tpu.memref_squeeze %dma_wait3A_2271 : memref<1x96xf32, #tpu.memory_space<vmem>> -> memref<96xf32, #tpu.memory_space<vmem>>
    %dma_wait3A_2273 = arith.constant 0 : i32
    %dma_wait3A_2274 = tpu.memref_slice %arg7[%dma_wait3A_2267, %dma_wait3A_2268, %dma_wait3A_2273] : memref<11x2x96xi32, #tpu.memory_space<vmem>> -> memref<1x1x96xi32, #tpu.memory_space<vmem>>
    %dma_wait3A_2275 = tpu.memref_squeeze %dma_wait3A_2274 : memref<1x1x96xi32, #tpu.memory_space<vmem>> -> memref<96xi32, #tpu.memory_space<vmem>>
    %dma_wait3A_2276 = arith.constant 0 : i32
    %dma_wait3A_2277 = tpu.memref_slice %arg4[%dma_wait3A_2276] : memref<40550400xf32, #tpu.memory_space<hbm>> -> memref<40550400xf32, #tpu.memory_space<hbm>>
    tpu.wait_indirect_dma semaphore(%arg11 : memref<!tpu.dma_semaphore, #tpu.memory_space<semaphore_mem>>) src(%dma_wait3A_2277 : memref<40550400xf32, #tpu.memory_space<hbm>>) dst(%dma_wait3A_2272 : memref<96xf32, #tpu.memory_space<vmem>>)
    %dma_wait3A_2278 = arith.constant 10 : i32
    %dma_wait3A_2279 = arith.constant 1 : i32
    %dma_wait3A_2280 = arith.constant 10 : i32
    %dma_wait3A_2281 = arith.constant 96 : i32
    %dma_wait3A_2282 = tpu.memref_slice %arg8[%dma_wait3A_2280, %dma_wait3A_2281] : memref<11x192xf32, #tpu.memory_space<vmem>> -> memref<1x96xf32, #tpu.memory_space<vmem>>
    %dma_wait3A_2283 = tpu.memref_squeeze %dma_wait3A_2282 : memref<1x96xf32, #tpu.memory_space<vmem>> -> memref<96xf32, #tpu.memory_space<vmem>>
    %dma_wait3A_2284 = arith.constant 0 : i32
    %dma_wait3A_2285 = tpu.memref_slice %arg7[%dma_wait3A_2278, %dma_wait3A_2279, %dma_wait3A_2284] : memref<11x2x96xi32, #tpu.memory_space<vmem>> -> memref<1x1x96xi32, #tpu.memory_space<vmem>>
    %dma_wait3A_2286 = tpu.memref_squeeze %dma_wait3A_2285 : memref<1x1x96xi32, #tpu.memory_space<vmem>> -> memref<96xi32, #tpu.memory_space<vmem>>
    %dma_wait3A_2287 = arith.constant 0 : i32
    %dma_wait3A_2288 = tpu.memref_slice %arg4[%dma_wait3A_2287] : memref<40550400xf32, #tpu.memory_space<hbm>> -> memref<40550400xf32, #tpu.memory_space<hbm>>
    tpu.wait_indirect_dma semaphore(%arg11 : memref<!tpu.dma_semaphore, #tpu.memory_space<semaphore_mem>>) src(%dma_wait3A_2288 : memref<40550400xf32, #tpu.memory_space<hbm>>) dst(%dma_wait3A_2283 : memref<96xf32, #tpu.memory_space<vmem>>)
    %get3A = arith.constant 0 : index
    %get3A_2289 = tpu.vector_load %arg9[%get3A] {strides = array<i32>} : memref<16xi32, #tpu.memory_space<vmem>>, vector<16xi32>,
    %add3A_2290 = arith.constant 0 : i32
    %add3A_2291 = arith.addi %select_n3A_36, %add3A_2290 : i32
    %iota3A_2292 = tpu.iota {dimensions = array<i32: 0>} : vector<16xi32>
    %add3A_2293 = vector.broadcast %add3A_2291 : i32 to vector<16xi32>
    %add3A_2294 = arith.addi %add3A_2293, %iota3A_2292 : vector<16xi32>
    %lt3A_2295 = arith.cmpi slt, %add3A_2294, %get3A_2289 : vector<16xi32>
    %get3A_2296 = arith.constant 0 : i32
    %get3A_2297 = arith.index_cast %get3A_2296 : i32 to index
    %get3A_2298 = arith.constant 0 : index
    %get3A_2299 = tpu.vector_load %arg8[%get3A_2297, %get3A_2298] {strides = array<i32>} : memref<11x192xf32, #tpu.memory_space<vmem>>, vector<16xf32>,
    %jit3A_2300 = arith.constant 0.000000e+00 : f32
    %broadcast_in_dim3A = vector.broadcast %jit3A_2300 : f32 to vector<16xf32>
    %select_n3A_2301 = arith.select %lt3A_2295, %get3A_2299, %broadcast_in_dim3A : vector<16xi1>, vector<16xf32>
    %swap3A_2302 = arith.constant 0 : i32
    %swap3A_2303 = arith.index_cast %swap3A_2302 : i32 to index
    %swap3A_2304 = arith.constant 0 : index
    %swap3A_2305 = tpu.vector_load %arg8[%swap3A_2303, %swap3A_2304] {strides = array<i32>} : memref<11x192xf32, #tpu.memory_space<vmem>>, vector<16xf32>,
    tpu.vector_store %arg8[%swap3A_2303, %swap3A_2304], %select_n3A_2301 {strides = array<i32>} : memref<11x192xf32, #tpu.memory_space<vmem>>, vector<16xf32>,
    %add3A_2306 = arith.constant 16 : i32
    %add3A_2307 = arith.addi %select_n3A_36, %add3A_2306 : i32
    %iota3A_2308 = tpu.iota {dimensions = array<i32: 0>} : vector<16xi32>
    %add3A_2309 = vector.broadcast %add3A_2307 : i32 to vector<16xi32>
    %add3A_2310 = arith.addi %add3A_2309, %iota3A_2308 : vector<16xi32>
    %lt3A_2311 = arith.cmpi slt, %add3A_2310, %get3A_2289 : vector<16xi32>
    %get3A_2312 = arith.constant 0 : i32
    %get3A_2313 = arith.index_cast %get3A_2312 : i32 to index
    %get3A_2314 = arith.constant 16 : index
    %get3A_2315 = tpu.vector_load %arg8[%get3A_2313, %get3A_2314] {strides = array<i32>} : memref<11x192xf32, #tpu.memory_space<vmem>>, vector<16xf32>,
    %jit3A_2316 = arith.constant 0.000000e+00 : f32
    %broadcast_in_dim3A_2317 = vector.broadcast %jit3A_2316 : f32 to vector<16xf32>
    %select_n3A_2318 = arith.select %lt3A_2311, %get3A_2315, %broadcast_in_dim3A_2317 : vector<16xi1>, vector<16xf32>
    %swap3A_2319 = arith.constant 0 : i32
    %swap3A_2320 = arith.index_cast %swap3A_2319 : i32 to index
    %swap3A_2321 = arith.constant 16 : index
    %swap3A_2322 = tpu.vector_load %arg8[%swap3A_2320, %swap3A_2321] {strides = array<i32>} : memref<11x192xf32, #tpu.memory_space<vmem>>, vector<16xf32>,
    tpu.vector_store %arg8[%swap3A_2320, %swap3A_2321], %select_n3A_2318 {strides = array<i32>} : memref<11x192xf32, #tpu.memory_space<vmem>>, vector<16xf32>,
    %add3A_2323 = arith.constant 32 : i32
    %add3A_2324 = arith.addi %select_n3A_36, %add3A_2323 : i32
    %iota3A_2325 = tpu.iota {dimensions = array<i32: 0>} : vector<16xi32>
    %add3A_2326 = vector.broadcast %add3A_2324 : i32 to vector<16xi32>
    %add3A_2327 = arith.addi %add3A_2326, %iota3A_2325 : vector<16xi32>
    %lt3A_2328 = arith.cmpi slt, %add3A_2327, %get3A_2289 : vector<16xi32>
    %get3A_2329 = arith.constant 0 : i32
    %get3A_2330 = arith.index_cast %get3A_2329 : i32 to index
    %get3A_2331 = arith.constant 32 : index
    %get3A_2332 = tpu.vector_load %arg8[%get3A_2330, %get3A_2331] {strides = array<i32>} : memref<11x192xf32, #tpu.memory_space<vmem>>, vector<16xf32>,
    %jit3A_2333 = arith.constant 0.000000e+00 : f32
    %broadcast_in_dim3A_2334 = vector.broadcast %jit3A_2333 : f32 to vector<16xf32>
    %select_n3A_2335 = arith.select %lt3A_2328, %get3A_2332, %broadcast_in_dim3A_2334 : vector<16xi1>, vector<16xf32>
    %swap3A_2336 = arith.constant 0 : i32
    %swap3A_2337 = arith.index_cast %swap3A_2336 : i32 to index
    %swap3A_2338 = arith.constant 32 : index
    %swap3A_2339 = tpu.vector_load %arg8[%swap3A_2337, %swap3A_2338] {strides = array<i32>} : memref<11x192xf32, #tpu.memory_space<vmem>>, vector<16xf32>,
    tpu.vector_store %arg8[%swap3A_2337, %swap3A_2338], %select_n3A_2335 {strides = array<i32>} : memref<11x192xf32, #tpu.memory_space<vmem>>, vector<16xf32>,
    %add3A_2340 = arith.constant 48 : i32
    %add3A_2341 = arith.addi %select_n3A_36, %add3A_2340 : i32
    %iota3A_2342 = tpu.iota {dimensions = array<i32: 0>} : vector<16xi32>
    %add3A_2343 = vector.broadcast %add3A_2341 : i32 to vector<16xi32>
    %add3A_2344 = arith.addi %add3A_2343, %iota3A_2342 : vector<16xi32>
    %lt3A_2345 = arith.cmpi slt, %add3A_2344, %get3A_2289 : vector<16xi32>
    %get3A_2346 = arith.constant 0 : i32
    %get3A_2347 = arith.index_cast %get3A_2346 : i32 to index
    %get3A_2348 = arith.constant 48 : index
    %get3A_2349 = tpu.vector_load %arg8[%get3A_2347, %get3A_2348] {strides = array<i32>} : memref<11x192xf32, #tpu.memory_space<vmem>>, vector<16xf32>,
    %jit3A_2350 = arith.constant 0.000000e+00 : f32
    %broadcast_in_dim3A_2351 = vector.broadcast %jit3A_2350 : f32 to vector<16xf32>
    %select_n3A_2352 = arith.select %lt3A_2345, %get3A_2349, %broadcast_in_dim3A_2351 : vector<16xi1>, vector<16xf32>
    %swap3A_2353 = arith.constant 0 : i32
    %swap3A_2354 = arith.index_cast %swap3A_2353 : i32 to index
    %swap3A_2355 = arith.constant 48 : index
    %swap3A_2356 = tpu.vector_load %arg8[%swap3A_2354, %swap3A_2355] {strides = array<i32>} : memref<11x192xf32, #tpu.memory_space<vmem>>, vector<16xf32>,
    tpu.vector_store %arg8[%swap3A_2354, %swap3A_2355], %select_n3A_2352 {strides = array<i32>} : memref<11x192xf32, #tpu.memory_space<vmem>>, vector<16xf32>,
    %add3A_2357 = arith.constant 64 : i32
    %add3A_2358 = arith.addi %select_n3A_36, %add3A_2357 : i32
    %iota3A_2359 = tpu.iota {dimensions = array<i32: 0>} : vector<16xi32>
    %add3A_2360 = vector.broadcast %add3A_2358 : i32 to vector<16xi32>
    %add3A_2361 = arith.addi %add3A_2360, %iota3A_2359 : vector<16xi32>
    %lt3A_2362 = arith.cmpi slt, %add3A_2361, %get3A_2289 : vector<16xi32>
    %get3A_2363 = arith.constant 0 : i32
    %get3A_2364 = arith.index_cast %get3A_2363 : i32 to index
    %get3A_2365 = arith.constant 64 : index
    %get3A_2366 = tpu.vector_load %arg8[%get3A_2364, %get3A_2365] {strides = array<i32>} : memref<11x192xf32, #tpu.memory_space<vmem>>, vector<16xf32>,
    %jit3A_2367 = arith.constant 0.000000e+00 : f32
    %broadcast_in_dim3A_2368 = vector.broadcast %jit3A_2367 : f32 to vector<16xf32>
    %select_n3A_2369 = arith.select %lt3A_2362, %get3A_2366, %broadcast_in_dim3A_2368 : vector<16xi1>, vector<16xf32>
    %swap3A_2370 = arith.constant 0 : i32
    %swap3A_2371 = arith.index_cast %swap3A_2370 : i32 to index
    %swap3A_2372 = arith.constant 64 : index
    %swap3A_2373 = tpu.vector_load %arg8[%swap3A_2371, %swap3A_2372] {strides = array<i32>} : memref<11x192xf32, #tpu.memory_space<vmem>>, vector<16xf32>,
    tpu.vector_store %arg8[%swap3A_2371, %swap3A_2372], %select_n3A_2369 {strides = array<i32>} : memref<11x192xf32, #tpu.memory_space<vmem>>, vector<16xf32>,
    %add3A_2374 = arith.constant 80 : i32
    %add3A_2375 = arith.addi %select_n3A_36, %add3A_2374 : i32
    %iota3A_2376 = tpu.iota {dimensions = array<i32: 0>} : vector<16xi32>
    %add3A_2377 = vector.broadcast %add3A_2375 : i32 to vector<16xi32>
    %add3A_2378 = arith.addi %add3A_2377, %iota3A_2376 : vector<16xi32>
    %lt3A_2379 = arith.cmpi slt, %add3A_2378, %get3A_2289 : vector<16xi32>
    %get3A_2380 = arith.constant 0 : i32
    %get3A_2381 = arith.index_cast %get3A_2380 : i32 to index
    %get3A_2382 = arith.constant 80 : index
    %get3A_2383 = tpu.vector_load %arg8[%get3A_2381, %get3A_2382] {strides = array<i32>} : memref<11x192xf32, #tpu.memory_space<vmem>>, vector<16xf32>,
    %jit3A_2384 = arith.constant 0.000000e+00 : f32
    %broadcast_in_dim3A_2385 = vector.broadcast %jit3A_2384 : f32 to vector<16xf32>
    %select_n3A_2386 = arith.select %lt3A_2379, %get3A_2383, %broadcast_in_dim3A_2385 : vector<16xi1>, vector<16xf32>
    %swap3A_2387 = arith.constant 0 : i32
    %swap3A_2388 = arith.index_cast %swap3A_2387 : i32 to index
    %swap3A_2389 = arith.constant 80 : index
    %swap3A_2390 = tpu.vector_load %arg8[%swap3A_2388, %swap3A_2389] {strides = array<i32>} : memref<11x192xf32, #tpu.memory_space<vmem>>, vector<16xf32>,
    tpu.vector_store %arg8[%swap3A_2388, %swap3A_2389], %select_n3A_2386 {strides = array<i32>} : memref<11x192xf32, #tpu.memory_space<vmem>>, vector<16xf32>,
    %add3A_2391 = arith.constant 96 : i32
    %add3A_2392 = arith.addi %select_n3A_36, %add3A_2391 : i32
    %iota3A_2393 = tpu.iota {dimensions = array<i32: 0>} : vector<16xi32>
    %add3A_2394 = vector.broadcast %add3A_2392 : i32 to vector<16xi32>
    %add3A_2395 = arith.addi %add3A_2394, %iota3A_2393 : vector<16xi32>
    %lt3A_2396 = arith.cmpi slt, %add3A_2395, %get3A_2289 : vector<16xi32>
    %get3A_2397 = arith.constant 0 : i32
    %get3A_2398 = arith.index_cast %get3A_2397 : i32 to index
    %get3A_2399 = arith.constant 96 : index
    %get3A_2400 = tpu.vector_load %arg8[%get3A_2398, %get3A_2399] {strides = array<i32>} : memref<11x192xf32, #tpu.memory_space<vmem>>, vector<16xf32>,
    %jit3A_2401 = arith.constant 0.000000e+00 : f32
    %broadcast_in_dim3A_2402 = vector.broadcast %jit3A_2401 : f32 to vector<16xf32>
    %select_n3A_2403 = arith.select %lt3A_2396, %get3A_2400, %broadcast_in_dim3A_2402 : vector<16xi1>, vector<16xf32>
    %swap3A_2404 = arith.constant 0 : i32
    %swap3A_2405 = arith.index_cast %swap3A_2404 : i32 to index
    %swap3A_2406 = arith.constant 96 : index
    %swap3A_2407 = tpu.vector_load %arg8[%swap3A_2405, %swap3A_2406] {strides = array<i32>} : memref<11x192xf32, #tpu.memory_space<vmem>>, vector<16xf32>,
    tpu.vector_store %arg8[%swap3A_2405, %swap3A_2406], %select_n3A_2403 {strides = array<i32>} : memref<11x192xf32, #tpu.memory_space<vmem>>, vector<16xf32>,
    %add3A_2408 = arith.constant 112 : i32
    %add3A_2409 = arith.addi %select_n3A_36, %add3A_2408 : i32
    %iota3A_2410 = tpu.iota {dimensions = array<i32: 0>} : vector<16xi32>
    %add3A_2411 = vector.broadcast %add3A_2409 : i32 to vector<16xi32>
    %add3A_2412 = arith.addi %add3A_2411, %iota3A_2410 : vector<16xi32>
    %lt3A_2413 = arith.cmpi slt, %add3A_2412, %get3A_2289 : vector<16xi32>
    %get3A_2414 = arith.constant 0 : i32
    %get3A_2415 = arith.index_cast %get3A_2414 : i32 to index
    %get3A_2416 = arith.constant 112 : index
    %get3A_2417 = tpu.vector_load %arg8[%get3A_2415, %get3A_2416] {strides = array<i32>} : memref<11x192xf32, #tpu.memory_space<vmem>>, vector<16xf32>,
    %jit3A_2418 = arith.constant 0.000000e+00 : f32
    %broadcast_in_dim3A_2419 = vector.broadcast %jit3A_2418 : f32 to vector<16xf32>
    %select_n3A_2420 = arith.select %lt3A_2413, %get3A_2417, %broadcast_in_dim3A_2419 : vector<16xi1>, vector<16xf32>
    %swap3A_2421 = arith.constant 0 : i32
    %swap3A_2422 = arith.index_cast %swap3A_2421 : i32 to index
    %swap3A_2423 = arith.constant 112 : index
    %swap3A_2424 = tpu.vector_load %arg8[%swap3A_2422, %swap3A_2423] {strides = array<i32>} : memref<11x192xf32, #tpu.memory_space<vmem>>, vector<16xf32>,
    tpu.vector_store %arg8[%swap3A_2422, %swap3A_2423], %select_n3A_2420 {strides = array<i32>} : memref<11x192xf32, #tpu.memory_space<vmem>>, vector<16xf32>,
    %add3A_2425 = arith.constant 128 : i32
    %add3A_2426 = arith.addi %select_n3A_36, %add3A_2425 : i32
    %iota3A_2427 = tpu.iota {dimensions = array<i32: 0>} : vector<16xi32>
    %add3A_2428 = vector.broadcast %add3A_2426 : i32 to vector<16xi32>
    %add3A_2429 = arith.addi %add3A_2428, %iota3A_2427 : vector<16xi32>
    %lt3A_2430 = arith.cmpi slt, %add3A_2429, %get3A_2289 : vector<16xi32>
    %get3A_2431 = arith.constant 0 : i32
    %get3A_2432 = arith.index_cast %get3A_2431 : i32 to index
    %get3A_2433 = arith.constant 128 : index
    %get3A_2434 = tpu.vector_load %arg8[%get3A_2432, %get3A_2433] {strides = array<i32>} : memref<11x192xf32, #tpu.memory_space<vmem>>, vector<16xf32>,
    %jit3A_2435 = arith.constant 0.000000e+00 : f32
    %broadcast_in_dim3A_2436 = vector.broadcast %jit3A_2435 : f32 to vector<16xf32>
    %select_n3A_2437 = arith.select %lt3A_2430, %get3A_2434, %broadcast_in_dim3A_2436 : vector<16xi1>, vector<16xf32>
    %swap3A_2438 = arith.constant 0 : i32
    %swap3A_2439 = arith.index_cast %swap3A_2438 : i32 to index
    %swap3A_2440 = arith.constant 128 : index
    %swap3A_2441 = tpu.vector_load %arg8[%swap3A_2439, %swap3A_2440] {strides = array<i32>} : memref<11x192xf32, #tpu.memory_space<vmem>>, vector<16xf32>,
    tpu.vector_store %arg8[%swap3A_2439, %swap3A_2440], %select_n3A_2437 {strides = array<i32>} : memref<11x192xf32, #tpu.memory_space<vmem>>, vector<16xf32>,
    %add3A_2442 = arith.constant 144 : i32
    %add3A_2443 = arith.addi %select_n3A_36, %add3A_2442 : i32
    %iota3A_2444 = tpu.iota {dimensions = array<i32: 0>} : vector<16xi32>
    %add3A_2445 = vector.broadcast %add3A_2443 : i32 to vector<16xi32>
    %add3A_2446 = arith.addi %add3A_2445, %iota3A_2444 : vector<16xi32>
    %lt3A_2447 = arith.cmpi slt, %add3A_2446, %get3A_2289 : vector<16xi32>
    %get3A_2448 = arith.constant 0 : i32
    %get3A_2449 = arith.index_cast %get3A_2448 : i32 to index
    %get3A_2450 = arith.constant 144 : index
    %get3A_2451 = tpu.vector_load %arg8[%get3A_2449, %get3A_2450] {strides = array<i32>} : memref<11x192xf32, #tpu.memory_space<vmem>>, vector<16xf32>,
    %jit3A_2452 = arith.constant 0.000000e+00 : f32
    %broadcast_in_dim3A_2453 = vector.broadcast %jit3A_2452 : f32 to vector<16xf32>
    %select_n3A_2454 = arith.select %lt3A_2447, %get3A_2451, %broadcast_in_dim3A_2453 : vector<16xi1>, vector<16xf32>
    %swap3A_2455 = arith.constant 0 : i32
    %swap3A_2456 = arith.index_cast %swap3A_2455 : i32 to index
    %swap3A_2457 = arith.constant 144 : index
    %swap3A_2458 = tpu.vector_load %arg8[%swap3A_2456, %swap3A_2457] {strides = array<i32>} : memref<11x192xf32, #tpu.memory_space<vmem>>, vector<16xf32>,
    tpu.vector_store %arg8[%swap3A_2456, %swap3A_2457], %select_n3A_2454 {strides = array<i32>} : memref<11x192xf32, #tpu.memory_space<vmem>>, vector<16xf32>,
    %add3A_2459 = arith.constant 160 : i32
    %add3A_2460 = arith.addi %select_n3A_36, %add3A_2459 : i32
    %iota3A_2461 = tpu.iota {dimensions = array<i32: 0>} : vector<16xi32>
    %add3A_2462 = vector.broadcast %add3A_2460 : i32 to vector<16xi32>
    %add3A_2463 = arith.addi %add3A_2462, %iota3A_2461 : vector<16xi32>
    %lt3A_2464 = arith.cmpi slt, %add3A_2463, %get3A_2289 : vector<16xi32>
    %get3A_2465 = arith.constant 0 : i32
    %get3A_2466 = arith.index_cast %get3A_2465 : i32 to index
    %get3A_2467 = arith.constant 160 : index
    %get3A_2468 = tpu.vector_load %arg8[%get3A_2466, %get3A_2467] {strides = array<i32>} : memref<11x192xf32, #tpu.memory_space<vmem>>, vector<16xf32>,
    %jit3A_2469 = arith.constant 0.000000e+00 : f32
    %broadcast_in_dim3A_2470 = vector.broadcast %jit3A_2469 : f32 to vector<16xf32>
    %select_n3A_2471 = arith.select %lt3A_2464, %get3A_2468, %broadcast_in_dim3A_2470 : vector<16xi1>, vector<16xf32>
    %swap3A_2472 = arith.constant 0 : i32
    %swap3A_2473 = arith.index_cast %swap3A_2472 : i32 to index
    %swap3A_2474 = arith.constant 160 : index
    %swap3A_2475 = tpu.vector_load %arg8[%swap3A_2473, %swap3A_2474] {strides = array<i32>} : memref<11x192xf32, #tpu.memory_space<vmem>>, vector<16xf32>,
    tpu.vector_store %arg8[%swap3A_2473, %swap3A_2474], %select_n3A_2471 {strides = array<i32>} : memref<11x192xf32, #tpu.memory_space<vmem>>, vector<16xf32>,
    %add3A_2476 = arith.constant 176 : i32
    %add3A_2477 = arith.addi %select_n3A_36, %add3A_2476 : i32
    %iota3A_2478 = tpu.iota {dimensions = array<i32: 0>} : vector<16xi32>
    %add3A_2479 = vector.broadcast %add3A_2477 : i32 to vector<16xi32>
    %add3A_2480 = arith.addi %add3A_2479, %iota3A_2478 : vector<16xi32>
    %lt3A_2481 = arith.cmpi slt, %add3A_2480, %get3A_2289 : vector<16xi32>
    %get3A_2482 = arith.constant 0 : i32
    %get3A_2483 = arith.index_cast %get3A_2482 : i32 to index
    %get3A_2484 = arith.constant 176 : index
    %get3A_2485 = tpu.vector_load %arg8[%get3A_2483, %get3A_2484] {strides = array<i32>} : memref<11x192xf32, #tpu.memory_space<vmem>>, vector<16xf32>,
    %jit3A_2486 = arith.constant 0.000000e+00 : f32
    %broadcast_in_dim3A_2487 = vector.broadcast %jit3A_2486 : f32 to vector<16xf32>
    %select_n3A_2488 = arith.select %lt3A_2481, %get3A_2485, %broadcast_in_dim3A_2487 : vector<16xi1>, vector<16xf32>
    %swap3A_2489 = arith.constant 0 : i32
    %swap3A_2490 = arith.index_cast %swap3A_2489 : i32 to index
    %swap3A_2491 = arith.constant 176 : index
    %swap3A_2492 = tpu.vector_load %arg8[%swap3A_2490, %swap3A_2491] {strides = array<i32>} : memref<11x192xf32, #tpu.memory_space<vmem>>, vector<16xf32>,
    tpu.vector_store %arg8[%swap3A_2490, %swap3A_2491], %select_n3A_2488 {strides = array<i32>} : memref<11x192xf32, #tpu.memory_space<vmem>>, vector<16xf32>,
    %dma_start3A_2493 = arith.constant 0 : i32
    %dma_start3A_2494 = arith.constant 0 : i32
    %dma_start3A_2495 = arith.constant 0 : i32
    %dma_start3A_2496 = tpu.memref_slice %arg8[%dma_start3A_2493, %dma_start3A_2495] : memref<11x192xf32, #tpu.memory_space<vmem>> -> memref<1x192xf32, #tpu.memory_space<vmem>>
    %dma_start3A_2497 = tpu.memref_squeeze %dma_start3A_2496 : memref<1x192xf32, #tpu.memory_space<vmem>> -> memref<192xf32, #tpu.memory_space<vmem>>
    %dma_start3A_2498 = tpu.memref_slice %arg5[%select_n3A, %dma_start3A_2494, %select_n3A_36] : memref<2x11x3000xf32, #tpu.memory_space<hbm>> -> memref<1x1x192xf32, #tpu.memory_space<hbm>>
    %dma_start3A_2499 = tpu.memref_squeeze %dma_start3A_2498 : memref<1x1x192xf32, #tpu.memory_space<hbm>> -> memref<192xf32, #tpu.memory_space<hbm>>
    %dma_start3A_2500 = tpu.memref_slice %arg5[%select_n3A, %dma_start3A_2494, %select_n3A_36] : memref<2x11x3000xf32, #tpu.memory_space<hbm>> -> memref<1x1x192xf32, #tpu.memory_space<hbm>>
    %dma_start3A_2501 = tpu.memref_squeeze %dma_start3A_2500 : memref<1x1x192xf32, #tpu.memory_space<hbm>> -> memref<192xf32, #tpu.memory_space<hbm>>
    %dma_start3A_2502 = arith.constant 0 : i32
    %dma_start3A_2503 = tpu.memref_slice %arg8[%dma_start3A_2493, %dma_start3A_2502] : memref<11x192xf32, #tpu.memory_space<vmem>> -> memref<1x192xf32, #tpu.memory_space<vmem>>
    %dma_start3A_2504 = tpu.memref_squeeze %dma_start3A_2503 : memref<1x192xf32, #tpu.memory_space<vmem>> -> memref<192xf32, #tpu.memory_space<vmem>>
    tpu.enqueue_dma source(%dma_start3A_2504 : memref<192xf32, #tpu.memory_space<vmem>>) target(%dma_start3A_2501 : memref<192xf32, #tpu.memory_space<hbm>>) target_semaphore(%arg12 : memref<!tpu.dma_semaphore, #tpu.memory_space<semaphore_mem>>)
    %add3A_2505 = arith.constant 0 : i32
    %add3A_2506 = arith.addi %select_n3A_36, %add3A_2505 : i32
    %iota3A_2507 = tpu.iota {dimensions = array<i32: 0>} : vector<16xi32>
    %add3A_2508 = vector.broadcast %add3A_2506 : i32 to vector<16xi32>
    %add3A_2509 = arith.addi %add3A_2508, %iota3A_2507 : vector<16xi32>
    %lt3A_2510 = arith.cmpi slt, %add3A_2509, %get3A_2289 : vector<16xi32>
    %get3A_2511 = arith.constant 1 : i32
    %get3A_2512 = arith.index_cast %get3A_2511 : i32 to index
    %get3A_2513 = arith.constant 0 : index
    %get3A_2514 = tpu.vector_load %arg8[%get3A_2512, %get3A_2513] {strides = array<i32>} : memref<11x192xf32, #tpu.memory_space<vmem>>, vector<16xf32>,
    %jit3A_2515 = arith.constant 0.000000e+00 : f32
    %broadcast_in_dim3A_2516 = vector.broadcast %jit3A_2515 : f32 to vector<16xf32>
    %select_n3A_2517 = arith.select %lt3A_2510, %get3A_2514, %broadcast_in_dim3A_2516 : vector<16xi1>, vector<16xf32>
    %swap3A_2518 = arith.constant 1 : i32
    %swap3A_2519 = arith.index_cast %swap3A_2518 : i32 to index
    %swap3A_2520 = arith.constant 0 : index
    %swap3A_2521 = tpu.vector_load %arg8[%swap3A_2519, %swap3A_2520] {strides = array<i32>} : memref<11x192xf32, #tpu.memory_space<vmem>>, vector<16xf32>,
    tpu.vector_store %arg8[%swap3A_2519, %swap3A_2520], %select_n3A_2517 {strides = array<i32>} : memref<11x192xf32, #tpu.memory_space<vmem>>, vector<16xf32>,
    %add3A_2522 = arith.constant 16 : i32
    %add3A_2523 = arith.addi %select_n3A_36, %add3A_2522 : i32
    %iota3A_2524 = tpu.iota {dimensions = array<i32: 0>} : vector<16xi32>
    %add3A_2525 = vector.broadcast %add3A_2523 : i32 to vector<16xi32>
    %add3A_2526 = arith.addi %add3A_2525, %iota3A_2524 : vector<16xi32>
    %lt3A_2527 = arith.cmpi slt, %add3A_2526, %get3A_2289 : vector<16xi32>
    %get3A_2528 = arith.constant 1 : i32
    %get3A_2529 = arith.index_cast %get3A_2528 : i32 to index
    %get3A_2530 = arith.constant 16 : index
    %get3A_2531 = tpu.vector_load %arg8[%get3A_2529, %get3A_2530] {strides = array<i32>} : memref<11x192xf32, #tpu.memory_space<vmem>>, vector<16xf32>,
    %jit3A_2532 = arith.constant 0.000000e+00 : f32
    %broadcast_in_dim3A_2533 = vector.broadcast %jit3A_2532 : f32 to vector<16xf32>
    %select_n3A_2534 = arith.select %lt3A_2527, %get3A_2531, %broadcast_in_dim3A_2533 : vector<16xi1>, vector<16xf32>
    %swap3A_2535 = arith.constant 1 : i32
    %swap3A_2536 = arith.index_cast %swap3A_2535 : i32 to index
    %swap3A_2537 = arith.constant 16 : index
    %swap3A_2538 = tpu.vector_load %arg8[%swap3A_2536, %swap3A_2537] {strides = array<i32>} : memref<11x192xf32, #tpu.memory_space<vmem>>, vector<16xf32>,
    tpu.vector_store %arg8[%swap3A_2536, %swap3A_2537], %select_n3A_2534 {strides = array<i32>} : memref<11x192xf32, #tpu.memory_space<vmem>>, vector<16xf32>,
    %add3A_2539 = arith.constant 32 : i32
    %add3A_2540 = arith.addi %select_n3A_36, %add3A_2539 : i32
    %iota3A_2541 = tpu.iota {dimensions = array<i32: 0>} : vector<16xi32>
    %add3A_2542 = vector.broadcast %add3A_2540 : i32 to vector<16xi32>
    %add3A_2543 = arith.addi %add3A_2542, %iota3A_2541 : vector<16xi32>
    %lt3A_2544 = arith.cmpi slt, %add3A_2543, %get3A_2289 : vector<16xi32>
    %get3A_2545 = arith.constant 1 : i32
    %get3A_2546 = arith.index_cast %get3A_2545 : i32 to index
    %get3A_2547 = arith.constant 32 : index
    %get3A_2548 = tpu.vector_load %arg8[%get3A_2546, %get3A_2547] {strides = array<i32>} : memref<11x192xf32, #tpu.memory_space<vmem>>, vector<16xf32>,
    %jit3A_2549 = arith.constant 0.000000e+00 : f32
    %broadcast_in_dim3A_2550 = vector.broadcast %jit3A_2549 : f32 to vector<16xf32>
    %select_n3A_2551 = arith.select %lt3A_2544, %get3A_2548, %broadcast_in_dim3A_2550 : vector<16xi1>, vector<16xf32>
    %swap3A_2552 = arith.constant 1 : i32
    %swap3A_2553 = arith.index_cast %swap3A_2552 : i32 to index
    %swap3A_2554 = arith.constant 32 : index
    %swap3A_2555 = tpu.vector_load %arg8[%swap3A_2553, %swap3A_2554] {strides = array<i32>} : memref<11x192xf32, #tpu.memory_space<vmem>>, vector<16xf32>,
    tpu.vector_store %arg8[%swap3A_2553, %swap3A_2554], %select_n3A_2551 {strides = array<i32>} : memref<11x192xf32, #tpu.memory_space<vmem>>, vector<16xf32>,
    %add3A_2556 = arith.constant 48 : i32
    %add3A_2557 = arith.addi %select_n3A_36, %add3A_2556 : i32
    %iota3A_2558 = tpu.iota {dimensions = array<i32: 0>} : vector<16xi32>
    %add3A_2559 = vector.broadcast %add3A_2557 : i32 to vector<16xi32>
    %add3A_2560 = arith.addi %add3A_2559, %iota3A_2558 : vector<16xi32>
    %lt3A_2561 = arith.cmpi slt, %add3A_2560, %get3A_2289 : vector<16xi32>
    %get3A_2562 = arith.constant 1 : i32
    %get3A_2563 = arith.index_cast %get3A_2562 : i32 to index
    %get3A_2564 = arith.constant 48 : index
    %get3A_2565 = tpu.vector_load %arg8[%get3A_2563, %get3A_2564] {strides = array<i32>} : memref<11x192xf32, #tpu.memory_space<vmem>>, vector<16xf32>,
    %jit3A_2566 = arith.constant 0.000000e+00 : f32
    %broadcast_in_dim3A_2567 = vector.broadcast %jit3A_2566 : f32 to vector<16xf32>
    %select_n3A_2568 = arith.select %lt3A_2561, %get3A_2565, %broadcast_in_dim3A_2567 : vector<16xi1>, vector<16xf32>
    %swap3A_2569 = arith.constant 1 : i32
    %swap3A_2570 = arith.index_cast %swap3A_2569 : i32 to index
    %swap3A_2571 = arith.constant 48 : index
    %swap3A_2572 = tpu.vector_load %arg8[%swap3A_2570, %swap3A_2571] {strides = array<i32>} : memref<11x192xf32, #tpu.memory_space<vmem>>, vector<16xf32>,
    tpu.vector_store %arg8[%swap3A_2570, %swap3A_2571], %select_n3A_2568 {strides = array<i32>} : memref<11x192xf32, #tpu.memory_space<vmem>>, vector<16xf32>,
    %add3A_2573 = arith.constant 64 : i32
    %add3A_2574 = arith.addi %select_n3A_36, %add3A_2573 : i32
    %iota3A_2575 = tpu.iota {dimensions = array<i32: 0>} : vector<16xi32>
    %add3A_2576 = vector.broadcast %add3A_2574 : i32 to vector<16xi32>
    %add3A_2577 = arith.addi %add3A_2576, %iota3A_2575 : vector<16xi32>
    %lt3A_2578 = arith.cmpi slt, %add3A_2577, %get3A_2289 : vector<16xi32>
    %get3A_2579 = arith.constant 1 : i32
    %get3A_2580 = arith.index_cast %get3A_2579 : i32 to index
    %get3A_2581 = arith.constant 64 : index
    %get3A_2582 = tpu.vector_load %arg8[%get3A_2580, %get3A_2581] {strides = array<i32>} : memref<11x192xf32, #tpu.memory_space<vmem>>, vector<16xf32>,
    %jit3A_2583 = arith.constant 0.000000e+00 : f32
    %broadcast_in_dim3A_2584 = vector.broadcast %jit3A_2583 : f32 to vector<16xf32>
    %select_n3A_2585 = arith.select %lt3A_2578, %get3A_2582, %broadcast_in_dim3A_2584 : vector<16xi1>, vector<16xf32>
    %swap3A_2586 = arith.constant 1 : i32
    %swap3A_2587 = arith.index_cast %swap3A_2586 : i32 to index
    %swap3A_2588 = arith.constant 64 : index
    %swap3A_2589 = tpu.vector_load %arg8[%swap3A_2587, %swap3A_2588] {strides = array<i32>} : memref<11x192xf32, #tpu.memory_space<vmem>>, vector<16xf32>,
    tpu.vector_store %arg8[%swap3A_2587, %swap3A_2588], %select_n3A_2585 {strides = array<i32>} : memref<11x192xf32, #tpu.memory_space<vmem>>, vector<16xf32>,
    %add3A_2590 = arith.constant 80 : i32
    %add3A_2591 = arith.addi %select_n3A_36, %add3A_2590 : i32
    %iota3A_2592 = tpu.iota {dimensions = array<i32: 0>} : vector<16xi32>
    %add3A_2593 = vector.broadcast %add3A_2591 : i32 to vector<16xi32>
    %add3A_2594 = arith.addi %add3A_2593, %iota3A_2592 : vector<16xi32>
    %lt3A_2595 = arith.cmpi slt, %add3A_2594, %get3A_2289 : vector<16xi32>
    %get3A_2596 = arith.constant 1 : i32
    %get3A_2597 = arith.index_cast %get3A_2596 : i32 to index
    %get3A_2598 = arith.constant 80 : index
    %get3A_2599 = tpu.vector_load %arg8[%get3A_2597, %get3A_2598] {strides = array<i32>} : memref<11x192xf32, #tpu.memory_space<vmem>>, vector<16xf32>,
    %jit3A_2600 = arith.constant 0.000000e+00 : f32
    %broadcast_in_dim3A_2601 = vector.broadcast %jit3A_2600 : f32 to vector<16xf32>
    %select_n3A_2602 = arith.select %lt3A_2595, %get3A_2599, %broadcast_in_dim3A_2601 : vector<16xi1>, vector<16xf32>
    %swap3A_2603 = arith.constant 1 : i32
    %swap3A_2604 = arith.index_cast %swap3A_2603 : i32 to index
    %swap3A_2605 = arith.constant 80 : index
    %swap3A_2606 = tpu.vector_load %arg8[%swap3A_2604, %swap3A_2605] {strides = array<i32>} : memref<11x192xf32, #tpu.memory_space<vmem>>, vector<16xf32>,
    tpu.vector_store %arg8[%swap3A_2604, %swap3A_2605], %select_n3A_2602 {strides = array<i32>} : memref<11x192xf32, #tpu.memory_space<vmem>>, vector<16xf32>,
    %add3A_2607 = arith.constant 96 : i32
    %add3A_2608 = arith.addi %select_n3A_36, %add3A_2607 : i32
    %iota3A_2609 = tpu.iota {dimensions = array<i32: 0>} : vector<16xi32>
    %add3A_2610 = vector.broadcast %add3A_2608 : i32 to vector<16xi32>
    %add3A_2611 = arith.addi %add3A_2610, %iota3A_2609 : vector<16xi32>
    %lt3A_2612 = arith.cmpi slt, %add3A_2611, %get3A_2289 : vector<16xi32>
    %get3A_2613 = arith.constant 1 : i32
    %get3A_2614 = arith.index_cast %get3A_2613 : i32 to index
    %get3A_2615 = arith.constant 96 : index
    %get3A_2616 = tpu.vector_load %arg8[%get3A_2614, %get3A_2615] {strides = array<i32>} : memref<11x192xf32, #tpu.memory_space<vmem>>, vector<16xf32>,
    %jit3A_2617 = arith.constant 0.000000e+00 : f32
    %broadcast_in_dim3A_2618 = vector.broadcast %jit3A_2617 : f32 to vector<16xf32>
    %select_n3A_2619 = arith.select %lt3A_2612, %get3A_2616, %broadcast_in_dim3A_2618 : vector<16xi1>, vector<16xf32>
    %swap3A_2620 = arith.constant 1 : i32
    %swap3A_2621 = arith.index_cast %swap3A_2620 : i32 to index
    %swap3A_2622 = arith.constant 96 : index
    %swap3A_2623 = tpu.vector_load %arg8[%swap3A_2621, %swap3A_2622] {strides = array<i32>} : memref<11x192xf32, #tpu.memory_space<vmem>>, vector<16xf32>,
    tpu.vector_store %arg8[%swap3A_2621, %swap3A_2622], %select_n3A_2619 {strides = array<i32>} : memref<11x192xf32, #tpu.memory_space<vmem>>, vector<16xf32>,
    %add3A_2624 = arith.constant 112 : i32
    %add3A_2625 = arith.addi %select_n3A_36, %add3A_2624 : i32
    %iota3A_2626 = tpu.iota {dimensions = array<i32: 0>} : vector<16xi32>
    %add3A_2627 = vector.broadcast %add3A_2625 : i32 to vector<16xi32>
    %add3A_2628 = arith.addi %add3A_2627, %iota3A_2626 : vector<16xi32>
    %lt3A_2629 = arith.cmpi slt, %add3A_2628, %get3A_2289 : vector<16xi32>
    %get3A_2630 = arith.constant 1 : i32
    %get3A_2631 = arith.index_cast %get3A_2630 : i32 to index
    %get3A_2632 = arith.constant 112 : index
    %get3A_2633 = tpu.vector_load %arg8[%get3A_2631, %get3A_2632] {strides = array<i32>} : memref<11x192xf32, #tpu.memory_space<vmem>>, vector<16xf32>,
    %jit3A_2634 = arith.constant 0.000000e+00 : f32
    %broadcast_in_dim3A_2635 = vector.broadcast %jit3A_2634 : f32 to vector<16xf32>
    %select_n3A_2636 = arith.select %lt3A_2629, %get3A_2633, %broadcast_in_dim3A_2635 : vector<16xi1>, vector<16xf32>
    %swap3A_2637 = arith.constant 1 : i32
    %swap3A_2638 = arith.index_cast %swap3A_2637 : i32 to index
    %swap3A_2639 = arith.constant 112 : index
    %swap3A_2640 = tpu.vector_load %arg8[%swap3A_2638, %swap3A_2639] {strides = array<i32>} : memref<11x192xf32, #tpu.memory_space<vmem>>, vector<16xf32>,
    tpu.vector_store %arg8[%swap3A_2638, %swap3A_2639], %select_n3A_2636 {strides = array<i32>} : memref<11x192xf32, #tpu.memory_space<vmem>>, vector<16xf32>,
    %add3A_2641 = arith.constant 128 : i32
    %add3A_2642 = arith.addi %select_n3A_36, %add3A_2641 : i32
    %iota3A_2643 = tpu.iota {dimensions = array<i32: 0>} : vector<16xi32>
    %add3A_2644 = vector.broadcast %add3A_2642 : i32 to vector<16xi32>
    %add3A_2645 = arith.addi %add3A_2644, %iota3A_2643 : vector<16xi32>
    %lt3A_2646 = arith.cmpi slt, %add3A_2645, %get3A_2289 : vector<16xi32>
    %get3A_2647 = arith.constant 1 : i32
    %get3A_2648 = arith.index_cast %get3A_2647 : i32 to index
    %get3A_2649 = arith.constant 128 : index
    %get3A_2650 = tpu.vector_load %arg8[%get3A_2648, %get3A_2649] {strides = array<i32>} : memref<11x192xf32, #tpu.memory_space<vmem>>, vector<16xf32>,
    %jit3A_2651 = arith.constant 0.000000e+00 : f32
    %broadcast_in_dim3A_2652 = vector.broadcast %jit3A_2651 : f32 to vector<16xf32>
    %select_n3A_2653 = arith.select %lt3A_2646, %get3A_2650, %broadcast_in_dim3A_2652 : vector<16xi1>, vector<16xf32>
    %swap3A_2654 = arith.constant 1 : i32
    %swap3A_2655 = arith.index_cast %swap3A_2654 : i32 to index
    %swap3A_2656 = arith.constant 128 : index
    %swap3A_2657 = tpu.vector_load %arg8[%swap3A_2655, %swap3A_2656] {strides = array<i32>} : memref<11x192xf32, #tpu.memory_space<vmem>>, vector<16xf32>,
    tpu.vector_store %arg8[%swap3A_2655, %swap3A_2656], %select_n3A_2653 {strides = array<i32>} : memref<11x192xf32, #tpu.memory_space<vmem>>, vector<16xf32>,
    %add3A_2658 = arith.constant 144 : i32
    %add3A_2659 = arith.addi %select_n3A_36, %add3A_2658 : i32
    %iota3A_2660 = tpu.iota {dimensions = array<i32: 0>} : vector<16xi32>
    %add3A_2661 = vector.broadcast %add3A_2659 : i32 to vector<16xi32>
    %add3A_2662 = arith.addi %add3A_2661, %iota3A_2660 : vector<16xi32>
    %lt3A_2663 = arith.cmpi slt, %add3A_2662, %get3A_2289 : vector<16xi32>
    %get3A_2664 = arith.constant 1 : i32
    %get3A_2665 = arith.index_cast %get3A_2664 : i32 to index
    %get3A_2666 = arith.constant 144 : index
    %get3A_2667 = tpu.vector_load %arg8[%get3A_2665, %get3A_2666] {strides = array<i32>} : memref<11x192xf32, #tpu.memory_space<vmem>>, vector<16xf32>,
    %jit3A_2668 = arith.constant 0.000000e+00 : f32
    %broadcast_in_dim3A_2669 = vector.broadcast %jit3A_2668 : f32 to vector<16xf32>
    %select_n3A_2670 = arith.select %lt3A_2663, %get3A_2667, %broadcast_in_dim3A_2669 : vector<16xi1>, vector<16xf32>
    %swap3A_2671 = arith.constant 1 : i32
    %swap3A_2672 = arith.index_cast %swap3A_2671 : i32 to index
    %swap3A_2673 = arith.constant 144 : index
    %swap3A_2674 = tpu.vector_load %arg8[%swap3A_2672, %swap3A_2673] {strides = array<i32>} : memref<11x192xf32, #tpu.memory_space<vmem>>, vector<16xf32>,
    tpu.vector_store %arg8[%swap3A_2672, %swap3A_2673], %select_n3A_2670 {strides = array<i32>} : memref<11x192xf32, #tpu.memory_space<vmem>>, vector<16xf32>,
    %add3A_2675 = arith.constant 160 : i32
    %add3A_2676 = arith.addi %select_n3A_36, %add3A_2675 : i32
    %iota3A_2677 = tpu.iota {dimensions = array<i32: 0>} : vector<16xi32>
    %add3A_2678 = vector.broadcast %add3A_2676 : i32 to vector<16xi32>
    %add3A_2679 = arith.addi %add3A_2678, %iota3A_2677 : vector<16xi32>
    %lt3A_2680 = arith.cmpi slt, %add3A_2679, %get3A_2289 : vector<16xi32>
    %get3A_2681 = arith.constant 1 : i32
    %get3A_2682 = arith.index_cast %get3A_2681 : i32 to index
    %get3A_2683 = arith.constant 160 : index
    %get3A_2684 = tpu.vector_load %arg8[%get3A_2682, %get3A_2683] {strides = array<i32>} : memref<11x192xf32, #tpu.memory_space<vmem>>, vector<16xf32>,
    %jit3A_2685 = arith.constant 0.000000e+00 : f32
    %broadcast_in_dim3A_2686 = vector.broadcast %jit3A_2685 : f32 to vector<16xf32>
    %select_n3A_2687 = arith.select %lt3A_2680, %get3A_2684, %broadcast_in_dim3A_2686 : vector<16xi1>, vector<16xf32>
    %swap3A_2688 = arith.constant 1 : i32
    %swap3A_2689 = arith.index_cast %swap3A_2688 : i32 to index
    %swap3A_2690 = arith.constant 160 : index
    %swap3A_2691 = tpu.vector_load %arg8[%swap3A_2689, %swap3A_2690] {strides = array<i32>} : memref<11x192xf32, #tpu.memory_space<vmem>>, vector<16xf32>,
    tpu.vector_store %arg8[%swap3A_2689, %swap3A_2690], %select_n3A_2687 {strides = array<i32>} : memref<11x192xf32, #tpu.memory_space<vmem>>, vector<16xf32>,
    %add3A_2692 = arith.constant 176 : i32
    %add3A_2693 = arith.addi %select_n3A_36, %add3A_2692 : i32
    %iota3A_2694 = tpu.iota {dimensions = array<i32: 0>} : vector<16xi32>
    %add3A_2695 = vector.broadcast %add3A_2693 : i32 to vector<16xi32>
    %add3A_2696 = arith.addi %add3A_2695, %iota3A_2694 : vector<16xi32>
    %lt3A_2697 = arith.cmpi slt, %add3A_2696, %get3A_2289 : vector<16xi32>
    %get3A_2698 = arith.constant 1 : i32
    %get3A_2699 = arith.index_cast %get3A_2698 : i32 to index
    %get3A_2700 = arith.constant 176 : index
    %get3A_2701 = tpu.vector_load %arg8[%get3A_2699, %get3A_2700] {strides = array<i32>} : memref<11x192xf32, #tpu.memory_space<vmem>>, vector<16xf32>,
    %jit3A_2702 = arith.constant 0.000000e+00 : f32
    %broadcast_in_dim3A_2703 = vector.broadcast %jit3A_2702 : f32 to vector<16xf32>
    %select_n3A_2704 = arith.select %lt3A_2697, %get3A_2701, %broadcast_in_dim3A_2703 : vector<16xi1>, vector<16xf32>
    %swap3A_2705 = arith.constant 1 : i32
    %swap3A_2706 = arith.index_cast %swap3A_2705 : i32 to index
    %swap3A_2707 = arith.constant 176 : index
    %swap3A_2708 = tpu.vector_load %arg8[%swap3A_2706, %swap3A_2707] {strides = array<i32>} : memref<11x192xf32, #tpu.memory_space<vmem>>, vector<16xf32>,
    tpu.vector_store %arg8[%swap3A_2706, %swap3A_2707], %select_n3A_2704 {strides = array<i32>} : memref<11x192xf32, #tpu.memory_space<vmem>>, vector<16xf32>,
    %dma_start3A_2709 = arith.constant 1 : i32
    %dma_start3A_2710 = arith.constant 1 : i32
    %dma_start3A_2711 = arith.constant 0 : i32
    %dma_start3A_2712 = tpu.memref_slice %arg8[%dma_start3A_2709, %dma_start3A_2711] : memref<11x192xf32, #tpu.memory_space<vmem>> -> memref<1x192xf32, #tpu.memory_space<vmem>>
    %dma_start3A_2713 = tpu.memref_squeeze %dma_start3A_2712 : memref<1x192xf32, #tpu.memory_space<vmem>> -> memref<192xf32, #tpu.memory_space<vmem>>
    %dma_start3A_2714 = tpu.memref_slice %arg5[%select_n3A, %dma_start3A_2710, %select_n3A_36] : memref<2x11x3000xf32, #tpu.memory_space<hbm>> -> memref<1x1x192xf32, #tpu.memory_space<hbm>>
    %dma_start3A_2715 = tpu.memref_squeeze %dma_start3A_2714 : memref<1x1x192xf32, #tpu.memory_space<hbm>> -> memref<192xf32, #tpu.memory_space<hbm>>
    %dma_start3A_2716 = tpu.memref_slice %arg5[%select_n3A, %dma_start3A_2710, %select_n3A_36] : memref<2x11x3000xf32, #tpu.memory_space<hbm>> -> memref<1x1x192xf32, #tpu.memory_space<hbm>>
    %dma_start3A_2717 = tpu.memref_squeeze %dma_start3A_2716 : memref<1x1x192xf32, #tpu.memory_space<hbm>> -> memref<192xf32, #tpu.memory_space<hbm>>
    %dma_start3A_2718 = arith.constant 0 : i32
    %dma_start3A_2719 = tpu.memref_slice %arg8[%dma_start3A_2709, %dma_start3A_2718] : memref<11x192xf32, #tpu.memory_space<vmem>> -> memref<1x192xf32, #tpu.memory_space<vmem>>
    %dma_start3A_2720 = tpu.memref_squeeze %dma_start3A_2719 : memref<1x192xf32, #tpu.memory_space<vmem>> -> memref<192xf32, #tpu.memory_space<vmem>>
    tpu.enqueue_dma source(%dma_start3A_2720 : memref<192xf32, #tpu.memory_space<vmem>>) target(%dma_start3A_2717 : memref<192xf32, #tpu.memory_space<hbm>>) target_semaphore(%arg12 : memref<!tpu.dma_semaphore, #tpu.memory_space<semaphore_mem>>)
    %add3A_2721 = arith.constant 0 : i32
    %add3A_2722 = arith.addi %select_n3A_36, %add3A_2721 : i32
    %iota3A_2723 = tpu.iota {dimensions = array<i32: 0>} : vector<16xi32>
    %add3A_2724 = vector.broadcast %add3A_2722 : i32 to vector<16xi32>
    %add3A_2725 = arith.addi %add3A_2724, %iota3A_2723 : vector<16xi32>
    %lt3A_2726 = arith.cmpi slt, %add3A_2725, %get3A_2289 : vector<16xi32>
    %get3A_2727 = arith.constant 2 : i32
    %get3A_2728 = arith.index_cast %get3A_2727 : i32 to index
    %get3A_2729 = arith.constant 0 : index
    %get3A_2730 = tpu.vector_load %arg8[%get3A_2728, %get3A_2729] {strides = array<i32>} : memref<11x192xf32, #tpu.memory_space<vmem>>, vector<16xf32>,
    %jit3A_2731 = arith.constant 0.000000e+00 : f32
    %broadcast_in_dim3A_2732 = vector.broadcast %jit3A_2731 : f32 to vector<16xf32>
    %select_n3A_2733 = arith.select %lt3A_2726, %get3A_2730, %broadcast_in_dim3A_2732 : vector<16xi1>, vector<16xf32>
    %swap3A_2734 = arith.constant 2 : i32
    %swap3A_2735 = arith.index_cast %swap3A_2734 : i32 to index
    %swap3A_2736 = arith.constant 0 : index
    %swap3A_2737 = tpu.vector_load %arg8[%swap3A_2735, %swap3A_2736] {strides = array<i32>} : memref<11x192xf32, #tpu.memory_space<vmem>>, vector<16xf32>,
    tpu.vector_store %arg8[%swap3A_2735, %swap3A_2736], %select_n3A_2733 {strides = array<i32>} : memref<11x192xf32, #tpu.memory_space<vmem>>, vector<16xf32>,
    %add3A_2738 = arith.constant 16 : i32
    %add3A_2739 = arith.addi %select_n3A_36, %add3A_2738 : i32
    %iota3A_2740 = tpu.iota {dimensions = array<i32: 0>} : vector<16xi32>
    %add3A_2741 = vector.broadcast %add3A_2739 : i32 to vector<16xi32>
    %add3A_2742 = arith.addi %add3A_2741, %iota3A_2740 : vector<16xi32>
    %lt3A_2743 = arith.cmpi slt, %add3A_2742, %get3A_2289 : vector<16xi32>
    %get3A_2744 = arith.constant 2 : i32
    %get3A_2745 = arith.index_cast %get3A_2744 : i32 to index
    %get3A_2746 = arith.constant 16 : index
    %get3A_2747 = tpu.vector_load %arg8[%get3A_2745, %get3A_2746] {strides = array<i32>} : memref<11x192xf32, #tpu.memory_space<vmem>>, vector<16xf32>,
    %jit3A_2748 = arith.constant 0.000000e+00 : f32
    %broadcast_in_dim3A_2749 = vector.broadcast %jit3A_2748 : f32 to vector<16xf32>
    %select_n3A_2750 = arith.select %lt3A_2743, %get3A_2747, %broadcast_in_dim3A_2749 : vector<16xi1>, vector<16xf32>
    %swap3A_2751 = arith.constant 2 : i32
    %swap3A_2752 = arith.index_cast %swap3A_2751 : i32 to index
    %swap3A_2753 = arith.constant 16 : index
    %swap3A_2754 = tpu.vector_load %arg8[%swap3A_2752, %swap3A_2753] {strides = array<i32>} : memref<11x192xf32, #tpu.memory_space<vmem>>, vector<16xf32>,
    tpu.vector_store %arg8[%swap3A_2752, %swap3A_2753], %select_n3A_2750 {strides = array<i32>} : memref<11x192xf32, #tpu.memory_space<vmem>>, vector<16xf32>,
    %add3A_2755 = arith.constant 32 : i32
    %add3A_2756 = arith.addi %select_n3A_36, %add3A_2755 : i32
    %iota3A_2757 = tpu.iota {dimensions = array<i32: 0>} : vector<16xi32>
    %add3A_2758 = vector.broadcast %add3A_2756 : i32 to vector<16xi32>
    %add3A_2759 = arith.addi %add3A_2758, %iota3A_2757 : vector<16xi32>
    %lt3A_2760 = arith.cmpi slt, %add3A_2759, %get3A_2289 : vector<16xi32>
    %get3A_2761 = arith.constant 2 : i32
    %get3A_2762 = arith.index_cast %get3A_2761 : i32 to index
    %get3A_2763 = arith.constant 32 : index
    %get3A_2764 = tpu.vector_load %arg8[%get3A_2762, %get3A_2763] {strides = array<i32>} : memref<11x192xf32, #tpu.memory_space<vmem>>, vector<16xf32>,
    %jit3A_2765 = arith.constant 0.000000e+00 : f32
    %broadcast_in_dim3A_2766 = vector.broadcast %jit3A_2765 : f32 to vector<16xf32>
    %select_n3A_2767 = arith.select %lt3A_2760, %get3A_2764, %broadcast_in_dim3A_2766 : vector<16xi1>, vector<16xf32>
    %swap3A_2768 = arith.constant 2 : i32
    %swap3A_2769 = arith.index_cast %swap3A_2768 : i32 to index
    %swap3A_2770 = arith.constant 32 : index
    %swap3A_2771 = tpu.vector_load %arg8[%swap3A_2769, %swap3A_2770] {strides = array<i32>} : memref<11x192xf32, #tpu.memory_space<vmem>>, vector<16xf32>,
    tpu.vector_store %arg8[%swap3A_2769, %swap3A_2770], %select_n3A_2767 {strides = array<i32>} : memref<11x192xf32, #tpu.memory_space<vmem>>, vector<16xf32>,
    %add3A_2772 = arith.constant 48 : i32
    %add3A_2773 = arith.addi %select_n3A_36, %add3A_2772 : i32
    %iota3A_2774 = tpu.iota {dimensions = array<i32: 0>} : vector<16xi32>
    %add3A_2775 = vector.broadcast %add3A_2773 : i32 to vector<16xi32>
    %add3A_2776 = arith.addi %add3A_2775, %iota3A_2774 : vector<16xi32>
    %lt3A_2777 = arith.cmpi slt, %add3A_2776, %get3A_2289 : vector<16xi32>
    %get3A_2778 = arith.constant 2 : i32
    %get3A_2779 = arith.index_cast %get3A_2778 : i32 to index
    %get3A_2780 = arith.constant 48 : index
    %get3A_2781 = tpu.vector_load %arg8[%get3A_2779, %get3A_2780] {strides = array<i32>} : memref<11x192xf32, #tpu.memory_space<vmem>>, vector<16xf32>,
    %jit3A_2782 = arith.constant 0.000000e+00 : f32
    %broadcast_in_dim3A_2783 = vector.broadcast %jit3A_2782 : f32 to vector<16xf32>
    %select_n3A_2784 = arith.select %lt3A_2777, %get3A_2781, %broadcast_in_dim3A_2783 : vector<16xi1>, vector<16xf32>
    %swap3A_2785 = arith.constant 2 : i32
    %swap3A_2786 = arith.index_cast %swap3A_2785 : i32 to index
    %swap3A_2787 = arith.constant 48 : index
    %swap3A_2788 = tpu.vector_load %arg8[%swap3A_2786, %swap3A_2787] {strides = array<i32>} : memref<11x192xf32, #tpu.memory_space<vmem>>, vector<16xf32>,
    tpu.vector_store %arg8[%swap3A_2786, %swap3A_2787], %select_n3A_2784 {strides = array<i32>} : memref<11x192xf32, #tpu.memory_space<vmem>>, vector<16xf32>,
    %add3A_2789 = arith.constant 64 : i32
    %add3A_2790 = arith.addi %select_n3A_36, %add3A_2789 : i32
    %iota3A_2791 = tpu.iota {dimensions = array<i32: 0>} : vector<16xi32>
    %add3A_2792 = vector.broadcast %add3A_2790 : i32 to vector<16xi32>
    %add3A_2793 = arith.addi %add3A_2792, %iota3A_2791 : vector<16xi32>
    %lt3A_2794 = arith.cmpi slt, %add3A_2793, %get3A_2289 : vector<16xi32>
    %get3A_2795 = arith.constant 2 : i32
    %get3A_2796 = arith.index_cast %get3A_2795 : i32 to index
    %get3A_2797 = arith.constant 64 : index
    %get3A_2798 = tpu.vector_load %arg8[%get3A_2796, %get3A_2797] {strides = array<i32>} : memref<11x192xf32, #tpu.memory_space<vmem>>, vector<16xf32>,
    %jit3A_2799 = arith.constant 0.000000e+00 : f32
    %broadcast_in_dim3A_2800 = vector.broadcast %jit3A_2799 : f32 to vector<16xf32>
    %select_n3A_2801 = arith.select %lt3A_2794, %get3A_2798, %broadcast_in_dim3A_2800 : vector<16xi1>, vector<16xf32>
    %swap3A_2802 = arith.constant 2 : i32
    %swap3A_2803 = arith.index_cast %swap3A_2802 : i32 to index
    %swap3A_2804 = arith.constant 64 : index
    %swap3A_2805 = tpu.vector_load %arg8[%swap3A_2803, %swap3A_2804] {strides = array<i32>} : memref<11x192xf32, #tpu.memory_space<vmem>>, vector<16xf32>,
    tpu.vector_store %arg8[%swap3A_2803, %swap3A_2804], %select_n3A_2801 {strides = array<i32>} : memref<11x192xf32, #tpu.memory_space<vmem>>, vector<16xf32>,
    %add3A_2806 = arith.constant 80 : i32
    %add3A_2807 = arith.addi %select_n3A_36, %add3A_2806 : i32
    %iota3A_2808 = tpu.iota {dimensions = array<i32: 0>} : vector<16xi32>
    %add3A_2809 = vector.broadcast %add3A_2807 : i32 to vector<16xi32>
    %add3A_2810 = arith.addi %add3A_2809, %iota3A_2808 : vector<16xi32>
    %lt3A_2811 = arith.cmpi slt, %add3A_2810, %get3A_2289 : vector<16xi32>
    %get3A_2812 = arith.constant 2 : i32
    %get3A_2813 = arith.index_cast %get3A_2812 : i32 to index
    %get3A_2814 = arith.constant 80 : index
    %get3A_2815 = tpu.vector_load %arg8[%get3A_2813, %get3A_2814] {strides = array<i32>} : memref<11x192xf32, #tpu.memory_space<vmem>>, vector<16xf32>,
    %jit3A_2816 = arith.constant 0.000000e+00 : f32
    %broadcast_in_dim3A_2817 = vector.broadcast %jit3A_2816 : f32 to vector<16xf32>
    %select_n3A_2818 = arith.select %lt3A_2811, %get3A_2815, %broadcast_in_dim3A_2817 : vector<16xi1>, vector<16xf32>
    %swap3A_2819 = arith.constant 2 : i32
    %swap3A_2820 = arith.index_cast %swap3A_2819 : i32 to index
    %swap3A_2821 = arith.constant 80 : index
    %swap3A_2822 = tpu.vector_load %arg8[%swap3A_2820, %swap3A_2821] {strides = array<i32>} : memref<11x192xf32, #tpu.memory_space<vmem>>, vector<16xf32>,
    tpu.vector_store %arg8[%swap3A_2820, %swap3A_2821], %select_n3A_2818 {strides = array<i32>} : memref<11x192xf32, #tpu.memory_space<vmem>>, vector<16xf32>,
    %add3A_2823 = arith.constant 96 : i32
    %add3A_2824 = arith.addi %select_n3A_36, %add3A_2823 : i32
    %iota3A_2825 = tpu.iota {dimensions = array<i32: 0>} : vector<16xi32>
    %add3A_2826 = vector.broadcast %add3A_2824 : i32 to vector<16xi32>
    %add3A_2827 = arith.addi %add3A_2826, %iota3A_2825 : vector<16xi32>
    %lt3A_2828 = arith.cmpi slt, %add3A_2827, %get3A_2289 : vector<16xi32>
    %get3A_2829 = arith.constant 2 : i32
    %get3A_2830 = arith.index_cast %get3A_2829 : i32 to index
    %get3A_2831 = arith.constant 96 : index
    %get3A_2832 = tpu.vector_load %arg8[%get3A_2830, %get3A_2831] {strides = array<i32>} : memref<11x192xf32, #tpu.memory_space<vmem>>, vector<16xf32>,
    %jit3A_2833 = arith.constant 0.000000e+00 : f32
    %broadcast_in_dim3A_2834 = vector.broadcast %jit3A_2833 : f32 to vector<16xf32>
    %select_n3A_2835 = arith.select %lt3A_2828, %get3A_2832, %broadcast_in_dim3A_2834 : vector<16xi1>, vector<16xf32>
    %swap3A_2836 = arith.constant 2 : i32
    %swap3A_2837 = arith.index_cast %swap3A_2836 : i32 to index
    %swap3A_2838 = arith.constant 96 : index
    %swap3A_2839 = tpu.vector_load %arg8[%swap3A_2837, %swap3A_2838] {strides = array<i32>} : memref<11x192xf32, #tpu.memory_space<vmem>>, vector<16xf32>,
    tpu.vector_store %arg8[%swap3A_2837, %swap3A_2838], %select_n3A_2835 {strides = array<i32>} : memref<11x192xf32, #tpu.memory_space<vmem>>, vector<16xf32>,
    %add3A_2840 = arith.constant 112 : i32
    %add3A_2841 = arith.addi %select_n3A_36, %add3A_2840 : i32
    %iota3A_2842 = tpu.iota {dimensions = array<i32: 0>} : vector<16xi32>
    %add3A_2843 = vector.broadcast %add3A_2841 : i32 to vector<16xi32>
    %add3A_2844 = arith.addi %add3A_2843, %iota3A_2842 : vector<16xi32>
    %lt3A_2845 = arith.cmpi slt, %add3A_2844, %get3A_2289 : vector<16xi32>
    %get3A_2846 = arith.constant 2 : i32
    %get3A_2847 = arith.index_cast %get3A_2846 : i32 to index
    %get3A_2848 = arith.constant 112 : index
    %get3A_2849 = tpu.vector_load %arg8[%get3A_2847, %get3A_2848] {strides = array<i32>} : memref<11x192xf32, #tpu.memory_space<vmem>>, vector<16xf32>,
    %jit3A_2850 = arith.constant 0.000000e+00 : f32
    %broadcast_in_dim3A_2851 = vector.broadcast %jit3A_2850 : f32 to vector<16xf32>
    %select_n3A_2852 = arith.select %lt3A_2845, %get3A_2849, %broadcast_in_dim3A_2851 : vector<16xi1>, vector<16xf32>
    %swap3A_2853 = arith.constant 2 : i32
    %swap3A_2854 = arith.index_cast %swap3A_2853 : i32 to index
    %swap3A_2855 = arith.constant 112 : index
    %swap3A_2856 = tpu.vector_load %arg8[%swap3A_2854, %swap3A_2855] {strides = array<i32>} : memref<11x192xf32, #tpu.memory_space<vmem>>, vector<16xf32>,
    tpu.vector_store %arg8[%swap3A_2854, %swap3A_2855], %select_n3A_2852 {strides = array<i32>} : memref<11x192xf32, #tpu.memory_space<vmem>>, vector<16xf32>,
    %add3A_2857 = arith.constant 128 : i32
    %add3A_2858 = arith.addi %select_n3A_36, %add3A_2857 : i32
    %iota3A_2859 = tpu.iota {dimensions = array<i32: 0>} : vector<16xi32>
    %add3A_2860 = vector.broadcast %add3A_2858 : i32 to vector<16xi32>
    %add3A_2861 = arith.addi %add3A_2860, %iota3A_2859 : vector<16xi32>
    %lt3A_2862 = arith.cmpi slt, %add3A_2861, %get3A_2289 : vector<16xi32>
    %get3A_2863 = arith.constant 2 : i32
    %get3A_2864 = arith.index_cast %get3A_2863 : i32 to index
    %get3A_2865 = arith.constant 128 : index
    %get3A_2866 = tpu.vector_load %arg8[%get3A_2864, %get3A_2865] {strides = array<i32>} : memref<11x192xf32, #tpu.memory_space<vmem>>, vector<16xf32>,
    %jit3A_2867 = arith.constant 0.000000e+00 : f32
    %broadcast_in_dim3A_2868 = vector.broadcast %jit3A_2867 : f32 to vector<16xf32>
    %select_n3A_2869 = arith.select %lt3A_2862, %get3A_2866, %broadcast_in_dim3A_2868 : vector<16xi1>, vector<16xf32>
    %swap3A_2870 = arith.constant 2 : i32
    %swap3A_2871 = arith.index_cast %swap3A_2870 : i32 to index
    %swap3A_2872 = arith.constant 128 : index
    %swap3A_2873 = tpu.vector_load %arg8[%swap3A_2871, %swap3A_2872] {strides = array<i32>} : memref<11x192xf32, #tpu.memory_space<vmem>>, vector<16xf32>,
    tpu.vector_store %arg8[%swap3A_2871, %swap3A_2872], %select_n3A_2869 {strides = array<i32>} : memref<11x192xf32, #tpu.memory_space<vmem>>, vector<16xf32>,
    %add3A_2874 = arith.constant 144 : i32
    %add3A_2875 = arith.addi %select_n3A_36, %add3A_2874 : i32
    %iota3A_2876 = tpu.iota {dimensions = array<i32: 0>} : vector<16xi32>
    %add3A_2877 = vector.broadcast %add3A_2875 : i32 to vector<16xi32>
    %add3A_2878 = arith.addi %add3A_2877, %iota3A_2876 : vector<16xi32>
    %lt3A_2879 = arith.cmpi slt, %add3A_2878, %get3A_2289 : vector<16xi32>
    %get3A_2880 = arith.constant 2 : i32
    %get3A_2881 = arith.index_cast %get3A_2880 : i32 to index
    %get3A_2882 = arith.constant 144 : index
    %get3A_2883 = tpu.vector_load %arg8[%get3A_2881, %get3A_2882] {strides = array<i32>} : memref<11x192xf32, #tpu.memory_space<vmem>>, vector<16xf32>,
    %jit3A_2884 = arith.constant 0.000000e+00 : f32
    %broadcast_in_dim3A_2885 = vector.broadcast %jit3A_2884 : f32 to vector<16xf32>
    %select_n3A_2886 = arith.select %lt3A_2879, %get3A_2883, %broadcast_in_dim3A_2885 : vector<16xi1>, vector<16xf32>
    %swap3A_2887 = arith.constant 2 : i32
    %swap3A_2888 = arith.index_cast %swap3A_2887 : i32 to index
    %swap3A_2889 = arith.constant 144 : index
    %swap3A_2890 = tpu.vector_load %arg8[%swap3A_2888, %swap3A_2889] {strides = array<i32>} : memref<11x192xf32, #tpu.memory_space<vmem>>, vector<16xf32>,
    tpu.vector_store %arg8[%swap3A_2888, %swap3A_2889], %select_n3A_2886 {strides = array<i32>} : memref<11x192xf32, #tpu.memory_space<vmem>>, vector<16xf32>,
    %add3A_2891 = arith.constant 160 : i32
    %add3A_2892 = arith.addi %select_n3A_36, %add3A_2891 : i32
    %iota3A_2893 = tpu.iota {dimensions = array<i32: 0>} : vector<16xi32>
    %add3A_2894 = vector.broadcast %add3A_2892 : i32 to vector<16xi32>
    %add3A_2895 = arith.addi %add3A_2894, %iota3A_2893 : vector<16xi32>
    %lt3A_2896 = arith.cmpi slt, %add3A_2895, %get3A_2289 : vector<16xi32>
    %get3A_2897 = arith.constant 2 : i32
    %get3A_2898 = arith.index_cast %get3A_2897 : i32 to index
    %get3A_2899 = arith.constant 160 : index
    %get3A_2900 = tpu.vector_load %arg8[%get3A_2898, %get3A_2899] {strides = array<i32>} : memref<11x192xf32, #tpu.memory_space<vmem>>, vector<16xf32>,
    %jit3A_2901 = arith.constant 0.000000e+00 : f32
    %broadcast_in_dim3A_2902 = vector.broadcast %jit3A_2901 : f32 to vector<16xf32>
    %select_n3A_2903 = arith.select %lt3A_2896, %get3A_2900, %broadcast_in_dim3A_2902 : vector<16xi1>, vector<16xf32>
    %swap3A_2904 = arith.constant 2 : i32
    %swap3A_2905 = arith.index_cast %swap3A_2904 : i32 to index
    %swap3A_2906 = arith.constant 160 : index
    %swap3A_2907 = tpu.vector_load %arg8[%swap3A_2905, %swap3A_2906] {strides = array<i32>} : memref<11x192xf32, #tpu.memory_space<vmem>>, vector<16xf32>,
    tpu.vector_store %arg8[%swap3A_2905, %swap3A_2906], %select_n3A_2903 {strides = array<i32>} : memref<11x192xf32, #tpu.memory_space<vmem>>, vector<16xf32>,
    %add3A_2908 = arith.constant 176 : i32
    %add3A_2909 = arith.addi %select_n3A_36, %add3A_2908 : i32
    %iota3A_2910 = tpu.iota {dimensions = array<i32: 0>} : vector<16xi32>
    %add3A_2911 = vector.broadcast %add3A_2909 : i32 to vector<16xi32>
    %add3A_2912 = arith.addi %add3A_2911, %iota3A_2910 : vector<16xi32>
    %lt3A_2913 = arith.cmpi slt, %add3A_2912, %get3A_2289 : vector<16xi32>
    %get3A_2914 = arith.constant 2 : i32
    %get3A_2915 = arith.index_cast %get3A_2914 : i32 to index
    %get3A_2916 = arith.constant 176 : index
    %get3A_2917 = tpu.vector_load %arg8[%get3A_2915, %get3A_2916] {strides = array<i32>} : memref<11x192xf32, #tpu.memory_space<vmem>>, vector<16xf32>,
    %jit3A_2918 = arith.constant 0.000000e+00 : f32
    %broadcast_in_dim3A_2919 = vector.broadcast %jit3A_2918 : f32 to vector<16xf32>
    %select_n3A_2920 = arith.select %lt3A_2913, %get3A_2917, %broadcast_in_dim3A_2919 : vector<16xi1>, vector<16xf32>
    %swap3A_2921 = arith.constant 2 : i32
    %swap3A_2922 = arith.index_cast %swap3A_2921 : i32 to index
    %swap3A_2923 = arith.constant 176 : index
    %swap3A_2924 = tpu.vector_load %arg8[%swap3A_2922, %swap3A_2923] {strides = array<i32>} : memref<11x192xf32, #tpu.memory_space<vmem>>, vector<16xf32>,
    tpu.vector_store %arg8[%swap3A_2922, %swap3A_2923], %select_n3A_2920 {strides = array<i32>} : memref<11x192xf32, #tpu.memory_space<vmem>>, vector<16xf32>,
    %dma_start3A_2925 = arith.constant 2 : i32
    %dma_start3A_2926 = arith.constant 2 : i32
    %dma_start3A_2927 = arith.constant 0 : i32
    %dma_start3A_2928 = tpu.memref_slice %arg8[%dma_start3A_2925, %dma_start3A_2927] : memref<11x192xf32, #tpu.memory_space<vmem>> -> memref<1x192xf32, #tpu.memory_space<vmem>>
    %dma_start3A_2929 = tpu.memref_squeeze %dma_start3A_2928 : memref<1x192xf32, #tpu.memory_space<vmem>> -> memref<192xf32, #tpu.memory_space<vmem>>
    %dma_start3A_2930 = tpu.memref_slice %arg5[%select_n3A, %dma_start3A_2926, %select_n3A_36] : memref<2x11x3000xf32, #tpu.memory_space<hbm>> -> memref<1x1x192xf32, #tpu.memory_space<hbm>>
    %dma_start3A_2931 = tpu.memref_squeeze %dma_start3A_2930 : memref<1x1x192xf32, #tpu.memory_space<hbm>> -> memref<192xf32, #tpu.memory_space<hbm>>
    %dma_start3A_2932 = tpu.memref_slice %arg5[%select_n3A, %dma_start3A_2926, %select_n3A_36] : memref<2x11x3000xf32, #tpu.memory_space<hbm>> -> memref<1x1x192xf32, #tpu.memory_space<hbm>>
    %dma_start3A_2933 = tpu.memref_squeeze %dma_start3A_2932 : memref<1x1x192xf32, #tpu.memory_space<hbm>> -> memref<192xf32, #tpu.memory_space<hbm>>
    %dma_start3A_2934 = arith.constant 0 : i32
    %dma_start3A_2935 = tpu.memref_slice %arg8[%dma_start3A_2925, %dma_start3A_2934] : memref<11x192xf32, #tpu.memory_space<vmem>> -> memref<1x192xf32, #tpu.memory_space<vmem>>
    %dma_start3A_2936 = tpu.memref_squeeze %dma_start3A_2935 : memref<1x192xf32, #tpu.memory_space<vmem>> -> memref<192xf32, #tpu.memory_space<vmem>>
    tpu.enqueue_dma source(%dma_start3A_2936 : memref<192xf32, #tpu.memory_space<vmem>>) target(%dma_start3A_2933 : memref<192xf32, #tpu.memory_space<hbm>>) target_semaphore(%arg12 : memref<!tpu.dma_semaphore, #tpu.memory_space<semaphore_mem>>)
    %add3A_2937 = arith.constant 0 : i32
    %add3A_2938 = arith.addi %select_n3A_36, %add3A_2937 : i32
    %iota3A_2939 = tpu.iota {dimensions = array<i32: 0>} : vector<16xi32>
    %add3A_2940 = vector.broadcast %add3A_2938 : i32 to vector<16xi32>
    %add3A_2941 = arith.addi %add3A_2940, %iota3A_2939 : vector<16xi32>
    %lt3A_2942 = arith.cmpi slt, %add3A_2941, %get3A_2289 : vector<16xi32>
    %get3A_2943 = arith.constant 3 : i32
    %get3A_2944 = arith.index_cast %get3A_2943 : i32 to index
    %get3A_2945 = arith.constant 0 : index
    %get3A_2946 = tpu.vector_load %arg8[%get3A_2944, %get3A_2945] {strides = array<i32>} : memref<11x192xf32, #tpu.memory_space<vmem>>, vector<16xf32>,
    %jit3A_2947 = arith.constant 0.000000e+00 : f32
    %broadcast_in_dim3A_2948 = vector.broadcast %jit3A_2947 : f32 to vector<16xf32>
    %select_n3A_2949 = arith.select %lt3A_2942, %get3A_2946, %broadcast_in_dim3A_2948 : vector<16xi1>, vector<16xf32>
    %swap3A_2950 = arith.constant 3 : i32
    %swap3A_2951 = arith.index_cast %swap3A_2950 : i32 to index
    %swap3A_2952 = arith.constant 0 : index
    %swap3A_2953 = tpu.vector_load %arg8[%swap3A_2951, %swap3A_2952] {strides = array<i32>} : memref<11x192xf32, #tpu.memory_space<vmem>>, vector<16xf32>,
    tpu.vector_store %arg8[%swap3A_2951, %swap3A_2952], %select_n3A_2949 {strides = array<i32>} : memref<11x192xf32, #tpu.memory_space<vmem>>, vector<16xf32>,
    %add3A_2954 = arith.constant 16 : i32
    %add3A_2955 = arith.addi %select_n3A_36, %add3A_2954 : i32
    %iota3A_2956 = tpu.iota {dimensions = array<i32: 0>} : vector<16xi32>
    %add3A_2957 = vector.broadcast %add3A_2955 : i32 to vector<16xi32>
    %add3A_2958 = arith.addi %add3A_2957, %iota3A_2956 : vector<16xi32>
    %lt3A_2959 = arith.cmpi slt, %add3A_2958, %get3A_2289 : vector<16xi32>
    %get3A_2960 = arith.constant 3 : i32
    %get3A_2961 = arith.index_cast %get3A_2960 : i32 to index
    %get3A_2962 = arith.constant 16 : index
    %get3A_2963 = tpu.vector_load %arg8[%get3A_2961, %get3A_2962] {strides = array<i32>} : memref<11x192xf32, #tpu.memory_space<vmem>>, vector<16xf32>,
    %jit3A_2964 = arith.constant 0.000000e+00 : f32
    %broadcast_in_dim3A_2965 = vector.broadcast %jit3A_2964 : f32 to vector<16xf32>
    %select_n3A_2966 = arith.select %lt3A_2959, %get3A_2963, %broadcast_in_dim3A_2965 : vector<16xi1>, vector<16xf32>
    %swap3A_2967 = arith.constant 3 : i32
    %swap3A_2968 = arith.index_cast %swap3A_2967 : i32 to index
    %swap3A_2969 = arith.constant 16 : index
    %swap3A_2970 = tpu.vector_load %arg8[%swap3A_2968, %swap3A_2969] {strides = array<i32>} : memref<11x192xf32, #tpu.memory_space<vmem>>, vector<16xf32>,
    tpu.vector_store %arg8[%swap3A_2968, %swap3A_2969], %select_n3A_2966 {strides = array<i32>} : memref<11x192xf32, #tpu.memory_space<vmem>>, vector<16xf32>,
    %add3A_2971 = arith.constant 32 : i32
    %add3A_2972 = arith.addi %select_n3A_36, %add3A_2971 : i32
    %iota3A_2973 = tpu.iota {dimensions = array<i32: 0>} : vector<16xi32>
    %add3A_2974 = vector.broadcast %add3A_2972 : i32 to vector<16xi32>
    %add3A_2975 = arith.addi %add3A_2974, %iota3A_2973 : vector<16xi32>
    %lt3A_2976 = arith.cmpi slt, %add3A_2975, %get3A_2289 : vector<16xi32>
    %get3A_2977 = arith.constant 3 : i32
    %get3A_2978 = arith.index_cast %get3A_2977 : i32 to index
    %get3A_2979 = arith.constant 32 : index
    %get3A_2980 = tpu.vector_load %arg8[%get3A_2978, %get3A_2979] {strides = array<i32>} : memref<11x192xf32, #tpu.memory_space<vmem>>, vector<16xf32>,
    %jit3A_2981 = arith.constant 0.000000e+00 : f32
    %broadcast_in_dim3A_2982 = vector.broadcast %jit3A_2981 : f32 to vector<16xf32>
    %select_n3A_2983 = arith.select %lt3A_2976, %get3A_2980, %broadcast_in_dim3A_2982 : vector<16xi1>, vector<16xf32>
    %swap3A_2984 = arith.constant 3 : i32
    %swap3A_2985 = arith.index_cast %swap3A_2984 : i32 to index
    %swap3A_2986 = arith.constant 32 : index
    %swap3A_2987 = tpu.vector_load %arg8[%swap3A_2985, %swap3A_2986] {strides = array<i32>} : memref<11x192xf32, #tpu.memory_space<vmem>>, vector<16xf32>,
    tpu.vector_store %arg8[%swap3A_2985, %swap3A_2986], %select_n3A_2983 {strides = array<i32>} : memref<11x192xf32, #tpu.memory_space<vmem>>, vector<16xf32>,
    %add3A_2988 = arith.constant 48 : i32
    %add3A_2989 = arith.addi %select_n3A_36, %add3A_2988 : i32
    %iota3A_2990 = tpu.iota {dimensions = array<i32: 0>} : vector<16xi32>
    %add3A_2991 = vector.broadcast %add3A_2989 : i32 to vector<16xi32>
    %add3A_2992 = arith.addi %add3A_2991, %iota3A_2990 : vector<16xi32>
    %lt3A_2993 = arith.cmpi slt, %add3A_2992, %get3A_2289 : vector<16xi32>
    %get3A_2994 = arith.constant 3 : i32
    %get3A_2995 = arith.index_cast %get3A_2994 : i32 to index
    %get3A_2996 = arith.constant 48 : index
    %get3A_2997 = tpu.vector_load %arg8[%get3A_2995, %get3A_2996] {strides = array<i32>} : memref<11x192xf32, #tpu.memory_space<vmem>>, vector<16xf32>,
    %jit3A_2998 = arith.constant 0.000000e+00 : f32
    %broadcast_in_dim3A_2999 = vector.broadcast %jit3A_2998 : f32 to vector<16xf32>
    %select_n3A_3000 = arith.select %lt3A_2993, %get3A_2997, %broadcast_in_dim3A_2999 : vector<16xi1>, vector<16xf32>
    %swap3A_3001 = arith.constant 3 : i32
    %swap3A_3002 = arith.index_cast %swap3A_3001 : i32 to index
    %swap3A_3003 = arith.constant 48 : index
    %swap3A_3004 = tpu.vector_load %arg8[%swap3A_3002, %swap3A_3003] {strides = array<i32>} : memref<11x192xf32, #tpu.memory_space<vmem>>, vector<16xf32>,
    tpu.vector_store %arg8[%swap3A_3002, %swap3A_3003], %select_n3A_3000 {strides = array<i32>} : memref<11x192xf32, #tpu.memory_space<vmem>>, vector<16xf32>,
    %add3A_3005 = arith.constant 64 : i32
    %add3A_3006 = arith.addi %select_n3A_36, %add3A_3005 : i32
    %iota3A_3007 = tpu.iota {dimensions = array<i32: 0>} : vector<16xi32>
    %add3A_3008 = vector.broadcast %add3A_3006 : i32 to vector<16xi32>
    %add3A_3009 = arith.addi %add3A_3008, %iota3A_3007 : vector<16xi32>
    %lt3A_3010 = arith.cmpi slt, %add3A_3009, %get3A_2289 : vector<16xi32>
    %get3A_3011 = arith.constant 3 : i32
    %get3A_3012 = arith.index_cast %get3A_3011 : i32 to index
    %get3A_3013 = arith.constant 64 : index
    %get3A_3014 = tpu.vector_load %arg8[%get3A_3012, %get3A_3013] {strides = array<i32>} : memref<11x192xf32, #tpu.memory_space<vmem>>, vector<16xf32>,
    %jit3A_3015 = arith.constant 0.000000e+00 : f32
    %broadcast_in_dim3A_3016 = vector.broadcast %jit3A_3015 : f32 to vector<16xf32>
    %select_n3A_3017 = arith.select %lt3A_3010, %get3A_3014, %broadcast_in_dim3A_3016 : vector<16xi1>, vector<16xf32>
    %swap3A_3018 = arith.constant 3 : i32
    %swap3A_3019 = arith.index_cast %swap3A_3018 : i32 to index
    %swap3A_3020 = arith.constant 64 : index
    %swap3A_3021 = tpu.vector_load %arg8[%swap3A_3019, %swap3A_3020] {strides = array<i32>} : memref<11x192xf32, #tpu.memory_space<vmem>>, vector<16xf32>,
    tpu.vector_store %arg8[%swap3A_3019, %swap3A_3020], %select_n3A_3017 {strides = array<i32>} : memref<11x192xf32, #tpu.memory_space<vmem>>, vector<16xf32>,
    %add3A_3022 = arith.constant 80 : i32
    %add3A_3023 = arith.addi %select_n3A_36, %add3A_3022 : i32
    %iota3A_3024 = tpu.iota {dimensions = array<i32: 0>} : vector<16xi32>
    %add3A_3025 = vector.broadcast %add3A_3023 : i32 to vector<16xi32>
    %add3A_3026 = arith.addi %add3A_3025, %iota3A_3024 : vector<16xi32>
    %lt3A_3027 = arith.cmpi slt, %add3A_3026, %get3A_2289 : vector<16xi32>
    %get3A_3028 = arith.constant 3 : i32
    %get3A_3029 = arith.index_cast %get3A_3028 : i32 to index
    %get3A_3030 = arith.constant 80 : index
    %get3A_3031 = tpu.vector_load %arg8[%get3A_3029, %get3A_3030] {strides = array<i32>} : memref<11x192xf32, #tpu.memory_space<vmem>>, vector<16xf32>,
    %jit3A_3032 = arith.constant 0.000000e+00 : f32
    %broadcast_in_dim3A_3033 = vector.broadcast %jit3A_3032 : f32 to vector<16xf32>
    %select_n3A_3034 = arith.select %lt3A_3027, %get3A_3031, %broadcast_in_dim3A_3033 : vector<16xi1>, vector<16xf32>
    %swap3A_3035 = arith.constant 3 : i32
    %swap3A_3036 = arith.index_cast %swap3A_3035 : i32 to index
    %swap3A_3037 = arith.constant 80 : index
    %swap3A_3038 = tpu.vector_load %arg8[%swap3A_3036, %swap3A_3037] {strides = array<i32>} : memref<11x192xf32, #tpu.memory_space<vmem>>, vector<16xf32>,
    tpu.vector_store %arg8[%swap3A_3036, %swap3A_3037], %select_n3A_3034 {strides = array<i32>} : memref<11x192xf32, #tpu.memory_space<vmem>>, vector<16xf32>,
    %add3A_3039 = arith.constant 96 : i32
    %add3A_3040 = arith.addi %select_n3A_36, %add3A_3039 : i32
    %iota3A_3041 = tpu.iota {dimensions = array<i32: 0>} : vector<16xi32>
    %add3A_3042 = vector.broadcast %add3A_3040 : i32 to vector<16xi32>
    %add3A_3043 = arith.addi %add3A_3042, %iota3A_3041 : vector<16xi32>
    %lt3A_3044 = arith.cmpi slt, %add3A_3043, %get3A_2289 : vector<16xi32>
    %get3A_3045 = arith.constant 3 : i32
    %get3A_3046 = arith.index_cast %get3A_3045 : i32 to index
    %get3A_3047 = arith.constant 96 : index
    %get3A_3048 = tpu.vector_load %arg8[%get3A_3046, %get3A_3047] {strides = array<i32>} : memref<11x192xf32, #tpu.memory_space<vmem>>, vector<16xf32>,
    %jit3A_3049 = arith.constant 0.000000e+00 : f32
    %broadcast_in_dim3A_3050 = vector.broadcast %jit3A_3049 : f32 to vector<16xf32>
    %select_n3A_3051 = arith.select %lt3A_3044, %get3A_3048, %broadcast_in_dim3A_3050 : vector<16xi1>, vector<16xf32>
    %swap3A_3052 = arith.constant 3 : i32
    %swap3A_3053 = arith.index_cast %swap3A_3052 : i32 to index
    %swap3A_3054 = arith.constant 96 : index
    %swap3A_3055 = tpu.vector_load %arg8[%swap3A_3053, %swap3A_3054] {strides = array<i32>} : memref<11x192xf32, #tpu.memory_space<vmem>>, vector<16xf32>,
    tpu.vector_store %arg8[%swap3A_3053, %swap3A_3054], %select_n3A_3051 {strides = array<i32>} : memref<11x192xf32, #tpu.memory_space<vmem>>, vector<16xf32>,
    %add3A_3056 = arith.constant 112 : i32
    %add3A_3057 = arith.addi %select_n3A_36, %add3A_3056 : i32
    %iota3A_3058 = tpu.iota {dimensions = array<i32: 0>} : vector<16xi32>
    %add3A_3059 = vector.broadcast %add3A_3057 : i32 to vector<16xi32>
    %add3A_3060 = arith.addi %add3A_3059, %iota3A_3058 : vector<16xi32>
    %lt3A_3061 = arith.cmpi slt, %add3A_3060, %get3A_2289 : vector<16xi32>
    %get3A_3062 = arith.constant 3 : i32
    %get3A_3063 = arith.index_cast %get3A_3062 : i32 to index
    %get3A_3064 = arith.constant 112 : index
    %get3A_3065 = tpu.vector_load %arg8[%get3A_3063, %get3A_3064] {strides = array<i32>} : memref<11x192xf32, #tpu.memory_space<vmem>>, vector<16xf32>,
    %jit3A_3066 = arith.constant 0.000000e+00 : f32
    %broadcast_in_dim3A_3067 = vector.broadcast %jit3A_3066 : f32 to vector<16xf32>
    %select_n3A_3068 = arith.select %lt3A_3061, %get3A_3065, %broadcast_in_dim3A_3067 : vector<16xi1>, vector<16xf32>
    %swap3A_3069 = arith.constant 3 : i32
    %swap3A_3070 = arith.index_cast %swap3A_3069 : i32 to index
    %swap3A_3071 = arith.constant 112 : index
    %swap3A_3072 = tpu.vector_load %arg8[%swap3A_3070, %swap3A_3071] {strides = array<i32>} : memref<11x192xf32, #tpu.memory_space<vmem>>, vector<16xf32>,
    tpu.vector_store %arg8[%swap3A_3070, %swap3A_3071], %select_n3A_3068 {strides = array<i32>} : memref<11x192xf32, #tpu.memory_space<vmem>>, vector<16xf32>,
    %add3A_3073 = arith.constant 128 : i32
    %add3A_3074 = arith.addi %select_n3A_36, %add3A_3073 : i32
    %iota3A_3075 = tpu.iota {dimensions = array<i32: 0>} : vector<16xi32>
    %add3A_3076 = vector.broadcast %add3A_3074 : i32 to vector<16xi32>
    %add3A_3077 = arith.addi %add3A_3076, %iota3A_3075 : vector<16xi32>
    %lt3A_3078 = arith.cmpi slt, %add3A_3077, %get3A_2289 : vector<16xi32>
    %get3A_3079 = arith.constant 3 : i32
    %get3A_3080 = arith.index_cast %get3A_3079 : i32 to index
    %get3A_3081 = arith.constant 128 : index
    %get3A_3082 = tpu.vector_load %arg8[%get3A_3080, %get3A_3081] {strides = array<i32>} : memref<11x192xf32, #tpu.memory_space<vmem>>, vector<16xf32>,
    %jit3A_3083 = arith.constant 0.000000e+00 : f32
    %broadcast_in_dim3A_3084 = vector.broadcast %jit3A_3083 : f32 to vector<16xf32>
    %select_n3A_3085 = arith.select %lt3A_3078, %get3A_3082, %broadcast_in_dim3A_3084 : vector<16xi1>, vector<16xf32>
    %swap3A_3086 = arith.constant 3 : i32
    %swap3A_3087 = arith.index_cast %swap3A_3086 : i32 to index
    %swap3A_3088 = arith.constant 128 : index
    %swap3A_3089 = tpu.vector_load %arg8[%swap3A_3087, %swap3A_3088] {strides = array<i32>} : memref<11x192xf32, #tpu.memory_space<vmem>>, vector<16xf32>,
    tpu.vector_store %arg8[%swap3A_3087, %swap3A_3088], %select_n3A_3085 {strides = array<i32>} : memref<11x192xf32, #tpu.memory_space<vmem>>, vector<16xf32>,
    %add3A_3090 = arith.constant 144 : i32
    %add3A_3091 = arith.addi %select_n3A_36, %add3A_3090 : i32
    %iota3A_3092 = tpu.iota {dimensions = array<i32: 0>} : vector<16xi32>
    %add3A_3093 = vector.broadcast %add3A_3091 : i32 to vector<16xi32>
    %add3A_3094 = arith.addi %add3A_3093, %iota3A_3092 : vector<16xi32>
    %lt3A_3095 = arith.cmpi slt, %add3A_3094, %get3A_2289 : vector<16xi32>
    %get3A_3096 = arith.constant 3 : i32
    %get3A_3097 = arith.index_cast %get3A_3096 : i32 to index
    %get3A_3098 = arith.constant 144 : index
    %get3A_3099 = tpu.vector_load %arg8[%get3A_3097, %get3A_3098] {strides = array<i32>} : memref<11x192xf32, #tpu.memory_space<vmem>>, vector<16xf32>,
    %jit3A_3100 = arith.constant 0.000000e+00 : f32
    %broadcast_in_dim3A_3101 = vector.broadcast %jit3A_3100 : f32 to vector<16xf32>
    %select_n3A_3102 = arith.select %lt3A_3095, %get3A_3099, %broadcast_in_dim3A_3101 : vector<16xi1>, vector<16xf32>
    %swap3A_3103 = arith.constant 3 : i32
    %swap3A_3104 = arith.index_cast %swap3A_3103 : i32 to index
    %swap3A_3105 = arith.constant 144 : index
    %swap3A_3106 = tpu.vector_load %arg8[%swap3A_3104, %swap3A_3105] {strides = array<i32>} : memref<11x192xf32, #tpu.memory_space<vmem>>, vector<16xf32>,
    tpu.vector_store %arg8[%swap3A_3104, %swap3A_3105], %select_n3A_3102 {strides = array<i32>} : memref<11x192xf32, #tpu.memory_space<vmem>>, vector<16xf32>,
    %add3A_3107 = arith.constant 160 : i32
    %add3A_3108 = arith.addi %select_n3A_36, %add3A_3107 : i32
    %iota3A_3109 = tpu.iota {dimensions = array<i32: 0>} : vector<16xi32>
    %add3A_3110 = vector.broadcast %add3A_3108 : i32 to vector<16xi32>
    %add3A_3111 = arith.addi %add3A_3110, %iota3A_3109 : vector<16xi32>
    %lt3A_3112 = arith.cmpi slt, %add3A_3111, %get3A_2289 : vector<16xi32>
    %get3A_3113 = arith.constant 3 : i32
    %get3A_3114 = arith.index_cast %get3A_3113 : i32 to index
    %get3A_3115 = arith.constant 160 : index
    %get3A_3116 = tpu.vector_load %arg8[%get3A_3114, %get3A_3115] {strides = array<i32>} : memref<11x192xf32, #tpu.memory_space<vmem>>, vector<16xf32>,
    %jit3A_3117 = arith.constant 0.000000e+00 : f32
    %broadcast_in_dim3A_3118 = vector.broadcast %jit3A_3117 : f32 to vector<16xf32>
    %select_n3A_3119 = arith.select %lt3A_3112, %get3A_3116, %broadcast_in_dim3A_3118 : vector<16xi1>, vector<16xf32>
    %swap3A_3120 = arith.constant 3 : i32
    %swap3A_3121 = arith.index_cast %swap3A_3120 : i32 to index
    %swap3A_3122 = arith.constant 160 : index
    %swap3A_3123 = tpu.vector_load %arg8[%swap3A_3121, %swap3A_3122] {strides = array<i32>} : memref<11x192xf32, #tpu.memory_space<vmem>>, vector<16xf32>,
    tpu.vector_store %arg8[%swap3A_3121, %swap3A_3122], %select_n3A_3119 {strides = array<i32>} : memref<11x192xf32, #tpu.memory_space<vmem>>, vector<16xf32>,
    %add3A_3124 = arith.constant 176 : i32
    %add3A_3125 = arith.addi %select_n3A_36, %add3A_3124 : i32
    %iota3A_3126 = tpu.iota {dimensions = array<i32: 0>} : vector<16xi32>
    %add3A_3127 = vector.broadcast %add3A_3125 : i32 to vector<16xi32>
    %add3A_3128 = arith.addi %add3A_3127, %iota3A_3126 : vector<16xi32>
    %lt3A_3129 = arith.cmpi slt, %add3A_3128, %get3A_2289 : vector<16xi32>
    %get3A_3130 = arith.constant 3 : i32
    %get3A_3131 = arith.index_cast %get3A_3130 : i32 to index
    %get3A_3132 = arith.constant 176 : index
    %get3A_3133 = tpu.vector_load %arg8[%get3A_3131, %get3A_3132] {strides = array<i32>} : memref<11x192xf32, #tpu.memory_space<vmem>>, vector<16xf32>,
    %jit3A_3134 = arith.constant 0.000000e+00 : f32
    %broadcast_in_dim3A_3135 = vector.broadcast %jit3A_3134 : f32 to vector<16xf32>
    %select_n3A_3136 = arith.select %lt3A_3129, %get3A_3133, %broadcast_in_dim3A_3135 : vector<16xi1>, vector<16xf32>
    %swap3A_3137 = arith.constant 3 : i32
    %swap3A_3138 = arith.index_cast %swap3A_3137 : i32 to index
    %swap3A_3139 = arith.constant 176 : index
    %swap3A_3140 = tpu.vector_load %arg8[%swap3A_3138, %swap3A_3139] {strides = array<i32>} : memref<11x192xf32, #tpu.memory_space<vmem>>, vector<16xf32>,
    tpu.vector_store %arg8[%swap3A_3138, %swap3A_3139], %select_n3A_3136 {strides = array<i32>} : memref<11x192xf32, #tpu.memory_space<vmem>>, vector<16xf32>,
    %dma_start3A_3141 = arith.constant 3 : i32
    %dma_start3A_3142 = arith.constant 3 : i32
    %dma_start3A_3143 = arith.constant 0 : i32
    %dma_start3A_3144 = tpu.memref_slice %arg8[%dma_start3A_3141, %dma_start3A_3143] : memref<11x192xf32, #tpu.memory_space<vmem>> -> memref<1x192xf32, #tpu.memory_space<vmem>>
    %dma_start3A_3145 = tpu.memref_squeeze %dma_start3A_3144 : memref<1x192xf32, #tpu.memory_space<vmem>> -> memref<192xf32, #tpu.memory_space<vmem>>
    %dma_start3A_3146 = tpu.memref_slice %arg5[%select_n3A, %dma_start3A_3142, %select_n3A_36] : memref<2x11x3000xf32, #tpu.memory_space<hbm>> -> memref<1x1x192xf32, #tpu.memory_space<hbm>>
    %dma_start3A_3147 = tpu.memref_squeeze %dma_start3A_3146 : memref<1x1x192xf32, #tpu.memory_space<hbm>> -> memref<192xf32, #tpu.memory_space<hbm>>
    %dma_start3A_3148 = tpu.memref_slice %arg5[%select_n3A, %dma_start3A_3142, %select_n3A_36] : memref<2x11x3000xf32, #tpu.memory_space<hbm>> -> memref<1x1x192xf32, #tpu.memory_space<hbm>>
    %dma_start3A_3149 = tpu.memref_squeeze %dma_start3A_3148 : memref<1x1x192xf32, #tpu.memory_space<hbm>> -> memref<192xf32, #tpu.memory_space<hbm>>
    %dma_start3A_3150 = arith.constant 0 : i32
    %dma_start3A_3151 = tpu.memref_slice %arg8[%dma_start3A_3141, %dma_start3A_3150] : memref<11x192xf32, #tpu.memory_space<vmem>> -> memref<1x192xf32, #tpu.memory_space<vmem>>
    %dma_start3A_3152 = tpu.memref_squeeze %dma_start3A_3151 : memref<1x192xf32, #tpu.memory_space<vmem>> -> memref<192xf32, #tpu.memory_space<vmem>>
    tpu.enqueue_dma source(%dma_start3A_3152 : memref<192xf32, #tpu.memory_space<vmem>>) target(%dma_start3A_3149 : memref<192xf32, #tpu.memory_space<hbm>>) target_semaphore(%arg12 : memref<!tpu.dma_semaphore, #tpu.memory_space<semaphore_mem>>)
    %add3A_3153 = arith.constant 0 : i32
    %add3A_3154 = arith.addi %select_n3A_36, %add3A_3153 : i32
    %iota3A_3155 = tpu.iota {dimensions = array<i32: 0>} : vector<16xi32>
    %add3A_3156 = vector.broadcast %add3A_3154 : i32 to vector<16xi32>
    %add3A_3157 = arith.addi %add3A_3156, %iota3A_3155 : vector<16xi32>
    %lt3A_3158 = arith.cmpi slt, %add3A_3157, %get3A_2289 : vector<16xi32>
    %get3A_3159 = arith.constant 4 : i32
    %get3A_3160 = arith.index_cast %get3A_3159 : i32 to index
    %get3A_3161 = arith.constant 0 : index
    %get3A_3162 = tpu.vector_load %arg8[%get3A_3160, %get3A_3161] {strides = array<i32>} : memref<11x192xf32, #tpu.memory_space<vmem>>, vector<16xf32>,
    %jit3A_3163 = arith.constant 0.000000e+00 : f32
    %broadcast_in_dim3A_3164 = vector.broadcast %jit3A_3163 : f32 to vector<16xf32>
    %select_n3A_3165 = arith.select %lt3A_3158, %get3A_3162, %broadcast_in_dim3A_3164 : vector<16xi1>, vector<16xf32>
    %swap3A_3166 = arith.constant 4 : i32
    %swap3A_3167 = arith.index_cast %swap3A_3166 : i32 to index
    %swap3A_3168 = arith.constant 0 : index
    %swap3A_3169 = tpu.vector_load %arg8[%swap3A_3167, %swap3A_3168] {strides = array<i32>} : memref<11x192xf32, #tpu.memory_space<vmem>>, vector<16xf32>,
    tpu.vector_store %arg8[%swap3A_3167, %swap3A_3168], %select_n3A_3165 {strides = array<i32>} : memref<11x192xf32, #tpu.memory_space<vmem>>, vector<16xf32>,
    %add3A_3170 = arith.constant 16 : i32
    %add3A_3171 = arith.addi %select_n3A_36, %add3A_3170 : i32
    %iota3A_3172 = tpu.iota {dimensions = array<i32: 0>} : vector<16xi32>
    %add3A_3173 = vector.broadcast %add3A_3171 : i32 to vector<16xi32>
    %add3A_3174 = arith.addi %add3A_3173, %iota3A_3172 : vector<16xi32>
    %lt3A_3175 = arith.cmpi slt, %add3A_3174, %get3A_2289 : vector<16xi32>
    %get3A_3176 = arith.constant 4 : i32
    %get3A_3177 = arith.index_cast %get3A_3176 : i32 to index
    %get3A_3178 = arith.constant 16 : index
    %get3A_3179 = tpu.vector_load %arg8[%get3A_3177, %get3A_3178] {strides = array<i32>} : memref<11x192xf32, #tpu.memory_space<vmem>>, vector<16xf32>,
    %jit3A_3180 = arith.constant 0.000000e+00 : f32
    %broadcast_in_dim3A_3181 = vector.broadcast %jit3A_3180 : f32 to vector<16xf32>
    %select_n3A_3182 = arith.select %lt3A_3175, %get3A_3179, %broadcast_in_dim3A_3181 : vector<16xi1>, vector<16xf32>
    %swap3A_3183 = arith.constant 4 : i32
    %swap3A_3184 = arith.index_cast %swap3A_3183 : i32 to index
    %swap3A_3185 = arith.constant 16 : index
    %swap3A_3186 = tpu.vector_load %arg8[%swap3A_3184, %swap3A_3185] {strides = array<i32>} : memref<11x192xf32, #tpu.memory_space<vmem>>, vector<16xf32>,
    tpu.vector_store %arg8[%swap3A_3184, %swap3A_3185], %select_n3A_3182 {strides = array<i32>} : memref<11x192xf32, #tpu.memory_space<vmem>>, vector<16xf32>,
    %add3A_3187 = arith.constant 32 : i32
    %add3A_3188 = arith.addi %select_n3A_36, %add3A_3187 : i32
    %iota3A_3189 = tpu.iota {dimensions = array<i32: 0>} : vector<16xi32>
    %add3A_3190 = vector.broadcast %add3A_3188 : i32 to vector<16xi32>
    %add3A_3191 = arith.addi %add3A_3190, %iota3A_3189 : vector<16xi32>
    %lt3A_3192 = arith.cmpi slt, %add3A_3191, %get3A_2289 : vector<16xi32>
    %get3A_3193 = arith.constant 4 : i32
    %get3A_3194 = arith.index_cast %get3A_3193 : i32 to index
    %get3A_3195 = arith.constant 32 : index
    %get3A_3196 = tpu.vector_load %arg8[%get3A_3194, %get3A_3195] {strides = array<i32>} : memref<11x192xf32, #tpu.memory_space<vmem>>, vector<16xf32>,
    %jit3A_3197 = arith.constant 0.000000e+00 : f32
    %broadcast_in_dim3A_3198 = vector.broadcast %jit3A_3197 : f32 to vector<16xf32>
    %select_n3A_3199 = arith.select %lt3A_3192, %get3A_3196, %broadcast_in_dim3A_3198 : vector<16xi1>, vector<16xf32>
    %swap3A_3200 = arith.constant 4 : i32
    %swap3A_3201 = arith.index_cast %swap3A_3200 : i32 to index
    %swap3A_3202 = arith.constant 32 : index
    %swap3A_3203 = tpu.vector_load %arg8[%swap3A_3201, %swap3A_3202] {strides = array<i32>} : memref<11x192xf32, #tpu.memory_space<vmem>>, vector<16xf32>,
    tpu.vector_store %arg8[%swap3A_3201, %swap3A_3202], %select_n3A_3199 {strides = array<i32>} : memref<11x192xf32, #tpu.memory_space<vmem>>, vector<16xf32>,
    %add3A_3204 = arith.constant 48 : i32
    %add3A_3205 = arith.addi %select_n3A_36, %add3A_3204 : i32
    %iota3A_3206 = tpu.iota {dimensions = array<i32: 0>} : vector<16xi32>
    %add3A_3207 = vector.broadcast %add3A_3205 : i32 to vector<16xi32>
    %add3A_3208 = arith.addi %add3A_3207, %iota3A_3206 : vector<16xi32>
    %lt3A_3209 = arith.cmpi slt, %add3A_3208, %get3A_2289 : vector<16xi32>
    %get3A_3210 = arith.constant 4 : i32
    %get3A_3211 = arith.index_cast %get3A_3210 : i32 to index
    %get3A_3212 = arith.constant 48 : index
    %get3A_3213 = tpu.vector_load %arg8[%get3A_3211, %get3A_3212] {strides = array<i32>} : memref<11x192xf32, #tpu.memory_space<vmem>>, vector<16xf32>,
    %jit3A_3214 = arith.constant 0.000000e+00 : f32
    %broadcast_in_dim3A_3215 = vector.broadcast %jit3A_3214 : f32 to vector<16xf32>
    %select_n3A_3216 = arith.select %lt3A_3209, %get3A_3213, %broadcast_in_dim3A_3215 : vector<16xi1>, vector<16xf32>
    %swap3A_3217 = arith.constant 4 : i32
    %swap3A_3218 = arith.index_cast %swap3A_3217 : i32 to index
    %swap3A_3219 = arith.constant 48 : index
    %swap3A_3220 = tpu.vector_load %arg8[%swap3A_3218, %swap3A_3219] {strides = array<i32>} : memref<11x192xf32, #tpu.memory_space<vmem>>, vector<16xf32>,
    tpu.vector_store %arg8[%swap3A_3218, %swap3A_3219], %select_n3A_3216 {strides = array<i32>} : memref<11x192xf32, #tpu.memory_space<vmem>>, vector<16xf32>,
    %add3A_3221 = arith.constant 64 : i32
    %add3A_3222 = arith.addi %select_n3A_36, %add3A_3221 : i32
    %iota3A_3223 = tpu.iota {dimensions = array<i32: 0>} : vector<16xi32>
    %add3A_3224 = vector.broadcast %add3A_3222 : i32 to vector<16xi32>
    %add3A_3225 = arith.addi %add3A_3224, %iota3A_3223 : vector<16xi32>
    %lt3A_3226 = arith.cmpi slt, %add3A_3225, %get3A_2289 : vector<16xi32>
    %get3A_3227 = arith.constant 4 : i32
    %get3A_3228 = arith.index_cast %get3A_3227 : i32 to index
    %get3A_3229 = arith.constant 64 : index
    %get3A_3230 = tpu.vector_load %arg8[%get3A_3228, %get3A_3229] {strides = array<i32>} : memref<11x192xf32, #tpu.memory_space<vmem>>, vector<16xf32>,
    %jit3A_3231 = arith.constant 0.000000e+00 : f32
    %broadcast_in_dim3A_3232 = vector.broadcast %jit3A_3231 : f32 to vector<16xf32>
    %select_n3A_3233 = arith.select %lt3A_3226, %get3A_3230, %broadcast_in_dim3A_3232 : vector<16xi1>, vector<16xf32>
    %swap3A_3234 = arith.constant 4 : i32
    %swap3A_3235 = arith.index_cast %swap3A_3234 : i32 to index
    %swap3A_3236 = arith.constant 64 : index
    %swap3A_3237 = tpu.vector_load %arg8[%swap3A_3235, %swap3A_3236] {strides = array<i32>} : memref<11x192xf32, #tpu.memory_space<vmem>>, vector<16xf32>,
    tpu.vector_store %arg8[%swap3A_3235, %swap3A_3236], %select_n3A_3233 {strides = array<i32>} : memref<11x192xf32, #tpu.memory_space<vmem>>, vector<16xf32>,
    %add3A_3238 = arith.constant 80 : i32
    %add3A_3239 = arith.addi %select_n3A_36, %add3A_3238 : i32
    %iota3A_3240 = tpu.iota {dimensions = array<i32: 0>} : vector<16xi32>
    %add3A_3241 = vector.broadcast %add3A_3239 : i32 to vector<16xi32>
    %add3A_3242 = arith.addi %add3A_3241, %iota3A_3240 : vector<16xi32>
    %lt3A_3243 = arith.cmpi slt, %add3A_3242, %get3A_2289 : vector<16xi32>
    %get3A_3244 = arith.constant 4 : i32
    %get3A_3245 = arith.index_cast %get3A_3244 : i32 to index
    %get3A_3246 = arith.constant 80 : index
    %get3A_3247 = tpu.vector_load %arg8[%get3A_3245, %get3A_3246] {strides = array<i32>} : memref<11x192xf32, #tpu.memory_space<vmem>>, vector<16xf32>,
    %jit3A_3248 = arith.constant 0.000000e+00 : f32
    %broadcast_in_dim3A_3249 = vector.broadcast %jit3A_3248 : f32 to vector<16xf32>
    %select_n3A_3250 = arith.select %lt3A_3243, %get3A_3247, %broadcast_in_dim3A_3249 : vector<16xi1>, vector<16xf32>
    %swap3A_3251 = arith.constant 4 : i32
    %swap3A_3252 = arith.index_cast %swap3A_3251 : i32 to index
    %swap3A_3253 = arith.constant 80 : index
    %swap3A_3254 = tpu.vector_load %arg8[%swap3A_3252, %swap3A_3253] {strides = array<i32>} : memref<11x192xf32, #tpu.memory_space<vmem>>, vector<16xf32>,
    tpu.vector_store %arg8[%swap3A_3252, %swap3A_3253], %select_n3A_3250 {strides = array<i32>} : memref<11x192xf32, #tpu.memory_space<vmem>>, vector<16xf32>,
    %add3A_3255 = arith.constant 96 : i32
    %add3A_3256 = arith.addi %select_n3A_36, %add3A_3255 : i32
    %iota3A_3257 = tpu.iota {dimensions = array<i32: 0>} : vector<16xi32>
    %add3A_3258 = vector.broadcast %add3A_3256 : i32 to vector<16xi32>
    %add3A_3259 = arith.addi %add3A_3258, %iota3A_3257 : vector<16xi32>
    %lt3A_3260 = arith.cmpi slt, %add3A_3259, %get3A_2289 : vector<16xi32>
    %get3A_3261 = arith.constant 4 : i32
    %get3A_3262 = arith.index_cast %get3A_3261 : i32 to index
    %get3A_3263 = arith.constant 96 : index
    %get3A_3264 = tpu.vector_load %arg8[%get3A_3262, %get3A_3263] {strides = array<i32>} : memref<11x192xf32, #tpu.memory_space<vmem>>, vector<16xf32>,
    %jit3A_3265 = arith.constant 0.000000e+00 : f32
    %broadcast_in_dim3A_3266 = vector.broadcast %jit3A_3265 : f32 to vector<16xf32>
    %select_n3A_3267 = arith.select %lt3A_3260, %get3A_3264, %broadcast_in_dim3A_3266 : vector<16xi1>, vector<16xf32>
    %swap3A_3268 = arith.constant 4 : i32
    %swap3A_3269 = arith.index_cast %swap3A_3268 : i32 to index
    %swap3A_3270 = arith.constant 96 : index
    %swap3A_3271 = tpu.vector_load %arg8[%swap3A_3269, %swap3A_3270] {strides = array<i32>} : memref<11x192xf32, #tpu.memory_space<vmem>>, vector<16xf32>,
    tpu.vector_store %arg8[%swap3A_3269, %swap3A_3270], %select_n3A_3267 {strides = array<i32>} : memref<11x192xf32, #tpu.memory_space<vmem>>, vector<16xf32>,
    %add3A_3272 = arith.constant 112 : i32
    %add3A_3273 = arith.addi %select_n3A_36, %add3A_3272 : i32
    %iota3A_3274 = tpu.iota {dimensions = array<i32: 0>} : vector<16xi32>
    %add3A_3275 = vector.broadcast %add3A_3273 : i32 to vector<16xi32>
    %add3A_3276 = arith.addi %add3A_3275, %iota3A_3274 : vector<16xi32>
    %lt3A_3277 = arith.cmpi slt, %add3A_3276, %get3A_2289 : vector<16xi32>
    %get3A_3278 = arith.constant 4 : i32
    %get3A_3279 = arith.index_cast %get3A_3278 : i32 to index
    %get3A_3280 = arith.constant 112 : index
    %get3A_3281 = tpu.vector_load %arg8[%get3A_3279, %get3A_3280] {strides = array<i32>} : memref<11x192xf32, #tpu.memory_space<vmem>>, vector<16xf32>,
    %jit3A_3282 = arith.constant 0.000000e+00 : f32
    %broadcast_in_dim3A_3283 = vector.broadcast %jit3A_3282 : f32 to vector<16xf32>
    %select_n3A_3284 = arith.select %lt3A_3277, %get3A_3281, %broadcast_in_dim3A_3283 : vector<16xi1>, vector<16xf32>
    %swap3A_3285 = arith.constant 4 : i32
    %swap3A_3286 = arith.index_cast %swap3A_3285 : i32 to index
    %swap3A_3287 = arith.constant 112 : index
    %swap3A_3288 = tpu.vector_load %arg8[%swap3A_3286, %swap3A_3287] {strides = array<i32>} : memref<11x192xf32, #tpu.memory_space<vmem>>, vector<16xf32>,
    tpu.vector_store %arg8[%swap3A_3286, %swap3A_3287], %select_n3A_3284 {strides = array<i32>} : memref<11x192xf32, #tpu.memory_space<vmem>>, vector<16xf32>,
    %add3A_3289 = arith.constant 128 : i32
    %add3A_3290 = arith.addi %select_n3A_36, %add3A_3289 : i32
    %iota3A_3291 = tpu.iota {dimensions = array<i32: 0>} : vector<16xi32>
    %add3A_3292 = vector.broadcast %add3A_3290 : i32 to vector<16xi32>
    %add3A_3293 = arith.addi %add3A_3292, %iota3A_3291 : vector<16xi32>
    %lt3A_3294 = arith.cmpi slt, %add3A_3293, %get3A_2289 : vector<16xi32>
    %get3A_3295 = arith.constant 4 : i32
    %get3A_3296 = arith.index_cast %get3A_3295 : i32 to index
    %get3A_3297 = arith.constant 128 : index
    %get3A_3298 = tpu.vector_load %arg8[%get3A_3296, %get3A_3297] {strides = array<i32>} : memref<11x192xf32, #tpu.memory_space<vmem>>, vector<16xf32>,
    %jit3A_3299 = arith.constant 0.000000e+00 : f32
    %broadcast_in_dim3A_3300 = vector.broadcast %jit3A_3299 : f32 to vector<16xf32>
    %select_n3A_3301 = arith.select %lt3A_3294, %get3A_3298, %broadcast_in_dim3A_3300 : vector<16xi1>, vector<16xf32>
    %swap3A_3302 = arith.constant 4 : i32
    %swap3A_3303 = arith.index_cast %swap3A_3302 : i32 to index
    %swap3A_3304 = arith.constant 128 : index
    %swap3A_3305 = tpu.vector_load %arg8[%swap3A_3303, %swap3A_3304] {strides = array<i32>} : memref<11x192xf32, #tpu.memory_space<vmem>>, vector<16xf32>,
    tpu.vector_store %arg8[%swap3A_3303, %swap3A_3304], %select_n3A_3301 {strides = array<i32>} : memref<11x192xf32, #tpu.memory_space<vmem>>, vector<16xf32>,
    %add3A_3306 = arith.constant 144 : i32
    %add3A_3307 = arith.addi %select_n3A_36, %add3A_3306 : i32
    %iota3A_3308 = tpu.iota {dimensions = array<i32: 0>} : vector<16xi32>
    %add3A_3309 = vector.broadcast %add3A_3307 : i32 to vector<16xi32>
    %add3A_3310 = arith.addi %add3A_3309, %iota3A_3308 : vector<16xi32>
    %lt3A_3311 = arith.cmpi slt, %add3A_3310, %get3A_2289 : vector<16xi32>
    %get3A_3312 = arith.constant 4 : i32
    %get3A_3313 = arith.index_cast %get3A_3312 : i32 to index
    %get3A_3314 = arith.constant 144 : index
    %get3A_3315 = tpu.vector_load %arg8[%get3A_3313, %get3A_3314] {strides = array<i32>} : memref<11x192xf32, #tpu.memory_space<vmem>>, vector<16xf32>,
    %jit3A_3316 = arith.constant 0.000000e+00 : f32
    %broadcast_in_dim3A_3317 = vector.broadcast %jit3A_3316 : f32 to vector<16xf32>
    %select_n3A_3318 = arith.select %lt3A_3311, %get3A_3315, %broadcast_in_dim3A_3317 : vector<16xi1>, vector<16xf32>
    %swap3A_3319 = arith.constant 4 : i32
    %swap3A_3320 = arith.index_cast %swap3A_3319 : i32 to index
    %swap3A_3321 = arith.constant 144 : index
    %swap3A_3322 = tpu.vector_load %arg8[%swap3A_3320, %swap3A_3321] {strides = array<i32>} : memref<11x192xf32, #tpu.memory_space<vmem>>, vector<16xf32>,
    tpu.vector_store %arg8[%swap3A_3320, %swap3A_3321], %select_n3A_3318 {strides = array<i32>} : memref<11x192xf32, #tpu.memory_space<vmem>>, vector<16xf32>,
    %add3A_3323 = arith.constant 160 : i32
    %add3A_3324 = arith.addi %select_n3A_36, %add3A_3323 : i32
    %iota3A_3325 = tpu.iota {dimensions = array<i32: 0>} : vector<16xi32>
    %add3A_3326 = vector.broadcast %add3A_3324 : i32 to vector<16xi32>
    %add3A_3327 = arith.addi %add3A_3326, %iota3A_3325 : vector<16xi32>
    %lt3A_3328 = arith.cmpi slt, %add3A_3327, %get3A_2289 : vector<16xi32>
    %get3A_3329 = arith.constant 4 : i32
    %get3A_3330 = arith.index_cast %get3A_3329 : i32 to index
    %get3A_3331 = arith.constant 160 : index
    %get3A_3332 = tpu.vector_load %arg8[%get3A_3330, %get3A_3331] {strides = array<i32>} : memref<11x192xf32, #tpu.memory_space<vmem>>, vector<16xf32>,
    %jit3A_3333 = arith.constant 0.000000e+00 : f32
    %broadcast_in_dim3A_3334 = vector.broadcast %jit3A_3333 : f32 to vector<16xf32>
    %select_n3A_3335 = arith.select %lt3A_3328, %get3A_3332, %broadcast_in_dim3A_3334 : vector<16xi1>, vector<16xf32>
    %swap3A_3336 = arith.constant 4 : i32
    %swap3A_3337 = arith.index_cast %swap3A_3336 : i32 to index
    %swap3A_3338 = arith.constant 160 : index
    %swap3A_3339 = tpu.vector_load %arg8[%swap3A_3337, %swap3A_3338] {strides = array<i32>} : memref<11x192xf32, #tpu.memory_space<vmem>>, vector<16xf32>,
    tpu.vector_store %arg8[%swap3A_3337, %swap3A_3338], %select_n3A_3335 {strides = array<i32>} : memref<11x192xf32, #tpu.memory_space<vmem>>, vector<16xf32>,
    %add3A_3340 = arith.constant 176 : i32
    %add3A_3341 = arith.addi %select_n3A_36, %add3A_3340 : i32
    %iota3A_3342 = tpu.iota {dimensions = array<i32: 0>} : vector<16xi32>
    %add3A_3343 = vector.broadcast %add3A_3341 : i32 to vector<16xi32>
    %add3A_3344 = arith.addi %add3A_3343, %iota3A_3342 : vector<16xi32>
    %lt3A_3345 = arith.cmpi slt, %add3A_3344, %get3A_2289 : vector<16xi32>
    %get3A_3346 = arith.constant 4 : i32
    %get3A_3347 = arith.index_cast %get3A_3346 : i32 to index
    %get3A_3348 = arith.constant 176 : index
    %get3A_3349 = tpu.vector_load %arg8[%get3A_3347, %get3A_3348] {strides = array<i32>} : memref<11x192xf32, #tpu.memory_space<vmem>>, vector<16xf32>,
    %jit3A_3350 = arith.constant 0.000000e+00 : f32
    %broadcast_in_dim3A_3351 = vector.broadcast %jit3A_3350 : f32 to vector<16xf32>
    %select_n3A_3352 = arith.select %lt3A_3345, %get3A_3349, %broadcast_in_dim3A_3351 : vector<16xi1>, vector<16xf32>
    %swap3A_3353 = arith.constant 4 : i32
    %swap3A_3354 = arith.index_cast %swap3A_3353 : i32 to index
    %swap3A_3355 = arith.constant 176 : index
    %swap3A_3356 = tpu.vector_load %arg8[%swap3A_3354, %swap3A_3355] {strides = array<i32>} : memref<11x192xf32, #tpu.memory_space<vmem>>, vector<16xf32>,
    tpu.vector_store %arg8[%swap3A_3354, %swap3A_3355], %select_n3A_3352 {strides = array<i32>} : memref<11x192xf32, #tpu.memory_space<vmem>>, vector<16xf32>,
    %dma_start3A_3357 = arith.constant 4 : i32
    %dma_start3A_3358 = arith.constant 4 : i32
    %dma_start3A_3359 = arith.constant 0 : i32
    %dma_start3A_3360 = tpu.memref_slice %arg8[%dma_start3A_3357, %dma_start3A_3359] : memref<11x192xf32, #tpu.memory_space<vmem>> -> memref<1x192xf32, #tpu.memory_space<vmem>>
    %dma_start3A_3361 = tpu.memref_squeeze %dma_start3A_3360 : memref<1x192xf32, #tpu.memory_space<vmem>> -> memref<192xf32, #tpu.memory_space<vmem>>
    %dma_start3A_3362 = tpu.memref_slice %arg5[%select_n3A, %dma_start3A_3358, %select_n3A_36] : memref<2x11x3000xf32, #tpu.memory_space<hbm>> -> memref<1x1x192xf32, #tpu.memory_space<hbm>>
    %dma_start3A_3363 = tpu.memref_squeeze %dma_start3A_3362 : memref<1x1x192xf32, #tpu.memory_space<hbm>> -> memref<192xf32, #tpu.memory_space<hbm>>
    %dma_start3A_3364 = tpu.memref_slice %arg5[%select_n3A, %dma_start3A_3358, %select_n3A_36] : memref<2x11x3000xf32, #tpu.memory_space<hbm>> -> memref<1x1x192xf32, #tpu.memory_space<hbm>>
    %dma_start3A_3365 = tpu.memref_squeeze %dma_start3A_3364 : memref<1x1x192xf32, #tpu.memory_space<hbm>> -> memref<192xf32, #tpu.memory_space<hbm>>
    %dma_start3A_3366 = arith.constant 0 : i32
    %dma_start3A_3367 = tpu.memref_slice %arg8[%dma_start3A_3357, %dma_start3A_3366] : memref<11x192xf32, #tpu.memory_space<vmem>> -> memref<1x192xf32, #tpu.memory_space<vmem>>
    %dma_start3A_3368 = tpu.memref_squeeze %dma_start3A_3367 : memref<1x192xf32, #tpu.memory_space<vmem>> -> memref<192xf32, #tpu.memory_space<vmem>>
    tpu.enqueue_dma source(%dma_start3A_3368 : memref<192xf32, #tpu.memory_space<vmem>>) target(%dma_start3A_3365 : memref<192xf32, #tpu.memory_space<hbm>>) target_semaphore(%arg12 : memref<!tpu.dma_semaphore, #tpu.memory_space<semaphore_mem>>)
    %add3A_3369 = arith.constant 0 : i32
    %add3A_3370 = arith.addi %select_n3A_36, %add3A_3369 : i32
    %iota3A_3371 = tpu.iota {dimensions = array<i32: 0>} : vector<16xi32>
    %add3A_3372 = vector.broadcast %add3A_3370 : i32 to vector<16xi32>
    %add3A_3373 = arith.addi %add3A_3372, %iota3A_3371 : vector<16xi32>
    %lt3A_3374 = arith.cmpi slt, %add3A_3373, %get3A_2289 : vector<16xi32>
    %get3A_3375 = arith.constant 5 : i32
    %get3A_3376 = arith.index_cast %get3A_3375 : i32 to index
    %get3A_3377 = arith.constant 0 : index
    %get3A_3378 = tpu.vector_load %arg8[%get3A_3376, %get3A_3377] {strides = array<i32>} : memref<11x192xf32, #tpu.memory_space<vmem>>, vector<16xf32>,
    %jit3A_3379 = arith.constant 0.000000e+00 : f32
    %broadcast_in_dim3A_3380 = vector.broadcast %jit3A_3379 : f32 to vector<16xf32>
    %select_n3A_3381 = arith.select %lt3A_3374, %get3A_3378, %broadcast_in_dim3A_3380 : vector<16xi1>, vector<16xf32>
    %swap3A_3382 = arith.constant 5 : i32
    %swap3A_3383 = arith.index_cast %swap3A_3382 : i32 to index
    %swap3A_3384 = arith.constant 0 : index
    %swap3A_3385 = tpu.vector_load %arg8[%swap3A_3383, %swap3A_3384] {strides = array<i32>} : memref<11x192xf32, #tpu.memory_space<vmem>>, vector<16xf32>,
    tpu.vector_store %arg8[%swap3A_3383, %swap3A_3384], %select_n3A_3381 {strides = array<i32>} : memref<11x192xf32, #tpu.memory_space<vmem>>, vector<16xf32>,
    %add3A_3386 = arith.constant 16 : i32
    %add3A_3387 = arith.addi %select_n3A_36, %add3A_3386 : i32
    %iota3A_3388 = tpu.iota {dimensions = array<i32: 0>} : vector<16xi32>
    %add3A_3389 = vector.broadcast %add3A_3387 : i32 to vector<16xi32>
    %add3A_3390 = arith.addi %add3A_3389, %iota3A_3388 : vector<16xi32>
    %lt3A_3391 = arith.cmpi slt, %add3A_3390, %get3A_2289 : vector<16xi32>
    %get3A_3392 = arith.constant 5 : i32
    %get3A_3393 = arith.index_cast %get3A_3392 : i32 to index
    %get3A_3394 = arith.constant 16 : index
    %get3A_3395 = tpu.vector_load %arg8[%get3A_3393, %get3A_3394] {strides = array<i32>} : memref<11x192xf32, #tpu.memory_space<vmem>>, vector<16xf32>,
    %jit3A_3396 = arith.constant 0.000000e+00 : f32
    %broadcast_in_dim3A_3397 = vector.broadcast %jit3A_3396 : f32 to vector<16xf32>
    %select_n3A_3398 = arith.select %lt3A_3391, %get3A_3395, %broadcast_in_dim3A_3397 : vector<16xi1>, vector<16xf32>
    %swap3A_3399 = arith.constant 5 : i32
    %swap3A_3400 = arith.index_cast %swap3A_3399 : i32 to index
    %swap3A_3401 = arith.constant 16 : index
    %swap3A_3402 = tpu.vector_load %arg8[%swap3A_3400, %swap3A_3401] {strides = array<i32>} : memref<11x192xf32, #tpu.memory_space<vmem>>, vector<16xf32>,
    tpu.vector_store %arg8[%swap3A_3400, %swap3A_3401], %select_n3A_3398 {strides = array<i32>} : memref<11x192xf32, #tpu.memory_space<vmem>>, vector<16xf32>,
    %add3A_3403 = arith.constant 32 : i32
    %add3A_3404 = arith.addi %select_n3A_36, %add3A_3403 : i32
    %iota3A_3405 = tpu.iota {dimensions = array<i32: 0>} : vector<16xi32>
    %add3A_3406 = vector.broadcast %add3A_3404 : i32 to vector<16xi32>
    %add3A_3407 = arith.addi %add3A_3406, %iota3A_3405 : vector<16xi32>
    %lt3A_3408 = arith.cmpi slt, %add3A_3407, %get3A_2289 : vector<16xi32>
    %get3A_3409 = arith.constant 5 : i32
    %get3A_3410 = arith.index_cast %get3A_3409 : i32 to index
    %get3A_3411 = arith.constant 32 : index
    %get3A_3412 = tpu.vector_load %arg8[%get3A_3410, %get3A_3411] {strides = array<i32>} : memref<11x192xf32, #tpu.memory_space<vmem>>, vector<16xf32>,
    %jit3A_3413 = arith.constant 0.000000e+00 : f32
    %broadcast_in_dim3A_3414 = vector.broadcast %jit3A_3413 : f32 to vector<16xf32>
    %select_n3A_3415 = arith.select %lt3A_3408, %get3A_3412, %broadcast_in_dim3A_3414 : vector<16xi1>, vector<16xf32>
    %swap3A_3416 = arith.constant 5 : i32
    %swap3A_3417 = arith.index_cast %swap3A_3416 : i32 to index
    %swap3A_3418 = arith.constant 32 : index
    %swap3A_3419 = tpu.vector_load %arg8[%swap3A_3417, %swap3A_3418] {strides = array<i32>} : memref<11x192xf32, #tpu.memory_space<vmem>>, vector<16xf32>,
    tpu.vector_store %arg8[%swap3A_3417, %swap3A_3418], %select_n3A_3415 {strides = array<i32>} : memref<11x192xf32, #tpu.memory_space<vmem>>, vector<16xf32>,
    %add3A_3420 = arith.constant 48 : i32
    %add3A_3421 = arith.addi %select_n3A_36, %add3A_3420 : i32
    %iota3A_3422 = tpu.iota {dimensions = array<i32: 0>} : vector<16xi32>
    %add3A_3423 = vector.broadcast %add3A_3421 : i32 to vector<16xi32>
    %add3A_3424 = arith.addi %add3A_3423, %iota3A_3422 : vector<16xi32>
    %lt3A_3425 = arith.cmpi slt, %add3A_3424, %get3A_2289 : vector<16xi32>
    %get3A_3426 = arith.constant 5 : i32
    %get3A_3427 = arith.index_cast %get3A_3426 : i32 to index
    %get3A_3428 = arith.constant 48 : index
    %get3A_3429 = tpu.vector_load %arg8[%get3A_3427, %get3A_3428] {strides = array<i32>} : memref<11x192xf32, #tpu.memory_space<vmem>>, vector<16xf32>,
    %jit3A_3430 = arith.constant 0.000000e+00 : f32
    %broadcast_in_dim3A_3431 = vector.broadcast %jit3A_3430 : f32 to vector<16xf32>
    %select_n3A_3432 = arith.select %lt3A_3425, %get3A_3429, %broadcast_in_dim3A_3431 : vector<16xi1>, vector<16xf32>
    %swap3A_3433 = arith.constant 5 : i32
    %swap3A_3434 = arith.index_cast %swap3A_3433 : i32 to index
    %swap3A_3435 = arith.constant 48 : index
    %swap3A_3436 = tpu.vector_load %arg8[%swap3A_3434, %swap3A_3435] {strides = array<i32>} : memref<11x192xf32, #tpu.memory_space<vmem>>, vector<16xf32>,
    tpu.vector_store %arg8[%swap3A_3434, %swap3A_3435], %select_n3A_3432 {strides = array<i32>} : memref<11x192xf32, #tpu.memory_space<vmem>>, vector<16xf32>,
    %add3A_3437 = arith.constant 64 : i32
    %add3A_3438 = arith.addi %select_n3A_36, %add3A_3437 : i32
    %iota3A_3439 = tpu.iota {dimensions = array<i32: 0>} : vector<16xi32>
    %add3A_3440 = vector.broadcast %add3A_3438 : i32 to vector<16xi32>
    %add3A_3441 = arith.addi %add3A_3440, %iota3A_3439 : vector<16xi32>
    %lt3A_3442 = arith.cmpi slt, %add3A_3441, %get3A_2289 : vector<16xi32>
    %get3A_3443 = arith.constant 5 : i32
    %get3A_3444 = arith.index_cast %get3A_3443 : i32 to index
    %get3A_3445 = arith.constant 64 : index
    %get3A_3446 = tpu.vector_load %arg8[%get3A_3444, %get3A_3445] {strides = array<i32>} : memref<11x192xf32, #tpu.memory_space<vmem>>, vector<16xf32>,
    %jit3A_3447 = arith.constant 0.000000e+00 : f32
    %broadcast_in_dim3A_3448 = vector.broadcast %jit3A_3447 : f32 to vector<16xf32>
    %select_n3A_3449 = arith.select %lt3A_3442, %get3A_3446, %broadcast_in_dim3A_3448 : vector<16xi1>, vector<16xf32>
    %swap3A_3450 = arith.constant 5 : i32
    %swap3A_3451 = arith.index_cast %swap3A_3450 : i32 to index
    %swap3A_3452 = arith.constant 64 : index
    %swap3A_3453 = tpu.vector_load %arg8[%swap3A_3451, %swap3A_3452] {strides = array<i32>} : memref<11x192xf32, #tpu.memory_space<vmem>>, vector<16xf32>,
    tpu.vector_store %arg8[%swap3A_3451, %swap3A_3452], %select_n3A_3449 {strides = array<i32>} : memref<11x192xf32, #tpu.memory_space<vmem>>, vector<16xf32>,
    %add3A_3454 = arith.constant 80 : i32
    %add3A_3455 = arith.addi %select_n3A_36, %add3A_3454 : i32
    %iota3A_3456 = tpu.iota {dimensions = array<i32: 0>} : vector<16xi32>
    %add3A_3457 = vector.broadcast %add3A_3455 : i32 to vector<16xi32>
    %add3A_3458 = arith.addi %add3A_3457, %iota3A_3456 : vector<16xi32>
    %lt3A_3459 = arith.cmpi slt, %add3A_3458, %get3A_2289 : vector<16xi32>
    %get3A_3460 = arith.constant 5 : i32
    %get3A_3461 = arith.index_cast %get3A_3460 : i32 to index
    %get3A_3462 = arith.constant 80 : index
    %get3A_3463 = tpu.vector_load %arg8[%get3A_3461, %get3A_3462] {strides = array<i32>} : memref<11x192xf32, #tpu.memory_space<vmem>>, vector<16xf32>,
    %jit3A_3464 = arith.constant 0.000000e+00 : f32
    %broadcast_in_dim3A_3465 = vector.broadcast %jit3A_3464 : f32 to vector<16xf32>
    %select_n3A_3466 = arith.select %lt3A_3459, %get3A_3463, %broadcast_in_dim3A_3465 : vector<16xi1>, vector<16xf32>
    %swap3A_3467 = arith.constant 5 : i32
    %swap3A_3468 = arith.index_cast %swap3A_3467 : i32 to index
    %swap3A_3469 = arith.constant 80 : index
    %swap3A_3470 = tpu.vector_load %arg8[%swap3A_3468, %swap3A_3469] {strides = array<i32>} : memref<11x192xf32, #tpu.memory_space<vmem>>, vector<16xf32>,
    tpu.vector_store %arg8[%swap3A_3468, %swap3A_3469], %select_n3A_3466 {strides = array<i32>} : memref<11x192xf32, #tpu.memory_space<vmem>>, vector<16xf32>,
    %add3A_3471 = arith.constant 96 : i32
    %add3A_3472 = arith.addi %select_n3A_36, %add3A_3471 : i32
    %iota3A_3473 = tpu.iota {dimensions = array<i32: 0>} : vector<16xi32>
    %add3A_3474 = vector.broadcast %add3A_3472 : i32 to vector<16xi32>
    %add3A_3475 = arith.addi %add3A_3474, %iota3A_3473 : vector<16xi32>
    %lt3A_3476 = arith.cmpi slt, %add3A_3475, %get3A_2289 : vector<16xi32>
    %get3A_3477 = arith.constant 5 : i32
    %get3A_3478 = arith.index_cast %get3A_3477 : i32 to index
    %get3A_3479 = arith.constant 96 : index
    %get3A_3480 = tpu.vector_load %arg8[%get3A_3478, %get3A_3479] {strides = array<i32>} : memref<11x192xf32, #tpu.memory_space<vmem>>, vector<16xf32>,
    %jit3A_3481 = arith.constant 0.000000e+00 : f32
    %broadcast_in_dim3A_3482 = vector.broadcast %jit3A_3481 : f32 to vector<16xf32>
    %select_n3A_3483 = arith.select %lt3A_3476, %get3A_3480, %broadcast_in_dim3A_3482 : vector<16xi1>, vector<16xf32>
    %swap3A_3484 = arith.constant 5 : i32
    %swap3A_3485 = arith.index_cast %swap3A_3484 : i32 to index
    %swap3A_3486 = arith.constant 96 : index
    %swap3A_3487 = tpu.vector_load %arg8[%swap3A_3485, %swap3A_3486] {strides = array<i32>} : memref<11x192xf32, #tpu.memory_space<vmem>>, vector<16xf32>,
    tpu.vector_store %arg8[%swap3A_3485, %swap3A_3486], %select_n3A_3483 {strides = array<i32>} : memref<11x192xf32, #tpu.memory_space<vmem>>, vector<16xf32>,
    %add3A_3488 = arith.constant 112 : i32
    %add3A_3489 = arith.addi %select_n3A_36, %add3A_3488 : i32
    %iota3A_3490 = tpu.iota {dimensions = array<i32: 0>} : vector<16xi32>
    %add3A_3491 = vector.broadcast %add3A_3489 : i32 to vector<16xi32>
    %add3A_3492 = arith.addi %add3A_3491, %iota3A_3490 : vector<16xi32>
    %lt3A_3493 = arith.cmpi slt, %add3A_3492, %get3A_2289 : vector<16xi32>
    %get3A_3494 = arith.constant 5 : i32
    %get3A_3495 = arith.index_cast %get3A_3494 : i32 to index
    %get3A_3496 = arith.constant 112 : index
    %get3A_3497 = tpu.vector_load %arg8[%get3A_3495, %get3A_3496] {strides = array<i32>} : memref<11x192xf32, #tpu.memory_space<vmem>>, vector<16xf32>,
    %jit3A_3498 = arith.constant 0.000000e+00 : f32
    %broadcast_in_dim3A_3499 = vector.broadcast %jit3A_3498 : f32 to vector<16xf32>
    %select_n3A_3500 = arith.select %lt3A_3493, %get3A_3497, %broadcast_in_dim3A_3499 : vector<16xi1>, vector<16xf32>
    %swap3A_3501 = arith.constant 5 : i32
    %swap3A_3502 = arith.index_cast %swap3A_3501 : i32 to index
    %swap3A_3503 = arith.constant 112 : index
    %swap3A_3504 = tpu.vector_load %arg8[%swap3A_3502, %swap3A_3503] {strides = array<i32>} : memref<11x192xf32, #tpu.memory_space<vmem>>, vector<16xf32>,
    tpu.vector_store %arg8[%swap3A_3502, %swap3A_3503], %select_n3A_3500 {strides = array<i32>} : memref<11x192xf32, #tpu.memory_space<vmem>>, vector<16xf32>,
    %add3A_3505 = arith.constant 128 : i32
    %add3A_3506 = arith.addi %select_n3A_36, %add3A_3505 : i32
    %iota3A_3507 = tpu.iota {dimensions = array<i32: 0>} : vector<16xi32>
    %add3A_3508 = vector.broadcast %add3A_3506 : i32 to vector<16xi32>
    %add3A_3509 = arith.addi %add3A_3508, %iota3A_3507 : vector<16xi32>
    %lt3A_3510 = arith.cmpi slt, %add3A_3509, %get3A_2289 : vector<16xi32>
    %get3A_3511 = arith.constant 5 : i32
    %get3A_3512 = arith.index_cast %get3A_3511 : i32 to index
    %get3A_3513 = arith.constant 128 : index
    %get3A_3514 = tpu.vector_load %arg8[%get3A_3512, %get3A_3513] {strides = array<i32>} : memref<11x192xf32, #tpu.memory_space<vmem>>, vector<16xf32>,
    %jit3A_3515 = arith.constant 0.000000e+00 : f32
    %broadcast_in_dim3A_3516 = vector.broadcast %jit3A_3515 : f32 to vector<16xf32>
    %select_n3A_3517 = arith.select %lt3A_3510, %get3A_3514, %broadcast_in_dim3A_3516 : vector<16xi1>, vector<16xf32>
    %swap3A_3518 = arith.constant 5 : i32
    %swap3A_3519 = arith.index_cast %swap3A_3518 : i32 to index
    %swap3A_3520 = arith.constant 128 : index
    %swap3A_3521 = tpu.vector_load %arg8[%swap3A_3519, %swap3A_3520] {strides = array<i32>} : memref<11x192xf32, #tpu.memory_space<vmem>>, vector<16xf32>,
    tpu.vector_store %arg8[%swap3A_3519, %swap3A_3520], %select_n3A_3517 {strides = array<i32>} : memref<11x192xf32, #tpu.memory_space<vmem>>, vector<16xf32>,
    %add3A_3522 = arith.constant 144 : i32
    %add3A_3523 = arith.addi %select_n3A_36, %add3A_3522 : i32
    %iota3A_3524 = tpu.iota {dimensions = array<i32: 0>} : vector<16xi32>
    %add3A_3525 = vector.broadcast %add3A_3523 : i32 to vector<16xi32>
    %add3A_3526 = arith.addi %add3A_3525, %iota3A_3524 : vector<16xi32>
    %lt3A_3527 = arith.cmpi slt, %add3A_3526, %get3A_2289 : vector<16xi32>
    %get3A_3528 = arith.constant 5 : i32
    %get3A_3529 = arith.index_cast %get3A_3528 : i32 to index
    %get3A_3530 = arith.constant 144 : index
    %get3A_3531 = tpu.vector_load %arg8[%get3A_3529, %get3A_3530] {strides = array<i32>} : memref<11x192xf32, #tpu.memory_space<vmem>>, vector<16xf32>,
    %jit3A_3532 = arith.constant 0.000000e+00 : f32
    %broadcast_in_dim3A_3533 = vector.broadcast %jit3A_3532 : f32 to vector<16xf32>
    %select_n3A_3534 = arith.select %lt3A_3527, %get3A_3531, %broadcast_in_dim3A_3533 : vector<16xi1>, vector<16xf32>
    %swap3A_3535 = arith.constant 5 : i32
    %swap3A_3536 = arith.index_cast %swap3A_3535 : i32 to index
    %swap3A_3537 = arith.constant 144 : index
    %swap3A_3538 = tpu.vector_load %arg8[%swap3A_3536, %swap3A_3537] {strides = array<i32>} : memref<11x192xf32, #tpu.memory_space<vmem>>, vector<16xf32>,
    tpu.vector_store %arg8[%swap3A_3536, %swap3A_3537], %select_n3A_3534 {strides = array<i32>} : memref<11x192xf32, #tpu.memory_space<vmem>>, vector<16xf32>,
    %add3A_3539 = arith.constant 160 : i32
    %add3A_3540 = arith.addi %select_n3A_36, %add3A_3539 : i32
    %iota3A_3541 = tpu.iota {dimensions = array<i32: 0>} : vector<16xi32>
    %add3A_3542 = vector.broadcast %add3A_3540 : i32 to vector<16xi32>
    %add3A_3543 = arith.addi %add3A_3542, %iota3A_3541 : vector<16xi32>
    %lt3A_3544 = arith.cmpi slt, %add3A_3543, %get3A_2289 : vector<16xi32>
    %get3A_3545 = arith.constant 5 : i32
    %get3A_3546 = arith.index_cast %get3A_3545 : i32 to index
    %get3A_3547 = arith.constant 160 : index
    %get3A_3548 = tpu.vector_load %arg8[%get3A_3546, %get3A_3547] {strides = array<i32>} : memref<11x192xf32, #tpu.memory_space<vmem>>, vector<16xf32>,
    %jit3A_3549 = arith.constant 0.000000e+00 : f32
    %broadcast_in_dim3A_3550 = vector.broadcast %jit3A_3549 : f32 to vector<16xf32>
    %select_n3A_3551 = arith.select %lt3A_3544, %get3A_3548, %broadcast_in_dim3A_3550 : vector<16xi1>, vector<16xf32>
    %swap3A_3552 = arith.constant 5 : i32
    %swap3A_3553 = arith.index_cast %swap3A_3552 : i32 to index
    %swap3A_3554 = arith.constant 160 : index
    %swap3A_3555 = tpu.vector_load %arg8[%swap3A_3553, %swap3A_3554] {strides = array<i32>} : memref<11x192xf32, #tpu.memory_space<vmem>>, vector<16xf32>,
    tpu.vector_store %arg8[%swap3A_3553, %swap3A_3554], %select_n3A_3551 {strides = array<i32>} : memref<11x192xf32, #tpu.memory_space<vmem>>, vector<16xf32>,
    %add3A_3556 = arith.constant 176 : i32
    %add3A_3557 = arith.addi %select_n3A_36, %add3A_3556 : i32
    %iota3A_3558 = tpu.iota {dimensions = array<i32: 0>} : vector<16xi32>
    %add3A_3559 = vector.broadcast %add3A_3557 : i32 to vector<16xi32>
    %add3A_3560 = arith.addi %add3A_3559, %iota3A_3558 : vector<16xi32>
    %lt3A_3561 = arith.cmpi slt, %add3A_3560, %get3A_2289 : vector<16xi32>
    %get3A_3562 = arith.constant 5 : i32
    %get3A_3563 = arith.index_cast %get3A_3562 : i32 to index
    %get3A_3564 = arith.constant 176 : index
    %get3A_3565 = tpu.vector_load %arg8[%get3A_3563, %get3A_3564] {strides = array<i32>} : memref<11x192xf32, #tpu.memory_space<vmem>>, vector<16xf32>,
    %jit3A_3566 = arith.constant 0.000000e+00 : f32
    %broadcast_in_dim3A_3567 = vector.broadcast %jit3A_3566 : f32 to vector<16xf32>
    %select_n3A_3568 = arith.select %lt3A_3561, %get3A_3565, %broadcast_in_dim3A_3567 : vector<16xi1>, vector<16xf32>
    %swap3A_3569 = arith.constant 5 : i32
    %swap3A_3570 = arith.index_cast %swap3A_3569 : i32 to index
    %swap3A_3571 = arith.constant 176 : index
    %swap3A_3572 = tpu.vector_load %arg8[%swap3A_3570, %swap3A_3571] {strides = array<i32>} : memref<11x192xf32, #tpu.memory_space<vmem>>, vector<16xf32>,
    tpu.vector_store %arg8[%swap3A_3570, %swap3A_3571], %select_n3A_3568 {strides = array<i32>} : memref<11x192xf32, #tpu.memory_space<vmem>>, vector<16xf32>,
    %dma_start3A_3573 = arith.constant 5 : i32
    %dma_start3A_3574 = arith.constant 5 : i32
    %dma_start3A_3575 = arith.constant 0 : i32
    %dma_start3A_3576 = tpu.memref_slice %arg8[%dma_start3A_3573, %dma_start3A_3575] : memref<11x192xf32, #tpu.memory_space<vmem>> -> memref<1x192xf32, #tpu.memory_space<vmem>>
    %dma_start3A_3577 = tpu.memref_squeeze %dma_start3A_3576 : memref<1x192xf32, #tpu.memory_space<vmem>> -> memref<192xf32, #tpu.memory_space<vmem>>
    %dma_start3A_3578 = tpu.memref_slice %arg5[%select_n3A, %dma_start3A_3574, %select_n3A_36] : memref<2x11x3000xf32, #tpu.memory_space<hbm>> -> memref<1x1x192xf32, #tpu.memory_space<hbm>>
    %dma_start3A_3579 = tpu.memref_squeeze %dma_start3A_3578 : memref<1x1x192xf32, #tpu.memory_space<hbm>> -> memref<192xf32, #tpu.memory_space<hbm>>
    %dma_start3A_3580 = tpu.memref_slice %arg5[%select_n3A, %dma_start3A_3574, %select_n3A_36] : memref<2x11x3000xf32, #tpu.memory_space<hbm>> -> memref<1x1x192xf32, #tpu.memory_space<hbm>>
    %dma_start3A_3581 = tpu.memref_squeeze %dma_start3A_3580 : memref<1x1x192xf32, #tpu.memory_space<hbm>> -> memref<192xf32, #tpu.memory_space<hbm>>
    %dma_start3A_3582 = arith.constant 0 : i32
    %dma_start3A_3583 = tpu.memref_slice %arg8[%dma_start3A_3573, %dma_start3A_3582] : memref<11x192xf32, #tpu.memory_space<vmem>> -> memref<1x192xf32, #tpu.memory_space<vmem>>
    %dma_start3A_3584 = tpu.memref_squeeze %dma_start3A_3583 : memref<1x192xf32, #tpu.memory_space<vmem>> -> memref<192xf32, #tpu.memory_space<vmem>>
    tpu.enqueue_dma source(%dma_start3A_3584 : memref<192xf32, #tpu.memory_space<vmem>>) target(%dma_start3A_3581 : memref<192xf32, #tpu.memory_space<hbm>>) target_semaphore(%arg12 : memref<!tpu.dma_semaphore, #tpu.memory_space<semaphore_mem>>)
    %add3A_3585 = arith.constant 0 : i32
    %add3A_3586 = arith.addi %select_n3A_36, %add3A_3585 : i32
    %iota3A_3587 = tpu.iota {dimensions = array<i32: 0>} : vector<16xi32>
    %add3A_3588 = vector.broadcast %add3A_3586 : i32 to vector<16xi32>
    %add3A_3589 = arith.addi %add3A_3588, %iota3A_3587 : vector<16xi32>
    %lt3A_3590 = arith.cmpi slt, %add3A_3589, %get3A_2289 : vector<16xi32>
    %get3A_3591 = arith.constant 6 : i32
    %get3A_3592 = arith.index_cast %get3A_3591 : i32 to index
    %get3A_3593 = arith.constant 0 : index
    %get3A_3594 = tpu.vector_load %arg8[%get3A_3592, %get3A_3593] {strides = array<i32>} : memref<11x192xf32, #tpu.memory_space<vmem>>, vector<16xf32>,
    %jit3A_3595 = arith.constant 0.000000e+00 : f32
    %broadcast_in_dim3A_3596 = vector.broadcast %jit3A_3595 : f32 to vector<16xf32>
    %select_n3A_3597 = arith.select %lt3A_3590, %get3A_3594, %broadcast_in_dim3A_3596 : vector<16xi1>, vector<16xf32>
    %swap3A_3598 = arith.constant 6 : i32
    %swap3A_3599 = arith.index_cast %swap3A_3598 : i32 to index
    %swap3A_3600 = arith.constant 0 : index
    %swap3A_3601 = tpu.vector_load %arg8[%swap3A_3599, %swap3A_3600] {strides = array<i32>} : memref<11x192xf32, #tpu.memory_space<vmem>>, vector<16xf32>,
    tpu.vector_store %arg8[%swap3A_3599, %swap3A_3600], %select_n3A_3597 {strides = array<i32>} : memref<11x192xf32, #tpu.memory_space<vmem>>, vector<16xf32>,
    %add3A_3602 = arith.constant 16 : i32
    %add3A_3603 = arith.addi %select_n3A_36, %add3A_3602 : i32
    %iota3A_3604 = tpu.iota {dimensions = array<i32: 0>} : vector<16xi32>
    %add3A_3605 = vector.broadcast %add3A_3603 : i32 to vector<16xi32>
    %add3A_3606 = arith.addi %add3A_3605, %iota3A_3604 : vector<16xi32>
    %lt3A_3607 = arith.cmpi slt, %add3A_3606, %get3A_2289 : vector<16xi32>
    %get3A_3608 = arith.constant 6 : i32
    %get3A_3609 = arith.index_cast %get3A_3608 : i32 to index
    %get3A_3610 = arith.constant 16 : index
    %get3A_3611 = tpu.vector_load %arg8[%get3A_3609, %get3A_3610] {strides = array<i32>} : memref<11x192xf32, #tpu.memory_space<vmem>>, vector<16xf32>,
    %jit3A_3612 = arith.constant 0.000000e+00 : f32
    %broadcast_in_dim3A_3613 = vector.broadcast %jit3A_3612 : f32 to vector<16xf32>
    %select_n3A_3614 = arith.select %lt3A_3607, %get3A_3611, %broadcast_in_dim3A_3613 : vector<16xi1>, vector<16xf32>
    %swap3A_3615 = arith.constant 6 : i32
    %swap3A_3616 = arith.index_cast %swap3A_3615 : i32 to index
    %swap3A_3617 = arith.constant 16 : index
    %swap3A_3618 = tpu.vector_load %arg8[%swap3A_3616, %swap3A_3617] {strides = array<i32>} : memref<11x192xf32, #tpu.memory_space<vmem>>, vector<16xf32>,
    tpu.vector_store %arg8[%swap3A_3616, %swap3A_3617], %select_n3A_3614 {strides = array<i32>} : memref<11x192xf32, #tpu.memory_space<vmem>>, vector<16xf32>,
    %add3A_3619 = arith.constant 32 : i32
    %add3A_3620 = arith.addi %select_n3A_36, %add3A_3619 : i32
    %iota3A_3621 = tpu.iota {dimensions = array<i32: 0>} : vector<16xi32>
    %add3A_3622 = vector.broadcast %add3A_3620 : i32 to vector<16xi32>
    %add3A_3623 = arith.addi %add3A_3622, %iota3A_3621 : vector<16xi32>
    %lt3A_3624 = arith.cmpi slt, %add3A_3623, %get3A_2289 : vector<16xi32>
    %get3A_3625 = arith.constant 6 : i32
    %get3A_3626 = arith.index_cast %get3A_3625 : i32 to index
    %get3A_3627 = arith.constant 32 : index
    %get3A_3628 = tpu.vector_load %arg8[%get3A_3626, %get3A_3627] {strides = array<i32>} : memref<11x192xf32, #tpu.memory_space<vmem>>, vector<16xf32>,
    %jit3A_3629 = arith.constant 0.000000e+00 : f32
    %broadcast_in_dim3A_3630 = vector.broadcast %jit3A_3629 : f32 to vector<16xf32>
    %select_n3A_3631 = arith.select %lt3A_3624, %get3A_3628, %broadcast_in_dim3A_3630 : vector<16xi1>, vector<16xf32>
    %swap3A_3632 = arith.constant 6 : i32
    %swap3A_3633 = arith.index_cast %swap3A_3632 : i32 to index
    %swap3A_3634 = arith.constant 32 : index
    %swap3A_3635 = tpu.vector_load %arg8[%swap3A_3633, %swap3A_3634] {strides = array<i32>} : memref<11x192xf32, #tpu.memory_space<vmem>>, vector<16xf32>,
    tpu.vector_store %arg8[%swap3A_3633, %swap3A_3634], %select_n3A_3631 {strides = array<i32>} : memref<11x192xf32, #tpu.memory_space<vmem>>, vector<16xf32>,
    %add3A_3636 = arith.constant 48 : i32
    %add3A_3637 = arith.addi %select_n3A_36, %add3A_3636 : i32
    %iota3A_3638 = tpu.iota {dimensions = array<i32: 0>} : vector<16xi32>
    %add3A_3639 = vector.broadcast %add3A_3637 : i32 to vector<16xi32>
    %add3A_3640 = arith.addi %add3A_3639, %iota3A_3638 : vector<16xi32>
    %lt3A_3641 = arith.cmpi slt, %add3A_3640, %get3A_2289 : vector<16xi32>
    %get3A_3642 = arith.constant 6 : i32
    %get3A_3643 = arith.index_cast %get3A_3642 : i32 to index
    %get3A_3644 = arith.constant 48 : index
    %get3A_3645 = tpu.vector_load %arg8[%get3A_3643, %get3A_3644] {strides = array<i32>} : memref<11x192xf32, #tpu.memory_space<vmem>>, vector<16xf32>,
    %jit3A_3646 = arith.constant 0.000000e+00 : f32
    %broadcast_in_dim3A_3647 = vector.broadcast %jit3A_3646 : f32 to vector<16xf32>
    %select_n3A_3648 = arith.select %lt3A_3641, %get3A_3645, %broadcast_in_dim3A_3647 : vector<16xi1>, vector<16xf32>
    %swap3A_3649 = arith.constant 6 : i32
    %swap3A_3650 = arith.index_cast %swap3A_3649 : i32 to index
    %swap3A_3651 = arith.constant 48 : index
    %swap3A_3652 = tpu.vector_load %arg8[%swap3A_3650, %swap3A_3651] {strides = array<i32>} : memref<11x192xf32, #tpu.memory_space<vmem>>, vector<16xf32>,
    tpu.vector_store %arg8[%swap3A_3650, %swap3A_3651], %select_n3A_3648 {strides = array<i32>} : memref<11x192xf32, #tpu.memory_space<vmem>>, vector<16xf32>,
    %add3A_3653 = arith.constant 64 : i32
    %add3A_3654 = arith.addi %select_n3A_36, %add3A_3653 : i32
    %iota3A_3655 = tpu.iota {dimensions = array<i32: 0>} : vector<16xi32>
    %add3A_3656 = vector.broadcast %add3A_3654 : i32 to vector<16xi32>
    %add3A_3657 = arith.addi %add3A_3656, %iota3A_3655 : vector<16xi32>
    %lt3A_3658 = arith.cmpi slt, %add3A_3657, %get3A_2289 : vector<16xi32>
    %get3A_3659 = arith.constant 6 : i32
    %get3A_3660 = arith.index_cast %get3A_3659 : i32 to index
    %get3A_3661 = arith.constant 64 : index
    %get3A_3662 = tpu.vector_load %arg8[%get3A_3660, %get3A_3661] {strides = array<i32>} : memref<11x192xf32, #tpu.memory_space<vmem>>, vector<16xf32>,
    %jit3A_3663 = arith.constant 0.000000e+00 : f32
    %broadcast_in_dim3A_3664 = vector.broadcast %jit3A_3663 : f32 to vector<16xf32>
    %select_n3A_3665 = arith.select %lt3A_3658, %get3A_3662, %broadcast_in_dim3A_3664 : vector<16xi1>, vector<16xf32>
    %swap3A_3666 = arith.constant 6 : i32
    %swap3A_3667 = arith.index_cast %swap3A_3666 : i32 to index
    %swap3A_3668 = arith.constant 64 : index
    %swap3A_3669 = tpu.vector_load %arg8[%swap3A_3667, %swap3A_3668] {strides = array<i32>} : memref<11x192xf32, #tpu.memory_space<vmem>>, vector<16xf32>,
    tpu.vector_store %arg8[%swap3A_3667, %swap3A_3668], %select_n3A_3665 {strides = array<i32>} : memref<11x192xf32, #tpu.memory_space<vmem>>, vector<16xf32>,
    %add3A_3670 = arith.constant 80 : i32
    %add3A_3671 = arith.addi %select_n3A_36, %add3A_3670 : i32
    %iota3A_3672 = tpu.iota {dimensions = array<i32: 0>} : vector<16xi32>
    %add3A_3673 = vector.broadcast %add3A_3671 : i32 to vector<16xi32>
    %add3A_3674 = arith.addi %add3A_3673, %iota3A_3672 : vector<16xi32>
    %lt3A_3675 = arith.cmpi slt, %add3A_3674, %get3A_2289 : vector<16xi32>
    %get3A_3676 = arith.constant 6 : i32
    %get3A_3677 = arith.index_cast %get3A_3676 : i32 to index
    %get3A_3678 = arith.constant 80 : index
    %get3A_3679 = tpu.vector_load %arg8[%get3A_3677, %get3A_3678] {strides = array<i32>} : memref<11x192xf32, #tpu.memory_space<vmem>>, vector<16xf32>,
    %jit3A_3680 = arith.constant 0.000000e+00 : f32
    %broadcast_in_dim3A_3681 = vector.broadcast %jit3A_3680 : f32 to vector<16xf32>
    %select_n3A_3682 = arith.select %lt3A_3675, %get3A_3679, %broadcast_in_dim3A_3681 : vector<16xi1>, vector<16xf32>
    %swap3A_3683 = arith.constant 6 : i32
    %swap3A_3684 = arith.index_cast %swap3A_3683 : i32 to index
    %swap3A_3685 = arith.constant 80 : index
    %swap3A_3686 = tpu.vector_load %arg8[%swap3A_3684, %swap3A_3685] {strides = array<i32>} : memref<11x192xf32, #tpu.memory_space<vmem>>, vector<16xf32>,
    tpu.vector_store %arg8[%swap3A_3684, %swap3A_3685], %select_n3A_3682 {strides = array<i32>} : memref<11x192xf32, #tpu.memory_space<vmem>>, vector<16xf32>,
    %add3A_3687 = arith.constant 96 : i32
    %add3A_3688 = arith.addi %select_n3A_36, %add3A_3687 : i32
    %iota3A_3689 = tpu.iota {dimensions = array<i32: 0>} : vector<16xi32>
    %add3A_3690 = vector.broadcast %add3A_3688 : i32 to vector<16xi32>
    %add3A_3691 = arith.addi %add3A_3690, %iota3A_3689 : vector<16xi32>
    %lt3A_3692 = arith.cmpi slt, %add3A_3691, %get3A_2289 : vector<16xi32>
    %get3A_3693 = arith.constant 6 : i32
    %get3A_3694 = arith.index_cast %get3A_3693 : i32 to index
    %get3A_3695 = arith.constant 96 : index
    %get3A_3696 = tpu.vector_load %arg8[%get3A_3694, %get3A_3695] {strides = array<i32>} : memref<11x192xf32, #tpu.memory_space<vmem>>, vector<16xf32>,
    %jit3A_3697 = arith.constant 0.000000e+00 : f32
    %broadcast_in_dim3A_3698 = vector.broadcast %jit3A_3697 : f32 to vector<16xf32>
    %select_n3A_3699 = arith.select %lt3A_3692, %get3A_3696, %broadcast_in_dim3A_3698 : vector<16xi1>, vector<16xf32>
    %swap3A_3700 = arith.constant 6 : i32
    %swap3A_3701 = arith.index_cast %swap3A_3700 : i32 to index
    %swap3A_3702 = arith.constant 96 : index
    %swap3A_3703 = tpu.vector_load %arg8[%swap3A_3701, %swap3A_3702] {strides = array<i32>} : memref<11x192xf32, #tpu.memory_space<vmem>>, vector<16xf32>,
    tpu.vector_store %arg8[%swap3A_3701, %swap3A_3702], %select_n3A_3699 {strides = array<i32>} : memref<11x192xf32, #tpu.memory_space<vmem>>, vector<16xf32>,
    %add3A_3704 = arith.constant 112 : i32
    %add3A_3705 = arith.addi %select_n3A_36, %add3A_3704 : i32
    %iota3A_3706 = tpu.iota {dimensions = array<i32: 0>} : vector<16xi32>
    %add3A_3707 = vector.broadcast %add3A_3705 : i32 to vector<16xi32>
    %add3A_3708 = arith.addi %add3A_3707, %iota3A_3706 : vector<16xi32>
    %lt3A_3709 = arith.cmpi slt, %add3A_3708, %get3A_2289 : vector<16xi32>
    %get3A_3710 = arith.constant 6 : i32
    %get3A_3711 = arith.index_cast %get3A_3710 : i32 to index
    %get3A_3712 = arith.constant 112 : index
    %get3A_3713 = tpu.vector_load %arg8[%get3A_3711, %get3A_3712] {strides = array<i32>} : memref<11x192xf32, #tpu.memory_space<vmem>>, vector<16xf32>,
    %jit3A_3714 = arith.constant 0.000000e+00 : f32
    %broadcast_in_dim3A_3715 = vector.broadcast %jit3A_3714 : f32 to vector<16xf32>
    %select_n3A_3716 = arith.select %lt3A_3709, %get3A_3713, %broadcast_in_dim3A_3715 : vector<16xi1>, vector<16xf32>
    %swap3A_3717 = arith.constant 6 : i32
    %swap3A_3718 = arith.index_cast %swap3A_3717 : i32 to index
    %swap3A_3719 = arith.constant 112 : index
    %swap3A_3720 = tpu.vector_load %arg8[%swap3A_3718, %swap3A_3719] {strides = array<i32>} : memref<11x192xf32, #tpu.memory_space<vmem>>, vector<16xf32>,
    tpu.vector_store %arg8[%swap3A_3718, %swap3A_3719], %select_n3A_3716 {strides = array<i32>} : memref<11x192xf32, #tpu.memory_space<vmem>>, vector<16xf32>,
    %add3A_3721 = arith.constant 128 : i32
    %add3A_3722 = arith.addi %select_n3A_36, %add3A_3721 : i32
    %iota3A_3723 = tpu.iota {dimensions = array<i32: 0>} : vector<16xi32>
    %add3A_3724 = vector.broadcast %add3A_3722 : i32 to vector<16xi32>
    %add3A_3725 = arith.addi %add3A_3724, %iota3A_3723 : vector<16xi32>
    %lt3A_3726 = arith.cmpi slt, %add3A_3725, %get3A_2289 : vector<16xi32>
    %get3A_3727 = arith.constant 6 : i32
    %get3A_3728 = arith.index_cast %get3A_3727 : i32 to index
    %get3A_3729 = arith.constant 128 : index
    %get3A_3730 = tpu.vector_load %arg8[%get3A_3728, %get3A_3729] {strides = array<i32>} : memref<11x192xf32, #tpu.memory_space<vmem>>, vector<16xf32>,
    %jit3A_3731 = arith.constant 0.000000e+00 : f32
    %broadcast_in_dim3A_3732 = vector.broadcast %jit3A_3731 : f32 to vector<16xf32>
    %select_n3A_3733 = arith.select %lt3A_3726, %get3A_3730, %broadcast_in_dim3A_3732 : vector<16xi1>, vector<16xf32>
    %swap3A_3734 = arith.constant 6 : i32
    %swap3A_3735 = arith.index_cast %swap3A_3734 : i32 to index
    %swap3A_3736 = arith.constant 128 : index
    %swap3A_3737 = tpu.vector_load %arg8[%swap3A_3735, %swap3A_3736] {strides = array<i32>} : memref<11x192xf32, #tpu.memory_space<vmem>>, vector<16xf32>,
    tpu.vector_store %arg8[%swap3A_3735, %swap3A_3736], %select_n3A_3733 {strides = array<i32>} : memref<11x192xf32, #tpu.memory_space<vmem>>, vector<16xf32>,
    %add3A_3738 = arith.constant 144 : i32
    %add3A_3739 = arith.addi %select_n3A_36, %add3A_3738 : i32
    %iota3A_3740 = tpu.iota {dimensions = array<i32: 0>} : vector<16xi32>
    %add3A_3741 = vector.broadcast %add3A_3739 : i32 to vector<16xi32>
    %add3A_3742 = arith.addi %add3A_3741, %iota3A_3740 : vector<16xi32>
    %lt3A_3743 = arith.cmpi slt, %add3A_3742, %get3A_2289 : vector<16xi32>
    %get3A_3744 = arith.constant 6 : i32
    %get3A_3745 = arith.index_cast %get3A_3744 : i32 to index
    %get3A_3746 = arith.constant 144 : index
    %get3A_3747 = tpu.vector_load %arg8[%get3A_3745, %get3A_3746] {strides = array<i32>} : memref<11x192xf32, #tpu.memory_space<vmem>>, vector<16xf32>,
    %jit3A_3748 = arith.constant 0.000000e+00 : f32
    %broadcast_in_dim3A_3749 = vector.broadcast %jit3A_3748 : f32 to vector<16xf32>
    %select_n3A_3750 = arith.select %lt3A_3743, %get3A_3747, %broadcast_in_dim3A_3749 : vector<16xi1>, vector<16xf32>
    %swap3A_3751 = arith.constant 6 : i32
    %swap3A_3752 = arith.index_cast %swap3A_3751 : i32 to index
    %swap3A_3753 = arith.constant 144 : index
    %swap3A_3754 = tpu.vector_load %arg8[%swap3A_3752, %swap3A_3753] {strides = array<i32>} : memref<11x192xf32, #tpu.memory_space<vmem>>, vector<16xf32>,
    tpu.vector_store %arg8[%swap3A_3752, %swap3A_3753], %select_n3A_3750 {strides = array<i32>} : memref<11x192xf32, #tpu.memory_space<vmem>>, vector<16xf32>,
    %add3A_3755 = arith.constant 160 : i32
    %add3A_3756 = arith.addi %select_n3A_36, %add3A_3755 : i32
    %iota3A_3757 = tpu.iota {dimensions = array<i32: 0>} : vector<16xi32>
    %add3A_3758 = vector.broadcast %add3A_3756 : i32 to vector<16xi32>
    %add3A_3759 = arith.addi %add3A_3758, %iota3A_3757 : vector<16xi32>
    %lt3A_3760 = arith.cmpi slt, %add3A_3759, %get3A_2289 : vector<16xi32>
    %get3A_3761 = arith.constant 6 : i32
    %get3A_3762 = arith.index_cast %get3A_3761 : i32 to index
    %get3A_3763 = arith.constant 160 : index
    %get3A_3764 = tpu.vector_load %arg8[%get3A_3762, %get3A_3763] {strides = array<i32>} : memref<11x192xf32, #tpu.memory_space<vmem>>, vector<16xf32>,
    %jit3A_3765 = arith.constant 0.000000e+00 : f32
    %broadcast_in_dim3A_3766 = vector.broadcast %jit3A_3765 : f32 to vector<16xf32>
    %select_n3A_3767 = arith.select %lt3A_3760, %get3A_3764, %broadcast_in_dim3A_3766 : vector<16xi1>, vector<16xf32>
    %swap3A_3768 = arith.constant 6 : i32
    %swap3A_3769 = arith.index_cast %swap3A_3768 : i32 to index
    %swap3A_3770 = arith.constant 160 : index
    %swap3A_3771 = tpu.vector_load %arg8[%swap3A_3769, %swap3A_3770] {strides = array<i32>} : memref<11x192xf32, #tpu.memory_space<vmem>>, vector<16xf32>,
    tpu.vector_store %arg8[%swap3A_3769, %swap3A_3770], %select_n3A_3767 {strides = array<i32>} : memref<11x192xf32, #tpu.memory_space<vmem>>, vector<16xf32>,
    %add3A_3772 = arith.constant 176 : i32
    %add3A_3773 = arith.addi %select_n3A_36, %add3A_3772 : i32
    %iota3A_3774 = tpu.iota {dimensions = array<i32: 0>} : vector<16xi32>
    %add3A_3775 = vector.broadcast %add3A_3773 : i32 to vector<16xi32>
    %add3A_3776 = arith.addi %add3A_3775, %iota3A_3774 : vector<16xi32>
    %lt3A_3777 = arith.cmpi slt, %add3A_3776, %get3A_2289 : vector<16xi32>
    %get3A_3778 = arith.constant 6 : i32
    %get3A_3779 = arith.index_cast %get3A_3778 : i32 to index
    %get3A_3780 = arith.constant 176 : index
    %get3A_3781 = tpu.vector_load %arg8[%get3A_3779, %get3A_3780] {strides = array<i32>} : memref<11x192xf32, #tpu.memory_space<vmem>>, vector<16xf32>,
    %jit3A_3782 = arith.constant 0.000000e+00 : f32
    %broadcast_in_dim3A_3783 = vector.broadcast %jit3A_3782 : f32 to vector<16xf32>
    %select_n3A_3784 = arith.select %lt3A_3777, %get3A_3781, %broadcast_in_dim3A_3783 : vector<16xi1>, vector<16xf32>
    %swap3A_3785 = arith.constant 6 : i32
    %swap3A_3786 = arith.index_cast %swap3A_3785 : i32 to index
    %swap3A_3787 = arith.constant 176 : index
    %swap3A_3788 = tpu.vector_load %arg8[%swap3A_3786, %swap3A_3787] {strides = array<i32>} : memref<11x192xf32, #tpu.memory_space<vmem>>, vector<16xf32>,
    tpu.vector_store %arg8[%swap3A_3786, %swap3A_3787], %select_n3A_3784 {strides = array<i32>} : memref<11x192xf32, #tpu.memory_space<vmem>>, vector<16xf32>,
    %dma_start3A_3789 = arith.constant 6 : i32
    %dma_start3A_3790 = arith.constant 6 : i32
    %dma_start3A_3791 = arith.constant 0 : i32
    %dma_start3A_3792 = tpu.memref_slice %arg8[%dma_start3A_3789, %dma_start3A_3791] : memref<11x192xf32, #tpu.memory_space<vmem>> -> memref<1x192xf32, #tpu.memory_space<vmem>>
    %dma_start3A_3793 = tpu.memref_squeeze %dma_start3A_3792 : memref<1x192xf32, #tpu.memory_space<vmem>> -> memref<192xf32, #tpu.memory_space<vmem>>
    %dma_start3A_3794 = tpu.memref_slice %arg5[%select_n3A, %dma_start3A_3790, %select_n3A_36] : memref<2x11x3000xf32, #tpu.memory_space<hbm>> -> memref<1x1x192xf32, #tpu.memory_space<hbm>>
    %dma_start3A_3795 = tpu.memref_squeeze %dma_start3A_3794 : memref<1x1x192xf32, #tpu.memory_space<hbm>> -> memref<192xf32, #tpu.memory_space<hbm>>
    %dma_start3A_3796 = tpu.memref_slice %arg5[%select_n3A, %dma_start3A_3790, %select_n3A_36] : memref<2x11x3000xf32, #tpu.memory_space<hbm>> -> memref<1x1x192xf32, #tpu.memory_space<hbm>>
    %dma_start3A_3797 = tpu.memref_squeeze %dma_start3A_3796 : memref<1x1x192xf32, #tpu.memory_space<hbm>> -> memref<192xf32, #tpu.memory_space<hbm>>
    %dma_start3A_3798 = arith.constant 0 : i32
    %dma_start3A_3799 = tpu.memref_slice %arg8[%dma_start3A_3789, %dma_start3A_3798] : memref<11x192xf32, #tpu.memory_space<vmem>> -> memref<1x192xf32, #tpu.memory_space<vmem>>
    %dma_start3A_3800 = tpu.memref_squeeze %dma_start3A_3799 : memref<1x192xf32, #tpu.memory_space<vmem>> -> memref<192xf32, #tpu.memory_space<vmem>>
    tpu.enqueue_dma source(%dma_start3A_3800 : memref<192xf32, #tpu.memory_space<vmem>>) target(%dma_start3A_3797 : memref<192xf32, #tpu.memory_space<hbm>>) target_semaphore(%arg12 : memref<!tpu.dma_semaphore, #tpu.memory_space<semaphore_mem>>)
    %add3A_3801 = arith.constant 0 : i32
    %add3A_3802 = arith.addi %select_n3A_36, %add3A_3801 : i32
    %iota3A_3803 = tpu.iota {dimensions = array<i32: 0>} : vector<16xi32>
    %add3A_3804 = vector.broadcast %add3A_3802 : i32 to vector<16xi32>
    %add3A_3805 = arith.addi %add3A_3804, %iota3A_3803 : vector<16xi32>
    %lt3A_3806 = arith.cmpi slt, %add3A_3805, %get3A_2289 : vector<16xi32>
    %get3A_3807 = arith.constant 7 : i32
    %get3A_3808 = arith.index_cast %get3A_3807 : i32 to index
    %get3A_3809 = arith.constant 0 : index
    %get3A_3810 = tpu.vector_load %arg8[%get3A_3808, %get3A_3809] {strides = array<i32>} : memref<11x192xf32, #tpu.memory_space<vmem>>, vector<16xf32>,
    %jit3A_3811 = arith.constant 0.000000e+00 : f32
    %broadcast_in_dim3A_3812 = vector.broadcast %jit3A_3811 : f32 to vector<16xf32>
    %select_n3A_3813 = arith.select %lt3A_3806, %get3A_3810, %broadcast_in_dim3A_3812 : vector<16xi1>, vector<16xf32>
    %swap3A_3814 = arith.constant 7 : i32
    %swap3A_3815 = arith.index_cast %swap3A_3814 : i32 to index
    %swap3A_3816 = arith.constant 0 : index
    %swap3A_3817 = tpu.vector_load %arg8[%swap3A_3815, %swap3A_3816] {strides = array<i32>} : memref<11x192xf32, #tpu.memory_space<vmem>>, vector<16xf32>,
    tpu.vector_store %arg8[%swap3A_3815, %swap3A_3816], %select_n3A_3813 {strides = array<i32>} : memref<11x192xf32, #tpu.memory_space<vmem>>, vector<16xf32>,
    %add3A_3818 = arith.constant 16 : i32
    %add3A_3819 = arith.addi %select_n3A_36, %add3A_3818 : i32
    %iota3A_3820 = tpu.iota {dimensions = array<i32: 0>} : vector<16xi32>
    %add3A_3821 = vector.broadcast %add3A_3819 : i32 to vector<16xi32>
    %add3A_3822 = arith.addi %add3A_3821, %iota3A_3820 : vector<16xi32>
    %lt3A_3823 = arith.cmpi slt, %add3A_3822, %get3A_2289 : vector<16xi32>
    %get3A_3824 = arith.constant 7 : i32
    %get3A_3825 = arith.index_cast %get3A_3824 : i32 to index
    %get3A_3826 = arith.constant 16 : index
    %get3A_3827 = tpu.vector_load %arg8[%get3A_3825, %get3A_3826] {strides = array<i32>} : memref<11x192xf32, #tpu.memory_space<vmem>>, vector<16xf32>,
    %jit3A_3828 = arith.constant 0.000000e+00 : f32
    %broadcast_in_dim3A_3829 = vector.broadcast %jit3A_3828 : f32 to vector<16xf32>
    %select_n3A_3830 = arith.select %lt3A_3823, %get3A_3827, %broadcast_in_dim3A_3829 : vector<16xi1>, vector<16xf32>
    %swap3A_3831 = arith.constant 7 : i32
    %swap3A_3832 = arith.index_cast %swap3A_3831 : i32 to index
    %swap3A_3833 = arith.constant 16 : index
    %swap3A_3834 = tpu.vector_load %arg8[%swap3A_3832, %swap3A_3833] {strides = array<i32>} : memref<11x192xf32, #tpu.memory_space<vmem>>, vector<16xf32>,
    tpu.vector_store %arg8[%swap3A_3832, %swap3A_3833], %select_n3A_3830 {strides = array<i32>} : memref<11x192xf32, #tpu.memory_space<vmem>>, vector<16xf32>,
    %add3A_3835 = arith.constant 32 : i32
    %add3A_3836 = arith.addi %select_n3A_36, %add3A_3835 : i32
    %iota3A_3837 = tpu.iota {dimensions = array<i32: 0>} : vector<16xi32>
    %add3A_3838 = vector.broadcast %add3A_3836 : i32 to vector<16xi32>
    %add3A_3839 = arith.addi %add3A_3838, %iota3A_3837 : vector<16xi32>
    %lt3A_3840 = arith.cmpi slt, %add3A_3839, %get3A_2289 : vector<16xi32>
    %get3A_3841 = arith.constant 7 : i32
    %get3A_3842 = arith.index_cast %get3A_3841 : i32 to index
    %get3A_3843 = arith.constant 32 : index
    %get3A_3844 = tpu.vector_load %arg8[%get3A_3842, %get3A_3843] {strides = array<i32>} : memref<11x192xf32, #tpu.memory_space<vmem>>, vector<16xf32>,
    %jit3A_3845 = arith.constant 0.000000e+00 : f32
    %broadcast_in_dim3A_3846 = vector.broadcast %jit3A_3845 : f32 to vector<16xf32>
    %select_n3A_3847 = arith.select %lt3A_3840, %get3A_3844, %broadcast_in_dim3A_3846 : vector<16xi1>, vector<16xf32>
    %swap3A_3848 = arith.constant 7 : i32
    %swap3A_3849 = arith.index_cast %swap3A_3848 : i32 to index
    %swap3A_3850 = arith.constant 32 : index
    %swap3A_3851 = tpu.vector_load %arg8[%swap3A_3849, %swap3A_3850] {strides = array<i32>} : memref<11x192xf32, #tpu.memory_space<vmem>>, vector<16xf32>,
    tpu.vector_store %arg8[%swap3A_3849, %swap3A_3850], %select_n3A_3847 {strides = array<i32>} : memref<11x192xf32, #tpu.memory_space<vmem>>, vector<16xf32>,
    %add3A_3852 = arith.constant 48 : i32
    %add3A_3853 = arith.addi %select_n3A_36, %add3A_3852 : i32
    %iota3A_3854 = tpu.iota {dimensions = array<i32: 0>} : vector<16xi32>
    %add3A_3855 = vector.broadcast %add3A_3853 : i32 to vector<16xi32>
    %add3A_3856 = arith.addi %add3A_3855, %iota3A_3854 : vector<16xi32>
    %lt3A_3857 = arith.cmpi slt, %add3A_3856, %get3A_2289 : vector<16xi32>
    %get3A_3858 = arith.constant 7 : i32
    %get3A_3859 = arith.index_cast %get3A_3858 : i32 to index
    %get3A_3860 = arith.constant 48 : index
    %get3A_3861 = tpu.vector_load %arg8[%get3A_3859, %get3A_3860] {strides = array<i32>} : memref<11x192xf32, #tpu.memory_space<vmem>>, vector<16xf32>,
    %jit3A_3862 = arith.constant 0.000000e+00 : f32
    %broadcast_in_dim3A_3863 = vector.broadcast %jit3A_3862 : f32 to vector<16xf32>
    %select_n3A_3864 = arith.select %lt3A_3857, %get3A_3861, %broadcast_in_dim3A_3863 : vector<16xi1>, vector<16xf32>
    %swap3A_3865 = arith.constant 7 : i32
    %swap3A_3866 = arith.index_cast %swap3A_3865 : i32 to index
    %swap3A_3867 = arith.constant 48 : index
    %swap3A_3868 = tpu.vector_load %arg8[%swap3A_3866, %swap3A_3867] {strides = array<i32>} : memref<11x192xf32, #tpu.memory_space<vmem>>, vector<16xf32>,
    tpu.vector_store %arg8[%swap3A_3866, %swap3A_3867], %select_n3A_3864 {strides = array<i32>} : memref<11x192xf32, #tpu.memory_space<vmem>>, vector<16xf32>,
    %add3A_3869 = arith.constant 64 : i32
    %add3A_3870 = arith.addi %select_n3A_36, %add3A_3869 : i32
    %iota3A_3871 = tpu.iota {dimensions = array<i32: 0>} : vector<16xi32>
    %add3A_3872 = vector.broadcast %add3A_3870 : i32 to vector<16xi32>
    %add3A_3873 = arith.addi %add3A_3872, %iota3A_3871 : vector<16xi32>
    %lt3A_3874 = arith.cmpi slt, %add3A_3873, %get3A_2289 : vector<16xi32>
    %get3A_3875 = arith.constant 7 : i32
    %get3A_3876 = arith.index_cast %get3A_3875 : i32 to index
    %get3A_3877 = arith.constant 64 : index
    %get3A_3878 = tpu.vector_load %arg8[%get3A_3876, %get3A_3877] {strides = array<i32>} : memref<11x192xf32, #tpu.memory_space<vmem>>, vector<16xf32>,
    %jit3A_3879 = arith.constant 0.000000e+00 : f32
    %broadcast_in_dim3A_3880 = vector.broadcast %jit3A_3879 : f32 to vector<16xf32>
    %select_n3A_3881 = arith.select %lt3A_3874, %get3A_3878, %broadcast_in_dim3A_3880 : vector<16xi1>, vector<16xf32>
    %swap3A_3882 = arith.constant 7 : i32
    %swap3A_3883 = arith.index_cast %swap3A_3882 : i32 to index
    %swap3A_3884 = arith.constant 64 : index
    %swap3A_3885 = tpu.vector_load %arg8[%swap3A_3883, %swap3A_3884] {strides = array<i32>} : memref<11x192xf32, #tpu.memory_space<vmem>>, vector<16xf32>,
    tpu.vector_store %arg8[%swap3A_3883, %swap3A_3884], %select_n3A_3881 {strides = array<i32>} : memref<11x192xf32, #tpu.memory_space<vmem>>, vector<16xf32>,
    %add3A_3886 = arith.constant 80 : i32
    %add3A_3887 = arith.addi %select_n3A_36, %add3A_3886 : i32
    %iota3A_3888 = tpu.iota {dimensions = array<i32: 0>} : vector<16xi32>
    %add3A_3889 = vector.broadcast %add3A_3887 : i32 to vector<16xi32>
    %add3A_3890 = arith.addi %add3A_3889, %iota3A_3888 : vector<16xi32>
    %lt3A_3891 = arith.cmpi slt, %add3A_3890, %get3A_2289 : vector<16xi32>
    %get3A_3892 = arith.constant 7 : i32
    %get3A_3893 = arith.index_cast %get3A_3892 : i32 to index
    %get3A_3894 = arith.constant 80 : index
    %get3A_3895 = tpu.vector_load %arg8[%get3A_3893, %get3A_3894] {strides = array<i32>} : memref<11x192xf32, #tpu.memory_space<vmem>>, vector<16xf32>,
    %jit3A_3896 = arith.constant 0.000000e+00 : f32
    %broadcast_in_dim3A_3897 = vector.broadcast %jit3A_3896 : f32 to vector<16xf32>
    %select_n3A_3898 = arith.select %lt3A_3891, %get3A_3895, %broadcast_in_dim3A_3897 : vector<16xi1>, vector<16xf32>
    %swap3A_3899 = arith.constant 7 : i32
    %swap3A_3900 = arith.index_cast %swap3A_3899 : i32 to index
    %swap3A_3901 = arith.constant 80 : index
    %swap3A_3902 = tpu.vector_load %arg8[%swap3A_3900, %swap3A_3901] {strides = array<i32>} : memref<11x192xf32, #tpu.memory_space<vmem>>, vector<16xf32>,
    tpu.vector_store %arg8[%swap3A_3900, %swap3A_3901], %select_n3A_3898 {strides = array<i32>} : memref<11x192xf32, #tpu.memory_space<vmem>>, vector<16xf32>,
    %add3A_3903 = arith.constant 96 : i32
    %add3A_3904 = arith.addi %select_n3A_36, %add3A_3903 : i32
    %iota3A_3905 = tpu.iota {dimensions = array<i32: 0>} : vector<16xi32>
    %add3A_3906 = vector.broadcast %add3A_3904 : i32 to vector<16xi32>
    %add3A_3907 = arith.addi %add3A_3906, %iota3A_3905 : vector<16xi32>
    %lt3A_3908 = arith.cmpi slt, %add3A_3907, %get3A_2289 : vector<16xi32>
    %get3A_3909 = arith.constant 7 : i32
    %get3A_3910 = arith.index_cast %get3A_3909 : i32 to index
    %get3A_3911 = arith.constant 96 : index
    %get3A_3912 = tpu.vector_load %arg8[%get3A_3910, %get3A_3911] {strides = array<i32>} : memref<11x192xf32, #tpu.memory_space<vmem>>, vector<16xf32>,
    %jit3A_3913 = arith.constant 0.000000e+00 : f32
    %broadcast_in_dim3A_3914 = vector.broadcast %jit3A_3913 : f32 to vector<16xf32>
    %select_n3A_3915 = arith.select %lt3A_3908, %get3A_3912, %broadcast_in_dim3A_3914 : vector<16xi1>, vector<16xf32>
    %swap3A_3916 = arith.constant 7 : i32
    %swap3A_3917 = arith.index_cast %swap3A_3916 : i32 to index
    %swap3A_3918 = arith.constant 96 : index
    %swap3A_3919 = tpu.vector_load %arg8[%swap3A_3917, %swap3A_3918] {strides = array<i32>} : memref<11x192xf32, #tpu.memory_space<vmem>>, vector<16xf32>,
    tpu.vector_store %arg8[%swap3A_3917, %swap3A_3918], %select_n3A_3915 {strides = array<i32>} : memref<11x192xf32, #tpu.memory_space<vmem>>, vector<16xf32>,
    %add3A_3920 = arith.constant 112 : i32
    %add3A_3921 = arith.addi %select_n3A_36, %add3A_3920 : i32
    %iota3A_3922 = tpu.iota {dimensions = array<i32: 0>} : vector<16xi32>
    %add3A_3923 = vector.broadcast %add3A_3921 : i32 to vector<16xi32>
    %add3A_3924 = arith.addi %add3A_3923, %iota3A_3922 : vector<16xi32>
    %lt3A_3925 = arith.cmpi slt, %add3A_3924, %get3A_2289 : vector<16xi32>
    %get3A_3926 = arith.constant 7 : i32
    %get3A_3927 = arith.index_cast %get3A_3926 : i32 to index
    %get3A_3928 = arith.constant 112 : index
    %get3A_3929 = tpu.vector_load %arg8[%get3A_3927, %get3A_3928] {strides = array<i32>} : memref<11x192xf32, #tpu.memory_space<vmem>>, vector<16xf32>,
    %jit3A_3930 = arith.constant 0.000000e+00 : f32
    %broadcast_in_dim3A_3931 = vector.broadcast %jit3A_3930 : f32 to vector<16xf32>
    %select_n3A_3932 = arith.select %lt3A_3925, %get3A_3929, %broadcast_in_dim3A_3931 : vector<16xi1>, vector<16xf32>
    %swap3A_3933 = arith.constant 7 : i32
    %swap3A_3934 = arith.index_cast %swap3A_3933 : i32 to index
    %swap3A_3935 = arith.constant 112 : index
    %swap3A_3936 = tpu.vector_load %arg8[%swap3A_3934, %swap3A_3935] {strides = array<i32>} : memref<11x192xf32, #tpu.memory_space<vmem>>, vector<16xf32>,
    tpu.vector_store %arg8[%swap3A_3934, %swap3A_3935], %select_n3A_3932 {strides = array<i32>} : memref<11x192xf32, #tpu.memory_space<vmem>>, vector<16xf32>,
    %add3A_3937 = arith.constant 128 : i32
    %add3A_3938 = arith.addi %select_n3A_36, %add3A_3937 : i32
    %iota3A_3939 = tpu.iota {dimensions = array<i32: 0>} : vector<16xi32>
    %add3A_3940 = vector.broadcast %add3A_3938 : i32 to vector<16xi32>
    %add3A_3941 = arith.addi %add3A_3940, %iota3A_3939 : vector<16xi32>
    %lt3A_3942 = arith.cmpi slt, %add3A_3941, %get3A_2289 : vector<16xi32>
    %get3A_3943 = arith.constant 7 : i32
    %get3A_3944 = arith.index_cast %get3A_3943 : i32 to index
    %get3A_3945 = arith.constant 128 : index
    %get3A_3946 = tpu.vector_load %arg8[%get3A_3944, %get3A_3945] {strides = array<i32>} : memref<11x192xf32, #tpu.memory_space<vmem>>, vector<16xf32>,
    %jit3A_3947 = arith.constant 0.000000e+00 : f32
    %broadcast_in_dim3A_3948 = vector.broadcast %jit3A_3947 : f32 to vector<16xf32>
    %select_n3A_3949 = arith.select %lt3A_3942, %get3A_3946, %broadcast_in_dim3A_3948 : vector<16xi1>, vector<16xf32>
    %swap3A_3950 = arith.constant 7 : i32
    %swap3A_3951 = arith.index_cast %swap3A_3950 : i32 to index
    %swap3A_3952 = arith.constant 128 : index
    %swap3A_3953 = tpu.vector_load %arg8[%swap3A_3951, %swap3A_3952] {strides = array<i32>} : memref<11x192xf32, #tpu.memory_space<vmem>>, vector<16xf32>,
    tpu.vector_store %arg8[%swap3A_3951, %swap3A_3952], %select_n3A_3949 {strides = array<i32>} : memref<11x192xf32, #tpu.memory_space<vmem>>, vector<16xf32>,
    %add3A_3954 = arith.constant 144 : i32
    %add3A_3955 = arith.addi %select_n3A_36, %add3A_3954 : i32
    %iota3A_3956 = tpu.iota {dimensions = array<i32: 0>} : vector<16xi32>
    %add3A_3957 = vector.broadcast %add3A_3955 : i32 to vector<16xi32>
    %add3A_3958 = arith.addi %add3A_3957, %iota3A_3956 : vector<16xi32>
    %lt3A_3959 = arith.cmpi slt, %add3A_3958, %get3A_2289 : vector<16xi32>
    %get3A_3960 = arith.constant 7 : i32
    %get3A_3961 = arith.index_cast %get3A_3960 : i32 to index
    %get3A_3962 = arith.constant 144 : index
    %get3A_3963 = tpu.vector_load %arg8[%get3A_3961, %get3A_3962] {strides = array<i32>} : memref<11x192xf32, #tpu.memory_space<vmem>>, vector<16xf32>,
    %jit3A_3964 = arith.constant 0.000000e+00 : f32
    %broadcast_in_dim3A_3965 = vector.broadcast %jit3A_3964 : f32 to vector<16xf32>
    %select_n3A_3966 = arith.select %lt3A_3959, %get3A_3963, %broadcast_in_dim3A_3965 : vector<16xi1>, vector<16xf32>
    %swap3A_3967 = arith.constant 7 : i32
    %swap3A_3968 = arith.index_cast %swap3A_3967 : i32 to index
    %swap3A_3969 = arith.constant 144 : index
    %swap3A_3970 = tpu.vector_load %arg8[%swap3A_3968, %swap3A_3969] {strides = array<i32>} : memref<11x192xf32, #tpu.memory_space<vmem>>, vector<16xf32>,
    tpu.vector_store %arg8[%swap3A_3968, %swap3A_3969], %select_n3A_3966 {strides = array<i32>} : memref<11x192xf32, #tpu.memory_space<vmem>>, vector<16xf32>,
    %add3A_3971 = arith.constant 160 : i32
    %add3A_3972 = arith.addi %select_n3A_36, %add3A_3971 : i32
    %iota3A_3973 = tpu.iota {dimensions = array<i32: 0>} : vector<16xi32>
    %add3A_3974 = vector.broadcast %add3A_3972 : i32 to vector<16xi32>
    %add3A_3975 = arith.addi %add3A_3974, %iota3A_3973 : vector<16xi32>
    %lt3A_3976 = arith.cmpi slt, %add3A_3975, %get3A_2289 : vector<16xi32>
    %get3A_3977 = arith.constant 7 : i32
    %get3A_3978 = arith.index_cast %get3A_3977 : i32 to index
    %get3A_3979 = arith.constant 160 : index
    %get3A_3980 = tpu.vector_load %arg8[%get3A_3978, %get3A_3979] {strides = array<i32>} : memref<11x192xf32, #tpu.memory_space<vmem>>, vector<16xf32>,
    %jit3A_3981 = arith.constant 0.000000e+00 : f32
    %broadcast_in_dim3A_3982 = vector.broadcast %jit3A_3981 : f32 to vector<16xf32>
    %select_n3A_3983 = arith.select %lt3A_3976, %get3A_3980, %broadcast_in_dim3A_3982 : vector<16xi1>, vector<16xf32>
    %swap3A_3984 = arith.constant 7 : i32
    %swap3A_3985 = arith.index_cast %swap3A_3984 : i32 to index
    %swap3A_3986 = arith.constant 160 : index
    %swap3A_3987 = tpu.vector_load %arg8[%swap3A_3985, %swap3A_3986] {strides = array<i32>} : memref<11x192xf32, #tpu.memory_space<vmem>>, vector<16xf32>,
    tpu.vector_store %arg8[%swap3A_3985, %swap3A_3986], %select_n3A_3983 {strides = array<i32>} : memref<11x192xf32, #tpu.memory_space<vmem>>, vector<16xf32>,
    %add3A_3988 = arith.constant 176 : i32
    %add3A_3989 = arith.addi %select_n3A_36, %add3A_3988 : i32
    %iota3A_3990 = tpu.iota {dimensions = array<i32: 0>} : vector<16xi32>
    %add3A_3991 = vector.broadcast %add3A_3989 : i32 to vector<16xi32>
    %add3A_3992 = arith.addi %add3A_3991, %iota3A_3990 : vector<16xi32>
    %lt3A_3993 = arith.cmpi slt, %add3A_3992, %get3A_2289 : vector<16xi32>
    %get3A_3994 = arith.constant 7 : i32
    %get3A_3995 = arith.index_cast %get3A_3994 : i32 to index
    %get3A_3996 = arith.constant 176 : index
    %get3A_3997 = tpu.vector_load %arg8[%get3A_3995, %get3A_3996] {strides = array<i32>} : memref<11x192xf32, #tpu.memory_space<vmem>>, vector<16xf32>,
    %jit3A_3998 = arith.constant 0.000000e+00 : f32
    %broadcast_in_dim3A_3999 = vector.broadcast %jit3A_3998 : f32 to vector<16xf32>
    %select_n3A_4000 = arith.select %lt3A_3993, %get3A_3997, %broadcast_in_dim3A_3999 : vector<16xi1>, vector<16xf32>
    %swap3A_4001 = arith.constant 7 : i32
    %swap3A_4002 = arith.index_cast %swap3A_4001 : i32 to index
    %swap3A_4003 = arith.constant 176 : index
    %swap3A_4004 = tpu.vector_load %arg8[%swap3A_4002, %swap3A_4003] {strides = array<i32>} : memref<11x192xf32, #tpu.memory_space<vmem>>, vector<16xf32>,
    tpu.vector_store %arg8[%swap3A_4002, %swap3A_4003], %select_n3A_4000 {strides = array<i32>} : memref<11x192xf32, #tpu.memory_space<vmem>>, vector<16xf32>,
    %dma_start3A_4005 = arith.constant 7 : i32
    %dma_start3A_4006 = arith.constant 7 : i32
    %dma_start3A_4007 = arith.constant 0 : i32
    %dma_start3A_4008 = tpu.memref_slice %arg8[%dma_start3A_4005, %dma_start3A_4007] : memref<11x192xf32, #tpu.memory_space<vmem>> -> memref<1x192xf32, #tpu.memory_space<vmem>>
    %dma_start3A_4009 = tpu.memref_squeeze %dma_start3A_4008 : memref<1x192xf32, #tpu.memory_space<vmem>> -> memref<192xf32, #tpu.memory_space<vmem>>
    %dma_start3A_4010 = tpu.memref_slice %arg5[%select_n3A, %dma_start3A_4006, %select_n3A_36] : memref<2x11x3000xf32, #tpu.memory_space<hbm>> -> memref<1x1x192xf32, #tpu.memory_space<hbm>>
    %dma_start3A_4011 = tpu.memref_squeeze %dma_start3A_4010 : memref<1x1x192xf32, #tpu.memory_space<hbm>> -> memref<192xf32, #tpu.memory_space<hbm>>
    %dma_start3A_4012 = tpu.memref_slice %arg5[%select_n3A, %dma_start3A_4006, %select_n3A_36] : memref<2x11x3000xf32, #tpu.memory_space<hbm>> -> memref<1x1x192xf32, #tpu.memory_space<hbm>>
    %dma_start3A_4013 = tpu.memref_squeeze %dma_start3A_4012 : memref<1x1x192xf32, #tpu.memory_space<hbm>> -> memref<192xf32, #tpu.memory_space<hbm>>
    %dma_start3A_4014 = arith.constant 0 : i32
    %dma_start3A_4015 = tpu.memref_slice %arg8[%dma_start3A_4005, %dma_start3A_4014] : memref<11x192xf32, #tpu.memory_space<vmem>> -> memref<1x192xf32, #tpu.memory_space<vmem>>
    %dma_start3A_4016 = tpu.memref_squeeze %dma_start3A_4015 : memref<1x192xf32, #tpu.memory_space<vmem>> -> memref<192xf32, #tpu.memory_space<vmem>>
    tpu.enqueue_dma source(%dma_start3A_4016 : memref<192xf32, #tpu.memory_space<vmem>>) target(%dma_start3A_4013 : memref<192xf32, #tpu.memory_space<hbm>>) target_semaphore(%arg12 : memref<!tpu.dma_semaphore, #tpu.memory_space<semaphore_mem>>)
    %add3A_4017 = arith.constant 0 : i32
    %add3A_4018 = arith.addi %select_n3A_36, %add3A_4017 : i32
    %iota3A_4019 = tpu.iota {dimensions = array<i32: 0>} : vector<16xi32>
    %add3A_4020 = vector.broadcast %add3A_4018 : i32 to vector<16xi32>
    %add3A_4021 = arith.addi %add3A_4020, %iota3A_4019 : vector<16xi32>
    %lt3A_4022 = arith.cmpi slt, %add3A_4021, %get3A_2289 : vector<16xi32>
    %get3A_4023 = arith.constant 8 : i32
    %get3A_4024 = arith.index_cast %get3A_4023 : i32 to index
    %get3A_4025 = arith.constant 0 : index
    %get3A_4026 = tpu.vector_load %arg8[%get3A_4024, %get3A_4025] {strides = array<i32>} : memref<11x192xf32, #tpu.memory_space<vmem>>, vector<16xf32>,
    %jit3A_4027 = arith.constant 0.000000e+00 : f32
    %broadcast_in_dim3A_4028 = vector.broadcast %jit3A_4027 : f32 to vector<16xf32>
    %select_n3A_4029 = arith.select %lt3A_4022, %get3A_4026, %broadcast_in_dim3A_4028 : vector<16xi1>, vector<16xf32>
    %swap3A_4030 = arith.constant 8 : i32
    %swap3A_4031 = arith.index_cast %swap3A_4030 : i32 to index
    %swap3A_4032 = arith.constant 0 : index
    %swap3A_4033 = tpu.vector_load %arg8[%swap3A_4031, %swap3A_4032] {strides = array<i32>} : memref<11x192xf32, #tpu.memory_space<vmem>>, vector<16xf32>,
    tpu.vector_store %arg8[%swap3A_4031, %swap3A_4032], %select_n3A_4029 {strides = array<i32>} : memref<11x192xf32, #tpu.memory_space<vmem>>, vector<16xf32>,
    %add3A_4034 = arith.constant 16 : i32
    %add3A_4035 = arith.addi %select_n3A_36, %add3A_4034 : i32
    %iota3A_4036 = tpu.iota {dimensions = array<i32: 0>} : vector<16xi32>
    %add3A_4037 = vector.broadcast %add3A_4035 : i32 to vector<16xi32>
    %add3A_4038 = arith.addi %add3A_4037, %iota3A_4036 : vector<16xi32>
    %lt3A_4039 = arith.cmpi slt, %add3A_4038, %get3A_2289 : vector<16xi32>
    %get3A_4040 = arith.constant 8 : i32
    %get3A_4041 = arith.index_cast %get3A_4040 : i32 to index
    %get3A_4042 = arith.constant 16 : index
    %get3A_4043 = tpu.vector_load %arg8[%get3A_4041, %get3A_4042] {strides = array<i32>} : memref<11x192xf32, #tpu.memory_space<vmem>>, vector<16xf32>,
    %jit3A_4044 = arith.constant 0.000000e+00 : f32
    %broadcast_in_dim3A_4045 = vector.broadcast %jit3A_4044 : f32 to vector<16xf32>
    %select_n3A_4046 = arith.select %lt3A_4039, %get3A_4043, %broadcast_in_dim3A_4045 : vector<16xi1>, vector<16xf32>
    %swap3A_4047 = arith.constant 8 : i32
    %swap3A_4048 = arith.index_cast %swap3A_4047 : i32 to index
    %swap3A_4049 = arith.constant 16 : index
    %swap3A_4050 = tpu.vector_load %arg8[%swap3A_4048, %swap3A_4049] {strides = array<i32>} : memref<11x192xf32, #tpu.memory_space<vmem>>, vector<16xf32>,
    tpu.vector_store %arg8[%swap3A_4048, %swap3A_4049], %select_n3A_4046 {strides = array<i32>} : memref<11x192xf32, #tpu.memory_space<vmem>>, vector<16xf32>,
    %add3A_4051 = arith.constant 32 : i32
    %add3A_4052 = arith.addi %select_n3A_36, %add3A_4051 : i32
    %iota3A_4053 = tpu.iota {dimensions = array<i32: 0>} : vector<16xi32>
    %add3A_4054 = vector.broadcast %add3A_4052 : i32 to vector<16xi32>
    %add3A_4055 = arith.addi %add3A_4054, %iota3A_4053 : vector<16xi32>
    %lt3A_4056 = arith.cmpi slt, %add3A_4055, %get3A_2289 : vector<16xi32>
    %get3A_4057 = arith.constant 8 : i32
    %get3A_4058 = arith.index_cast %get3A_4057 : i32 to index
    %get3A_4059 = arith.constant 32 : index
    %get3A_4060 = tpu.vector_load %arg8[%get3A_4058, %get3A_4059] {strides = array<i32>} : memref<11x192xf32, #tpu.memory_space<vmem>>, vector<16xf32>,
    %jit3A_4061 = arith.constant 0.000000e+00 : f32
    %broadcast_in_dim3A_4062 = vector.broadcast %jit3A_4061 : f32 to vector<16xf32>
    %select_n3A_4063 = arith.select %lt3A_4056, %get3A_4060, %broadcast_in_dim3A_4062 : vector<16xi1>, vector<16xf32>
    %swap3A_4064 = arith.constant 8 : i32
    %swap3A_4065 = arith.index_cast %swap3A_4064 : i32 to index
    %swap3A_4066 = arith.constant 32 : index
    %swap3A_4067 = tpu.vector_load %arg8[%swap3A_4065, %swap3A_4066] {strides = array<i32>} : memref<11x192xf32, #tpu.memory_space<vmem>>, vector<16xf32>,
    tpu.vector_store %arg8[%swap3A_4065, %swap3A_4066], %select_n3A_4063 {strides = array<i32>} : memref<11x192xf32, #tpu.memory_space<vmem>>, vector<16xf32>,
    %add3A_4068 = arith.constant 48 : i32
    %add3A_4069 = arith.addi %select_n3A_36, %add3A_4068 : i32
    %iota3A_4070 = tpu.iota {dimensions = array<i32: 0>} : vector<16xi32>
    %add3A_4071 = vector.broadcast %add3A_4069 : i32 to vector<16xi32>
    %add3A_4072 = arith.addi %add3A_4071, %iota3A_4070 : vector<16xi32>
    %lt3A_4073 = arith.cmpi slt, %add3A_4072, %get3A_2289 : vector<16xi32>
    %get3A_4074 = arith.constant 8 : i32
    %get3A_4075 = arith.index_cast %get3A_4074 : i32 to index
    %get3A_4076 = arith.constant 48 : index
    %get3A_4077 = tpu.vector_load %arg8[%get3A_4075, %get3A_4076] {strides = array<i32>} : memref<11x192xf32, #tpu.memory_space<vmem>>, vector<16xf32>,
    %jit3A_4078 = arith.constant 0.000000e+00 : f32
    %broadcast_in_dim3A_4079 = vector.broadcast %jit3A_4078 : f32 to vector<16xf32>
    %select_n3A_4080 = arith.select %lt3A_4073, %get3A_4077, %broadcast_in_dim3A_4079 : vector<16xi1>, vector<16xf32>
    %swap3A_4081 = arith.constant 8 : i32
    %swap3A_4082 = arith.index_cast %swap3A_4081 : i32 to index
    %swap3A_4083 = arith.constant 48 : index
    %swap3A_4084 = tpu.vector_load %arg8[%swap3A_4082, %swap3A_4083] {strides = array<i32>} : memref<11x192xf32, #tpu.memory_space<vmem>>, vector<16xf32>,
    tpu.vector_store %arg8[%swap3A_4082, %swap3A_4083], %select_n3A_4080 {strides = array<i32>} : memref<11x192xf32, #tpu.memory_space<vmem>>, vector<16xf32>,
    %add3A_4085 = arith.constant 64 : i32
    %add3A_4086 = arith.addi %select_n3A_36, %add3A_4085 : i32
    %iota3A_4087 = tpu.iota {dimensions = array<i32: 0>} : vector<16xi32>
    %add3A_4088 = vector.broadcast %add3A_4086 : i32 to vector<16xi32>
    %add3A_4089 = arith.addi %add3A_4088, %iota3A_4087 : vector<16xi32>
    %lt3A_4090 = arith.cmpi slt, %add3A_4089, %get3A_2289 : vector<16xi32>
    %get3A_4091 = arith.constant 8 : i32
    %get3A_4092 = arith.index_cast %get3A_4091 : i32 to index
    %get3A_4093 = arith.constant 64 : index
    %get3A_4094 = tpu.vector_load %arg8[%get3A_4092, %get3A_4093] {strides = array<i32>} : memref<11x192xf32, #tpu.memory_space<vmem>>, vector<16xf32>,
    %jit3A_4095 = arith.constant 0.000000e+00 : f32
    %broadcast_in_dim3A_4096 = vector.broadcast %jit3A_4095 : f32 to vector<16xf32>
    %select_n3A_4097 = arith.select %lt3A_4090, %get3A_4094, %broadcast_in_dim3A_4096 : vector<16xi1>, vector<16xf32>
    %swap3A_4098 = arith.constant 8 : i32
    %swap3A_4099 = arith.index_cast %swap3A_4098 : i32 to index
    %swap3A_4100 = arith.constant 64 : index
    %swap3A_4101 = tpu.vector_load %arg8[%swap3A_4099, %swap3A_4100] {strides = array<i32>} : memref<11x192xf32, #tpu.memory_space<vmem>>, vector<16xf32>,
    tpu.vector_store %arg8[%swap3A_4099, %swap3A_4100], %select_n3A_4097 {strides = array<i32>} : memref<11x192xf32, #tpu.memory_space<vmem>>, vector<16xf32>,
    %add3A_4102 = arith.constant 80 : i32
    %add3A_4103 = arith.addi %select_n3A_36, %add3A_4102 : i32
    %iota3A_4104 = tpu.iota {dimensions = array<i32: 0>} : vector<16xi32>
    %add3A_4105 = vector.broadcast %add3A_4103 : i32 to vector<16xi32>
    %add3A_4106 = arith.addi %add3A_4105, %iota3A_4104 : vector<16xi32>
    %lt3A_4107 = arith.cmpi slt, %add3A_4106, %get3A_2289 : vector<16xi32>
    %get3A_4108 = arith.constant 8 : i32
    %get3A_4109 = arith.index_cast %get3A_4108 : i32 to index
    %get3A_4110 = arith.constant 80 : index
    %get3A_4111 = tpu.vector_load %arg8[%get3A_4109, %get3A_4110] {strides = array<i32>} : memref<11x192xf32, #tpu.memory_space<vmem>>, vector<16xf32>,
    %jit3A_4112 = arith.constant 0.000000e+00 : f32
    %broadcast_in_dim3A_4113 = vector.broadcast %jit3A_4112 : f32 to vector<16xf32>
    %select_n3A_4114 = arith.select %lt3A_4107, %get3A_4111, %broadcast_in_dim3A_4113 : vector<16xi1>, vector<16xf32>
    %swap3A_4115 = arith.constant 8 : i32
    %swap3A_4116 = arith.index_cast %swap3A_4115 : i32 to index
    %swap3A_4117 = arith.constant 80 : index
    %swap3A_4118 = tpu.vector_load %arg8[%swap3A_4116, %swap3A_4117] {strides = array<i32>} : memref<11x192xf32, #tpu.memory_space<vmem>>, vector<16xf32>,
    tpu.vector_store %arg8[%swap3A_4116, %swap3A_4117], %select_n3A_4114 {strides = array<i32>} : memref<11x192xf32, #tpu.memory_space<vmem>>, vector<16xf32>,
    %add3A_4119 = arith.constant 96 : i32
    %add3A_4120 = arith.addi %select_n3A_36, %add3A_4119 : i32
    %iota3A_4121 = tpu.iota {dimensions = array<i32: 0>} : vector<16xi32>
    %add3A_4122 = vector.broadcast %add3A_4120 : i32 to vector<16xi32>
    %add3A_4123 = arith.addi %add3A_4122, %iota3A_4121 : vector<16xi32>
    %lt3A_4124 = arith.cmpi slt, %add3A_4123, %get3A_2289 : vector<16xi32>
    %get3A_4125 = arith.constant 8 : i32
    %get3A_4126 = arith.index_cast %get3A_4125 : i32 to index
    %get3A_4127 = arith.constant 96 : index
    %get3A_4128 = tpu.vector_load %arg8[%get3A_4126, %get3A_4127] {strides = array<i32>} : memref<11x192xf32, #tpu.memory_space<vmem>>, vector<16xf32>,
    %jit3A_4129 = arith.constant 0.000000e+00 : f32
    %broadcast_in_dim3A_4130 = vector.broadcast %jit3A_4129 : f32 to vector<16xf32>
    %select_n3A_4131 = arith.select %lt3A_4124, %get3A_4128, %broadcast_in_dim3A_4130 : vector<16xi1>, vector<16xf32>
    %swap3A_4132 = arith.constant 8 : i32
    %swap3A_4133 = arith.index_cast %swap3A_4132 : i32 to index
    %swap3A_4134 = arith.constant 96 : index
    %swap3A_4135 = tpu.vector_load %arg8[%swap3A_4133, %swap3A_4134] {strides = array<i32>} : memref<11x192xf32, #tpu.memory_space<vmem>>, vector<16xf32>,
    tpu.vector_store %arg8[%swap3A_4133, %swap3A_4134], %select_n3A_4131 {strides = array<i32>} : memref<11x192xf32, #tpu.memory_space<vmem>>, vector<16xf32>,
    %add3A_4136 = arith.constant 112 : i32
    %add3A_4137 = arith.addi %select_n3A_36, %add3A_4136 : i32
    %iota3A_4138 = tpu.iota {dimensions = array<i32: 0>} : vector<16xi32>
    %add3A_4139 = vector.broadcast %add3A_4137 : i32 to vector<16xi32>
    %add3A_4140 = arith.addi %add3A_4139, %iota3A_4138 : vector<16xi32>
    %lt3A_4141 = arith.cmpi slt, %add3A_4140, %get3A_2289 : vector<16xi32>
    %get3A_4142 = arith.constant 8 : i32
    %get3A_4143 = arith.index_cast %get3A_4142 : i32 to index
    %get3A_4144 = arith.constant 112 : index
    %get3A_4145 = tpu.vector_load %arg8[%get3A_4143, %get3A_4144] {strides = array<i32>} : memref<11x192xf32, #tpu.memory_space<vmem>>, vector<16xf32>,
    %jit3A_4146 = arith.constant 0.000000e+00 : f32
    %broadcast_in_dim3A_4147 = vector.broadcast %jit3A_4146 : f32 to vector<16xf32>
    %select_n3A_4148 = arith.select %lt3A_4141, %get3A_4145, %broadcast_in_dim3A_4147 : vector<16xi1>, vector<16xf32>
    %swap3A_4149 = arith.constant 8 : i32
    %swap3A_4150 = arith.index_cast %swap3A_4149 : i32 to index
    %swap3A_4151 = arith.constant 112 : index
    %swap3A_4152 = tpu.vector_load %arg8[%swap3A_4150, %swap3A_4151] {strides = array<i32>} : memref<11x192xf32, #tpu.memory_space<vmem>>, vector<16xf32>,
    tpu.vector_store %arg8[%swap3A_4150, %swap3A_4151], %select_n3A_4148 {strides = array<i32>} : memref<11x192xf32, #tpu.memory_space<vmem>>, vector<16xf32>,
    %add3A_4153 = arith.constant 128 : i32
    %add3A_4154 = arith.addi %select_n3A_36, %add3A_4153 : i32
    %iota3A_4155 = tpu.iota {dimensions = array<i32: 0>} : vector<16xi32>
    %add3A_4156 = vector.broadcast %add3A_4154 : i32 to vector<16xi32>
    %add3A_4157 = arith.addi %add3A_4156, %iota3A_4155 : vector<16xi32>
    %lt3A_4158 = arith.cmpi slt, %add3A_4157, %get3A_2289 : vector<16xi32>
    %get3A_4159 = arith.constant 8 : i32
    %get3A_4160 = arith.index_cast %get3A_4159 : i32 to index
    %get3A_4161 = arith.constant 128 : index
    %get3A_4162 = tpu.vector_load %arg8[%get3A_4160, %get3A_4161] {strides = array<i32>} : memref<11x192xf32, #tpu.memory_space<vmem>>, vector<16xf32>,
    %jit3A_4163 = arith.constant 0.000000e+00 : f32
    %broadcast_in_dim3A_4164 = vector.broadcast %jit3A_4163 : f32 to vector<16xf32>
    %select_n3A_4165 = arith.select %lt3A_4158, %get3A_4162, %broadcast_in_dim3A_4164 : vector<16xi1>, vector<16xf32>
    %swap3A_4166 = arith.constant 8 : i32
    %swap3A_4167 = arith.index_cast %swap3A_4166 : i32 to index
    %swap3A_4168 = arith.constant 128 : index
    %swap3A_4169 = tpu.vector_load %arg8[%swap3A_4167, %swap3A_4168] {strides = array<i32>} : memref<11x192xf32, #tpu.memory_space<vmem>>, vector<16xf32>,
    tpu.vector_store %arg8[%swap3A_4167, %swap3A_4168], %select_n3A_4165 {strides = array<i32>} : memref<11x192xf32, #tpu.memory_space<vmem>>, vector<16xf32>,
    %add3A_4170 = arith.constant 144 : i32
    %add3A_4171 = arith.addi %select_n3A_36, %add3A_4170 : i32
    %iota3A_4172 = tpu.iota {dimensions = array<i32: 0>} : vector<16xi32>
    %add3A_4173 = vector.broadcast %add3A_4171 : i32 to vector<16xi32>
    %add3A_4174 = arith.addi %add3A_4173, %iota3A_4172 : vector<16xi32>
    %lt3A_4175 = arith.cmpi slt, %add3A_4174, %get3A_2289 : vector<16xi32>
    %get3A_4176 = arith.constant 8 : i32
    %get3A_4177 = arith.index_cast %get3A_4176 : i32 to index
    %get3A_4178 = arith.constant 144 : index
    %get3A_4179 = tpu.vector_load %arg8[%get3A_4177, %get3A_4178] {strides = array<i32>} : memref<11x192xf32, #tpu.memory_space<vmem>>, vector<16xf32>,
    %jit3A_4180 = arith.constant 0.000000e+00 : f32
    %broadcast_in_dim3A_4181 = vector.broadcast %jit3A_4180 : f32 to vector<16xf32>
    %select_n3A_4182 = arith.select %lt3A_4175, %get3A_4179, %broadcast_in_dim3A_4181 : vector<16xi1>, vector<16xf32>
    %swap3A_4183 = arith.constant 8 : i32
    %swap3A_4184 = arith.index_cast %swap3A_4183 : i32 to index
    %swap3A_4185 = arith.constant 144 : index
    %swap3A_4186 = tpu.vector_load %arg8[%swap3A_4184, %swap3A_4185] {strides = array<i32>} : memref<11x192xf32, #tpu.memory_space<vmem>>, vector<16xf32>,
    tpu.vector_store %arg8[%swap3A_4184, %swap3A_4185], %select_n3A_4182 {strides = array<i32>} : memref<11x192xf32, #tpu.memory_space<vmem>>, vector<16xf32>,
    %add3A_4187 = arith.constant 160 : i32
    %add3A_4188 = arith.addi %select_n3A_36, %add3A_4187 : i32
    %iota3A_4189 = tpu.iota {dimensions = array<i32: 0>} : vector<16xi32>
    %add3A_4190 = vector.broadcast %add3A_4188 : i32 to vector<16xi32>
    %add3A_4191 = arith.addi %add3A_4190, %iota3A_4189 : vector<16xi32>
    %lt3A_4192 = arith.cmpi slt, %add3A_4191, %get3A_2289 : vector<16xi32>
    %get3A_4193 = arith.constant 8 : i32
    %get3A_4194 = arith.index_cast %get3A_4193 : i32 to index
    %get3A_4195 = arith.constant 160 : index
    %get3A_4196 = tpu.vector_load %arg8[%get3A_4194, %get3A_4195] {strides = array<i32>} : memref<11x192xf32, #tpu.memory_space<vmem>>, vector<16xf32>,
    %jit3A_4197 = arith.constant 0.000000e+00 : f32
    %broadcast_in_dim3A_4198 = vector.broadcast %jit3A_4197 : f32 to vector<16xf32>
    %select_n3A_4199 = arith.select %lt3A_4192, %get3A_4196, %broadcast_in_dim3A_4198 : vector<16xi1>, vector<16xf32>
    %swap3A_4200 = arith.constant 8 : i32
    %swap3A_4201 = arith.index_cast %swap3A_4200 : i32 to index
    %swap3A_4202 = arith.constant 160 : index
    %swap3A_4203 = tpu.vector_load %arg8[%swap3A_4201, %swap3A_4202] {strides = array<i32>} : memref<11x192xf32, #tpu.memory_space<vmem>>, vector<16xf32>,
    tpu.vector_store %arg8[%swap3A_4201, %swap3A_4202], %select_n3A_4199 {strides = array<i32>} : memref<11x192xf32, #tpu.memory_space<vmem>>, vector<16xf32>,
    %add3A_4204 = arith.constant 176 : i32
    %add3A_4205 = arith.addi %select_n3A_36, %add3A_4204 : i32
    %iota3A_4206 = tpu.iota {dimensions = array<i32: 0>} : vector<16xi32>
    %add3A_4207 = vector.broadcast %add3A_4205 : i32 to vector<16xi32>
    %add3A_4208 = arith.addi %add3A_4207, %iota3A_4206 : vector<16xi32>
    %lt3A_4209 = arith.cmpi slt, %add3A_4208, %get3A_2289 : vector<16xi32>
    %get3A_4210 = arith.constant 8 : i32
    %get3A_4211 = arith.index_cast %get3A_4210 : i32 to index
    %get3A_4212 = arith.constant 176 : index
    %get3A_4213 = tpu.vector_load %arg8[%get3A_4211, %get3A_4212] {strides = array<i32>} : memref<11x192xf32, #tpu.memory_space<vmem>>, vector<16xf32>,
    %jit3A_4214 = arith.constant 0.000000e+00 : f32
    %broadcast_in_dim3A_4215 = vector.broadcast %jit3A_4214 : f32 to vector<16xf32>
    %select_n3A_4216 = arith.select %lt3A_4209, %get3A_4213, %broadcast_in_dim3A_4215 : vector<16xi1>, vector<16xf32>
    %swap3A_4217 = arith.constant 8 : i32
    %swap3A_4218 = arith.index_cast %swap3A_4217 : i32 to index
    %swap3A_4219 = arith.constant 176 : index
    %swap3A_4220 = tpu.vector_load %arg8[%swap3A_4218, %swap3A_4219] {strides = array<i32>} : memref<11x192xf32, #tpu.memory_space<vmem>>, vector<16xf32>,
    tpu.vector_store %arg8[%swap3A_4218, %swap3A_4219], %select_n3A_4216 {strides = array<i32>} : memref<11x192xf32, #tpu.memory_space<vmem>>, vector<16xf32>,
    %dma_start3A_4221 = arith.constant 8 : i32
    %dma_start3A_4222 = arith.constant 8 : i32
    %dma_start3A_4223 = arith.constant 0 : i32
    %dma_start3A_4224 = tpu.memref_slice %arg8[%dma_start3A_4221, %dma_start3A_4223] : memref<11x192xf32, #tpu.memory_space<vmem>> -> memref<1x192xf32, #tpu.memory_space<vmem>>
    %dma_start3A_4225 = tpu.memref_squeeze %dma_start3A_4224 : memref<1x192xf32, #tpu.memory_space<vmem>> -> memref<192xf32, #tpu.memory_space<vmem>>
    %dma_start3A_4226 = tpu.memref_slice %arg5[%select_n3A, %dma_start3A_4222, %select_n3A_36] : memref<2x11x3000xf32, #tpu.memory_space<hbm>> -> memref<1x1x192xf32, #tpu.memory_space<hbm>>
    %dma_start3A_4227 = tpu.memref_squeeze %dma_start3A_4226 : memref<1x1x192xf32, #tpu.memory_space<hbm>> -> memref<192xf32, #tpu.memory_space<hbm>>
    %dma_start3A_4228 = tpu.memref_slice %arg5[%select_n3A, %dma_start3A_4222, %select_n3A_36] : memref<2x11x3000xf32, #tpu.memory_space<hbm>> -> memref<1x1x192xf32, #tpu.memory_space<hbm>>
    %dma_start3A_4229 = tpu.memref_squeeze %dma_start3A_4228 : memref<1x1x192xf32, #tpu.memory_space<hbm>> -> memref<192xf32, #tpu.memory_space<hbm>>
    %dma_start3A_4230 = arith.constant 0 : i32
    %dma_start3A_4231 = tpu.memref_slice %arg8[%dma_start3A_4221, %dma_start3A_4230] : memref<11x192xf32, #tpu.memory_space<vmem>> -> memref<1x192xf32, #tpu.memory_space<vmem>>
    %dma_start3A_4232 = tpu.memref_squeeze %dma_start3A_4231 : memref<1x192xf32, #tpu.memory_space<vmem>> -> memref<192xf32, #tpu.memory_space<vmem>>
    tpu.enqueue_dma source(%dma_start3A_4232 : memref<192xf32, #tpu.memory_space<vmem>>) target(%dma_start3A_4229 : memref<192xf32, #tpu.memory_space<hbm>>) target_semaphore(%arg12 : memref<!tpu.dma_semaphore, #tpu.memory_space<semaphore_mem>>)
    %add3A_4233 = arith.constant 0 : i32
    %add3A_4234 = arith.addi %select_n3A_36, %add3A_4233 : i32
    %iota3A_4235 = tpu.iota {dimensions = array<i32: 0>} : vector<16xi32>
    %add3A_4236 = vector.broadcast %add3A_4234 : i32 to vector<16xi32>
    %add3A_4237 = arith.addi %add3A_4236, %iota3A_4235 : vector<16xi32>
    %lt3A_4238 = arith.cmpi slt, %add3A_4237, %get3A_2289 : vector<16xi32>
    %get3A_4239 = arith.constant 9 : i32
    %get3A_4240 = arith.index_cast %get3A_4239 : i32 to index
    %get3A_4241 = arith.constant 0 : index
    %get3A_4242 = tpu.vector_load %arg8[%get3A_4240, %get3A_4241] {strides = array<i32>} : memref<11x192xf32, #tpu.memory_space<vmem>>, vector<16xf32>,
    %jit3A_4243 = arith.constant 0.000000e+00 : f32
    %broadcast_in_dim3A_4244 = vector.broadcast %jit3A_4243 : f32 to vector<16xf32>
    %select_n3A_4245 = arith.select %lt3A_4238, %get3A_4242, %broadcast_in_dim3A_4244 : vector<16xi1>, vector<16xf32>
    %swap3A_4246 = arith.constant 9 : i32
    %swap3A_4247 = arith.index_cast %swap3A_4246 : i32 to index
    %swap3A_4248 = arith.constant 0 : index
    %swap3A_4249 = tpu.vector_load %arg8[%swap3A_4247, %swap3A_4248] {strides = array<i32>} : memref<11x192xf32, #tpu.memory_space<vmem>>, vector<16xf32>,
    tpu.vector_store %arg8[%swap3A_4247, %swap3A_4248], %select_n3A_4245 {strides = array<i32>} : memref<11x192xf32, #tpu.memory_space<vmem>>, vector<16xf32>,
    %add3A_4250 = arith.constant 16 : i32
    %add3A_4251 = arith.addi %select_n3A_36, %add3A_4250 : i32
    %iota3A_4252 = tpu.iota {dimensions = array<i32: 0>} : vector<16xi32>
    %add3A_4253 = vector.broadcast %add3A_4251 : i32 to vector<16xi32>
    %add3A_4254 = arith.addi %add3A_4253, %iota3A_4252 : vector<16xi32>
    %lt3A_4255 = arith.cmpi slt, %add3A_4254, %get3A_2289 : vector<16xi32>
    %get3A_4256 = arith.constant 9 : i32
    %get3A_4257 = arith.index_cast %get3A_4256 : i32 to index
    %get3A_4258 = arith.constant 16 : index
    %get3A_4259 = tpu.vector_load %arg8[%get3A_4257, %get3A_4258] {strides = array<i32>} : memref<11x192xf32, #tpu.memory_space<vmem>>, vector<16xf32>,
    %jit3A_4260 = arith.constant 0.000000e+00 : f32
    %broadcast_in_dim3A_4261 = vector.broadcast %jit3A_4260 : f32 to vector<16xf32>
    %select_n3A_4262 = arith.select %lt3A_4255, %get3A_4259, %broadcast_in_dim3A_4261 : vector<16xi1>, vector<16xf32>
    %swap3A_4263 = arith.constant 9 : i32
    %swap3A_4264 = arith.index_cast %swap3A_4263 : i32 to index
    %swap3A_4265 = arith.constant 16 : index
    %swap3A_4266 = tpu.vector_load %arg8[%swap3A_4264, %swap3A_4265] {strides = array<i32>} : memref<11x192xf32, #tpu.memory_space<vmem>>, vector<16xf32>,
    tpu.vector_store %arg8[%swap3A_4264, %swap3A_4265], %select_n3A_4262 {strides = array<i32>} : memref<11x192xf32, #tpu.memory_space<vmem>>, vector<16xf32>,
    %add3A_4267 = arith.constant 32 : i32
    %add3A_4268 = arith.addi %select_n3A_36, %add3A_4267 : i32
    %iota3A_4269 = tpu.iota {dimensions = array<i32: 0>} : vector<16xi32>
    %add3A_4270 = vector.broadcast %add3A_4268 : i32 to vector<16xi32>
    %add3A_4271 = arith.addi %add3A_4270, %iota3A_4269 : vector<16xi32>
    %lt3A_4272 = arith.cmpi slt, %add3A_4271, %get3A_2289 : vector<16xi32>
    %get3A_4273 = arith.constant 9 : i32
    %get3A_4274 = arith.index_cast %get3A_4273 : i32 to index
    %get3A_4275 = arith.constant 32 : index
    %get3A_4276 = tpu.vector_load %arg8[%get3A_4274, %get3A_4275] {strides = array<i32>} : memref<11x192xf32, #tpu.memory_space<vmem>>, vector<16xf32>,
    %jit3A_4277 = arith.constant 0.000000e+00 : f32
    %broadcast_in_dim3A_4278 = vector.broadcast %jit3A_4277 : f32 to vector<16xf32>
    %select_n3A_4279 = arith.select %lt3A_4272, %get3A_4276, %broadcast_in_dim3A_4278 : vector<16xi1>, vector<16xf32>
    %swap3A_4280 = arith.constant 9 : i32
    %swap3A_4281 = arith.index_cast %swap3A_4280 : i32 to index
    %swap3A_4282 = arith.constant 32 : index
    %swap3A_4283 = tpu.vector_load %arg8[%swap3A_4281, %swap3A_4282] {strides = array<i32>} : memref<11x192xf32, #tpu.memory_space<vmem>>, vector<16xf32>,
    tpu.vector_store %arg8[%swap3A_4281, %swap3A_4282], %select_n3A_4279 {strides = array<i32>} : memref<11x192xf32, #tpu.memory_space<vmem>>, vector<16xf32>,
    %add3A_4284 = arith.constant 48 : i32
    %add3A_4285 = arith.addi %select_n3A_36, %add3A_4284 : i32
    %iota3A_4286 = tpu.iota {dimensions = array<i32: 0>} : vector<16xi32>
    %add3A_4287 = vector.broadcast %add3A_4285 : i32 to vector<16xi32>
    %add3A_4288 = arith.addi %add3A_4287, %iota3A_4286 : vector<16xi32>
    %lt3A_4289 = arith.cmpi slt, %add3A_4288, %get3A_2289 : vector<16xi32>
    %get3A_4290 = arith.constant 9 : i32
    %get3A_4291 = arith.index_cast %get3A_4290 : i32 to index
    %get3A_4292 = arith.constant 48 : index
    %get3A_4293 = tpu.vector_load %arg8[%get3A_4291, %get3A_4292] {strides = array<i32>} : memref<11x192xf32, #tpu.memory_space<vmem>>, vector<16xf32>,
    %jit3A_4294 = arith.constant 0.000000e+00 : f32
    %broadcast_in_dim3A_4295 = vector.broadcast %jit3A_4294 : f32 to vector<16xf32>
    %select_n3A_4296 = arith.select %lt3A_4289, %get3A_4293, %broadcast_in_dim3A_4295 : vector<16xi1>, vector<16xf32>
    %swap3A_4297 = arith.constant 9 : i32
    %swap3A_4298 = arith.index_cast %swap3A_4297 : i32 to index
    %swap3A_4299 = arith.constant 48 : index
    %swap3A_4300 = tpu.vector_load %arg8[%swap3A_4298, %swap3A_4299] {strides = array<i32>} : memref<11x192xf32, #tpu.memory_space<vmem>>, vector<16xf32>,
    tpu.vector_store %arg8[%swap3A_4298, %swap3A_4299], %select_n3A_4296 {strides = array<i32>} : memref<11x192xf32, #tpu.memory_space<vmem>>, vector<16xf32>,
    %add3A_4301 = arith.constant 64 : i32
    %add3A_4302 = arith.addi %select_n3A_36, %add3A_4301 : i32
    %iota3A_4303 = tpu.iota {dimensions = array<i32: 0>} : vector<16xi32>
    %add3A_4304 = vector.broadcast %add3A_4302 : i32 to vector<16xi32>
    %add3A_4305 = arith.addi %add3A_4304, %iota3A_4303 : vector<16xi32>
    %lt3A_4306 = arith.cmpi slt, %add3A_4305, %get3A_2289 : vector<16xi32>
    %get3A_4307 = arith.constant 9 : i32
    %get3A_4308 = arith.index_cast %get3A_4307 : i32 to index
    %get3A_4309 = arith.constant 64 : index
    %get3A_4310 = tpu.vector_load %arg8[%get3A_4308, %get3A_4309] {strides = array<i32>} : memref<11x192xf32, #tpu.memory_space<vmem>>, vector<16xf32>,
    %jit3A_4311 = arith.constant 0.000000e+00 : f32
    %broadcast_in_dim3A_4312 = vector.broadcast %jit3A_4311 : f32 to vector<16xf32>
    %select_n3A_4313 = arith.select %lt3A_4306, %get3A_4310, %broadcast_in_dim3A_4312 : vector<16xi1>, vector<16xf32>
    %swap3A_4314 = arith.constant 9 : i32
    %swap3A_4315 = arith.index_cast %swap3A_4314 : i32 to index
    %swap3A_4316 = arith.constant 64 : index
    %swap3A_4317 = tpu.vector_load %arg8[%swap3A_4315, %swap3A_4316] {strides = array<i32>} : memref<11x192xf32, #tpu.memory_space<vmem>>, vector<16xf32>,
    tpu.vector_store %arg8[%swap3A_4315, %swap3A_4316], %select_n3A_4313 {strides = array<i32>} : memref<11x192xf32, #tpu.memory_space<vmem>>, vector<16xf32>,
    %add3A_4318 = arith.constant 80 : i32
    %add3A_4319 = arith.addi %select_n3A_36, %add3A_4318 : i32
    %iota3A_4320 = tpu.iota {dimensions = array<i32: 0>} : vector<16xi32>
    %add3A_4321 = vector.broadcast %add3A_4319 : i32 to vector<16xi32>
    %add3A_4322 = arith.addi %add3A_4321, %iota3A_4320 : vector<16xi32>
    %lt3A_4323 = arith.cmpi slt, %add3A_4322, %get3A_2289 : vector<16xi32>
    %get3A_4324 = arith.constant 9 : i32
    %get3A_4325 = arith.index_cast %get3A_4324 : i32 to index
    %get3A_4326 = arith.constant 80 : index
    %get3A_4327 = tpu.vector_load %arg8[%get3A_4325, %get3A_4326] {strides = array<i32>} : memref<11x192xf32, #tpu.memory_space<vmem>>, vector<16xf32>,
    %jit3A_4328 = arith.constant 0.000000e+00 : f32
    %broadcast_in_dim3A_4329 = vector.broadcast %jit3A_4328 : f32 to vector<16xf32>
    %select_n3A_4330 = arith.select %lt3A_4323, %get3A_4327, %broadcast_in_dim3A_4329 : vector<16xi1>, vector<16xf32>
    %swap3A_4331 = arith.constant 9 : i32
    %swap3A_4332 = arith.index_cast %swap3A_4331 : i32 to index
    %swap3A_4333 = arith.constant 80 : index
    %swap3A_4334 = tpu.vector_load %arg8[%swap3A_4332, %swap3A_4333] {strides = array<i32>} : memref<11x192xf32, #tpu.memory_space<vmem>>, vector<16xf32>,
    tpu.vector_store %arg8[%swap3A_4332, %swap3A_4333], %select_n3A_4330 {strides = array<i32>} : memref<11x192xf32, #tpu.memory_space<vmem>>, vector<16xf32>,
    %add3A_4335 = arith.constant 96 : i32
    %add3A_4336 = arith.addi %select_n3A_36, %add3A_4335 : i32
    %iota3A_4337 = tpu.iota {dimensions = array<i32: 0>} : vector<16xi32>
    %add3A_4338 = vector.broadcast %add3A_4336 : i32 to vector<16xi32>
    %add3A_4339 = arith.addi %add3A_4338, %iota3A_4337 : vector<16xi32>
    %lt3A_4340 = arith.cmpi slt, %add3A_4339, %get3A_2289 : vector<16xi32>
    %get3A_4341 = arith.constant 9 : i32
    %get3A_4342 = arith.index_cast %get3A_4341 : i32 to index
    %get3A_4343 = arith.constant 96 : index
    %get3A_4344 = tpu.vector_load %arg8[%get3A_4342, %get3A_4343] {strides = array<i32>} : memref<11x192xf32, #tpu.memory_space<vmem>>, vector<16xf32>,
    %jit3A_4345 = arith.constant 0.000000e+00 : f32
    %broadcast_in_dim3A_4346 = vector.broadcast %jit3A_4345 : f32 to vector<16xf32>
    %select_n3A_4347 = arith.select %lt3A_4340, %get3A_4344, %broadcast_in_dim3A_4346 : vector<16xi1>, vector<16xf32>
    %swap3A_4348 = arith.constant 9 : i32
    %swap3A_4349 = arith.index_cast %swap3A_4348 : i32 to index
    %swap3A_4350 = arith.constant 96 : index
    %swap3A_4351 = tpu.vector_load %arg8[%swap3A_4349, %swap3A_4350] {strides = array<i32>} : memref<11x192xf32, #tpu.memory_space<vmem>>, vector<16xf32>,
    tpu.vector_store %arg8[%swap3A_4349, %swap3A_4350], %select_n3A_4347 {strides = array<i32>} : memref<11x192xf32, #tpu.memory_space<vmem>>, vector<16xf32>,
    %add3A_4352 = arith.constant 112 : i32
    %add3A_4353 = arith.addi %select_n3A_36, %add3A_4352 : i32
    %iota3A_4354 = tpu.iota {dimensions = array<i32: 0>} : vector<16xi32>
    %add3A_4355 = vector.broadcast %add3A_4353 : i32 to vector<16xi32>
    %add3A_4356 = arith.addi %add3A_4355, %iota3A_4354 : vector<16xi32>
    %lt3A_4357 = arith.cmpi slt, %add3A_4356, %get3A_2289 : vector<16xi32>
    %get3A_4358 = arith.constant 9 : i32
    %get3A_4359 = arith.index_cast %get3A_4358 : i32 to index
    %get3A_4360 = arith.constant 112 : index
    %get3A_4361 = tpu.vector_load %arg8[%get3A_4359, %get3A_4360] {strides = array<i32>} : memref<11x192xf32, #tpu.memory_space<vmem>>, vector<16xf32>,
    %jit3A_4362 = arith.constant 0.000000e+00 : f32
    %broadcast_in_dim3A_4363 = vector.broadcast %jit3A_4362 : f32 to vector<16xf32>
    %select_n3A_4364 = arith.select %lt3A_4357, %get3A_4361, %broadcast_in_dim3A_4363 : vector<16xi1>, vector<16xf32>
    %swap3A_4365 = arith.constant 9 : i32
    %swap3A_4366 = arith.index_cast %swap3A_4365 : i32 to index
    %swap3A_4367 = arith.constant 112 : index
    %swap3A_4368 = tpu.vector_load %arg8[%swap3A_4366, %swap3A_4367] {strides = array<i32>} : memref<11x192xf32, #tpu.memory_space<vmem>>, vector<16xf32>,
    tpu.vector_store %arg8[%swap3A_4366, %swap3A_4367], %select_n3A_4364 {strides = array<i32>} : memref<11x192xf32, #tpu.memory_space<vmem>>, vector<16xf32>,
    %add3A_4369 = arith.constant 128 : i32
    %add3A_4370 = arith.addi %select_n3A_36, %add3A_4369 : i32
    %iota3A_4371 = tpu.iota {dimensions = array<i32: 0>} : vector<16xi32>
    %add3A_4372 = vector.broadcast %add3A_4370 : i32 to vector<16xi32>
    %add3A_4373 = arith.addi %add3A_4372, %iota3A_4371 : vector<16xi32>
    %lt3A_4374 = arith.cmpi slt, %add3A_4373, %get3A_2289 : vector<16xi32>
    %get3A_4375 = arith.constant 9 : i32
    %get3A_4376 = arith.index_cast %get3A_4375 : i32 to index
    %get3A_4377 = arith.constant 128 : index
    %get3A_4378 = tpu.vector_load %arg8[%get3A_4376, %get3A_4377] {strides = array<i32>} : memref<11x192xf32, #tpu.memory_space<vmem>>, vector<16xf32>,
    %jit3A_4379 = arith.constant 0.000000e+00 : f32
    %broadcast_in_dim3A_4380 = vector.broadcast %jit3A_4379 : f32 to vector<16xf32>
    %select_n3A_4381 = arith.select %lt3A_4374, %get3A_4378, %broadcast_in_dim3A_4380 : vector<16xi1>, vector<16xf32>
    %swap3A_4382 = arith.constant 9 : i32
    %swap3A_4383 = arith.index_cast %swap3A_4382 : i32 to index
    %swap3A_4384 = arith.constant 128 : index
    %swap3A_4385 = tpu.vector_load %arg8[%swap3A_4383, %swap3A_4384] {strides = array<i32>} : memref<11x192xf32, #tpu.memory_space<vmem>>, vector<16xf32>,
    tpu.vector_store %arg8[%swap3A_4383, %swap3A_4384], %select_n3A_4381 {strides = array<i32>} : memref<11x192xf32, #tpu.memory_space<vmem>>, vector<16xf32>,
    %add3A_4386 = arith.constant 144 : i32
    %add3A_4387 = arith.addi %select_n3A_36, %add3A_4386 : i32
    %iota3A_4388 = tpu.iota {dimensions = array<i32: 0>} : vector<16xi32>
    %add3A_4389 = vector.broadcast %add3A_4387 : i32 to vector<16xi32>
    %add3A_4390 = arith.addi %add3A_4389, %iota3A_4388 : vector<16xi32>
    %lt3A_4391 = arith.cmpi slt, %add3A_4390, %get3A_2289 : vector<16xi32>
    %get3A_4392 = arith.constant 9 : i32
    %get3A_4393 = arith.index_cast %get3A_4392 : i32 to index
    %get3A_4394 = arith.constant 144 : index
    %get3A_4395 = tpu.vector_load %arg8[%get3A_4393, %get3A_4394] {strides = array<i32>} : memref<11x192xf32, #tpu.memory_space<vmem>>, vector<16xf32>,
    %jit3A_4396 = arith.constant 0.000000e+00 : f32
    %broadcast_in_dim3A_4397 = vector.broadcast %jit3A_4396 : f32 to vector<16xf32>
    %select_n3A_4398 = arith.select %lt3A_4391, %get3A_4395, %broadcast_in_dim3A_4397 : vector<16xi1>, vector<16xf32>
    %swap3A_4399 = arith.constant 9 : i32
    %swap3A_4400 = arith.index_cast %swap3A_4399 : i32 to index
    %swap3A_4401 = arith.constant 144 : index
    %swap3A_4402 = tpu.vector_load %arg8[%swap3A_4400, %swap3A_4401] {strides = array<i32>} : memref<11x192xf32, #tpu.memory_space<vmem>>, vector<16xf32>,
    tpu.vector_store %arg8[%swap3A_4400, %swap3A_4401], %select_n3A_4398 {strides = array<i32>} : memref<11x192xf32, #tpu.memory_space<vmem>>, vector<16xf32>,
    %add3A_4403 = arith.constant 160 : i32
    %add3A_4404 = arith.addi %select_n3A_36, %add3A_4403 : i32
    %iota3A_4405 = tpu.iota {dimensions = array<i32: 0>} : vector<16xi32>
    %add3A_4406 = vector.broadcast %add3A_4404 : i32 to vector<16xi32>
    %add3A_4407 = arith.addi %add3A_4406, %iota3A_4405 : vector<16xi32>
    %lt3A_4408 = arith.cmpi slt, %add3A_4407, %get3A_2289 : vector<16xi32>
    %get3A_4409 = arith.constant 9 : i32
    %get3A_4410 = arith.index_cast %get3A_4409 : i32 to index
    %get3A_4411 = arith.constant 160 : index
    %get3A_4412 = tpu.vector_load %arg8[%get3A_4410, %get3A_4411] {strides = array<i32>} : memref<11x192xf32, #tpu.memory_space<vmem>>, vector<16xf32>,
    %jit3A_4413 = arith.constant 0.000000e+00 : f32
    %broadcast_in_dim3A_4414 = vector.broadcast %jit3A_4413 : f32 to vector<16xf32>
    %select_n3A_4415 = arith.select %lt3A_4408, %get3A_4412, %broadcast_in_dim3A_4414 : vector<16xi1>, vector<16xf32>
    %swap3A_4416 = arith.constant 9 : i32
    %swap3A_4417 = arith.index_cast %swap3A_4416 : i32 to index
    %swap3A_4418 = arith.constant 160 : index
    %swap3A_4419 = tpu.vector_load %arg8[%swap3A_4417, %swap3A_4418] {strides = array<i32>} : memref<11x192xf32, #tpu.memory_space<vmem>>, vector<16xf32>,
    tpu.vector_store %arg8[%swap3A_4417, %swap3A_4418], %select_n3A_4415 {strides = array<i32>} : memref<11x192xf32, #tpu.memory_space<vmem>>, vector<16xf32>,
    %add3A_4420 = arith.constant 176 : i32
    %add3A_4421 = arith.addi %select_n3A_36, %add3A_4420 : i32
    %iota3A_4422 = tpu.iota {dimensions = array<i32: 0>} : vector<16xi32>
    %add3A_4423 = vector.broadcast %add3A_4421 : i32 to vector<16xi32>
    %add3A_4424 = arith.addi %add3A_4423, %iota3A_4422 : vector<16xi32>
    %lt3A_4425 = arith.cmpi slt, %add3A_4424, %get3A_2289 : vector<16xi32>
    %get3A_4426 = arith.constant 9 : i32
    %get3A_4427 = arith.index_cast %get3A_4426 : i32 to index
    %get3A_4428 = arith.constant 176 : index
    %get3A_4429 = tpu.vector_load %arg8[%get3A_4427, %get3A_4428] {strides = array<i32>} : memref<11x192xf32, #tpu.memory_space<vmem>>, vector<16xf32>,
    %jit3A_4430 = arith.constant 0.000000e+00 : f32
    %broadcast_in_dim3A_4431 = vector.broadcast %jit3A_4430 : f32 to vector<16xf32>
    %select_n3A_4432 = arith.select %lt3A_4425, %get3A_4429, %broadcast_in_dim3A_4431 : vector<16xi1>, vector<16xf32>
    %swap3A_4433 = arith.constant 9 : i32
    %swap3A_4434 = arith.index_cast %swap3A_4433 : i32 to index
    %swap3A_4435 = arith.constant 176 : index
    %swap3A_4436 = tpu.vector_load %arg8[%swap3A_4434, %swap3A_4435] {strides = array<i32>} : memref<11x192xf32, #tpu.memory_space<vmem>>, vector<16xf32>,
    tpu.vector_store %arg8[%swap3A_4434, %swap3A_4435], %select_n3A_4432 {strides = array<i32>} : memref<11x192xf32, #tpu.memory_space<vmem>>, vector<16xf32>,
    %dma_start3A_4437 = arith.constant 9 : i32
    %dma_start3A_4438 = arith.constant 9 : i32
    %dma_start3A_4439 = arith.constant 0 : i32
    %dma_start3A_4440 = tpu.memref_slice %arg8[%dma_start3A_4437, %dma_start3A_4439] : memref<11x192xf32, #tpu.memory_space<vmem>> -> memref<1x192xf32, #tpu.memory_space<vmem>>
    %dma_start3A_4441 = tpu.memref_squeeze %dma_start3A_4440 : memref<1x192xf32, #tpu.memory_space<vmem>> -> memref<192xf32, #tpu.memory_space<vmem>>
    %dma_start3A_4442 = tpu.memref_slice %arg5[%select_n3A, %dma_start3A_4438, %select_n3A_36] : memref<2x11x3000xf32, #tpu.memory_space<hbm>> -> memref<1x1x192xf32, #tpu.memory_space<hbm>>
    %dma_start3A_4443 = tpu.memref_squeeze %dma_start3A_4442 : memref<1x1x192xf32, #tpu.memory_space<hbm>> -> memref<192xf32, #tpu.memory_space<hbm>>
    %dma_start3A_4444 = tpu.memref_slice %arg5[%select_n3A, %dma_start3A_4438, %select_n3A_36] : memref<2x11x3000xf32, #tpu.memory_space<hbm>> -> memref<1x1x192xf32, #tpu.memory_space<hbm>>
    %dma_start3A_4445 = tpu.memref_squeeze %dma_start3A_4444 : memref<1x1x192xf32, #tpu.memory_space<hbm>> -> memref<192xf32, #tpu.memory_space<hbm>>
    %dma_start3A_4446 = arith.constant 0 : i32
    %dma_start3A_4447 = tpu.memref_slice %arg8[%dma_start3A_4437, %dma_start3A_4446] : memref<11x192xf32, #tpu.memory_space<vmem>> -> memref<1x192xf32, #tpu.memory_space<vmem>>
    %dma_start3A_4448 = tpu.memref_squeeze %dma_start3A_4447 : memref<1x192xf32, #tpu.memory_space<vmem>> -> memref<192xf32, #tpu.memory_space<vmem>>
    tpu.enqueue_dma source(%dma_start3A_4448 : memref<192xf32, #tpu.memory_space<vmem>>) target(%dma_start3A_4445 : memref<192xf32, #tpu.memory_space<hbm>>) target_semaphore(%arg12 : memref<!tpu.dma_semaphore, #tpu.memory_space<semaphore_mem>>)
    %add3A_4449 = arith.constant 0 : i32
    %add3A_4450 = arith.addi %select_n3A_36, %add3A_4449 : i32
    %iota3A_4451 = tpu.iota {dimensions = array<i32: 0>} : vector<16xi32>
    %add3A_4452 = vector.broadcast %add3A_4450 : i32 to vector<16xi32>
    %add3A_4453 = arith.addi %add3A_4452, %iota3A_4451 : vector<16xi32>
    %lt3A_4454 = arith.cmpi slt, %add3A_4453, %get3A_2289 : vector<16xi32>
    %get3A_4455 = arith.constant 10 : i32
    %get3A_4456 = arith.index_cast %get3A_4455 : i32 to index
    %get3A_4457 = arith.constant 0 : index
    %get3A_4458 = tpu.vector_load %arg8[%get3A_4456, %get3A_4457] {strides = array<i32>} : memref<11x192xf32, #tpu.memory_space<vmem>>, vector<16xf32>,
    %jit3A_4459 = arith.constant 0.000000e+00 : f32
    %broadcast_in_dim3A_4460 = vector.broadcast %jit3A_4459 : f32 to vector<16xf32>
    %select_n3A_4461 = arith.select %lt3A_4454, %get3A_4458, %broadcast_in_dim3A_4460 : vector<16xi1>, vector<16xf32>
    %swap3A_4462 = arith.constant 10 : i32
    %swap3A_4463 = arith.index_cast %swap3A_4462 : i32 to index
    %swap3A_4464 = arith.constant 0 : index
    %swap3A_4465 = tpu.vector_load %arg8[%swap3A_4463, %swap3A_4464] {strides = array<i32>} : memref<11x192xf32, #tpu.memory_space<vmem>>, vector<16xf32>,
    tpu.vector_store %arg8[%swap3A_4463, %swap3A_4464], %select_n3A_4461 {strides = array<i32>} : memref<11x192xf32, #tpu.memory_space<vmem>>, vector<16xf32>,
    %add3A_4466 = arith.constant 16 : i32
    %add3A_4467 = arith.addi %select_n3A_36, %add3A_4466 : i32
    %iota3A_4468 = tpu.iota {dimensions = array<i32: 0>} : vector<16xi32>
    %add3A_4469 = vector.broadcast %add3A_4467 : i32 to vector<16xi32>
    %add3A_4470 = arith.addi %add3A_4469, %iota3A_4468 : vector<16xi32>
    %lt3A_4471 = arith.cmpi slt, %add3A_4470, %get3A_2289 : vector<16xi32>
    %get3A_4472 = arith.constant 10 : i32
    %get3A_4473 = arith.index_cast %get3A_4472 : i32 to index
    %get3A_4474 = arith.constant 16 : index
    %get3A_4475 = tpu.vector_load %arg8[%get3A_4473, %get3A_4474] {strides = array<i32>} : memref<11x192xf32, #tpu.memory_space<vmem>>, vector<16xf32>,
    %jit3A_4476 = arith.constant 0.000000e+00 : f32
    %broadcast_in_dim3A_4477 = vector.broadcast %jit3A_4476 : f32 to vector<16xf32>
    %select_n3A_4478 = arith.select %lt3A_4471, %get3A_4475, %broadcast_in_dim3A_4477 : vector<16xi1>, vector<16xf32>
    %swap3A_4479 = arith.constant 10 : i32
    %swap3A_4480 = arith.index_cast %swap3A_4479 : i32 to index
    %swap3A_4481 = arith.constant 16 : index
    %swap3A_4482 = tpu.vector_load %arg8[%swap3A_4480, %swap3A_4481] {strides = array<i32>} : memref<11x192xf32, #tpu.memory_space<vmem>>, vector<16xf32>,
    tpu.vector_store %arg8[%swap3A_4480, %swap3A_4481], %select_n3A_4478 {strides = array<i32>} : memref<11x192xf32, #tpu.memory_space<vmem>>, vector<16xf32>,
    %add3A_4483 = arith.constant 32 : i32
    %add3A_4484 = arith.addi %select_n3A_36, %add3A_4483 : i32
    %iota3A_4485 = tpu.iota {dimensions = array<i32: 0>} : vector<16xi32>
    %add3A_4486 = vector.broadcast %add3A_4484 : i32 to vector<16xi32>
    %add3A_4487 = arith.addi %add3A_4486, %iota3A_4485 : vector<16xi32>
    %lt3A_4488 = arith.cmpi slt, %add3A_4487, %get3A_2289 : vector<16xi32>
    %get3A_4489 = arith.constant 10 : i32
    %get3A_4490 = arith.index_cast %get3A_4489 : i32 to index
    %get3A_4491 = arith.constant 32 : index
    %get3A_4492 = tpu.vector_load %arg8[%get3A_4490, %get3A_4491] {strides = array<i32>} : memref<11x192xf32, #tpu.memory_space<vmem>>, vector<16xf32>,
    %jit3A_4493 = arith.constant 0.000000e+00 : f32
    %broadcast_in_dim3A_4494 = vector.broadcast %jit3A_4493 : f32 to vector<16xf32>
    %select_n3A_4495 = arith.select %lt3A_4488, %get3A_4492, %broadcast_in_dim3A_4494 : vector<16xi1>, vector<16xf32>
    %swap3A_4496 = arith.constant 10 : i32
    %swap3A_4497 = arith.index_cast %swap3A_4496 : i32 to index
    %swap3A_4498 = arith.constant 32 : index
    %swap3A_4499 = tpu.vector_load %arg8[%swap3A_4497, %swap3A_4498] {strides = array<i32>} : memref<11x192xf32, #tpu.memory_space<vmem>>, vector<16xf32>,
    tpu.vector_store %arg8[%swap3A_4497, %swap3A_4498], %select_n3A_4495 {strides = array<i32>} : memref<11x192xf32, #tpu.memory_space<vmem>>, vector<16xf32>,
    %add3A_4500 = arith.constant 48 : i32
    %add3A_4501 = arith.addi %select_n3A_36, %add3A_4500 : i32
    %iota3A_4502 = tpu.iota {dimensions = array<i32: 0>} : vector<16xi32>
    %add3A_4503 = vector.broadcast %add3A_4501 : i32 to vector<16xi32>
    %add3A_4504 = arith.addi %add3A_4503, %iota3A_4502 : vector<16xi32>
    %lt3A_4505 = arith.cmpi slt, %add3A_4504, %get3A_2289 : vector<16xi32>
    %get3A_4506 = arith.constant 10 : i32
    %get3A_4507 = arith.index_cast %get3A_4506 : i32 to index
    %get3A_4508 = arith.constant 48 : index
    %get3A_4509 = tpu.vector_load %arg8[%get3A_4507, %get3A_4508] {strides = array<i32>} : memref<11x192xf32, #tpu.memory_space<vmem>>, vector<16xf32>,
    %jit3A_4510 = arith.constant 0.000000e+00 : f32
    %broadcast_in_dim3A_4511 = vector.broadcast %jit3A_4510 : f32 to vector<16xf32>
    %select_n3A_4512 = arith.select %lt3A_4505, %get3A_4509, %broadcast_in_dim3A_4511 : vector<16xi1>, vector<16xf32>
    %swap3A_4513 = arith.constant 10 : i32
    %swap3A_4514 = arith.index_cast %swap3A_4513 : i32 to index
    %swap3A_4515 = arith.constant 48 : index
    %swap3A_4516 = tpu.vector_load %arg8[%swap3A_4514, %swap3A_4515] {strides = array<i32>} : memref<11x192xf32, #tpu.memory_space<vmem>>, vector<16xf32>,
    tpu.vector_store %arg8[%swap3A_4514, %swap3A_4515], %select_n3A_4512 {strides = array<i32>} : memref<11x192xf32, #tpu.memory_space<vmem>>, vector<16xf32>,
    %add3A_4517 = arith.constant 64 : i32
    %add3A_4518 = arith.addi %select_n3A_36, %add3A_4517 : i32
    %iota3A_4519 = tpu.iota {dimensions = array<i32: 0>} : vector<16xi32>
    %add3A_4520 = vector.broadcast %add3A_4518 : i32 to vector<16xi32>
    %add3A_4521 = arith.addi %add3A_4520, %iota3A_4519 : vector<16xi32>
    %lt3A_4522 = arith.cmpi slt, %add3A_4521, %get3A_2289 : vector<16xi32>
    %get3A_4523 = arith.constant 10 : i32
    %get3A_4524 = arith.index_cast %get3A_4523 : i32 to index
    %get3A_4525 = arith.constant 64 : index
    %get3A_4526 = tpu.vector_load %arg8[%get3A_4524, %get3A_4525] {strides = array<i32>} : memref<11x192xf32, #tpu.memory_space<vmem>>, vector<16xf32>,
    %jit3A_4527 = arith.constant 0.000000e+00 : f32
    %broadcast_in_dim3A_4528 = vector.broadcast %jit3A_4527 : f32 to vector<16xf32>
    %select_n3A_4529 = arith.select %lt3A_4522, %get3A_4526, %broadcast_in_dim3A_4528 : vector<16xi1>, vector<16xf32>
    %swap3A_4530 = arith.constant 10 : i32
    %swap3A_4531 = arith.index_cast %swap3A_4530 : i32 to index
    %swap3A_4532 = arith.constant 64 : index
    %swap3A_4533 = tpu.vector_load %arg8[%swap3A_4531, %swap3A_4532] {strides = array<i32>} : memref<11x192xf32, #tpu.memory_space<vmem>>, vector<16xf32>,
    tpu.vector_store %arg8[%swap3A_4531, %swap3A_4532], %select_n3A_4529 {strides = array<i32>} : memref<11x192xf32, #tpu.memory_space<vmem>>, vector<16xf32>,
    %add3A_4534 = arith.constant 80 : i32
    %add3A_4535 = arith.addi %select_n3A_36, %add3A_4534 : i32
    %iota3A_4536 = tpu.iota {dimensions = array<i32: 0>} : vector<16xi32>
    %add3A_4537 = vector.broadcast %add3A_4535 : i32 to vector<16xi32>
    %add3A_4538 = arith.addi %add3A_4537, %iota3A_4536 : vector<16xi32>
    %lt3A_4539 = arith.cmpi slt, %add3A_4538, %get3A_2289 : vector<16xi32>
    %get3A_4540 = arith.constant 10 : i32
    %get3A_4541 = arith.index_cast %get3A_4540 : i32 to index
    %get3A_4542 = arith.constant 80 : index
    %get3A_4543 = tpu.vector_load %arg8[%get3A_4541, %get3A_4542] {strides = array<i32>} : memref<11x192xf32, #tpu.memory_space<vmem>>, vector<16xf32>,
    %jit3A_4544 = arith.constant 0.000000e+00 : f32
    %broadcast_in_dim3A_4545 = vector.broadcast %jit3A_4544 : f32 to vector<16xf32>
    %select_n3A_4546 = arith.select %lt3A_4539, %get3A_4543, %broadcast_in_dim3A_4545 : vector<16xi1>, vector<16xf32>
    %swap3A_4547 = arith.constant 10 : i32
    %swap3A_4548 = arith.index_cast %swap3A_4547 : i32 to index
    %swap3A_4549 = arith.constant 80 : index
    %swap3A_4550 = tpu.vector_load %arg8[%swap3A_4548, %swap3A_4549] {strides = array<i32>} : memref<11x192xf32, #tpu.memory_space<vmem>>, vector<16xf32>,
    tpu.vector_store %arg8[%swap3A_4548, %swap3A_4549], %select_n3A_4546 {strides = array<i32>} : memref<11x192xf32, #tpu.memory_space<vmem>>, vector<16xf32>,
    %add3A_4551 = arith.constant 96 : i32
    %add3A_4552 = arith.addi %select_n3A_36, %add3A_4551 : i32
    %iota3A_4553 = tpu.iota {dimensions = array<i32: 0>} : vector<16xi32>
    %add3A_4554 = vector.broadcast %add3A_4552 : i32 to vector<16xi32>
    %add3A_4555 = arith.addi %add3A_4554, %iota3A_4553 : vector<16xi32>
    %lt3A_4556 = arith.cmpi slt, %add3A_4555, %get3A_2289 : vector<16xi32>
    %get3A_4557 = arith.constant 10 : i32
    %get3A_4558 = arith.index_cast %get3A_4557 : i32 to index
    %get3A_4559 = arith.constant 96 : index
    %get3A_4560 = tpu.vector_load %arg8[%get3A_4558, %get3A_4559] {strides = array<i32>} : memref<11x192xf32, #tpu.memory_space<vmem>>, vector<16xf32>,
    %jit3A_4561 = arith.constant 0.000000e+00 : f32
    %broadcast_in_dim3A_4562 = vector.broadcast %jit3A_4561 : f32 to vector<16xf32>
    %select_n3A_4563 = arith.select %lt3A_4556, %get3A_4560, %broadcast_in_dim3A_4562 : vector<16xi1>, vector<16xf32>
    %swap3A_4564 = arith.constant 10 : i32
    %swap3A_4565 = arith.index_cast %swap3A_4564 : i32 to index
    %swap3A_4566 = arith.constant 96 : index
    %swap3A_4567 = tpu.vector_load %arg8[%swap3A_4565, %swap3A_4566] {strides = array<i32>} : memref<11x192xf32, #tpu.memory_space<vmem>>, vector<16xf32>,
    tpu.vector_store %arg8[%swap3A_4565, %swap3A_4566], %select_n3A_4563 {strides = array<i32>} : memref<11x192xf32, #tpu.memory_space<vmem>>, vector<16xf32>,
    %add3A_4568 = arith.constant 112 : i32
    %add3A_4569 = arith.addi %select_n3A_36, %add3A_4568 : i32
    %iota3A_4570 = tpu.iota {dimensions = array<i32: 0>} : vector<16xi32>
    %add3A_4571 = vector.broadcast %add3A_4569 : i32 to vector<16xi32>
    %add3A_4572 = arith.addi %add3A_4571, %iota3A_4570 : vector<16xi32>
    %lt3A_4573 = arith.cmpi slt, %add3A_4572, %get3A_2289 : vector<16xi32>
    %get3A_4574 = arith.constant 10 : i32
    %get3A_4575 = arith.index_cast %get3A_4574 : i32 to index
    %get3A_4576 = arith.constant 112 : index
    %get3A_4577 = tpu.vector_load %arg8[%get3A_4575, %get3A_4576] {strides = array<i32>} : memref<11x192xf32, #tpu.memory_space<vmem>>, vector<16xf32>,
    %jit3A_4578 = arith.constant 0.000000e+00 : f32
    %broadcast_in_dim3A_4579 = vector.broadcast %jit3A_4578 : f32 to vector<16xf32>
    %select_n3A_4580 = arith.select %lt3A_4573, %get3A_4577, %broadcast_in_dim3A_4579 : vector<16xi1>, vector<16xf32>
    %swap3A_4581 = arith.constant 10 : i32
    %swap3A_4582 = arith.index_cast %swap3A_4581 : i32 to index
    %swap3A_4583 = arith.constant 112 : index
    %swap3A_4584 = tpu.vector_load %arg8[%swap3A_4582, %swap3A_4583] {strides = array<i32>} : memref<11x192xf32, #tpu.memory_space<vmem>>, vector<16xf32>,
    tpu.vector_store %arg8[%swap3A_4582, %swap3A_4583], %select_n3A_4580 {strides = array<i32>} : memref<11x192xf32, #tpu.memory_space<vmem>>, vector<16xf32>,
    %add3A_4585 = arith.constant 128 : i32
    %add3A_4586 = arith.addi %select_n3A_36, %add3A_4585 : i32
    %iota3A_4587 = tpu.iota {dimensions = array<i32: 0>} : vector<16xi32>
    %add3A_4588 = vector.broadcast %add3A_4586 : i32 to vector<16xi32>
    %add3A_4589 = arith.addi %add3A_4588, %iota3A_4587 : vector<16xi32>
    %lt3A_4590 = arith.cmpi slt, %add3A_4589, %get3A_2289 : vector<16xi32>
    %get3A_4591 = arith.constant 10 : i32
    %get3A_4592 = arith.index_cast %get3A_4591 : i32 to index
    %get3A_4593 = arith.constant 128 : index
    %get3A_4594 = tpu.vector_load %arg8[%get3A_4592, %get3A_4593] {strides = array<i32>} : memref<11x192xf32, #tpu.memory_space<vmem>>, vector<16xf32>,
    %jit3A_4595 = arith.constant 0.000000e+00 : f32
    %broadcast_in_dim3A_4596 = vector.broadcast %jit3A_4595 : f32 to vector<16xf32>
    %select_n3A_4597 = arith.select %lt3A_4590, %get3A_4594, %broadcast_in_dim3A_4596 : vector<16xi1>, vector<16xf32>
    %swap3A_4598 = arith.constant 10 : i32
    %swap3A_4599 = arith.index_cast %swap3A_4598 : i32 to index
    %swap3A_4600 = arith.constant 128 : index
    %swap3A_4601 = tpu.vector_load %arg8[%swap3A_4599, %swap3A_4600] {strides = array<i32>} : memref<11x192xf32, #tpu.memory_space<vmem>>, vector<16xf32>,
    tpu.vector_store %arg8[%swap3A_4599, %swap3A_4600], %select_n3A_4597 {strides = array<i32>} : memref<11x192xf32, #tpu.memory_space<vmem>>, vector<16xf32>,
    %add3A_4602 = arith.constant 144 : i32
    %add3A_4603 = arith.addi %select_n3A_36, %add3A_4602 : i32
    %iota3A_4604 = tpu.iota {dimensions = array<i32: 0>} : vector<16xi32>
    %add3A_4605 = vector.broadcast %add3A_4603 : i32 to vector<16xi32>
    %add3A_4606 = arith.addi %add3A_4605, %iota3A_4604 : vector<16xi32>
    %lt3A_4607 = arith.cmpi slt, %add3A_4606, %get3A_2289 : vector<16xi32>
    %get3A_4608 = arith.constant 10 : i32
    %get3A_4609 = arith.index_cast %get3A_4608 : i32 to index
    %get3A_4610 = arith.constant 144 : index
    %get3A_4611 = tpu.vector_load %arg8[%get3A_4609, %get3A_4610] {strides = array<i32>} : memref<11x192xf32, #tpu.memory_space<vmem>>, vector<16xf32>,
    %jit3A_4612 = arith.constant 0.000000e+00 : f32
    %broadcast_in_dim3A_4613 = vector.broadcast %jit3A_4612 : f32 to vector<16xf32>
    %select_n3A_4614 = arith.select %lt3A_4607, %get3A_4611, %broadcast_in_dim3A_4613 : vector<16xi1>, vector<16xf32>
    %swap3A_4615 = arith.constant 10 : i32
    %swap3A_4616 = arith.index_cast %swap3A_4615 : i32 to index
    %swap3A_4617 = arith.constant 144 : index
    %swap3A_4618 = tpu.vector_load %arg8[%swap3A_4616, %swap3A_4617] {strides = array<i32>} : memref<11x192xf32, #tpu.memory_space<vmem>>, vector<16xf32>,
    tpu.vector_store %arg8[%swap3A_4616, %swap3A_4617], %select_n3A_4614 {strides = array<i32>} : memref<11x192xf32, #tpu.memory_space<vmem>>, vector<16xf32>,
    %add3A_4619 = arith.constant 160 : i32
    %add3A_4620 = arith.addi %select_n3A_36, %add3A_4619 : i32
    %iota3A_4621 = tpu.iota {dimensions = array<i32: 0>} : vector<16xi32>
    %add3A_4622 = vector.broadcast %add3A_4620 : i32 to vector<16xi32>
    %add3A_4623 = arith.addi %add3A_4622, %iota3A_4621 : vector<16xi32>
    %lt3A_4624 = arith.cmpi slt, %add3A_4623, %get3A_2289 : vector<16xi32>
    %get3A_4625 = arith.constant 10 : i32
    %get3A_4626 = arith.index_cast %get3A_4625 : i32 to index
    %get3A_4627 = arith.constant 160 : index
    %get3A_4628 = tpu.vector_load %arg8[%get3A_4626, %get3A_4627] {strides = array<i32>} : memref<11x192xf32, #tpu.memory_space<vmem>>, vector<16xf32>,
    %jit3A_4629 = arith.constant 0.000000e+00 : f32
    %broadcast_in_dim3A_4630 = vector.broadcast %jit3A_4629 : f32 to vector<16xf32>
    %select_n3A_4631 = arith.select %lt3A_4624, %get3A_4628, %broadcast_in_dim3A_4630 : vector<16xi1>, vector<16xf32>
    %swap3A_4632 = arith.constant 10 : i32
    %swap3A_4633 = arith.index_cast %swap3A_4632 : i32 to index
    %swap3A_4634 = arith.constant 160 : index
    %swap3A_4635 = tpu.vector_load %arg8[%swap3A_4633, %swap3A_4634] {strides = array<i32>} : memref<11x192xf32, #tpu.memory_space<vmem>>, vector<16xf32>,
    tpu.vector_store %arg8[%swap3A_4633, %swap3A_4634], %select_n3A_4631 {strides = array<i32>} : memref<11x192xf32, #tpu.memory_space<vmem>>, vector<16xf32>,
    %add3A_4636 = arith.constant 176 : i32
    %add3A_4637 = arith.addi %select_n3A_36, %add3A_4636 : i32
    %iota3A_4638 = tpu.iota {dimensions = array<i32: 0>} : vector<16xi32>
    %add3A_4639 = vector.broadcast %add3A_4637 : i32 to vector<16xi32>
    %add3A_4640 = arith.addi %add3A_4639, %iota3A_4638 : vector<16xi32>
    %lt3A_4641 = arith.cmpi slt, %add3A_4640, %get3A_2289 : vector<16xi32>
    %get3A_4642 = arith.constant 10 : i32
    %get3A_4643 = arith.index_cast %get3A_4642 : i32 to index
    %get3A_4644 = arith.constant 176 : index
    %get3A_4645 = tpu.vector_load %arg8[%get3A_4643, %get3A_4644] {strides = array<i32>} : memref<11x192xf32, #tpu.memory_space<vmem>>, vector<16xf32>,
    %jit3A_4646 = arith.constant 0.000000e+00 : f32
    %broadcast_in_dim3A_4647 = vector.broadcast %jit3A_4646 : f32 to vector<16xf32>
    %select_n3A_4648 = arith.select %lt3A_4641, %get3A_4645, %broadcast_in_dim3A_4647 : vector<16xi1>, vector<16xf32>
    %swap3A_4649 = arith.constant 10 : i32
    %swap3A_4650 = arith.index_cast %swap3A_4649 : i32 to index
    %swap3A_4651 = arith.constant 176 : index
    %swap3A_4652 = tpu.vector_load %arg8[%swap3A_4650, %swap3A_4651] {strides = array<i32>} : memref<11x192xf32, #tpu.memory_space<vmem>>, vector<16xf32>,
    tpu.vector_store %arg8[%swap3A_4650, %swap3A_4651], %select_n3A_4648 {strides = array<i32>} : memref<11x192xf32, #tpu.memory_space<vmem>>, vector<16xf32>,
    %dma_start3A_4653 = arith.constant 10 : i32
    %dma_start3A_4654 = arith.constant 10 : i32
    %dma_start3A_4655 = arith.constant 0 : i32
    %dma_start3A_4656 = tpu.memref_slice %arg8[%dma_start3A_4653, %dma_start3A_4655] : memref<11x192xf32, #tpu.memory_space<vmem>> -> memref<1x192xf32, #tpu.memory_space<vmem>>
    %dma_start3A_4657 = tpu.memref_squeeze %dma_start3A_4656 : memref<1x192xf32, #tpu.memory_space<vmem>> -> memref<192xf32, #tpu.memory_space<vmem>>
    %dma_start3A_4658 = tpu.memref_slice %arg5[%select_n3A, %dma_start3A_4654, %select_n3A_36] : memref<2x11x3000xf32, #tpu.memory_space<hbm>> -> memref<1x1x192xf32, #tpu.memory_space<hbm>>
    %dma_start3A_4659 = tpu.memref_squeeze %dma_start3A_4658 : memref<1x1x192xf32, #tpu.memory_space<hbm>> -> memref<192xf32, #tpu.memory_space<hbm>>
    %dma_start3A_4660 = tpu.memref_slice %arg5[%select_n3A, %dma_start3A_4654, %select_n3A_36] : memref<2x11x3000xf32, #tpu.memory_space<hbm>> -> memref<1x1x192xf32, #tpu.memory_space<hbm>>
    %dma_start3A_4661 = tpu.memref_squeeze %dma_start3A_4660 : memref<1x1x192xf32, #tpu.memory_space<hbm>> -> memref<192xf32, #tpu.memory_space<hbm>>
    %dma_start3A_4662 = arith.constant 0 : i32
    %dma_start3A_4663 = tpu.memref_slice %arg8[%dma_start3A_4653, %dma_start3A_4662] : memref<11x192xf32, #tpu.memory_space<vmem>> -> memref<1x192xf32, #tpu.memory_space<vmem>>
    %dma_start3A_4664 = tpu.memref_squeeze %dma_start3A_4663 : memref<1x192xf32, #tpu.memory_space<vmem>> -> memref<192xf32, #tpu.memory_space<vmem>>
    tpu.enqueue_dma source(%dma_start3A_4664 : memref<192xf32, #tpu.memory_space<vmem>>) target(%dma_start3A_4661 : memref<192xf32, #tpu.memory_space<hbm>>) target_semaphore(%arg12 : memref<!tpu.dma_semaphore, #tpu.memory_space<semaphore_mem>>)
    %dma_wait3A_4665 = arith.constant 0 : i32
    %dma_wait3A_4666 = arith.constant 0 : i32
    %dma_wait3A_4667 = arith.constant 0 : i32
    %dma_wait3A_4668 = tpu.memref_slice %arg8[%dma_wait3A_4665, %dma_wait3A_4667] : memref<11x192xf32, #tpu.memory_space<vmem>> -> memref<1x192xf32, #tpu.memory_space<vmem>>
    %dma_wait3A_4669 = tpu.memref_squeeze %dma_wait3A_4668 : memref<1x192xf32, #tpu.memory_space<vmem>> -> memref<192xf32, #tpu.memory_space<vmem>>
    %dma_wait3A_4670 = tpu.memref_slice %arg5[%select_n3A, %dma_wait3A_4666, %select_n3A_36] : memref<2x11x3000xf32, #tpu.memory_space<hbm>> -> memref<1x1x192xf32, #tpu.memory_space<hbm>>
    %dma_wait3A_4671 = tpu.memref_squeeze %dma_wait3A_4670 : memref<1x1x192xf32, #tpu.memory_space<hbm>> -> memref<192xf32, #tpu.memory_space<hbm>>
    %dma_wait3A_4672 = tpu.memref_slice %arg5[%select_n3A, %dma_wait3A_4666, %select_n3A_36] : memref<2x11x3000xf32, #tpu.memory_space<hbm>> -> memref<1x1x192xf32, #tpu.memory_space<hbm>>
    %dma_wait3A_4673 = tpu.memref_squeeze %dma_wait3A_4672 : memref<1x1x192xf32, #tpu.memory_space<hbm>> -> memref<192xf32, #tpu.memory_space<hbm>>
    %dma_wait3A_4674 = arith.constant 0 : i32
    %dma_wait3A_4675 = tpu.memref_slice %arg8[%dma_wait3A_4665, %dma_wait3A_4674] : memref<11x192xf32, #tpu.memory_space<vmem>> -> memref<1x192xf32, #tpu.memory_space<vmem>>
    %dma_wait3A_4676 = tpu.memref_squeeze %dma_wait3A_4675 : memref<1x192xf32, #tpu.memory_space<vmem>> -> memref<192xf32, #tpu.memory_space<vmem>>
    tpu.wait_dma2 semaphore(%arg12 : memref<!tpu.dma_semaphore, #tpu.memory_space<semaphore_mem>>) src(%dma_wait3A_4676 : memref<192xf32, #tpu.memory_space<vmem>>) dst(%dma_wait3A_4673 : memref<192xf32, #tpu.memory_space<hbm>>)
    %dma_wait3A_4677 = arith.constant 1 : i32
    %dma_wait3A_4678 = arith.constant 1 : i32
    %dma_wait3A_4679 = arith.constant 0 : i32
    %dma_wait3A_4680 = tpu.memref_slice %arg8[%dma_wait3A_4677, %dma_wait3A_4679] : memref<11x192xf32, #tpu.memory_space<vmem>> -> memref<1x192xf32, #tpu.memory_space<vmem>>
    %dma_wait3A_4681 = tpu.memref_squeeze %dma_wait3A_4680 : memref<1x192xf32, #tpu.memory_space<vmem>> -> memref<192xf32, #tpu.memory_space<vmem>>
    %dma_wait3A_4682 = tpu.memref_slice %arg5[%select_n3A, %dma_wait3A_4678, %select_n3A_36] : memref<2x11x3000xf32, #tpu.memory_space<hbm>> -> memref<1x1x192xf32, #tpu.memory_space<hbm>>
    %dma_wait3A_4683 = tpu.memref_squeeze %dma_wait3A_4682 : memref<1x1x192xf32, #tpu.memory_space<hbm>> -> memref<192xf32, #tpu.memory_space<hbm>>
    %dma_wait3A_4684 = tpu.memref_slice %arg5[%select_n3A, %dma_wait3A_4678, %select_n3A_36] : memref<2x11x3000xf32, #tpu.memory_space<hbm>> -> memref<1x1x192xf32, #tpu.memory_space<hbm>>
    %dma_wait3A_4685 = tpu.memref_squeeze %dma_wait3A_4684 : memref<1x1x192xf32, #tpu.memory_space<hbm>> -> memref<192xf32, #tpu.memory_space<hbm>>
    %dma_wait3A_4686 = arith.constant 0 : i32
    %dma_wait3A_4687 = tpu.memref_slice %arg8[%dma_wait3A_4677, %dma_wait3A_4686] : memref<11x192xf32, #tpu.memory_space<vmem>> -> memref<1x192xf32, #tpu.memory_space<vmem>>
    %dma_wait3A_4688 = tpu.memref_squeeze %dma_wait3A_4687 : memref<1x192xf32, #tpu.memory_space<vmem>> -> memref<192xf32, #tpu.memory_space<vmem>>
    tpu.wait_dma2 semaphore(%arg12 : memref<!tpu.dma_semaphore, #tpu.memory_space<semaphore_mem>>) src(%dma_wait3A_4688 : memref<192xf32, #tpu.memory_space<vmem>>) dst(%dma_wait3A_4685 : memref<192xf32, #tpu.memory_space<hbm>>)
    %dma_wait3A_4689 = arith.constant 2 : i32
    %dma_wait3A_4690 = arith.constant 2 : i32
    %dma_wait3A_4691 = arith.constant 0 : i32
    %dma_wait3A_4692 = tpu.memref_slice %arg8[%dma_wait3A_4689, %dma_wait3A_4691] : memref<11x192xf32, #tpu.memory_space<vmem>> -> memref<1x192xf32, #tpu.memory_space<vmem>>
    %dma_wait3A_4693 = tpu.memref_squeeze %dma_wait3A_4692 : memref<1x192xf32, #tpu.memory_space<vmem>> -> memref<192xf32, #tpu.memory_space<vmem>>
    %dma_wait3A_4694 = tpu.memref_slice %arg5[%select_n3A, %dma_wait3A_4690, %select_n3A_36] : memref<2x11x3000xf32, #tpu.memory_space<hbm>> -> memref<1x1x192xf32, #tpu.memory_space<hbm>>
    %dma_wait3A_4695 = tpu.memref_squeeze %dma_wait3A_4694 : memref<1x1x192xf32, #tpu.memory_space<hbm>> -> memref<192xf32, #tpu.memory_space<hbm>>
    %dma_wait3A_4696 = tpu.memref_slice %arg5[%select_n3A, %dma_wait3A_4690, %select_n3A_36] : memref<2x11x3000xf32, #tpu.memory_space<hbm>> -> memref<1x1x192xf32, #tpu.memory_space<hbm>>
    %dma_wait3A_4697 = tpu.memref_squeeze %dma_wait3A_4696 : memref<1x1x192xf32, #tpu.memory_space<hbm>> -> memref<192xf32, #tpu.memory_space<hbm>>
    %dma_wait3A_4698 = arith.constant 0 : i32
    %dma_wait3A_4699 = tpu.memref_slice %arg8[%dma_wait3A_4689, %dma_wait3A_4698] : memref<11x192xf32, #tpu.memory_space<vmem>> -> memref<1x192xf32, #tpu.memory_space<vmem>>
    %dma_wait3A_4700 = tpu.memref_squeeze %dma_wait3A_4699 : memref<1x192xf32, #tpu.memory_space<vmem>> -> memref<192xf32, #tpu.memory_space<vmem>>
    tpu.wait_dma2 semaphore(%arg12 : memref<!tpu.dma_semaphore, #tpu.memory_space<semaphore_mem>>) src(%dma_wait3A_4700 : memref<192xf32, #tpu.memory_space<vmem>>) dst(%dma_wait3A_4697 : memref<192xf32, #tpu.memory_space<hbm>>)
    %dma_wait3A_4701 = arith.constant 3 : i32
    %dma_wait3A_4702 = arith.constant 3 : i32
    %dma_wait3A_4703 = arith.constant 0 : i32
    %dma_wait3A_4704 = tpu.memref_slice %arg8[%dma_wait3A_4701, %dma_wait3A_4703] : memref<11x192xf32, #tpu.memory_space<vmem>> -> memref<1x192xf32, #tpu.memory_space<vmem>>
    %dma_wait3A_4705 = tpu.memref_squeeze %dma_wait3A_4704 : memref<1x192xf32, #tpu.memory_space<vmem>> -> memref<192xf32, #tpu.memory_space<vmem>>
    %dma_wait3A_4706 = tpu.memref_slice %arg5[%select_n3A, %dma_wait3A_4702, %select_n3A_36] : memref<2x11x3000xf32, #tpu.memory_space<hbm>> -> memref<1x1x192xf32, #tpu.memory_space<hbm>>
    %dma_wait3A_4707 = tpu.memref_squeeze %dma_wait3A_4706 : memref<1x1x192xf32, #tpu.memory_space<hbm>> -> memref<192xf32, #tpu.memory_space<hbm>>
    %dma_wait3A_4708 = tpu.memref_slice %arg5[%select_n3A, %dma_wait3A_4702, %select_n3A_36] : memref<2x11x3000xf32, #tpu.memory_space<hbm>> -> memref<1x1x192xf32, #tpu.memory_space<hbm>>
    %dma_wait3A_4709 = tpu.memref_squeeze %dma_wait3A_4708 : memref<1x1x192xf32, #tpu.memory_space<hbm>> -> memref<192xf32, #tpu.memory_space<hbm>>
    %dma_wait3A_4710 = arith.constant 0 : i32
    %dma_wait3A_4711 = tpu.memref_slice %arg8[%dma_wait3A_4701, %dma_wait3A_4710] : memref<11x192xf32, #tpu.memory_space<vmem>> -> memref<1x192xf32, #tpu.memory_space<vmem>>
    %dma_wait3A_4712 = tpu.memref_squeeze %dma_wait3A_4711 : memref<1x192xf32, #tpu.memory_space<vmem>> -> memref<192xf32, #tpu.memory_space<vmem>>
    tpu.wait_dma2 semaphore(%arg12 : memref<!tpu.dma_semaphore, #tpu.memory_space<semaphore_mem>>) src(%dma_wait3A_4712 : memref<192xf32, #tpu.memory_space<vmem>>) dst(%dma_wait3A_4709 : memref<192xf32, #tpu.memory_space<hbm>>)
    %dma_wait3A_4713 = arith.constant 4 : i32
    %dma_wait3A_4714 = arith.constant 4 : i32
    %dma_wait3A_4715 = arith.constant 0 : i32
    %dma_wait3A_4716 = tpu.memref_slice %arg8[%dma_wait3A_4713, %dma_wait3A_4715] : memref<11x192xf32, #tpu.memory_space<vmem>> -> memref<1x192xf32, #tpu.memory_space<vmem>>
    %dma_wait3A_4717 = tpu.memref_squeeze %dma_wait3A_4716 : memref<1x192xf32, #tpu.memory_space<vmem>> -> memref<192xf32, #tpu.memory_space<vmem>>
    %dma_wait3A_4718 = tpu.memref_slice %arg5[%select_n3A, %dma_wait3A_4714, %select_n3A_36] : memref<2x11x3000xf32, #tpu.memory_space<hbm>> -> memref<1x1x192xf32, #tpu.memory_space<hbm>>
    %dma_wait3A_4719 = tpu.memref_squeeze %dma_wait3A_4718 : memref<1x1x192xf32, #tpu.memory_space<hbm>> -> memref<192xf32, #tpu.memory_space<hbm>>
    %dma_wait3A_4720 = tpu.memref_slice %arg5[%select_n3A, %dma_wait3A_4714, %select_n3A_36] : memref<2x11x3000xf32, #tpu.memory_space<hbm>> -> memref<1x1x192xf32, #tpu.memory_space<hbm>>
    %dma_wait3A_4721 = tpu.memref_squeeze %dma_wait3A_4720 : memref<1x1x192xf32, #tpu.memory_space<hbm>> -> memref<192xf32, #tpu.memory_space<hbm>>
    %dma_wait3A_4722 = arith.constant 0 : i32
    %dma_wait3A_4723 = tpu.memref_slice %arg8[%dma_wait3A_4713, %dma_wait3A_4722] : memref<11x192xf32, #tpu.memory_space<vmem>> -> memref<1x192xf32, #tpu.memory_space<vmem>>
    %dma_wait3A_4724 = tpu.memref_squeeze %dma_wait3A_4723 : memref<1x192xf32, #tpu.memory_space<vmem>> -> memref<192xf32, #tpu.memory_space<vmem>>
    tpu.wait_dma2 semaphore(%arg12 : memref<!tpu.dma_semaphore, #tpu.memory_space<semaphore_mem>>) src(%dma_wait3A_4724 : memref<192xf32, #tpu.memory_space<vmem>>) dst(%dma_wait3A_4721 : memref<192xf32, #tpu.memory_space<hbm>>)
    %dma_wait3A_4725 = arith.constant 5 : i32
    %dma_wait3A_4726 = arith.constant 5 : i32
    %dma_wait3A_4727 = arith.constant 0 : i32
    %dma_wait3A_4728 = tpu.memref_slice %arg8[%dma_wait3A_4725, %dma_wait3A_4727] : memref<11x192xf32, #tpu.memory_space<vmem>> -> memref<1x192xf32, #tpu.memory_space<vmem>>
    %dma_wait3A_4729 = tpu.memref_squeeze %dma_wait3A_4728 : memref<1x192xf32, #tpu.memory_space<vmem>> -> memref<192xf32, #tpu.memory_space<vmem>>
    %dma_wait3A_4730 = tpu.memref_slice %arg5[%select_n3A, %dma_wait3A_4726, %select_n3A_36] : memref<2x11x3000xf32, #tpu.memory_space<hbm>> -> memref<1x1x192xf32, #tpu.memory_space<hbm>>
    %dma_wait3A_4731 = tpu.memref_squeeze %dma_wait3A_4730 : memref<1x1x192xf32, #tpu.memory_space<hbm>> -> memref<192xf32, #tpu.memory_space<hbm>>
    %dma_wait3A_4732 = tpu.memref_slice %arg5[%select_n3A, %dma_wait3A_4726, %select_n3A_36] : memref<2x11x3000xf32, #tpu.memory_space<hbm>> -> memref<1x1x192xf32, #tpu.memory_space<hbm>>
    %dma_wait3A_4733 = tpu.memref_squeeze %dma_wait3A_4732 : memref<1x1x192xf32, #tpu.memory_space<hbm>> -> memref<192xf32, #tpu.memory_space<hbm>>
    %dma_wait3A_4734 = arith.constant 0 : i32
    %dma_wait3A_4735 = tpu.memref_slice %arg8[%dma_wait3A_4725, %dma_wait3A_4734] : memref<11x192xf32, #tpu.memory_space<vmem>> -> memref<1x192xf32, #tpu.memory_space<vmem>>
    %dma_wait3A_4736 = tpu.memref_squeeze %dma_wait3A_4735 : memref<1x192xf32, #tpu.memory_space<vmem>> -> memref<192xf32, #tpu.memory_space<vmem>>
    tpu.wait_dma2 semaphore(%arg12 : memref<!tpu.dma_semaphore, #tpu.memory_space<semaphore_mem>>) src(%dma_wait3A_4736 : memref<192xf32, #tpu.memory_space<vmem>>) dst(%dma_wait3A_4733 : memref<192xf32, #tpu.memory_space<hbm>>)
    %dma_wait3A_4737 = arith.constant 6 : i32
    %dma_wait3A_4738 = arith.constant 6 : i32
    %dma_wait3A_4739 = arith.constant 0 : i32
    %dma_wait3A_4740 = tpu.memref_slice %arg8[%dma_wait3A_4737, %dma_wait3A_4739] : memref<11x192xf32, #tpu.memory_space<vmem>> -> memref<1x192xf32, #tpu.memory_space<vmem>>
    %dma_wait3A_4741 = tpu.memref_squeeze %dma_wait3A_4740 : memref<1x192xf32, #tpu.memory_space<vmem>> -> memref<192xf32, #tpu.memory_space<vmem>>
    %dma_wait3A_4742 = tpu.memref_slice %arg5[%select_n3A, %dma_wait3A_4738, %select_n3A_36] : memref<2x11x3000xf32, #tpu.memory_space<hbm>> -> memref<1x1x192xf32, #tpu.memory_space<hbm>>
    %dma_wait3A_4743 = tpu.memref_squeeze %dma_wait3A_4742 : memref<1x1x192xf32, #tpu.memory_space<hbm>> -> memref<192xf32, #tpu.memory_space<hbm>>
    %dma_wait3A_4744 = tpu.memref_slice %arg5[%select_n3A, %dma_wait3A_4738, %select_n3A_36] : memref<2x11x3000xf32, #tpu.memory_space<hbm>> -> memref<1x1x192xf32, #tpu.memory_space<hbm>>
    %dma_wait3A_4745 = tpu.memref_squeeze %dma_wait3A_4744 : memref<1x1x192xf32, #tpu.memory_space<hbm>> -> memref<192xf32, #tpu.memory_space<hbm>>
    %dma_wait3A_4746 = arith.constant 0 : i32
    %dma_wait3A_4747 = tpu.memref_slice %arg8[%dma_wait3A_4737, %dma_wait3A_4746] : memref<11x192xf32, #tpu.memory_space<vmem>> -> memref<1x192xf32, #tpu.memory_space<vmem>>
    %dma_wait3A_4748 = tpu.memref_squeeze %dma_wait3A_4747 : memref<1x192xf32, #tpu.memory_space<vmem>> -> memref<192xf32, #tpu.memory_space<vmem>>
    tpu.wait_dma2 semaphore(%arg12 : memref<!tpu.dma_semaphore, #tpu.memory_space<semaphore_mem>>) src(%dma_wait3A_4748 : memref<192xf32, #tpu.memory_space<vmem>>) dst(%dma_wait3A_4745 : memref<192xf32, #tpu.memory_space<hbm>>)
    %dma_wait3A_4749 = arith.constant 7 : i32
    %dma_wait3A_4750 = arith.constant 7 : i32
    %dma_wait3A_4751 = arith.constant 0 : i32
    %dma_wait3A_4752 = tpu.memref_slice %arg8[%dma_wait3A_4749, %dma_wait3A_4751] : memref<11x192xf32, #tpu.memory_space<vmem>> -> memref<1x192xf32, #tpu.memory_space<vmem>>
    %dma_wait3A_4753 = tpu.memref_squeeze %dma_wait3A_4752 : memref<1x192xf32, #tpu.memory_space<vmem>> -> memref<192xf32, #tpu.memory_space<vmem>>
    %dma_wait3A_4754 = tpu.memref_slice %arg5[%select_n3A, %dma_wait3A_4750, %select_n3A_36] : memref<2x11x3000xf32, #tpu.memory_space<hbm>> -> memref<1x1x192xf32, #tpu.memory_space<hbm>>
    %dma_wait3A_4755 = tpu.memref_squeeze %dma_wait3A_4754 : memref<1x1x192xf32, #tpu.memory_space<hbm>> -> memref<192xf32, #tpu.memory_space<hbm>>
    %dma_wait3A_4756 = tpu.memref_slice %arg5[%select_n3A, %dma_wait3A_4750, %select_n3A_36] : memref<2x11x3000xf32, #tpu.memory_space<hbm>> -> memref<1x1x192xf32, #tpu.memory_space<hbm>>
    %dma_wait3A_4757 = tpu.memref_squeeze %dma_wait3A_4756 : memref<1x1x192xf32, #tpu.memory_space<hbm>> -> memref<192xf32, #tpu.memory_space<hbm>>
    %dma_wait3A_4758 = arith.constant 0 : i32
    %dma_wait3A_4759 = tpu.memref_slice %arg8[%dma_wait3A_4749, %dma_wait3A_4758] : memref<11x192xf32, #tpu.memory_space<vmem>> -> memref<1x192xf32, #tpu.memory_space<vmem>>
    %dma_wait3A_4760 = tpu.memref_squeeze %dma_wait3A_4759 : memref<1x192xf32, #tpu.memory_space<vmem>> -> memref<192xf32, #tpu.memory_space<vmem>>
    tpu.wait_dma2 semaphore(%arg12 : memref<!tpu.dma_semaphore, #tpu.memory_space<semaphore_mem>>) src(%dma_wait3A_4760 : memref<192xf32, #tpu.memory_space<vmem>>) dst(%dma_wait3A_4757 : memref<192xf32, #tpu.memory_space<hbm>>)
    %dma_wait3A_4761 = arith.constant 8 : i32
    %dma_wait3A_4762 = arith.constant 8 : i32
    %dma_wait3A_4763 = arith.constant 0 : i32
    %dma_wait3A_4764 = tpu.memref_slice %arg8[%dma_wait3A_4761, %dma_wait3A_4763] : memref<11x192xf32, #tpu.memory_space<vmem>> -> memref<1x192xf32, #tpu.memory_space<vmem>>
    %dma_wait3A_4765 = tpu.memref_squeeze %dma_wait3A_4764 : memref<1x192xf32, #tpu.memory_space<vmem>> -> memref<192xf32, #tpu.memory_space<vmem>>
    %dma_wait3A_4766 = tpu.memref_slice %arg5[%select_n3A, %dma_wait3A_4762, %select_n3A_36] : memref<2x11x3000xf32, #tpu.memory_space<hbm>> -> memref<1x1x192xf32, #tpu.memory_space<hbm>>
    %dma_wait3A_4767 = tpu.memref_squeeze %dma_wait3A_4766 : memref<1x1x192xf32, #tpu.memory_space<hbm>> -> memref<192xf32, #tpu.memory_space<hbm>>
    %dma_wait3A_4768 = tpu.memref_slice %arg5[%select_n3A, %dma_wait3A_4762, %select_n3A_36] : memref<2x11x3000xf32, #tpu.memory_space<hbm>> -> memref<1x1x192xf32, #tpu.memory_space<hbm>>
    %dma_wait3A_4769 = tpu.memref_squeeze %dma_wait3A_4768 : memref<1x1x192xf32, #tpu.memory_space<hbm>> -> memref<192xf32, #tpu.memory_space<hbm>>
    %dma_wait3A_4770 = arith.constant 0 : i32
    %dma_wait3A_4771 = tpu.memref_slice %arg8[%dma_wait3A_4761, %dma_wait3A_4770] : memref<11x192xf32, #tpu.memory_space<vmem>> -> memref<1x192xf32, #tpu.memory_space<vmem>>
    %dma_wait3A_4772 = tpu.memref_squeeze %dma_wait3A_4771 : memref<1x192xf32, #tpu.memory_space<vmem>> -> memref<192xf32, #tpu.memory_space<vmem>>
    tpu.wait_dma2 semaphore(%arg12 : memref<!tpu.dma_semaphore, #tpu.memory_space<semaphore_mem>>) src(%dma_wait3A_4772 : memref<192xf32, #tpu.memory_space<vmem>>) dst(%dma_wait3A_4769 : memref<192xf32, #tpu.memory_space<hbm>>)
    %dma_wait3A_4773 = arith.constant 9 : i32
    %dma_wait3A_4774 = arith.constant 9 : i32
    %dma_wait3A_4775 = arith.constant 0 : i32
    %dma_wait3A_4776 = tpu.memref_slice %arg8[%dma_wait3A_4773, %dma_wait3A_4775] : memref<11x192xf32, #tpu.memory_space<vmem>> -> memref<1x192xf32, #tpu.memory_space<vmem>>
    %dma_wait3A_4777 = tpu.memref_squeeze %dma_wait3A_4776 : memref<1x192xf32, #tpu.memory_space<vmem>> -> memref<192xf32, #tpu.memory_space<vmem>>
    %dma_wait3A_4778 = tpu.memref_slice %arg5[%select_n3A, %dma_wait3A_4774, %select_n3A_36] : memref<2x11x3000xf32, #tpu.memory_space<hbm>> -> memref<1x1x192xf32, #tpu.memory_space<hbm>>
    %dma_wait3A_4779 = tpu.memref_squeeze %dma_wait3A_4778 : memref<1x1x192xf32, #tpu.memory_space<hbm>> -> memref<192xf32, #tpu.memory_space<hbm>>
    %dma_wait3A_4780 = tpu.memref_slice %arg5[%select_n3A, %dma_wait3A_4774, %select_n3A_36] : memref<2x11x3000xf32, #tpu.memory_space<hbm>> -> memref<1x1x192xf32, #tpu.memory_space<hbm>>
    %dma_wait3A_4781 = tpu.memref_squeeze %dma_wait3A_4780 : memref<1x1x192xf32, #tpu.memory_space<hbm>> -> memref<192xf32, #tpu.memory_space<hbm>>
    %dma_wait3A_4782 = arith.constant 0 : i32
    %dma_wait3A_4783 = tpu.memref_slice %arg8[%dma_wait3A_4773, %dma_wait3A_4782] : memref<11x192xf32, #tpu.memory_space<vmem>> -> memref<1x192xf32, #tpu.memory_space<vmem>>
    %dma_wait3A_4784 = tpu.memref_squeeze %dma_wait3A_4783 : memref<1x192xf32, #tpu.memory_space<vmem>> -> memref<192xf32, #tpu.memory_space<vmem>>
    tpu.wait_dma2 semaphore(%arg12 : memref<!tpu.dma_semaphore, #tpu.memory_space<semaphore_mem>>) src(%dma_wait3A_4784 : memref<192xf32, #tpu.memory_space<vmem>>) dst(%dma_wait3A_4781 : memref<192xf32, #tpu.memory_space<hbm>>)
    %dma_wait3A_4785 = arith.constant 10 : i32
    %dma_wait3A_4786 = arith.constant 10 : i32
    %dma_wait3A_4787 = arith.constant 0 : i32
    %dma_wait3A_4788 = tpu.memref_slice %arg8[%dma_wait3A_4785, %dma_wait3A_4787] : memref<11x192xf32, #tpu.memory_space<vmem>> -> memref<1x192xf32, #tpu.memory_space<vmem>>
    %dma_wait3A_4789 = tpu.memref_squeeze %dma_wait3A_4788 : memref<1x192xf32, #tpu.memory_space<vmem>> -> memref<192xf32, #tpu.memory_space<vmem>>
    %dma_wait3A_4790 = tpu.memref_slice %arg5[%select_n3A, %dma_wait3A_4786, %select_n3A_36] : memref<2x11x3000xf32, #tpu.memory_space<hbm>> -> memref<1x1x192xf32, #tpu.memory_space<hbm>>
    %dma_wait3A_4791 = tpu.memref_squeeze %dma_wait3A_4790 : memref<1x1x192xf32, #tpu.memory_space<hbm>> -> memref<192xf32, #tpu.memory_space<hbm>>
    %dma_wait3A_4792 = tpu.memref_slice %arg5[%select_n3A, %dma_wait3A_4786, %select_n3A_36] : memref<2x11x3000xf32, #tpu.memory_space<hbm>> -> memref<1x1x192xf32, #tpu.memory_space<hbm>>
    %dma_wait3A_4793 = tpu.memref_squeeze %dma_wait3A_4792 : memref<1x1x192xf32, #tpu.memory_space<hbm>> -> memref<192xf32, #tpu.memory_space<hbm>>
    %dma_wait3A_4794 = arith.constant 0 : i32
    %dma_wait3A_4795 = tpu.memref_slice %arg8[%dma_wait3A_4785, %dma_wait3A_4794] : memref<11x192xf32, #tpu.memory_space<vmem>> -> memref<1x192xf32, #tpu.memory_space<vmem>>
    %dma_wait3A_4796 = tpu.memref_squeeze %dma_wait3A_4795 : memref<1x192xf32, #tpu.memory_space<vmem>> -> memref<192xf32, #tpu.memory_space<vmem>>
    tpu.wait_dma2 semaphore(%arg12 : memref<!tpu.dma_semaphore, #tpu.memory_space<semaphore_mem>>) src(%dma_wait3A_4796 : memref<192xf32, #tpu.memory_space<vmem>>) dst(%dma_wait3A_4793 : memref<192xf32, #tpu.memory_space<hbm>>)
    return
  }
}

</mosaic_0001>

<sc_bundles>
// kernel: kernel.3.cloned.1.call-start
scs
__scs_entry_jumppad:
0x0: {  	(pc) =	sbr.rel $0x88, $3  }
0x1: {  	(tag) =	ssettag $0x0;
	lr =	simm.s32 $0x1  }
0x2: {  	[smem:$0x3F9E] =	sst lr;
	_ =	strace $0xD0000000  }
0x3: {  	_ = 	snop  }
0x4: {  	_ = 	snop  }
0x5: {  	_ = 	snop  }
0x6: {  	_ = 	snop  }
0x7: {  	_ = 	snop  }
__scs_overlays_trampoline_lowered:
0x8: {  	[smem:$0x3FAD] =	sst s0  }
0x9: {  	[smem:$0x3FAE] =	sst s1  }
0xa: {  	[smem:$0x3FAF] =	sst s2  }
0xb: {  	[smem:$0x3FB0] =	sst s3  }
0xc: {  	[smem:$0x3FB1] =	sst s4  }
0xd: {  	[smem:$0x3FB2] =	sst s5  }
0xe: {  	[smem:$0x3FB3] =	sst s6  }
0xf: {  	[smem:$0x3FB4] =	sst s7  }
0x10: {  	[smem:$0x3FB5] =	sst s8  }
0x11: {  	[smem:$0x3FB6] =	sst s9;
	s0 =	simm.s32 @!p0 $0x0  }
0x12: {  	s1 =	sld [smem:$0x3F9C];
	s0 =	simm.s32 @p0 $0x1  }
0x13: {  	[smem:$0x3FB7] =	sst s0;
	s0 =	simm.s32 @!p1 $0x0  }
0x14: {  	s2 =	sld [smem:$0x3F9B];
	s0 =	simm.s32 @p1 $0x1  }
0x15: {  	[smem:$0x3FB8] =	sst s0;
	s0 =	simm.s32 @!p2 $0x0  }
0x16: {  	s3 =	sld [smem:$0x3FDB];
	s0 =	simm.s32 @p2 $0x1  }
0x17: {  	s4 =	simm.s32 $0x1BF5;
	[smem:$0x3FBA] =	sst s0  }
0x18: {  	s0 =	sld [smem:$0x3F9D];
	_ =	swait.ge [sflag:s4], $0x0  }
0x19: {  	s7 =	sld [smem:$0x3F9E]  }
0x1a: {  	s8 =	sadd.s32 $0xFFFFE003, lr  }
0x1b: {  	s9 =	sadd.s32 $0xFFFFFEF7, lr;
	s5 =	simm.s32 $0xFFFFFFFF;
	p2 =	slt.u32 s8, $0xFFFFF086  }
0x1c: {  	p1 =	slt.u32 s9, $0xF7A;
	s5 =	simm.s32 @!p2 $0x0  }
0x1d: {  	s5 =	simm.s32 @p1 $0x1;
	p0 =	seq.s32 s7, s2  }
0x1e: {  	s7 =	smul.u32 @!p0 $0xF7A, s2;
	p2 =	seq.s32 @!p0 s5, $0x0  }
0x1f: {  	s9 =	smul.u32 $0xF7A, s1;
	s8 =	simm.s32 @!p0 $0x1BF5;
	p2 =	por !p2, p0  }
0x20: {  	[sflag:s8] =	ssyncset.s32 @!p0 $0xFFFFF086;
	s6 =	sadd.s32 @!p0 s3, s7;
	s7 =	simm.s32 @!p0 $0x108  }
0x21: {  	s3 =	sadd.s32 s3, s9;
	s6 =	sadd.s32 @!p0 $0x88, s6;
	s7 =	simm.s32 @p2 $0x1082  }
0x22: {  	[simem:s7], [sflag:s8] =	dma.local @!p0 [hbm:s6], $0xF7A  }
0x23: {  	s9 =	sor.u32 $0xD0000000, s2;
	s6 =	simm.s32 $0x108;
	_ =	swait.ge @!p0 [sflag:s8], $0x0  }
0x24: {  	s3 =	sadd.s32 $0x88, s3;
	s6 =	simm.s32 @!p1 $0x1082;
	[sflag:s4] =	ssyncset.s32 $0xFFFFF086  }
0x25: {  	[simem:s6], [sflag:s4] =	dma.local [hbm:s3], $0xF7A  }
0x26: {  	[smem:$0x3F9E] =	sst s1;
	(tag) =	ssettag s2;
	_ =	strace s9  }
0x27: {  	s1 =	sld [smem:$0x3FAE]  }
0x28: {  	s2 =	sld [smem:$0x3FAF]  }
0x29: {  	s4 =	sld [smem:$0x3FB1]  }
0x2a: {  	p0 =	seq.s32 s5, $0x0;
	s5 =	sld [smem:$0x3FB2]  }
0x2b: {  	s6 =	sld [smem:$0x3FB3]  }
0x2c: {  	s7 =	sld [smem:$0x3FB4]  }
0x2d: {  	s3 =	simm.s32 $0x108;
	s8 =	sld [smem:$0x3FB5]  }
0x2e: {  	s3 =	simm.s32 @!p0 $0x1082;
	s9 =	sld [smem:$0x3FB6]  }
0x2f: {  	lr =	sadd.s32 s0, s3;
	s0 =	sld [smem:$0x3FAD]  }
0x30: {  	s3 =	sld [smem:$0x3FB0]  }
0x31: {  	[smem:$0x3FB9] =	sst s10  }
0x32: {  	s10 =	sld [smem:$0x3FB7];
	_ =	sdelay $0x3  }
0x33: {  	p0 =	seq.s32 s10, $0x1;
	s10 =	sld [smem:$0x3FB9];
	_ =	sdelay $0x3  }
0x34: {  	[smem:$0x3FB9] =	sst s10  }
0x35: {  	s10 =	sld [smem:$0x3FB8];
	_ =	sdelay $0x3  }
0x36: {  	p1 =	seq.s32 s10, $0x1;
	s10 =	sld [smem:$0x3FB9];
	_ =	sdelay $0x3  }
0x37: {  	[smem:$0x3FB9] =	sst s10  }
0x38: {  	s10 =	sld [smem:$0x3FBA]  }
0x39: {  	_ = 	snop;
	(pc) =	sbr.ind lr, $3  }
0x3a: {  	_ = 	snop  }
0x3b: {  	_ = 	snop  }
0x3c: {  	p2 =	seq.s32 s10, $0x1;
	s10 =	sld [smem:$0x3FB9]  }
0x3d: {  	_ =	shalt  }
0x3e: {  	_ =	shalt  }
0x3f: {  	_ =	shalt  }
0x40: {  	_ =	shalt  }
0x41: {  	_ =	shalt  }
0x42: {  	_ =	shalt  }
0x43: {  	_ =	shalt  }
0x44: {  	_ =	shalt  }
0x45: {  	_ =	shalt  }
0x46: {  	_ =	shalt  }
0x47: {  	_ =	shalt  }
0x48: {  	_ =	shalt  }
0x49: {  	_ =	shalt  }
0x4a: {  	_ =	shalt  }
0x4b: {  	_ =	shalt  }
0x4c: {  	_ =	shalt  }
0x4d: {  	_ =	shalt  }
0x4e: {  	_ =	shalt  }
0x4f: {  	_ =	shalt  }
0x50: {  	_ =	shalt  }
0x51: {  	_ =	shalt  }
0x52: {  	_ =	shalt  }
0x53: {  	_ =	shalt  }
0x54: {  	_ =	shalt  }
0x55: {  	_ =	shalt  }
0x56: {  	_ =	shalt  }
0x57: {  	_ =	shalt  }
0x58: {  	_ =	shalt  }
0x59: {  	_ =	shalt  }
0x5a: {  	_ =	shalt  }
0x5b: {  	_ =	shalt  }
0x5c: {  	_ =	shalt  }
0x5d: {  	_ =	shalt  }
0x5e: {  	_ =	shalt  }
0x5f: {  	_ =	shalt  }
0x60: {  	_ =	shalt  }
0x61: {  	_ =	shalt  }
0x62: {  	_ =	shalt  }
0x63: {  	_ =	shalt  }
0x64: {  	_ =	shalt  }
0x65: {  	_ =	shalt  }
0x66: {  	_ =	shalt  }
0x67: {  	_ =	shalt  }
0x68: {  	_ =	shalt  }
0x69: {  	_ =	shalt  }
0x6a: {  	_ =	shalt  }
0x6b: {  	_ =	shalt  }
0x6c: {  	_ =	shalt  }
0x6d: {  	_ =	shalt  }
0x6e: {  	_ =	shalt  }
0x6f: {  	_ =	shalt  }
0x70: {  	_ =	shalt  }
0x71: {  	_ =	shalt  }
0x72: {  	_ =	shalt  }
0x73: {  	_ =	shalt  }
0x74: {  	_ =	shalt  }
0x75: {  	_ =	shalt  }
0x76: {  	_ =	shalt  }
0x77: {  	_ =	shalt  }
0x78: {  	_ =	shalt  }
0x79: {  	_ =	shalt  }
0x7a: {  	_ =	shalt  }
0x7b: {  	_ =	shalt  }
0x7c: {  	_ =	shalt  }
0x7d: {  	_ =	shalt  }
0x7e: {  	_ =	shalt  }
0x7f: {  	_ =	shalt  }
0x80: {  	_ =	shalt  }
0x81: {  	_ =	shalt  }
0x82: {  	_ =	shalt  }
0x83: {  	_ =	shalt  }
0x84: {  	_ =	shalt  }
0x85: {  	_ =	shalt  }
0x86: {  	_ =	shalt  }
0x87: {  	_ =	shalt  }
.Lfunc_end0:
.L_simem_size_0:
called_computation_lowered:
.L_overlay_start_0:
0x88: {  	s2 =	sld [smem:$0x3FD9]  }
0x89: {  	s3 =	sld [smem:$0x3FFE];
	_ =	sdelay $0x1  }
0x8a: {  	s1 =	srdreg.scid  }
0x8b: {  	s0 =	sand.u32 $0x1, s1  }
0x8c: {  	s17 =	sshll.u32 s0, $0xA;
	s2 =	sadd.s32 s3, s2  }
0x8d: {  	s2 =	sadd.s32 s2, s17  }
0x8e: {  	[smem:$0x3FC5] =	sst s2  }
0x8f: {  	_ = 	snop  }
0x90: {  	s2 =	sld [smem:$0x3FD0];
	(tm) =	ssettm $0x1  }
0x91: {  	s18 =	sld [smem:$0x3FFB];
	_ =	sdelay $0x3  }
0x92: {  	_ =	strace s18  }
0x93: {  	s3 =	sld [smem:$0x3FFC];
	_ =	sdelay $0x3  }
0x94: {  	_ =	strace s3  }
0x95: {  	s3 =	sld [smem:$0x3FFD];
	_ =	sdelay $0x3  }
0x96: {  	_ =	strace s3  }
0x97: {  	_ =	strace $0x8FFFFFFF  }
0x98: {  	s19 =	sld [smem:$0x3FDB];
	_ =	sdelay $0x1  }
0x99: {  	s4 =	simm.s32 $_scs_section_size  }
0x9a: {  	s5 =	simm.s32 $_size__tile_overlayer_lowered;
	s6 =	simm.s32 $_tile_overlayer_lowered  }
0x9b: {  	s22 =	simm.s32 $0x1BFF;
	s21 =	sshll.u32 s6, $0x1;
	s3 =	sadd.s32 s4, s19  }
0x9c: {  	s7 =	simm.s32 $0x0;
	s20 =	sshll.u32 s5, $0x1;
	s5 =	sadd.s32 s21, s3  }
0x9d: {  	[timem:s7], [sflag:s22] =	dma.local [hbm:s5], s20  }
0x9e: {  	_ =	swait.ge [sflag:s22], s20  }
0x9f: {  	s4 =	ssub.s32 $0x0, s20;
	[sflag:s22] =	ssyncset.done $0x0  }
0xa0: {  	[sflag:s22] =	ssyncadd.s32 s4;
	_ =	sdelay $0x1  }
0xa1: {  	s23 =	simm.s32 $0x1B8B  }
0xa2: {  	_ =	swait.ge [sflag:s23], $0x1  }
0xa3: {  	[sflag:s23] =	ssyncset.done $0x0  }
0xa4: {  	s25 =	simm.s32 $0x1B8E;
	s24 =	sld [smem:$0x3FFE];
	[sflag:s23] =	ssyncadd.s32 $0xFFFFFFFF  }
0xa5: {  	s26 =	simm.s32 $execute0_lowered;
	[smem:$0x3FD2] =	sst s25  }
0xa6: {  	s5 =	sshll.u32 s26, $0x1;
	_ =	strace $0x80000046;
	[dreg:$0x1] =	wrdreg $0xFFFFFFFF  }
0xa7: {  	s28 =	simm.s32 $_size_execute0_lowered;
	s3 =	sadd.s32 s3, s5;
	[dreg:$0x0] =	wrdreg $0x0  }
0xa8: {  	s5 =	sshll.u32 s28, $0x1;
	[dreg:$0x2] =	wrdreg s3  }
0xa9: {  	[dreg:$0x3] =	wrdreg s5  }
0xaa: {  	[dreg:$0x4] =	wrdreg $0xC0  }
0xab: {  	_ =	task [dreg:s7], $0x5FFFF  }
0xac: {  	[dreg:$0x1] =	wrdreg $0xFFFFFFFF  }
0xad: {  	[dreg:$0x0] =	wrdreg $0x60  }
0xae: {  	[dreg:$0x2] =	wrdreg s24  }
0xaf: {  	[dreg:$0x3] =	wrdreg s2  }
0xb0: {  	[dreg:$0x4] =	wrdreg $0x9  }
0xb1: {  	_ =	task.clear_ibuf [dreg:s7], $0x5FFFF;
	_ =	strace $0x90000046  }
0xb2: {  	s29 =	simm.s32 $0x9;
	_ =	strace $0x80000048  }
0xb3: {  	_ =	swait.ge [sflag:s29], $0x1  }
0xb4: {  	[sflag:s29] =	ssyncadd.s32 $0xFFFFFFFF  }
0xb5: {  	_ =	strace $0x90000048  }
0xb6: {  	_ =	sfence  }
0xb7: {  	s30 =	sld [smem:$0x0];
	_ =	sdelay $0x2  }
0xb8: {  	s31 =	sshll.u32 s1, $0xD;
	s1 =	sshrl.u32 s1, $0x2  }
0xb9: {  	s3 =	sand.u32 $0x4000, s31;
	s1 =	sadd.s32 s1, s30  }
0xba: {  	s0 =	sor.u32 s3, s0;
	s1 =	sshll.u32 s1, $0x11  }
0xbb: {  	s0 =	sor.u32 s1, s0  }
0xbc: {  	s0 =	sadd.s32 $0x8F2B, s0  }
0xbd: {  	[sflag:s0] =	ssyncadd.remote.s32 $0x1  }
0xbe: {  	_ =	sfence.sel $0xFFFF  }
0xbf: {  	[dreg:$0x0] =	wrdreg $0xFFFFFFFF;
	(pc) =	sbr.abs _section_cstart, $3  }
0xc0: {  	[dreg:$0x1] =	wrdreg $0xFFFFFFFF  }
0xc1: {  	_ =	task.clear_ibuf [dreg:s7], $0x2FFFF;
	_ =	strace $0x9FFFFFFF  }
0xc2: {  	(tm) =	ssettm $0x7FFFFFFF  }
0xc3: {  	_ =	shalt  }
tec
execute0_lowered:
.L_overlay_start_1:
0x0: {  	(tag) =	ssettag $0x1  }
0x1: {  	s0 =	stileid.u32  }
0x2: {  	s1 =	srdreg.scid;
	s3 =	rddreg [dreg:$0x0]  }
0x3: {  	s7 =	rddreg [dreg:$0x1];
	s26 =	simm.s32 $0x12C0;
	s28 =	simm.s32 $0x1200  }
0x4: {  	s29 =	simm.s32 $0xA20;
	s30 =	simm.s32 $0x1260;
	s31 =	simm.s32 $0x2  }
0x5: {  	s2 =	sshll.u32 s0, $0x1;
	s5 =	sand.u32 $0x1, s1;
	s6 =	sshrl.u32 s0, $0x3  }
0x6: {  	s0 =	simm.s32 $0x240;
	s10 =	sand.u32 $0xE, s2;
	s4 =	smul.u32 $0x2328, s6  }
0x7: {  	s11 =	sshll.u32 s6, $0x1;
	s9 =	smul.u32 $0x80E8, s6;
	s2 =	sor.u32 s5, s10  }
0x8: {  	s1 =	smul.u32 $0xC0, s2;
	p0 =	seq.s32 s2, $0xF;
	s2 =	simm.s32 $0x0  }
0x9: {  	s6 =	smul.u32 $0x26AC0, s6;
	s5 =	ssub.s32 $0x2, s5;
	[smem:$0x7FF] =	sst s2  }
0xa: {  	s24 =	sshrl.u32 s5, $0x1;
	_ =	strace $0x80000047;
	[dreg:$0xf] =	wrdreg s26  }
0xb: {  	s5 =	ssub.s32 s5, s24;
	s24 =	simm.s32 $0x420;
	[dreg:$0x10] =	wrdreg s0  }
0xc: {  	v0 =	vmov s6;
	s6 =	simm.s32 $0x1;
	[dreg:$0x17] =	wrdreg s24;
	s26 =	simm.s32 $0x480  }
0xd: {  	s1 =	simm.s32 @p0 $0xAF8;
	s0 =	simm.s32 $0x4E0;
	[dreg:$0x19] =	wrdreg s26  }
0xe: {  	s5 =	smax.u32 s5, $0x1;
	s24 =	simm.s32 $0x720;
	[dreg:$0x1a] =	wrdreg s0  }
0xf: {  	s8 =	smul.u32 $0x3, s1;
	s9 =	sadd.s32 s9, s1;
	[smem:$0x7FB] =	sst s24  }
0x10: {  	s26 =	simm.s32 $0x780;
	s24 =	simm.s32 $0x960;
	s13 =	sadd.s32 $0xBB8, s9  }
0x11: {  	s14 =	sshrl.u32 s9, $0x3;
	s10 =	sadd.s32 $0x2328, s9;
	s17 =	sadd.s32 $0x3A98, s9  }
0x12: {  	s20 =	sadd.s32 $0x5208, s9;
	s9 =	sadd.s32 $0x6978, s9;
	[smem:$0x7FD] =	sst s26  }
0x13: {  	s26 =	simm.s32 $0x9C0;
	s4 =	sadd.s32 s4, s8;
	s8 =	sadd.s32 s11, s3  }
0x14: {  	s10 =	sshrl.u32 s10, $0x3;
	s9 =	sshrl.u32 s9, $0x3;
	s11 =	sadd.s32 $0x40, s1  }
0x15: {  	s4 =	sshrl.u32 s4, $0x3;
	s12 =	sadd.s32 $0x400, s8;
	s8 =	sshrl.u32 s13, $0x3  }
0x16: {  	s16 =	sadd.s32 s7, s10;
	s10 =	sshrl.u32 s17, $0x3;
	[dreg:$0x4] =	wrdreg s12  }
0x17: {  	s13 =	sadd.s32 $0x60, s1;
	s8 =	sadd.s32 s7, s8;
	[dreg:$0x7] =	wrdreg s16  }
0x18: {  	s4 =	sadd.s32 s4, s3;
	s19 =	sadd.s32 s7, s10;
	[dreg:$0x5] =	wrdreg s8  }
0x19: {  	s10 =	sshrl.u32 s20, $0x3;
	s20 =	simm.s32 $0x300;
	[dreg:$0x9] =	wrdreg s19  }
0x1a: {  	s17 =	sadd.s32 $0xA0, s1;
	s4 =	sadd.s32 $0x600, s4;
	[dreg:$0x13] =	wrdreg s20  }
0x1b: {  	v13 =	vlaneseq.u32;
	s12 =	sadd.s32 $0x50, s1;
	s22 =	sadd.s32 s7, s10;
	[dreg:$0x3] =	wrdreg s4  }
0x1c: {  	v5 =	vadd.s32 s11, v13;
	s11 =	simm.s32 $0xCC0;
	v6 =	vadd.s32 s12, v13;
	s12 =	simm.s32 $0x5A0;
	[dreg:$0xb] =	wrdreg s22  }
0x1d: {  	s3 =	sadd.s32 $0x1000, s3;
	s20 =	simm.s32 $0x600;
	[dreg:$0x1d] =	wrdreg s12  }
0x1e: {  	s4 =	sadd.s32 s7, s14;
	s7 =	sadd.s32 s7, s9;
	[dreg:$0x1f] =	wrdreg s20  }
0x1f: {  	s16 =	sadd.s32 $0x90, s1;
	s9 =	simm.s32 $0x2A0;
	[dreg:$0xd] =	wrdreg s7  }
0x20: {  	s19 =	sadd.s32 $0x30, s1;
	s22 =	simm.s32 $0xBA0;
	[dreg:$0x11] =	wrdreg s9  }
0x21: {  	v7 =	vadd.s32 s13, v13;
	s13 =	simm.s32 $0xE40;
	v4 =	vadd.s32 s19, v13;
	s19 =	simm.s32 $0xDE0;
	[dreg:$0x15] =	wrdreg s22  }
0x22: {  	v9 =	vmul.u32 $0x3, v13;
	s8 =	sadd.s32 $0x10, s1;
	s15 =	sadd.s32 $0x2EE, s4;
	[dreg:$0x1e] =	wrdreg s19  }
0x23: {  	s10 =	sadd.s32 $0x20, s1;
	s18 =	sadd.s32 $0x5DC, s4;
	[dreg:$0x6] =	wrdreg s15  }
0x24: {  	v14 =	vadd.s32 $0x1, v9;
	s14 =	sadd.s32 $0x70, s1;
	s21 =	sadd.s32 $0x8CA, s4;
	[dreg:$0x8] =	wrdreg s18  }
0x25: {  	v15 =	vadd.s32 $0x2, v9;
	v16 =	vadd.s32 $0x30, v9;
	v2 =	vadd.s32 s8, v13;
	s8 =	simm.s32 $0xA80;
	s23 =	sadd.s32 $0xBB8, s4;
	[dreg:$0xa] =	wrdreg s21  }
0x26: {  	v17 =	vadd.s32 $0x31, v9;
	v18 =	vadd.s32 $0x32, v9;
	v3 =	vadd.s32 s10, v13;
	s10 =	simm.s32 $0xC00;
	s25 =	sadd.s32 $0xEA6, s4;
	[dreg:$0xc] =	wrdreg s23  }
0x27: {  	v19 =	vadd.s32 $0x60, v9;
	v20 =	vadd.s32 $0x61, v9;
	v21 =	vadd.s32 $0x62, v9;
	s12 =	simm.s32 $0xD80;
	s7 =	simm.s32 $0xD20;
	[dreg:$0xe] =	wrdreg s25  }
0x28: {  	v22 =	vadd.s32 $0x90, v9;
	v23 =	vadd.s32 $0x91, v9;
	v24 =	vadd.s32 $0x92, v9;
	s20 =	simm.s32 $0x8A0;
	s9 =	simm.s32 $0x540;
	[dreg:$0x1b] =	wrdreg s7  }
0x29: {  	v25 =	vor.u32 $0xC0, v9;
	v26 =	vadd.s32 $0xC1, v9;
	v8 =	vadd.s32 s14, v13;
	s22 =	simm.s32 $0xEA0;
	s14 =	simm.s32 $0xF00;
	[dreg:$0x1c] =	wrdreg s9  }
0x2a: {  	v27 =	vadd.s32 $0xC2, v9;
	v28 =	vadd.s32 $0xF0, v9;
	v29 =	vadd.s32 $0xF1, v9;
	s19 =	simm.s32 $0x1080;
	s18 =	simm.s32 $0xAE0;
	[smem:$0x7F9] =	sst s22  }
0x2b: {  	v30 =	vadd.s32 $0xF2, v9;
	v31 =	vadd.s32 $0x120, v9;
	v32 =	vadd.s32 $0x121, v9;
	s21 =	simm.s32 $0x360;
	s23 =	simm.s32 $0x3C0;
	[dreg:$0x12] =	wrdreg s18  }
0x2c: {  	v33 =	vadd.s32 $0x122, v9;
	v34 =	vadd.s32 $0x150, v9;
	v35 =	vadd.s32 $0x151, v9;
	s15 =	sadd.s32 $0x80, s1;
	s25 =	simm.s32 $0xC60;
	[dreg:$0x14] =	wrdreg s21  }
0x2d: {  	v36 =	vadd.s32 $0x152, v9;
	v37 =	vor.u32 $0x180, v9;
	v38 =	vadd.s32 $0x181, v9;
	s7 =	simm.s32 $0x60;
	s9 =	simm.s32 $0xB40;
	[dreg:$0x16] =	wrdreg s23  }
0x2e: {  	v39 =	vadd.s32 $0x182, v9;
	v40 =	vadd.s32 $0x1B0, v9;
	v41 =	vadd.s32 $0x1B1, v9;
	s22 =	simm.s32 $0x900;
	[dreg:$0x18] =	wrdreg s25;
	s21 =	simm.s32 $0x660  }
0x2f: {  	v42 =	vadd.s32 $0x1B2, v9;
	v43 =	vadd.s32 $0x1E0, v9;
	v44 =	vadd.s32 $0x1E1, v9;
	s18 =	sadd.s32 $0xB0, s1;
	s23 =	simm.s32 $0x6C0;
	[smem:$0x7F8] =	sst s21  }
0x30: {  	v45 =	vadd.s32 $0x1E2, v9;
	v1 =	vadd.s32 s1, v13;
	v10 =	vadd.s32 s15, v13;
	s25 =	simm.s32 $0xF60;
	s15 =	simm.s32 $0xFC0;
	[smem:$0x7FA] =	sst s23  }
0x31: {  	v12 =	vadd.s32 s17, v13;
	v11 =	vadd.s32 s16, v13;
	s1 =	simm.s32 $0x3;
	v13 =	vadd.s32 s18, v13;
	[smem:$0x7FC] =	sst s25;
	s18 =	simm.s32 $0x840  }
0x32: {  	v46 =	vadd.s32 $0x210, v9;
	v47 =	vadd.s32 $0x211, v9;
	v48 =	vadd.s32 $0x212, v9;
	s21 =	simm.s32 $0x10E0;
	s23 =	simm.s32 $0x1140;
	s25 =	simm.s32 $0x11A0  }
.LBB2_1:
0x33: {  	s0 =	rddreg [dreg:$0x3]  }
0x34: {  	s16 =	rddreg [dreg:$0x4]  }
0x35: {  	[tilespmem:s2], [sflag:$0x1] =	stream.linear.gather [hbm4b:s0+s2], $0x240, $0x38;
	[tilespmem:$0x12D0] =	vst v63  }
0x36: {  	s17 =	rddreg [dreg:$0xf]  }
0x37: {  	[tilespmem:s17], [sflag:$0x1] =	stream.linear.gather [hbm4b:s16+s2], $0x10, $0x38;
	[tilespmem:$0x12D0] =	vst v63  }
0x38: {  	_ =	swait.ge [sflag:s6], $0x240  }
0x39: {  	[sflag:s6] =	ssyncset.done $0x0  }
0x3a: {  	[sflag:s6] =	ssyncadd.s32 $0xFFFFFDC0  }
0x3b: {  	_ =	swait.ge [sflag:s6], $0x10  }
0x3c: {  	[sflag:s6] =	ssyncset.done $0x0  }
0x3d: {  	[sflag:s6] =	ssyncadd.s32 $0xFFFFFFF0  }
0x3e: {  	v49 =	vld.idx.msk [tilespmem:v9+s2+$0x0], $0xffff  }
0x3f: {  	v50 =	vld.idx.msk [tilespmem:v14+s2+$0x0], $0xffff;
	_ =	sdelay $0x2  }
0x40: {  	v51 =	vld.idx.msk [tilespmem:v15+s2+$0x0], $0xffff  }
0x41: {  	v49 =	vtrunc.f32 v49  }
0x42: {  	v50 =	vtrunc.f32 v50;
	v49 =	vcvt.f32.s32 v49  }
0x43: {  	v50 =	vcvt.f32.s32 v50  }
0x44: {  	vm0 =	vgt.s32 v49, $0x0  }
0x45: {  	v51 =	vtrunc.f32 v51;
	vm4 =	vgt.s32 v50, $0x0;
	v49 =	vnsel vm0, $0x0, v49  }
0x46: {  	v51 =	vcvt.f32.s32 v51;
	v50 =	vnsel vm4, $0x0, v50;
	v49 =	vmin.u32 v49, $0x77  }
0x47: {  	v50 =	vmin.u32 v50, $0x77;
	v49 =	vmul.u32 $0x78, v49  }
0x48: {  	vm5 =	vgt.s32 v51, $0x0;
	v50 =	vadd.s32 v0, v50  }
0x49: {  	v51 =	vnsel vm5, $0x0, v51;
	v49 =	vadd.s32 v49, v50  }
0x4a: {  	v54 =	vmin.u32 v51, $0x77;
	v49 =	vshll.u32 v49, $0x7  }
0x4b: {  	v49 =	vor.u32 v54, v49  }
0x4c: {  	[tilespmem:$0x240] =	vst v49;
	v50 =	vadd.s32 $0x1C2000, v49  }
0x4d: {  	v55 =	vadd.s32 $0x384000, v49;
	[tilespmem:$0x300] =	vst v50  }
0x4e: {  	v56 =	vadd.s32 $0x546000, v49;
	[tilespmem:$0x3C0] =	vst v55  }
0x4f: {  	v57 =	vadd.s32 $0x708000, v49;
	[tilespmem:$0x480] =	vst v56  }
0x50: {  	v58 =	vadd.s32 $0x8CA000, v49;
	[tilespmem:$0x540] =	vst v57  }
0x51: {  	v59 =	vadd.s32 $0xA8C000, v49;
	[tilespmem:$0x600] =	vst v58  }
0x52: {  	v60 =	vadd.s32 $0xC4E000, v49;
	[tilespmem:$0x6C0] =	vst v59  }
0x53: {  	v61 =	vadd.s32 $0xE10000, v49;
	[tilespmem:$0x780] =	vst v60  }
0x54: {  	v62 =	vadd.s32 $0xFD2000, v49;
	[tilespmem:$0x840] =	vst v61  }
0x55: {  	v49 =	vadd.s32 $0x1194000, v49;
	[tilespmem:$0x900] =	vst v62  }
0x56: {  	[tilespmem:$0x9C0] =	vst v49  }
0x57: {  	v49 =	vld.idx.msk [tilespmem:v16+s2+$0x0], $0xffff  }
0x58: {  	v50 =	vld.idx.msk [tilespmem:v17+s2+$0x0], $0xffff;
	_ =	sdelay $0x2  }
0x59: {  	v63 =	vld.idx.msk [tilespmem:v18+s2+$0x0], $0xffff  }
0x5a: {  	v49 =	vtrunc.f32 v49  }
0x5b: {  	v50 =	vtrunc.f32 v50;
	v49 =	vcvt.f32.s32 v49  }
0x5c: {  	v50 =	vcvt.f32.s32 v50  }
0x5d: {  	vm6 =	vgt.s32 v49, $0x0  }
0x5e: {  	v51 =	vtrunc.f32 v63;
	vm7 =	vgt.s32 v50, $0x0;
	v49 =	vnsel vm6, $0x0, v49  }
0x5f: {  	v51 =	vcvt.f32.s32 v51;
	v50 =	vnsel vm7, $0x0, v50;
	v49 =	vmin.u32 v49, $0x77  }
0x60: {  	v50 =	vmin.u32 v50, $0x77;
	v49 =	vmul.u32 $0x78, v49  }
0x61: {  	vm8 =	vgt.s32 v51, $0x0;
	v50 =	vadd.s32 v0, v50  }
0x62: {  	v51 =	vnsel vm8, $0x0, v51;
	v49 =	vadd.s32 v49, v50  }
0x63: {  	v54 =	vmin.u32 v51, $0x77;
	v49 =	vshll.u32 v49, $0x7  }
0x64: {  	v49 =	vor.u32 v54, v49  }
0x65: {  	[tilespmem:$0x250] =	vst v49;
	v50 =	vadd.s32 $0x1C2000, v49  }
0x66: {  	v55 =	vadd.s32 $0x384000, v49;
	[tilespmem:$0x310] =	vst v50  }
0x67: {  	v56 =	vadd.s32 $0x546000, v49;
	[tilespmem:$0x3D0] =	vst v55  }
0x68: {  	v57 =	vadd.s32 $0x708000, v49;
	[tilespmem:$0x490] =	vst v56  }
0x69: {  	v58 =	vadd.s32 $0x8CA000, v49;
	[tilespmem:$0x550] =	vst v57  }
0x6a: {  	v59 =	vadd.s32 $0xA8C000, v49;
	[tilespmem:$0x610] =	vst v58  }
0x6b: {  	v60 =	vadd.s32 $0xC4E000, v49;
	[tilespmem:$0x6D0] =	vst v59  }
0x6c: {  	v61 =	vadd.s32 $0xE10000, v49;
	[tilespmem:$0x790] =	vst v60  }
0x6d: {  	v62 =	vadd.s32 $0xFD2000, v49;
	[tilespmem:$0x850] =	vst v61  }
0x6e: {  	v49 =	vadd.s32 $0x1194000, v49;
	[tilespmem:$0x910] =	vst v62  }
0x6f: {  	[tilespmem:$0x9D0] =	vst v49  }
0x70: {  	v49 =	vld.idx.msk [tilespmem:v19+s2+$0x0], $0xffff  }
0x71: {  	v50 =	vld.idx.msk [tilespmem:v20+s2+$0x0], $0xffff;
	_ =	sdelay $0x2  }
0x72: {  	v63 =	vld.idx.msk [tilespmem:v21+s2+$0x0], $0xffff  }
0x73: {  	v49 =	vtrunc.f32 v49  }
0x74: {  	v50 =	vtrunc.f32 v50;
	v49 =	vcvt.f32.s32 v49  }
0x75: {  	v50 =	vcvt.f32.s32 v50  }
0x76: {  	vm9 =	vgt.s32 v49, $0x0  }
0x77: {  	v51 =	vtrunc.f32 v63;
	vm10 =	vgt.s32 v50, $0x0;
	v49 =	vnsel vm9, $0x0, v49  }
0x78: {  	v51 =	vcvt.f32.s32 v51;
	v50 =	vnsel vm10, $0x0, v50;
	v49 =	vmin.u32 v49, $0x77  }
0x79: {  	v50 =	vmin.u32 v50, $0x77;
	v49 =	vmul.u32 $0x78, v49  }
0x7a: {  	vm11 =	vgt.s32 v51, $0x0;
	v50 =	vadd.s32 v0, v50  }
0x7b: {  	v51 =	vnsel vm11, $0x0, v51;
	v49 =	vadd.s32 v49, v50  }
0x7c: {  	v54 =	vmin.u32 v51, $0x77;
	v49 =	vshll.u32 v49, $0x7  }
0x7d: {  	v49 =	vor.u32 v54, v49  }
0x7e: {  	[tilespmem:$0x260] =	vst v49;
	v50 =	vadd.s32 $0x1C2000, v49  }
0x7f: {  	v55 =	vadd.s32 $0x384000, v49;
	[tilespmem:$0x320] =	vst v50  }
0x80: {  	v56 =	vadd.s32 $0x546000, v49;
	[tilespmem:$0x3E0] =	vst v55  }
0x81: {  	v57 =	vadd.s32 $0x708000, v49;
	[tilespmem:$0x4A0] =	vst v56  }
0x82: {  	v58 =	vadd.s32 $0x8CA000, v49;
	[tilespmem:$0x560] =	vst v57  }
0x83: {  	v59 =	vadd.s32 $0xA8C000, v49;
	[tilespmem:$0x620] =	vst v58  }
0x84: {  	v60 =	vadd.s32 $0xC4E000, v49;
	[tilespmem:$0x6E0] =	vst v59  }
0x85: {  	v61 =	vadd.s32 $0xE10000, v49;
	[tilespmem:$0x7A0] =	vst v60  }
0x86: {  	v62 =	vadd.s32 $0xFD2000, v49;
	[tilespmem:$0x860] =	vst v61  }
0x87: {  	v49 =	vadd.s32 $0x1194000, v49;
	[tilespmem:$0x920] =	vst v62  }
0x88: {  	[tilespmem:$0x9E0] =	vst v49  }
0x89: {  	v49 =	vld.idx.msk [tilespmem:v22+s2+$0x0], $0xffff  }
0x8a: {  	v50 =	vld.idx.msk [tilespmem:v23+s2+$0x0], $0xffff;
	_ =	sdelay $0x2  }
0x8b: {  	v63 =	vld.idx.msk [tilespmem:v24+s2+$0x0], $0xffff  }
0x8c: {  	v49 =	vtrunc.f32 v49  }
0x8d: {  	v50 =	vtrunc.f32 v50;
	v49 =	vcvt.f32.s32 v49  }
0x8e: {  	v50 =	vcvt.f32.s32 v50  }
0x8f: {  	vm12 =	vgt.s32 v49, $0x0  }
0x90: {  	v51 =	vtrunc.f32 v63;
	vm13 =	vgt.s32 v50, $0x0;
	v49 =	vnsel vm12, $0x0, v49  }
0x91: {  	v51 =	vcvt.f32.s32 v51;
	v50 =	vnsel vm13, $0x0, v50;
	v49 =	vmin.u32 v49, $0x77  }
0x92: {  	v50 =	vmin.u32 v50, $0x77;
	v49 =	vmul.u32 $0x78, v49  }
0x93: {  	vm14 =	vgt.s32 v51, $0x0;
	v50 =	vadd.s32 v0, v50  }
0x94: {  	v51 =	vnsel vm14, $0x0, v51;
	v49 =	vadd.s32 v49, v50  }
0x95: {  	v54 =	vmin.u32 v51, $0x77;
	v49 =	vshll.u32 v49, $0x7  }
0x96: {  	v49 =	vor.u32 v54, v49  }
0x97: {  	[tilespmem:$0x270] =	vst v49;
	v50 =	vadd.s32 $0x1C2000, v49  }
0x98: {  	v55 =	vadd.s32 $0x384000, v49;
	[tilespmem:$0x330] =	vst v50  }
0x99: {  	v56 =	vadd.s32 $0x546000, v49;
	[tilespmem:$0x3F0] =	vst v55  }
0x9a: {  	v57 =	vadd.s32 $0x708000, v49;
	[tilespmem:$0x4B0] =	vst v56  }
0x9b: {  	v58 =	vadd.s32 $0x8CA000, v49;
	[tilespmem:$0x570] =	vst v57  }
0x9c: {  	v59 =	vadd.s32 $0xA8C000, v49;
	[tilespmem:$0x630] =	vst v58  }
0x9d: {  	v60 =	vadd.s32 $0xC4E000, v49;
	[tilespmem:$0x6F0] =	vst v59  }
0x9e: {  	v61 =	vadd.s32 $0xE10000, v49;
	[tilespmem:$0x7B0] =	vst v60  }
0x9f: {  	v62 =	vadd.s32 $0xFD2000, v49;
	[tilespmem:$0x870] =	vst v61  }
0xa0: {  	v49 =	vadd.s32 $0x1194000, v49;
	[tilespmem:$0x930] =	vst v62  }
0xa1: {  	[tilespmem:$0x9F0] =	vst v49  }
0xa2: {  	v49 =	vld.idx.msk [tilespmem:v25+s2+$0x0], $0xffff  }
0xa3: {  	v50 =	vld.idx.msk [tilespmem:v26+s2+$0x0], $0xffff;
	_ =	sdelay $0x2  }
0xa4: {  	v63 =	vld.idx.msk [tilespmem:v27+s2+$0x0], $0xffff  }
0xa5: {  	v49 =	vtrunc.f32 v49  }
0xa6: {  	v50 =	vtrunc.f32 v50;
	v49 =	vcvt.f32.s32 v49  }
0xa7: {  	v50 =	vcvt.f32.s32 v50  }
0xa8: {  	vm15 =	vgt.s32 v49, $0x0  }
0xa9: {  	v51 =	vtrunc.f32 v63;
	vm4 =	vgt.s32 v50, $0x0;
	v49 =	vnsel vm15, $0x0, v49  }
0xaa: {  	v51 =	vcvt.f32.s32 v51;
	v50 =	vnsel vm4, $0x0, v50;
	v49 =	vmin.u32 v49, $0x77  }
0xab: {  	v50 =	vmin.u32 v50, $0x77;
	v49 =	vmul.u32 $0x78, v49  }
0xac: {  	vm5 =	vgt.s32 v51, $0x0;
	v50 =	vadd.s32 v0, v50  }
0xad: {  	v51 =	vnsel vm5, $0x0, v51;
	v49 =	vadd.s32 v49, v50  }
0xae: {  	v54 =	vmin.u32 v51, $0x77;
	v49 =	vshll.u32 v49, $0x7  }
0xaf: {  	v49 =	vor.u32 v54, v49  }
0xb0: {  	[tilespmem:$0x280] =	vst v49;
	v50 =	vadd.s32 $0x1C2000, v49  }
0xb1: {  	v55 =	vadd.s32 $0x384000, v49;
	[tilespmem:$0x340] =	vst v50  }
0xb2: {  	v56 =	vadd.s32 $0x546000, v49;
	[tilespmem:$0x400] =	vst v55  }
0xb3: {  	v57 =	vadd.s32 $0x708000, v49;
	[tilespmem:$0x4C0] =	vst v56  }
0xb4: {  	v58 =	vadd.s32 $0x8CA000, v49;
	[tilespmem:$0x580] =	vst v57  }
0xb5: {  	v59 =	vadd.s32 $0xA8C000, v49;
	[tilespmem:$0x640] =	vst v58  }
0xb6: {  	v60 =	vadd.s32 $0xC4E000, v49;
	[tilespmem:$0x700] =	vst v59  }
0xb7: {  	v61 =	vadd.s32 $0xE10000, v49;
	[tilespmem:$0x7C0] =	vst v60  }
0xb8: {  	v62 =	vadd.s32 $0xFD2000, v49;
	[tilespmem:$0x880] =	vst v61  }
0xb9: {  	v49 =	vadd.s32 $0x1194000, v49;
	[tilespmem:$0x940] =	vst v62  }
0xba: {  	[tilespmem:$0xA00] =	vst v49  }
0xbb: {  	v49 =	vld.idx.msk [tilespmem:v28+s2+$0x0], $0xffff  }
0xbc: {  	v50 =	vld.idx.msk [tilespmem:v29+s2+$0x0], $0xffff;
	_ =	sdelay $0x2  }
0xbd: {  	v63 =	vld.idx.msk [tilespmem:v30+s2+$0x0], $0xffff  }
0xbe: {  	v49 =	vtrunc.f32 v49  }
0xbf: {  	v50 =	vtrunc.f32 v50;
	v49 =	vcvt.f32.s32 v49  }
0xc0: {  	v50 =	vcvt.f32.s32 v50  }
0xc1: {  	vm6 =	vgt.s32 v49, $0x0  }
0xc2: {  	v51 =	vtrunc.f32 v63;
	vm7 =	vgt.s32 v50, $0x0;
	v49 =	vnsel vm6, $0x0, v49  }
0xc3: {  	v51 =	vcvt.f32.s32 v51;
	v50 =	vnsel vm7, $0x0, v50;
	v49 =	vmin.u32 v49, $0x77  }
0xc4: {  	v50 =	vmin.u32 v50, $0x77;
	v49 =	vmul.u32 $0x78, v49  }
0xc5: {  	vm8 =	vgt.s32 v51, $0x0;
	v50 =	vadd.s32 v0, v50  }
0xc6: {  	v51 =	vnsel vm8, $0x0, v51;
	v49 =	vadd.s32 v49, v50  }
0xc7: {  	v54 =	vmin.u32 v51, $0x77;
	v49 =	vshll.u32 v49, $0x7  }
0xc8: {  	v49 =	vor.u32 v54, v49  }
0xc9: {  	[tilespmem:$0x290] =	vst v49;
	v50 =	vadd.s32 $0x1C2000, v49  }
0xca: {  	v55 =	vadd.s32 $0x384000, v49;
	[tilespmem:$0x350] =	vst v50  }
0xcb: {  	v56 =	vadd.s32 $0x546000, v49;
	[tilespmem:$0x410] =	vst v55  }
0xcc: {  	v57 =	vadd.s32 $0x708000, v49;
	[tilespmem:$0x4D0] =	vst v56  }
0xcd: {  	v58 =	vadd.s32 $0x8CA000, v49;
	[tilespmem:$0x590] =	vst v57  }
0xce: {  	v59 =	vadd.s32 $0xA8C000, v49;
	[tilespmem:$0x650] =	vst v58  }
0xcf: {  	v60 =	vadd.s32 $0xC4E000, v49;
	[tilespmem:$0x710] =	vst v59  }
0xd0: {  	v61 =	vadd.s32 $0xE10000, v49;
	[tilespmem:$0x7D0] =	vst v60  }
0xd1: {  	v62 =	vadd.s32 $0xFD2000, v49;
	[tilespmem:$0x890] =	vst v61  }
0xd2: {  	v49 =	vadd.s32 $0x1194000, v49;
	[tilespmem:$0x950] =	vst v62  }
0xd3: {  	[tilespmem:$0xA10] =	vst v49  }
0xd4: {  	v49 =	vld.idx.msk [tilespmem:v31+s2+$0x0], $0xffff  }
0xd5: {  	v50 =	vld.idx.msk [tilespmem:v32+s2+$0x0], $0xffff;
	_ =	sdelay $0x2  }
0xd6: {  	v63 =	vld.idx.msk [tilespmem:v33+s2+$0x0], $0xffff  }
0xd7: {  	v49 =	vtrunc.f32 v49  }
0xd8: {  	v50 =	vtrunc.f32 v50;
	v49 =	vcvt.f32.s32 v49  }
0xd9: {  	v50 =	vcvt.f32.s32 v50  }
0xda: {  	vm9 =	vgt.s32 v49, $0x0  }
0xdb: {  	v51 =	vtrunc.f32 v63;
	vm10 =	vgt.s32 v50, $0x0;
	v49 =	vnsel vm9, $0x0, v49  }
0xdc: {  	v51 =	vcvt.f32.s32 v51;
	v50 =	vnsel vm10, $0x0, v50;
	v49 =	vmin.u32 v49, $0x77  }
0xdd: {  	v50 =	vmin.u32 v50, $0x77;
	v49 =	vmul.u32 $0x78, v49  }
0xde: {  	vm11 =	vgt.s32 v51, $0x0;
	v50 =	vadd.s32 v0, v50  }
0xdf: {  	v51 =	vnsel vm11, $0x0, v51;
	v49 =	vadd.s32 v49, v50  }
0xe0: {  	v54 =	vmin.u32 v51, $0x77;
	v49 =	vshll.u32 v49, $0x7  }
0xe1: {  	v49 =	vor.u32 v54, v49  }
0xe2: {  	[tilespmem:$0x2A0] =	vst v49;
	v50 =	vadd.s32 $0x1C2000, v49  }
0xe3: {  	v55 =	vadd.s32 $0x384000, v49;
	[tilespmem:$0x360] =	vst v50  }
0xe4: {  	v56 =	vadd.s32 $0x546000, v49;
	[tilespmem:$0x420] =	vst v55  }
0xe5: {  	v57 =	vadd.s32 $0x708000, v49;
	[tilespmem:$0x4E0] =	vst v56  }
0xe6: {  	v58 =	vadd.s32 $0x8CA000, v49;
	[tilespmem:$0x5A0] =	vst v57  }
0xe7: {  	v59 =	vadd.s32 $0xA8C000, v49;
	[tilespmem:$0x660] =	vst v58  }
0xe8: {  	v60 =	vadd.s32 $0xC4E000, v49;
	[tilespmem:$0x720] =	vst v59  }
0xe9: {  	v61 =	vadd.s32 $0xE10000, v49;
	[tilespmem:$0x7E0] =	vst v60  }
0xea: {  	v62 =	vadd.s32 $0xFD2000, v49;
	[tilespmem:$0x8A0] =	vst v61  }
0xeb: {  	v49 =	vadd.s32 $0x1194000, v49;
	[tilespmem:$0x960] =	vst v62  }
0xec: {  	[tilespmem:$0xA20] =	vst v49  }
0xed: {  	v49 =	vld.idx.msk [tilespmem:v34+s2+$0x0], $0xffff  }
0xee: {  	v50 =	vld.idx.msk [tilespmem:v35+s2+$0x0], $0xffff;
	_ =	sdelay $0x2  }
0xef: {  	v63 =	vld.idx.msk [tilespmem:v36+s2+$0x0], $0xffff  }
0xf0: {  	v49 =	vtrunc.f32 v49  }
0xf1: {  	v50 =	vtrunc.f32 v50;
	v49 =	vcvt.f32.s32 v49  }
0xf2: {  	v50 =	vcvt.f32.s32 v50  }
0xf3: {  	vm12 =	vgt.s32 v49, $0x0  }
0xf4: {  	v51 =	vtrunc.f32 v63;
	vm13 =	vgt.s32 v50, $0x0;
	v49 =	vnsel vm12, $0x0, v49  }
0xf5: {  	v51 =	vcvt.f32.s32 v51;
	v50 =	vnsel vm13, $0x0, v50;
	v49 =	vmin.u32 v49, $0x77  }
0xf6: {  	v50 =	vmin.u32 v50, $0x77;
	v49 =	vmul.u32 $0x78, v49  }
0xf7: {  	vm14 =	vgt.s32 v51, $0x0;
	v50 =	vadd.s32 v0, v50  }
0xf8: {  	v51 =	vnsel vm14, $0x0, v51;
	v49 =	vadd.s32 v49, v50  }
0xf9: {  	v54 =	vmin.u32 v51, $0x77;
	v49 =	vshll.u32 v49, $0x7  }
0xfa: {  	v49 =	vor.u32 v54, v49  }
0xfb: {  	[tilespmem:$0x2B0] =	vst v49;
	v50 =	vadd.s32 $0x1C2000, v49  }
0xfc: {  	v55 =	vadd.s32 $0x384000, v49;
	[tilespmem:$0x370] =	vst v50  }
0xfd: {  	v56 =	vadd.s32 $0x546000, v49;
	[tilespmem:$0x430] =	vst v55  }
0xfe: {  	v57 =	vadd.s32 $0x708000, v49;
	[tilespmem:$0x4F0] =	vst v56  }
0xff: {  	v58 =	vadd.s32 $0x8CA000, v49;
	[tilespmem:$0x5B0] =	vst v57  }
0x100: {  	v59 =	vadd.s32 $0xA8C000, v49;
	[tilespmem:$0x670] =	vst v58  }
0x101: {  	v60 =	vadd.s32 $0xC4E000, v49;
	[tilespmem:$0x730] =	vst v59  }
0x102: {  	v61 =	vadd.s32 $0xE10000, v49;
	[tilespmem:$0x7F0] =	vst v60  }
0x103: {  	v62 =	vadd.s32 $0xFD2000, v49;
	[tilespmem:$0x8B0] =	vst v61  }
0x104: {  	v49 =	vadd.s32 $0x1194000, v49;
	[tilespmem:$0x970] =	vst v62  }
0x105: {  	[tilespmem:$0xA30] =	vst v49  }
0x106: {  	v49 =	vld.idx.msk [tilespmem:v37+s2+$0x0], $0xffff  }
0x107: {  	v50 =	vld.idx.msk [tilespmem:v38+s2+$0x0], $0xffff;
	_ =	sdelay $0x2  }
0x108: {  	v63 =	vld.idx.msk [tilespmem:v39+s2+$0x0], $0xffff  }
0x109: {  	v49 =	vtrunc.f32 v49  }
0x10a: {  	v50 =	vtrunc.f32 v50;
	v49 =	vcvt.f32.s32 v49  }
0x10b: {  	v50 =	vcvt.f32.s32 v50  }
0x10c: {  	vm15 =	vgt.s32 v49, $0x0  }
0x10d: {  	v51 =	vtrunc.f32 v63;
	vm4 =	vgt.s32 v50, $0x0;
	v49 =	vnsel vm15, $0x0, v49  }
0x10e: {  	v51 =	vcvt.f32.s32 v51;
	v50 =	vnsel vm4, $0x0, v50;
	v49 =	vmin.u32 v49, $0x77  }
0x10f: {  	v50 =	vmin.u32 v50, $0x77;
	v49 =	vmul.u32 $0x78, v49  }
0x110: {  	vm5 =	vgt.s32 v51, $0x0;
	v50 =	vadd.s32 v0, v50  }
0x111: {  	v51 =	vnsel vm5, $0x0, v51;
	v49 =	vadd.s32 v49, v50  }
0x112: {  	v54 =	vmin.u32 v51, $0x77;
	v49 =	vshll.u32 v49, $0x7  }
0x113: {  	v49 =	vor.u32 v54, v49  }
0x114: {  	[tilespmem:$0x2C0] =	vst v49;
	v50 =	vadd.s32 $0x1C2000, v49  }
0x115: {  	v55 =	vadd.s32 $0x384000, v49;
	[tilespmem:$0x380] =	vst v50  }
0x116: {  	v56 =	vadd.s32 $0x546000, v49;
	[tilespmem:$0x440] =	vst v55  }
0x117: {  	v57 =	vadd.s32 $0x708000, v49;
	[tilespmem:$0x500] =	vst v56  }
0x118: {  	v58 =	vadd.s32 $0x8CA000, v49;
	[tilespmem:$0x5C0] =	vst v57  }
0x119: {  	v59 =	vadd.s32 $0xA8C000, v49;
	[tilespmem:$0x680] =	vst v58  }
0x11a: {  	v60 =	vadd.s32 $0xC4E000, v49;
	[tilespmem:$0x740] =	vst v59  }
0x11b: {  	v61 =	vadd.s32 $0xE10000, v49;
	[tilespmem:$0x800] =	vst v60  }
0x11c: {  	v62 =	vadd.s32 $0xFD2000, v49;
	[tilespmem:$0x8C0] =	vst v61  }
0x11d: {  	v49 =	vadd.s32 $0x1194000, v49;
	[tilespmem:$0x980] =	vst v62  }
0x11e: {  	[tilespmem:$0xA40] =	vst v49  }
0x11f: {  	v49 =	vld.idx.msk [tilespmem:v40+s2+$0x0], $0xffff  }
0x120: {  	v50 =	vld.idx.msk [tilespmem:v41+s2+$0x0], $0xffff;
	_ =	sdelay $0x2  }
0x121: {  	v63 =	vld.idx.msk [tilespmem:v42+s2+$0x0], $0xffff  }
0x122: {  	v49 =	vtrunc.f32 v49  }
0x123: {  	v50 =	vtrunc.f32 v50;
	v49 =	vcvt.f32.s32 v49  }
0x124: {  	v50 =	vcvt.f32.s32 v50  }
0x125: {  	vm6 =	vgt.s32 v49, $0x0  }
0x126: {  	v51 =	vtrunc.f32 v63;
	vm7 =	vgt.s32 v50, $0x0;
	v49 =	vnsel vm6, $0x0, v49  }
0x127: {  	v51 =	vcvt.f32.s32 v51;
	v50 =	vnsel vm7, $0x0, v50;
	v49 =	vmin.u32 v49, $0x77  }
0x128: {  	v50 =	vmin.u32 v50, $0x77;
	v49 =	vmul.u32 $0x78, v49  }
0x129: {  	vm8 =	vgt.s32 v51, $0x0;
	v50 =	vadd.s32 v0, v50  }
0x12a: {  	v51 =	vnsel vm8, $0x0, v51;
	v49 =	vadd.s32 v49, v50  }
0x12b: {  	v54 =	vmin.u32 v51, $0x77;
	v49 =	vshll.u32 v49, $0x7  }
0x12c: {  	v49 =	vor.u32 v54, v49  }
0x12d: {  	[tilespmem:$0x2D0] =	vst v49;
	v50 =	vadd.s32 $0x1C2000, v49  }
0x12e: {  	v55 =	vadd.s32 $0x384000, v49;
	[tilespmem:$0x390] =	vst v50  }
0x12f: {  	v56 =	vadd.s32 $0x546000, v49;
	[tilespmem:$0x450] =	vst v55  }
0x130: {  	v57 =	vadd.s32 $0x708000, v49;
	[tilespmem:$0x510] =	vst v56  }
0x131: {  	v58 =	vadd.s32 $0x8CA000, v49;
	[tilespmem:$0x5D0] =	vst v57  }
0x132: {  	v59 =	vadd.s32 $0xA8C000, v49;
	[tilespmem:$0x690] =	vst v58  }
0x133: {  	v60 =	vadd.s32 $0xC4E000, v49;
	[tilespmem:$0x750] =	vst v59  }
0x134: {  	v61 =	vadd.s32 $0xE10000, v49;
	[tilespmem:$0x810] =	vst v60  }
0x135: {  	v62 =	vadd.s32 $0xFD2000, v49;
	[tilespmem:$0x8D0] =	vst v61  }
0x136: {  	v49 =	vadd.s32 $0x1194000, v49;
	[tilespmem:$0x990] =	vst v62  }
0x137: {  	[tilespmem:$0xA50] =	vst v49  }
0x138: {  	v49 =	vld.idx.msk [tilespmem:v43+s2+$0x0], $0xffff  }
0x139: {  	v50 =	vld.idx.msk [tilespmem:v44+s2+$0x0], $0xffff;
	_ =	sdelay $0x2  }
0x13a: {  	v63 =	vld.idx.msk [tilespmem:v45+s2+$0x0], $0xffff  }
0x13b: {  	v49 =	vtrunc.f32 v49  }
0x13c: {  	v50 =	vtrunc.f32 v50;
	v49 =	vcvt.f32.s32 v49  }
0x13d: {  	v50 =	vcvt.f32.s32 v50  }
0x13e: {  	vm9 =	vgt.s32 v49, $0x0  }
0x13f: {  	v51 =	vtrunc.f32 v63;
	vm10 =	vgt.s32 v50, $0x0;
	v49 =	vnsel vm9, $0x0, v49  }
0x140: {  	v51 =	vcvt.f32.s32 v51;
	v50 =	vnsel vm10, $0x0, v50;
	v49 =	vmin.u32 v49, $0x77  }
0x141: {  	v50 =	vmin.u32 v50, $0x77;
	v49 =	vmul.u32 $0x78, v49  }
0x142: {  	vm11 =	vgt.s32 v51, $0x0;
	v50 =	vadd.s32 v0, v50  }
0x143: {  	v51 =	vnsel vm11, $0x0, v51;
	v49 =	vadd.s32 v49, v50  }
0x144: {  	v53 =	vmin.u32 v51, $0x77;
	v49 =	vshll.u32 v49, $0x7  }
0x145: {  	v49 =	vor.u32 v53, v49  }
0x146: {  	[tilespmem:$0x2E0] =	vst v49;
	v50 =	vadd.s32 $0x1C2000, v49  }
0x147: {  	v54 =	vadd.s32 $0x384000, v49;
	[tilespmem:$0x3A0] =	vst v50  }
0x148: {  	v55 =	vadd.s32 $0x546000, v49;
	[tilespmem:$0x460] =	vst v54  }
0x149: {  	v56 =	vadd.s32 $0x708000, v49;
	[tilespmem:$0x520] =	vst v55  }
0x14a: {  	v57 =	vadd.s32 $0x8CA000, v49;
	[tilespmem:$0x5E0] =	vst v56  }
0x14b: {  	v58 =	vadd.s32 $0xA8C000, v49;
	[tilespmem:$0x6A0] =	vst v57  }
0x14c: {  	v59 =	vadd.s32 $0xC4E000, v49;
	[tilespmem:$0x760] =	vst v58  }
0x14d: {  	v60 =	vadd.s32 $0xE10000, v49;
	[tilespmem:$0x820] =	vst v59  }
0x14e: {  	v61 =	vadd.s32 $0xFD2000, v49;
	[tilespmem:$0x8E0] =	vst v60  }
0x14f: {  	v49 =	vadd.s32 $0x1194000, v49;
	[tilespmem:$0x9A0] =	vst v61  }
0x150: {  	[tilespmem:$0xA60] =	vst v49  }
0x151: {  	v49 =	vld.idx.msk [tilespmem:v46+s2+$0x0], $0xffff  }
0x152: {  	v50 =	vld.idx.msk [tilespmem:v47+s2+$0x0], $0xffff;
	_ =	sdelay $0x2  }
0x153: {  	v62 =	vld.idx.msk [tilespmem:v48+s2+$0x0], $0xffff  }
0x154: {  	v49 =	vtrunc.f32 v49  }
0x155: {  	v50 =	vtrunc.f32 v50;
	v49 =	vcvt.f32.s32 v49  }
0x156: {  	v50 =	vcvt.f32.s32 v50  }
0x157: {  	vm12 =	vgt.s32 v49, $0x0  }
0x158: {  	v51 =	vtrunc.f32 v62;
	vm13 =	vgt.s32 v50, $0x0;
	v49 =	vnsel vm12, $0x0, v49  }
0x159: {  	v51 =	vcvt.f32.s32 v51;
	v50 =	vnsel vm13, $0x0, v50;
	v49 =	vmin.u32 v49, $0x77  }
0x15a: {  	v50 =	vmin.u32 v50, $0x77;
	v49 =	vmul.u32 $0x78, v49  }
0x15b: {  	vm14 =	vgt.s32 v51, $0x0;
	v50 =	vadd.s32 v0, v50  }
0x15c: {  	v51 =	vnsel vm14, $0x0, v51;
	v49 =	vadd.s32 v49, v50  }
0x15d: {  	v63 =	vmin.u32 v51, $0x77;
	v49 =	vshll.u32 v49, $0x7  }
0x15e: {  	v49 =	vor.u32 v63, v49  }
0x15f: {  	[tilespmem:$0x2F0] =	vst v49;
	v50 =	vadd.s32 $0x1C2000, v49  }
0x160: {  	v52 =	vadd.s32 $0x384000, v49;
	[tilespmem:$0x3B0] =	vst v50  }
0x161: {  	v53 =	vadd.s32 $0x546000, v49;
	[tilespmem:$0x470] =	vst v52  }
0x162: {  	v54 =	vadd.s32 $0x708000, v49;
	[tilespmem:$0x530] =	vst v53  }
0x163: {  	v55 =	vadd.s32 $0x8CA000, v49;
	[tilespmem:$0x5F0] =	vst v54  }
0x164: {  	v56 =	vadd.s32 $0xA8C000, v49;
	[tilespmem:$0x6B0] =	vst v55  }
0x165: {  	v57 =	vadd.s32 $0xC4E000, v49;
	[tilespmem:$0x770] =	vst v56  }
0x166: {  	v58 =	vadd.s32 $0xE10000, v49;
	[tilespmem:$0x830] =	vst v57  }
0x167: {  	s0 =	rddreg [dreg:$0x10];
	v59 =	vadd.s32 $0xFD2000, v49;
	[tilespmem:$0x8F0] =	vst v58  }
0x168: {  	s16 =	rddreg [dreg:$0x11];
	v49 =	vadd.s32 $0x1194000, v49;
	[tilespmem:$0x9B0] =	vst v59  }
0x169: {  	s17 =	rddreg [dreg:$0x12];
	[tilespmem:$0xA70] =	vst v49  }
0x16a: {  	[tilespmem:s8], [sflag:$0x2] =	stream.indirect.gather [hbm4b:s3+s7], $0x1, s0, s7, $0xb8;
	[tilespmem:$0x12D0] =	vst v63  }
0x16b: {  	s0 =	rddreg [dreg:$0x13]  }
0x16c: {  	[tilespmem:s17], [sflag:$0x2] =	stream.indirect.gather [hbm4b:s3+s7], $0x1, s16, s7, $0xb8;
	[tilespmem:$0x12D0] =	vst v63  }
0x16d: {  	s16 =	rddreg [dreg:$0x14]  }
0x16e: {  	s17 =	rddreg [dreg:$0x15]  }
0x16f: {  	[tilespmem:s9], [sflag:$0x2] =	stream.indirect.gather [hbm4b:s3+s7], $0x1, s0, s7, $0xb8;
	[tilespmem:$0x12D0] =	vst v63  }
0x170: {  	s0 =	rddreg [dreg:$0x16]  }
0x171: {  	[tilespmem:s17], [sflag:$0x2] =	stream.indirect.gather [hbm4b:s3+s7], $0x1, s16, s7, $0xb8;
	[tilespmem:$0x12D0] =	vst v63  }
0x172: {  	s16 =	rddreg [dreg:$0x17]  }
0x173: {  	s17 =	rddreg [dreg:$0x18]  }
0x174: {  	[tilespmem:s10], [sflag:$0x2] =	stream.indirect.gather [hbm4b:s3+s7], $0x1, s0, s7, $0xb8;
	[tilespmem:$0x12D0] =	vst v63  }
0x175: {  	s0 =	rddreg [dreg:$0x19]  }
0x176: {  	[tilespmem:s17], [sflag:$0x2] =	stream.indirect.gather [hbm4b:s3+s7], $0x1, s16, s7, $0xb8;
	[tilespmem:$0x12D0] =	vst v63  }
0x177: {  	s16 =	rddreg [dreg:$0x1a]  }
0x178: {  	s17 =	rddreg [dreg:$0x1b]  }
0x179: {  	[tilespmem:s11], [sflag:$0x2] =	stream.indirect.gather [hbm4b:s3+s7], $0x1, s0, s7, $0xb8;
	[tilespmem:$0x12D0] =	vst v63  }
0x17a: {  	s0 =	rddreg [dreg:$0x1c]  }
0x17b: {  	[tilespmem:s17], [sflag:$0x2] =	stream.indirect.gather [hbm4b:s3+s7], $0x1, s16, s7, $0xb8;
	[tilespmem:$0x12D0] =	vst v63  }
0x17c: {  	s16 =	rddreg [dreg:$0x1d]  }
0x17d: {  	s17 =	rddreg [dreg:$0x1e]  }
0x17e: {  	[tilespmem:s12], [sflag:$0x2] =	stream.indirect.gather [hbm4b:s3+s7], $0x1, s0, s7, $0xb8;
	[tilespmem:$0x12D0] =	vst v63  }
0x17f: {  	s0 =	rddreg [dreg:$0x1f]  }
0x180: {  	[tilespmem:s17], [sflag:$0x2] =	stream.indirect.gather [hbm4b:s3+s7], $0x1, s16, s7, $0xb8;
	[tilespmem:$0x12D0] =	vst v63  }
0x181: {  	s16 =	sld [smem:$0x7F8]  }
0x182: {  	s17 =	sld [smem:$0x7F9]  }
0x183: {  	[tilespmem:s13], [sflag:$0x2] =	stream.indirect.gather [hbm4b:s3+s7], $0x1, s0, s7, $0xb8;
	[tilespmem:$0x12D0] =	vst v63  }
0x184: {  	s0 =	sld [smem:$0x7FA]  }
0x185: {  	[tilespmem:s17], [sflag:$0x2] =	stream.indirect.gather [hbm4b:s3+s7], $0x1, s16, s7, $0xb8;
	[tilespmem:$0x12D0] =	vst v63  }
0x186: {  	s16 =	sld [smem:$0x7FB]  }
0x187: {  	s17 =	sld [smem:$0x7FC]  }
0x188: {  	[tilespmem:s14], [sflag:$0x2] =	stream.indirect.gather [hbm4b:s3+s7], $0x1, s0, s7, $0xb8;
	[tilespmem:$0x12D0] =	vst v63  }
0x189: {  	s0 =	sld [smem:$0x7FD]  }
0x18a: {  	[tilespmem:s17], [sflag:$0x2] =	stream.indirect.gather [hbm4b:s3+s7], $0x1, s16, s7, $0xb8;
	[tilespmem:$0x12D0] =	vst v63  }
0x18b: {  	_ = 	snop  }
0x18c: {  	[tilespmem:s15], [sflag:$0x2] =	stream.indirect.gather [hbm4b:s3+s7], $0x1, s0, s7, $0xb8;
	[tilespmem:$0x12D0] =	vst v63  }
0x18d: {  	s16 =	simm.s32 $0x7E0;
	s17 =	simm.s32 $0x1020  }
0x18e: {  	[tilespmem:s17], [sflag:$0x2] =	stream.indirect.gather [hbm4b:s3+s7], $0x1, s16, s7, $0xb8;
	[tilespmem:$0x12D0] =	vst v63  }
0x18f: {  	_ = 	snop  }
0x190: {  	[tilespmem:s19], [sflag:$0x2] =	stream.indirect.gather [hbm4b:s3+s7], $0x1, s18, s7, $0xb8;
	[tilespmem:$0x12D0] =	vst v63  }
0x191: {  	_ = 	snop  }
0x192: {  	[tilespmem:s21], [sflag:$0x2] =	stream.indirect.gather [hbm4b:s3+s7], $0x1, s20, s7, $0xb8;
	[tilespmem:$0x12D0] =	vst v63  }
0x193: {  	_ = 	snop  }
0x194: {  	[tilespmem:s23], [sflag:$0x2] =	stream.indirect.gather [hbm4b:s3+s7], $0x1, s22, s7, $0xb8;
	[tilespmem:$0x12D0] =	vst v63  }
0x195: {  	_ = 	snop  }
0x196: {  	[tilespmem:s25], [sflag:$0x2] =	stream.indirect.gather [hbm4b:s3+s7], $0x1, s24, s7, $0xb8;
	[tilespmem:$0x12D0] =	vst v63  }
0x197: {  	_ = 	snop  }
0x198: {  	[tilespmem:s28], [sflag:$0x2] =	stream.indirect.gather [hbm4b:s3+s7], $0x1, s26, s7, $0xb8;
	[tilespmem:$0x12D0] =	vst v63  }
0x199: {  	_ = 	snop  }
0x19a: {  	[tilespmem:s30], [sflag:$0x2] =	stream.indirect.gather [hbm4b:s3+s7], $0x1, s29, s7, $0xb8;
	[tilespmem:$0x12D0] =	vst v63  }
0x19b: {  	_ =	swait.ge [sflag:s31], $0x60  }
0x19c: {  	[sflag:s31] =	ssyncset.done $0x0  }
0x19d: {  	[sflag:s31] =	ssyncadd.s32 $0xFFFFFFA0  }
0x19e: {  	_ =	swait.ge [sflag:s31], $0x60  }
0x19f: {  	[sflag:s31] =	ssyncset.done $0x0  }
0x1a0: {  	[sflag:s31] =	ssyncadd.s32 $0xFFFFFFA0  }
0x1a1: {  	_ =	swait.ge [sflag:s31], $0x60  }
0x1a2: {  	[sflag:s31] =	ssyncset.done $0x0  }
0x1a3: {  	[sflag:s31] =	ssyncadd.s32 $0xFFFFFFA0  }
0x1a4: {  	_ =	swait.ge [sflag:s31], $0x60  }
0x1a5: {  	[sflag:s31] =	ssyncset.done $0x0  }
0x1a6: {  	[sflag:s31] =	ssyncadd.s32 $0xFFFFFFA0  }
0x1a7: {  	_ =	swait.ge [sflag:s31], $0x60  }
0x1a8: {  	[sflag:s31] =	ssyncset.done $0x0  }
0x1a9: {  	[sflag:s31] =	ssyncadd.s32 $0xFFFFFFA0  }
0x1aa: {  	_ =	swait.ge [sflag:s31], $0x60  }
0x1ab: {  	[sflag:s31] =	ssyncset.done $0x0  }
0x1ac: {  	[sflag:s31] =	ssyncadd.s32 $0xFFFFFFA0  }
0x1ad: {  	_ =	swait.ge [sflag:s31], $0x60  }
0x1ae: {  	[sflag:s31] =	ssyncset.done $0x0  }
0x1af: {  	[sflag:s31] =	ssyncadd.s32 $0xFFFFFFA0  }
0x1b0: {  	_ =	swait.ge [sflag:s31], $0x60  }
0x1b1: {  	[sflag:s31] =	ssyncset.done $0x0  }
0x1b2: {  	[sflag:s31] =	ssyncadd.s32 $0xFFFFFFA0  }
0x1b3: {  	_ =	swait.ge [sflag:s31], $0x60  }
0x1b4: {  	[sflag:s31] =	ssyncset.done $0x0  }
0x1b5: {  	[sflag:s31] =	ssyncadd.s32 $0xFFFFFFA0  }
0x1b6: {  	_ =	swait.ge [sflag:s31], $0x60  }
0x1b7: {  	[sflag:s31] =	ssyncset.done $0x0  }
0x1b8: {  	[sflag:s31] =	ssyncadd.s32 $0xFFFFFFA0  }
0x1b9: {  	_ =	swait.ge [sflag:s31], $0x60  }
0x1ba: {  	[sflag:s31] =	ssyncset.done $0x0  }
0x1bb: {  	[sflag:s31] =	ssyncadd.s32 $0xFFFFFFA0  }
0x1bc: {  	_ =	swait.ge [sflag:s31], $0x60  }
0x1bd: {  	[sflag:s31] =	ssyncset.done $0x0  }
0x1be: {  	[sflag:s31] =	ssyncadd.s32 $0xFFFFFFA0  }
0x1bf: {  	_ =	swait.ge [sflag:s31], $0x60  }
0x1c0: {  	[sflag:s31] =	ssyncset.done $0x0  }
0x1c1: {  	[sflag:s31] =	ssyncadd.s32 $0xFFFFFFA0  }
0x1c2: {  	_ =	swait.ge [sflag:s31], $0x60  }
0x1c3: {  	[sflag:s31] =	ssyncset.done $0x0  }
0x1c4: {  	[sflag:s31] =	ssyncadd.s32 $0xFFFFFFA0  }
0x1c5: {  	_ =	swait.ge [sflag:s31], $0x60  }
0x1c6: {  	[sflag:s31] =	ssyncset.done $0x0  }
0x1c7: {  	[sflag:s31] =	ssyncadd.s32 $0xFFFFFFA0  }
0x1c8: {  	_ =	swait.ge [sflag:s31], $0x60  }
0x1c9: {  	[sflag:s31] =	ssyncset.done $0x0  }
0x1ca: {  	[sflag:s31] =	ssyncadd.s32 $0xFFFFFFA0  }
0x1cb: {  	_ =	swait.ge [sflag:s31], $0x60  }
0x1cc: {  	[sflag:s31] =	ssyncset.done $0x0  }
0x1cd: {  	[sflag:s31] =	ssyncadd.s32 $0xFFFFFFA0  }
0x1ce: {  	_ =	swait.ge [sflag:s31], $0x60  }
0x1cf: {  	[sflag:s31] =	ssyncset.done $0x0  }
0x1d0: {  	[sflag:s31] =	ssyncadd.s32 $0xFFFFFFA0  }
0x1d1: {  	_ =	swait.ge [sflag:s31], $0x60  }
0x1d2: {  	[sflag:s31] =	ssyncset.done $0x0  }
0x1d3: {  	[sflag:s31] =	ssyncadd.s32 $0xFFFFFFA0  }
0x1d4: {  	_ =	swait.ge [sflag:s31], $0x60  }
0x1d5: {  	[sflag:s31] =	ssyncset.done $0x0  }
0x1d6: {  	[sflag:s31] =	ssyncadd.s32 $0xFFFFFFA0  }
0x1d7: {  	_ =	swait.ge [sflag:s31], $0x60  }
0x1d8: {  	[sflag:s31] =	ssyncset.done $0x0  }
0x1d9: {  	[sflag:s31] =	ssyncadd.s32 $0xFFFFFFA0  }
0x1da: {  	_ =	swait.ge [sflag:s31], $0x60  }
0x1db: {  	[sflag:s31] =	ssyncset.done $0x0  }
0x1dc: {  	[sflag:s31] =	ssyncadd.s32 $0xFFFFFFA0  }
0x1dd: {  	v49 =	vld [tilespmem:$0x12C0]  }
0x1de: {  	v60 =	vld [tilespmem:$0xA80]  }
0x1df: {  	v61 =	vld [tilespmem:$0xA90]  }
0x1e0: {  	v52 =	vld [tilespmem:$0xAA0]  }
0x1e1: {  	v53 =	vld [tilespmem:$0xAB0]  }
0x1e2: {  	v54 =	vld [tilespmem:$0xAC0];
	vm15 =	vlt.s32 v1, v49  }
0x1e3: {  	v55 =	vld [tilespmem:$0xAD0];
	vm1 =	vlt.s32 v2, v49;
	v50 =	vnsel vm15, $0x0, v60  }
0x1e4: {  	v63 =	vld [tilespmem:$0xAE0];
	vm2 =	vlt.s32 v3, v49;
	v62 =	vnsel vm1, $0x0, v61;
	[tilespmem:$0xA80] =	vst v50  }
0x1e5: {  	v58 =	vld [tilespmem:$0xB00];
	vm3 =	vlt.s32 v4, v49;
	v56 =	vnsel vm2, $0x0, v52;
	[tilespmem:$0xA90] =	vst v62  }
0x1e6: {  	vm4 =	vlt.s32 v5, v49;
	v52 =	vld [tilespmem:$0xAF0];
	v57 =	vnsel vm3, $0x0, v53;
	[tilespmem:$0xAA0] =	vst v56  }
0x1e7: {  	vm5 =	vlt.s32 v6, v49;
	v59 =	vnsel vm4, $0x0, v54;
	v60 =	vld [tilespmem:$0xB10];
	[tilespmem:$0xAB0] =	vst v57  }
0x1e8: {  	vm6 =	vlt.s32 v7, v49;
	v61 =	vnsel vm5, $0x0, v55;
	[tilespmem:$0xAC0] =	vst v59;
	v62 =	vld [tilespmem:$0xB20]  }
0x1e9: {  	vm8 =	vlt.s32 v10, v49;
	v63 =	vnsel vm6, $0x0, v63;
	[tilespmem:$0xAD0] =	vst v61;
	v56 =	vld [tilespmem:$0xB30]  }
0x1ea: {  	vm7 =	vlt.s32 v8, v49;
	v58 =	vnsel vm8, $0x0, v58;
	[tilespmem:$0xAE0] =	vst v63  }
0x1eb: {  	vm9 =	vlt.s32 v11, v49;
	[tilespmem:$0xB00] =	vst v58;
	v57 =	vnsel vm7, $0x0, v52  }
0x1ec: {  	vm10 =	vlt.s32 v12, v49;
	v59 =	vnsel vm9, $0x0, v60;
	[tilespmem:$0xAF0] =	vst v57  }
0x1ed: {  	vm11 =	vlt.s32 v13, v49;
	[tilespmem:$0xB10] =	vst v59;
	v60 =	vnsel vm10, $0x0, v62  }
0x1ee: {  	v49 =	vnsel vm11, $0x0, v56;
	[tilespmem:$0xB20] =	vst v60  }
0x1ef: {  	[tilespmem:$0xB30] =	vst v49  }
0x1f0: {  	[hbm4b:s4+s2] =	stream.linear.scatter [tilespmem:s8], [sflag:$0x3], $0xC0, $0x38;
	[tilespmem:$0x12D0] =	vst v63  }
0x1f1: {  	v61 =	vld [tilespmem:$0xB40]  }
0x1f2: {  	v62 =	vld [tilespmem:$0xB50]  }
0x1f3: {  	v63 =	vld [tilespmem:$0xB60]  }
0x1f4: {  	v57 =	vld [tilespmem:$0xB70]  }
0x1f5: {  	v58 =	vld [tilespmem:$0xB80]  }
0x1f6: {  	v59 =	vld [tilespmem:$0xB90];
	v49 =	vnsel vm15, $0x0, v61  }
0x1f7: {  	v52 =	vld [tilespmem:$0xBC0];
	v60 =	vnsel vm1, $0x0, v62;
	[tilespmem:$0xB40] =	vst v49  }
0x1f8: {  	v61 =	vld [tilespmem:$0xBA0];
	v62 =	vnsel vm2, $0x0, v63;
	[tilespmem:$0xB50] =	vst v60  }
0x1f9: {  	v63 =	vld [tilespmem:$0xBB0];
	v56 =	vnsel vm3, $0x0, v57;
	[tilespmem:$0xB60] =	vst v62  }
0x1fa: {  	v57 =	vnsel vm4, $0x0, v58;
	v58 =	vld [tilespmem:$0xBD0];
	[tilespmem:$0xB70] =	vst v56  }
0x1fb: {  	v59 =	vnsel vm5, $0x0, v59;
	[tilespmem:$0xB80] =	vst v57;
	v60 =	vld [tilespmem:$0xBE0]  }
0x1fc: {  	v52 =	vnsel vm8, $0x0, v52;
	[tilespmem:$0xB90] =	vst v59;
	v62 =	vld [tilespmem:$0xBF0]  }
0x1fd: {  	[tilespmem:$0xBC0] =	vst v52;
	v61 =	vnsel vm6, $0x0, v61  }
0x1fe: {  	v63 =	vnsel vm7, $0x0, v63;
	[tilespmem:$0xBA0] =	vst v61  }
0x1ff: {  	v53 =	vnsel vm9, $0x0, v58;
	[tilespmem:$0xBB0] =	vst v63  }
0x200: {  	[tilespmem:$0xBD0] =	vst v53;
	v54 =	vnsel vm10, $0x0, v60  }
0x201: {  	v55 =	vnsel vm11, $0x0, v62;
	[tilespmem:$0xBE0] =	vst v54  }
0x202: {  	s16 =	rddreg [dreg:$0x5];
	[tilespmem:$0xBF0] =	vst v55  }
0x203: {  	[hbm4b:s16+s2] =	stream.linear.scatter [tilespmem:s9], [sflag:$0x3], $0xC0, $0x38;
	[tilespmem:$0x12D0] =	vst v63  }
0x204: {  	v56 =	vld [tilespmem:$0xC00]  }
0x205: {  	v57 =	vld [tilespmem:$0xC10]  }
0x206: {  	v58 =	vld [tilespmem:$0xC20]  }
0x207: {  	v59 =	vld [tilespmem:$0xC30]  }
0x208: {  	v60 =	vld [tilespmem:$0xC40]  }
0x209: {  	v61 =	vld [tilespmem:$0xC50];
	v49 =	vnsel vm15, $0x0, v56  }
0x20a: {  	v63 =	vld [tilespmem:$0xC60];
	v62 =	vnsel vm1, $0x0, v57;
	[tilespmem:$0xC00] =	vst v49  }
0x20b: {  	v51 =	vld [tilespmem:$0xC70];
	v56 =	vnsel vm2, $0x0, v58;
	[tilespmem:$0xC10] =	vst v62  }
0x20c: {  	v57 =	vnsel vm3, $0x0, v59;
	v58 =	vld [tilespmem:$0xC80];
	[tilespmem:$0xC20] =	vst v56  }
0x20d: {  	v59 =	vnsel vm4, $0x0, v60;
	v60 =	vld [tilespmem:$0xC90];
	[tilespmem:$0xC30] =	vst v57  }
0x20e: {  	v55 =	vld [tilespmem:$0xCB0];
	v61 =	vnsel vm5, $0x0, v61;
	[tilespmem:$0xC40] =	vst v59  }
0x20f: {  	v63 =	vnsel vm6, $0x0, v63;
	v62 =	vld [tilespmem:$0xCA0];
	[tilespmem:$0xC50] =	vst v61  }
0x210: {  	[tilespmem:$0xC60] =	vst v63;
	v56 =	vnsel vm7, $0x0, v51  }
0x211: {  	[tilespmem:$0xC70] =	vst v56;
	v57 =	vnsel vm8, $0x0, v58  }
0x212: {  	v58 =	vnsel vm9, $0x0, v60;
	[tilespmem:$0xC80] =	vst v57  }
0x213: {  	v60 =	vnsel vm11, $0x0, v55;
	[tilespmem:$0xC90] =	vst v58  }
0x214: {  	v59 =	vnsel vm10, $0x0, v62;
	[tilespmem:$0xCB0] =	vst v60  }
0x215: {  	s17 =	rddreg [dreg:$0x6];
	[tilespmem:$0xCA0] =	vst v59  }
0x216: {  	[hbm4b:s17+s2] =	stream.linear.scatter [tilespmem:s10], [sflag:$0x3], $0xC0, $0x38;
	[tilespmem:$0x12D0] =	vst v63  }
0x217: {  	v61 =	vld [tilespmem:$0xCC0]  }
0x218: {  	v62 =	vld [tilespmem:$0xCD0]  }
0x219: {  	v63 =	vld [tilespmem:$0xCE0]  }
0x21a: {  	v57 =	vld [tilespmem:$0xCF0]  }
0x21b: {  	v58 =	vld [tilespmem:$0xD00]  }
0x21c: {  	v59 =	vld [tilespmem:$0xD10];
	v49 =	vnsel vm15, $0x0, v61  }
0x21d: {  	v52 =	vld [tilespmem:$0xD40];
	v60 =	vnsel vm1, $0x0, v62;
	[tilespmem:$0xCC0] =	vst v49  }
0x21e: {  	v61 =	vld [tilespmem:$0xD20];
	v62 =	vnsel vm2, $0x0, v63;
	[tilespmem:$0xCD0] =	vst v60  }
0x21f: {  	v63 =	vld [tilespmem:$0xD30];
	v56 =	vnsel vm3, $0x0, v57;
	[tilespmem:$0xCE0] =	vst v62  }
0x220: {  	v57 =	vnsel vm4, $0x0, v58;
	v58 =	vld [tilespmem:$0xD50];
	[tilespmem:$0xCF0] =	vst v56  }
0x221: {  	v59 =	vnsel vm5, $0x0, v59;
	[tilespmem:$0xD00] =	vst v57;
	v60 =	vld [tilespmem:$0xD60]  }
0x222: {  	v52 =	vnsel vm8, $0x0, v52;
	[tilespmem:$0xD10] =	vst v59;
	v62 =	vld [tilespmem:$0xD70]  }
0x223: {  	[tilespmem:$0xD40] =	vst v52;
	v61 =	vnsel vm6, $0x0, v61  }
0x224: {  	v63 =	vnsel vm7, $0x0, v63;
	[tilespmem:$0xD20] =	vst v61  }
0x225: {  	v53 =	vnsel vm9, $0x0, v58;
	[tilespmem:$0xD30] =	vst v63  }
0x226: {  	[tilespmem:$0xD50] =	vst v53;
	v54 =	vnsel vm10, $0x0, v60  }
0x227: {  	v55 =	vnsel vm11, $0x0, v62;
	[tilespmem:$0xD60] =	vst v54  }
0x228: {  	s16 =	rddreg [dreg:$0x7];
	[tilespmem:$0xD70] =	vst v55  }
0x229: {  	[hbm4b:s16+s2] =	stream.linear.scatter [tilespmem:s11], [sflag:$0x3], $0xC0, $0x38;
	[tilespmem:$0x12D0] =	vst v63  }
0x22a: {  	v56 =	vld [tilespmem:$0xD80]  }
0x22b: {  	v57 =	vld [tilespmem:$0xD90]  }
0x22c: {  	v58 =	vld [tilespmem:$0xDA0]  }
0x22d: {  	v59 =	vld [tilespmem:$0xDB0]  }
0x22e: {  	v60 =	vld [tilespmem:$0xDC0]  }
0x22f: {  	v61 =	vld [tilespmem:$0xDD0];
	v49 =	vnsel vm15, $0x0, v56  }
0x230: {  	v63 =	vld [tilespmem:$0xDE0];
	v62 =	vnsel vm1, $0x0, v57;
	[tilespmem:$0xD80] =	vst v49  }
0x231: {  	v51 =	vld [tilespmem:$0xDF0];
	v56 =	vnsel vm2, $0x0, v58;
	[tilespmem:$0xD90] =	vst v62  }
0x232: {  	v57 =	vnsel vm3, $0x0, v59;
	v58 =	vld [tilespmem:$0xE00];
	[tilespmem:$0xDA0] =	vst v56  }
0x233: {  	v59 =	vnsel vm4, $0x0, v60;
	v60 =	vld [tilespmem:$0xE10];
	[tilespmem:$0xDB0] =	vst v57  }
0x234: {  	v55 =	vld [tilespmem:$0xE30];
	v61 =	vnsel vm5, $0x0, v61;
	[tilespmem:$0xDC0] =	vst v59  }
0x235: {  	v63 =	vnsel vm6, $0x0, v63;
	v62 =	vld [tilespmem:$0xE20];
	[tilespmem:$0xDD0] =	vst v61  }
0x236: {  	[tilespmem:$0xDE0] =	vst v63;
	v56 =	vnsel vm7, $0x0, v51  }
0x237: {  	[tilespmem:$0xDF0] =	vst v56;
	v57 =	vnsel vm8, $0x0, v58  }
0x238: {  	v58 =	vnsel vm9, $0x0, v60;
	[tilespmem:$0xE00] =	vst v57  }
0x239: {  	v60 =	vnsel vm11, $0x0, v55;
	[tilespmem:$0xE10] =	vst v58  }
0x23a: {  	v59 =	vnsel vm10, $0x0, v62;
	[tilespmem:$0xE30] =	vst v60  }
0x23b: {  	s17 =	rddreg [dreg:$0x8];
	[tilespmem:$0xE20] =	vst v59  }
0x23c: {  	[hbm4b:s17+s2] =	stream.linear.scatter [tilespmem:s12], [sflag:$0x3], $0xC0, $0x38;
	[tilespmem:$0x12D0] =	vst v63  }
0x23d: {  	v61 =	vld [tilespmem:$0xE40]  }
0x23e: {  	v62 =	vld [tilespmem:$0xE50]  }
0x23f: {  	v63 =	vld [tilespmem:$0xE60]  }
0x240: {  	v57 =	vld [tilespmem:$0xE70]  }
0x241: {  	v58 =	vld [tilespmem:$0xE80]  }
0x242: {  	v59 =	vld [tilespmem:$0xE90];
	v49 =	vnsel vm15, $0x0, v61  }
0x243: {  	v52 =	vld [tilespmem:$0xEC0];
	v60 =	vnsel vm1, $0x0, v62;
	[tilespmem:$0xE40] =	vst v49  }
0x244: {  	v61 =	vld [tilespmem:$0xEA0];
	v62 =	vnsel vm2, $0x0, v63;
	[tilespmem:$0xE50] =	vst v60  }
0x245: {  	v63 =	vld [tilespmem:$0xEB0];
	v56 =	vnsel vm3, $0x0, v57;
	[tilespmem:$0xE60] =	vst v62  }
0x246: {  	v57 =	vnsel vm4, $0x0, v58;
	v58 =	vld [tilespmem:$0xED0];
	[tilespmem:$0xE70] =	vst v56  }
0x247: {  	v59 =	vnsel vm5, $0x0, v59;
	[tilespmem:$0xE80] =	vst v57;
	v60 =	vld [tilespmem:$0xEE0]  }
0x248: {  	v52 =	vnsel vm8, $0x0, v52;
	[tilespmem:$0xE90] =	vst v59;
	v62 =	vld [tilespmem:$0xEF0]  }
0x249: {  	[tilespmem:$0xEC0] =	vst v52;
	v61 =	vnsel vm6, $0x0, v61  }
0x24a: {  	v63 =	vnsel vm7, $0x0, v63;
	[tilespmem:$0xEA0] =	vst v61  }
0x24b: {  	v53 =	vnsel vm9, $0x0, v58;
	[tilespmem:$0xEB0] =	vst v63  }
0x24c: {  	[tilespmem:$0xED0] =	vst v53;
	v54 =	vnsel vm10, $0x0, v60  }
0x24d: {  	v55 =	vnsel vm11, $0x0, v62;
	[tilespmem:$0xEE0] =	vst v54  }
0x24e: {  	s16 =	rddreg [dreg:$0x9];
	[tilespmem:$0xEF0] =	vst v55  }
0x24f: {  	[hbm4b:s16+s2] =	stream.linear.scatter [tilespmem:s13], [sflag:$0x3], $0xC0, $0x38;
	[tilespmem:$0x12D0] =	vst v63  }
0x250: {  	v56 =	vld [tilespmem:$0xF00]  }
0x251: {  	v57 =	vld [tilespmem:$0xF10]  }
0x252: {  	v58 =	vld [tilespmem:$0xF20]  }
0x253: {  	v59 =	vld [tilespmem:$0xF30]  }
0x254: {  	v60 =	vld [tilespmem:$0xF40]  }
0x255: {  	v61 =	vld [tilespmem:$0xF50];
	v49 =	vnsel vm15, $0x0, v56  }
0x256: {  	v63 =	vld [tilespmem:$0xF60];
	v62 =	vnsel vm1, $0x0, v57;
	[tilespmem:$0xF00] =	vst v49  }
0x257: {  	v51 =	vld [tilespmem:$0xF70];
	v56 =	vnsel vm2, $0x0, v58;
	[tilespmem:$0xF10] =	vst v62  }
0x258: {  	v57 =	vnsel vm3, $0x0, v59;
	v58 =	vld [tilespmem:$0xF80];
	[tilespmem:$0xF20] =	vst v56  }
0x259: {  	v59 =	vnsel vm4, $0x0, v60;
	v60 =	vld [tilespmem:$0xF90];
	[tilespmem:$0xF30] =	vst v57  }
0x25a: {  	v55 =	vld [tilespmem:$0xFB0];
	v61 =	vnsel vm5, $0x0, v61;
	[tilespmem:$0xF40] =	vst v59  }
0x25b: {  	v63 =	vnsel vm6, $0x0, v63;
	v62 =	vld [tilespmem:$0xFA0];
	[tilespmem:$0xF50] =	vst v61  }
0x25c: {  	[tilespmem:$0xF60] =	vst v63;
	v56 =	vnsel vm7, $0x0, v51  }
0x25d: {  	[tilespmem:$0xF70] =	vst v56;
	v57 =	vnsel vm8, $0x0, v58  }
0x25e: {  	v58 =	vnsel vm9, $0x0, v60;
	[tilespmem:$0xF80] =	vst v57  }
0x25f: {  	v60 =	vnsel vm11, $0x0, v55;
	[tilespmem:$0xF90] =	vst v58  }
0x260: {  	v59 =	vnsel vm10, $0x0, v62;
	[tilespmem:$0xFB0] =	vst v60  }
0x261: {  	s17 =	rddreg [dreg:$0xa];
	[tilespmem:$0xFA0] =	vst v59  }
0x262: {  	[hbm4b:s17+s2] =	stream.linear.scatter [tilespmem:s14], [sflag:$0x3], $0xC0, $0x38;
	[tilespmem:$0x12D0] =	vst v63  }
0x263: {  	v61 =	vld [tilespmem:$0xFC0]  }
0x264: {  	v62 =	vld [tilespmem:$0xFD0]  }
0x265: {  	v63 =	vld [tilespmem:$0xFE0]  }
0x266: {  	v57 =	vld [tilespmem:$0xFF0]  }
0x267: {  	v58 =	vld [tilespmem:$0x1000]  }
0x268: {  	v59 =	vld [tilespmem:$0x1010];
	v49 =	vnsel vm15, $0x0, v61  }
0x269: {  	v52 =	vld [tilespmem:$0x1040];
	v60 =	vnsel vm1, $0x0, v62;
	[tilespmem:$0xFC0] =	vst v49  }
0x26a: {  	v61 =	vld [tilespmem:$0x1020];
	v62 =	vnsel vm2, $0x0, v63;
	[tilespmem:$0xFD0] =	vst v60  }
0x26b: {  	v63 =	vld [tilespmem:$0x1030];
	v56 =	vnsel vm3, $0x0, v57;
	[tilespmem:$0xFE0] =	vst v62  }
0x26c: {  	v57 =	vnsel vm4, $0x0, v58;
	v58 =	vld [tilespmem:$0x1050];
	[tilespmem:$0xFF0] =	vst v56  }
0x26d: {  	v59 =	vnsel vm5, $0x0, v59;
	[tilespmem:$0x1000] =	vst v57;
	v60 =	vld [tilespmem:$0x1060]  }
0x26e: {  	v52 =	vnsel vm8, $0x0, v52;
	[tilespmem:$0x1010] =	vst v59;
	v62 =	vld [tilespmem:$0x1070]  }
0x26f: {  	[tilespmem:$0x1040] =	vst v52;
	v61 =	vnsel vm6, $0x0, v61  }
0x270: {  	v63 =	vnsel vm7, $0x0, v63;
	[tilespmem:$0x1020] =	vst v61  }
0x271: {  	v53 =	vnsel vm9, $0x0, v58;
	[tilespmem:$0x1030] =	vst v63  }
0x272: {  	[tilespmem:$0x1050] =	vst v53;
	v54 =	vnsel vm10, $0x0, v60  }
0x273: {  	v55 =	vnsel vm11, $0x0, v62;
	[tilespmem:$0x1060] =	vst v54  }
0x274: {  	s16 =	rddreg [dreg:$0xb];
	[tilespmem:$0x1070] =	vst v55  }
0x275: {  	[hbm4b:s16+s2] =	stream.linear.scatter [tilespmem:s15], [sflag:$0x3], $0xC0, $0x38;
	[tilespmem:$0x12D0] =	vst v63  }
0x276: {  	v56 =	vld [tilespmem:$0x1080]  }
0x277: {  	v57 =	vld [tilespmem:$0x1090]  }
0x278: {  	v58 =	vld [tilespmem:$0x10A0]  }
0x279: {  	v59 =	vld [tilespmem:$0x10B0]  }
0x27a: {  	v60 =	vld [tilespmem:$0x10C0]  }
0x27b: {  	v61 =	vld [tilespmem:$0x10D0];
	v49 =	vnsel vm15, $0x0, v56  }
0x27c: {  	v63 =	vld [tilespmem:$0x10E0];
	v62 =	vnsel vm1, $0x0, v57;
	[tilespmem:$0x1080] =	vst v49  }
0x27d: {  	v51 =	vld [tilespmem:$0x10F0];
	v56 =	vnsel vm2, $0x0, v58;
	[tilespmem:$0x1090] =	vst v62  }
0x27e: {  	v57 =	vnsel vm3, $0x0, v59;
	v58 =	vld [tilespmem:$0x1100];
	[tilespmem:$0x10A0] =	vst v56  }
0x27f: {  	v59 =	vnsel vm4, $0x0, v60;
	v60 =	vld [tilespmem:$0x1110];
	[tilespmem:$0x10B0] =	vst v57  }
0x280: {  	v55 =	vld [tilespmem:$0x1130];
	v61 =	vnsel vm5, $0x0, v61;
	[tilespmem:$0x10C0] =	vst v59  }
0x281: {  	v63 =	vnsel vm6, $0x0, v63;
	v62 =	vld [tilespmem:$0x1120];
	[tilespmem:$0x10D0] =	vst v61  }
0x282: {  	[tilespmem:$0x10E0] =	vst v63;
	v56 =	vnsel vm7, $0x0, v51  }
0x283: {  	[tilespmem:$0x10F0] =	vst v56;
	v57 =	vnsel vm8, $0x0, v58  }
0x284: {  	v58 =	vnsel vm9, $0x0, v60;
	[tilespmem:$0x1100] =	vst v57  }
0x285: {  	v60 =	vnsel vm11, $0x0, v55;
	[tilespmem:$0x1110] =	vst v58  }
0x286: {  	v59 =	vnsel vm10, $0x0, v62;
	[tilespmem:$0x1130] =	vst v60  }
0x287: {  	s17 =	rddreg [dreg:$0xc];
	[tilespmem:$0x1120] =	vst v59  }
0x288: {  	[hbm4b:s17+s2] =	stream.linear.scatter [tilespmem:s19], [sflag:$0x3], $0xC0, $0x38;
	[tilespmem:$0x12D0] =	vst v63  }
0x289: {  	v61 =	vld [tilespmem:$0x1140]  }
0x28a: {  	v62 =	vld [tilespmem:$0x1150]  }
0x28b: {  	v63 =	vld [tilespmem:$0x1160]  }
0x28c: {  	v57 =	vld [tilespmem:$0x1170]  }
0x28d: {  	v58 =	vld [tilespmem:$0x1180]  }
0x28e: {  	v59 =	vld [tilespmem:$0x1190];
	v49 =	vnsel vm15, $0x0, v61  }
0x28f: {  	v52 =	vld [tilespmem:$0x11C0];
	v60 =	vnsel vm1, $0x0, v62;
	[tilespmem:$0x1140] =	vst v49  }
0x290: {  	v61 =	vld [tilespmem:$0x11A0];
	v62 =	vnsel vm2, $0x0, v63;
	[tilespmem:$0x1150] =	vst v60  }
0x291: {  	v63 =	vld [tilespmem:$0x11B0];
	v56 =	vnsel vm3, $0x0, v57;
	[tilespmem:$0x1160] =	vst v62  }
0x292: {  	v57 =	vnsel vm4, $0x0, v58;
	v58 =	vld [tilespmem:$0x11D0];
	[tilespmem:$0x1170] =	vst v56  }
0x293: {  	v59 =	vnsel vm5, $0x0, v59;
	[tilespmem:$0x1180] =	vst v57;
	v60 =	vld [tilespmem:$0x11E0]  }
0x294: {  	v52 =	vnsel vm8, $0x0, v52;
	[tilespmem:$0x1190] =	vst v59;
	v62 =	vld [tilespmem:$0x11F0]  }
0x295: {  	[tilespmem:$0x11C0] =	vst v52;
	v61 =	vnsel vm6, $0x0, v61  }
0x296: {  	v63 =	vnsel vm7, $0x0, v63;
	[tilespmem:$0x11A0] =	vst v61  }
0x297: {  	v55 =	vnsel vm9, $0x0, v58;
	[tilespmem:$0x11B0] =	vst v63  }
0x298: {  	[tilespmem:$0x11D0] =	vst v55;
	v56 =	vnsel vm10, $0x0, v60  }
0x299: {  	v57 =	vnsel vm11, $0x0, v62;
	[tilespmem:$0x11E0] =	vst v56  }
0x29a: {  	s16 =	rddreg [dreg:$0xd];
	[tilespmem:$0x11F0] =	vst v57  }
0x29b: {  	[hbm4b:s16+s2] =	stream.linear.scatter [tilespmem:s23], [sflag:$0x3], $0xC0, $0x38;
	[tilespmem:$0x12D0] =	vst v63  }
0x29c: {  	v58 =	vld [tilespmem:$0x1200]  }
0x29d: {  	v59 =	vld [tilespmem:$0x1210]  }
0x29e: {  	v60 =	vld [tilespmem:$0x1220]  }
0x29f: {  	v61 =	vld [tilespmem:$0x1230]  }
0x2a0: {  	v62 =	vld [tilespmem:$0x1240]  }
0x2a1: {  	v63 =	vld [tilespmem:$0x1250];
	v49 =	vnsel vm15, $0x0, v58  }
0x2a2: {  	v57 =	vld [tilespmem:$0x1260];
	v56 =	vnsel vm1, $0x0, v59;
	[tilespmem:$0x1200] =	vst v49  }
0x2a3: {  	v51 =	vld [tilespmem:$0x1270];
	v58 =	vnsel vm2, $0x0, v60;
	[tilespmem:$0x1210] =	vst v56  }
0x2a4: {  	v52 =	vld [tilespmem:$0x1280];
	v59 =	vnsel vm3, $0x0, v61;
	[tilespmem:$0x1220] =	vst v58  }
0x2a5: {  	v60 =	vnsel vm4, $0x0, v62;
	v61 =	vld [tilespmem:$0x1290];
	[tilespmem:$0x1230] =	vst v59  }
0x2a6: {  	v62 =	vnsel vm5, $0x0, v63;
	v63 =	vld [tilespmem:$0x12A0];
	[tilespmem:$0x1240] =	vst v60  }
0x2a7: {  	v57 =	vnsel vm6, $0x0, v57;
	[tilespmem:$0x1250] =	vst v62;
	v58 =	vld [tilespmem:$0x12B0]  }
0x2a8: {  	[tilespmem:$0x1260] =	vst v57;
	v59 =	vnsel vm7, $0x0, v51  }
0x2a9: {  	v60 =	vnsel vm8, $0x0, v52;
	[tilespmem:$0x1270] =	vst v59  }
0x2aa: {  	[tilespmem:$0x1280] =	vst v60;
	v61 =	vnsel vm9, $0x0, v61  }
0x2ab: {  	v62 =	vnsel vm10, $0x0, v63;
	[tilespmem:$0x1290] =	vst v61  }
0x2ac: {  	[tilespmem:$0x12A0] =	vst v62;
	v63 =	vnsel vm11, $0x0, v58  }
0x2ad: {  	s17 =	rddreg [dreg:$0xe];
	[tilespmem:$0x12B0] =	vst v63  }
0x2ae: {  	[hbm4b:s17+s2] =	stream.linear.scatter [tilespmem:s28], [sflag:$0x3], $0xC0, $0x38;
	[tilespmem:$0x12D0] =	vst v63  }
0x2af: {  	_ =	swait.ge [sflag:s1], $0xC0  }
0x2b0: {  	[sflag:s1] =	ssyncset.done $0x0  }
0x2b1: {  	[sflag:s1] =	ssyncadd.s32 $0xFFFFFF40  }
0x2b2: {  	_ =	swait.ge [sflag:s1], $0xC0  }
0x2b3: {  	[sflag:s1] =	ssyncset.done $0x0  }
0x2b4: {  	[sflag:s1] =	ssyncadd.s32 $0xFFFFFF40  }
0x2b5: {  	_ =	swait.ge [sflag:s1], $0xC0  }
0x2b6: {  	[sflag:s1] =	ssyncset.done $0x0  }
0x2b7: {  	[sflag:s1] =	ssyncadd.s32 $0xFFFFFF40  }
0x2b8: {  	_ =	swait.ge [sflag:s1], $0xC0  }
0x2b9: {  	[sflag:s1] =	ssyncset.done $0x0  }
0x2ba: {  	[sflag:s1] =	ssyncadd.s32 $0xFFFFFF40  }
0x2bb: {  	_ =	swait.ge [sflag:s1], $0xC0  }
0x2bc: {  	[sflag:s1] =	ssyncset.done $0x0  }
0x2bd: {  	[sflag:s1] =	ssyncadd.s32 $0xFFFFFF40  }
0x2be: {  	_ =	swait.ge [sflag:s1], $0xC0  }
0x2bf: {  	[sflag:s1] =	ssyncset.done $0x0  }
0x2c0: {  	[sflag:s1] =	ssyncadd.s32 $0xFFFFFF40  }
0x2c1: {  	_ =	swait.ge [sflag:s1], $0xC0  }
0x2c2: {  	[sflag:s1] =	ssyncset.done $0x0  }
0x2c3: {  	[sflag:s1] =	ssyncadd.s32 $0xFFFFFF40  }
0x2c4: {  	_ =	swait.ge [sflag:s1], $0xC0  }
0x2c5: {  	[sflag:s1] =	ssyncset.done $0x0  }
0x2c6: {  	[sflag:s1] =	ssyncadd.s32 $0xFFFFFF40  }
0x2c7: {  	_ =	swait.ge [sflag:s1], $0xC0  }
0x2c8: {  	[sflag:s1] =	ssyncset.done $0x0  }
0x2c9: {  	[sflag:s1] =	ssyncadd.s32 $0xFFFFFF40  }
0x2ca: {  	p0 =	sne.s32 s5, $0x1;
	_ =	swait.ge [sflag:s1], $0xC0  }
.Ltmp0:
0x2cb: {  	[sflag:s1] =	ssyncset.done $0x0;
	(pc) =	sbr.rel @p0 .LBB2_1-.Ltmp0, $4  }
0x2cc: {  	[sflag:s1] =	ssyncadd.s32 $0xFFFFFF40  }
0x2cd: {  	_ =	swait.ge [sflag:s1], $0xC0  }
0x2ce: {  	[sflag:s1] =	ssyncset.done $0x0  }
0x2cf: {  	s5 =	sadd.s32 $0xFFFFFFFF, s5;
	[sflag:s1] =	ssyncadd.s32 $0xFFFFFF40  }
0x2d0: {  	_ =	sfence.sel $0x180000  }
0x2d1: {  	[bflag:$0x0] =	sbarrier.arrive $0xFFFF  }
0x2d2: {  	_ =	strace $0x90000047  }
0x2d3: {  	s0 =	stileid.u32;
	[bflag:$0x2] =	sbarrier.arrive $0xFFFF  }
0x2d4: {  	p0 =	sne.s32 s0, $0x0;
	s0 =	rddreg [dreg:$0x2]  }
0x2d5: {  	s0 =	sadd.s32 @!p0 $0x100000, s0  }
0x2d6: {  	[sflag:s0] =	ssyncadd.tile.s32 @!p0 $0x1;
	_ =	shalt  }
.Lfunc_end2:
_tile_overlayer_lowered:
.L_overlay_start_2:
0x2d7: {  	(tag) =	ssettag $0x2  }
0x2d8: {  	s0 =	rddreg [dreg:$0x0];
	s2 =	stileid.u32  }
0x2d9: {  	s1 =	rddreg [dreg:$0x1];
	p0 =	sne.s32 s2, $0x0  }
0x2da: {  	s3 =	rddreg [dreg:$0x2];
	[bflag:$0x3] =	sbarrier.arrive $0xFFFF;
	s2 =	simm.s32 @!p0 $0x1C04  }
0x2db: {  	[timem:s3], [sflag:s2] =	dma.local @!p0 [hbm:s0], s1  }
0x2dc: {  	s0 =	simm.s32 @!p0 $0x4  }
0x2dd: {  	_ =	swait.ge @!p0 [sflag:s0], s1  }
0x2de: {  	s1 =	ssub.s32 @!p0 $0x0, s1;
	[sflag:s0] =	ssyncset.done @!p0 $0x0  }
0x2df: {  	[sflag:s0] =	ssyncadd.s32 @!p0 s1  }
0x2e0: {  	[bflag:$0x3] =	sbarrier.arrive $0xFFFF  }
0x2e1: {  	_ =	shalt  }

</sc_bundles>
